<compile_context>
chip_gen: v7x
topology: tpu7x:2x2x1
jax: 0.10.2.dev20260603
libtpu: 0.0.44.dev20260713+nightly
codegen_flags: <defaults>
</compile_context>

<pallas_src>
import functools

import jax
import jax.numpy as jnp
import numpy as np
from jax import lax
from jax.experimental import pallas as pl
from jax.experimental.pallas import tpu as pltpu
from jax.experimental.pallas import tpu_sc as plsc

_NLANE = 16
_NCORE = 2
_NSUB = 16

_KB = 4096
_NBLK = 62


def _tc_pack(tt):
    dim, vocab = tt.shape
    last = pl.cdiv(vocab, _KB) - 1

    def body(q0_ref, q1_ref, q2_ref, q3_ref, o_ref):
        def one(q_ref):
            t = q_ref[...]
            a = lax.slice(t, (0, 0), (dim // 2, _KB))
            b = lax.slice(t, (dim // 2, 0), (dim, _KB))
            au = lax.bitcast_convert_type(
                a.astype(jnp.bfloat16), jnp.uint16).astype(jnp.uint32)
            bu = lax.bitcast_convert_type(
                b.astype(jnp.bfloat16), jnp.uint16).astype(jnp.uint32)
            w = lax.bitcast_convert_type(au | (bu << 16), jnp.float32)
            return jnp.transpose(w)

        o_ref[...] = jnp.concatenate(
            [one(q0_ref), one(q1_ref), one(q2_ref), one(q3_ref)], axis=1)

    def spec(q):
        return pl.BlockSpec(
            (dim, _KB), lambda i, q=q: (0, jnp.minimum(i + q * _NBLK, last)))

    return pl.pallas_call(
        body,
        grid=(_NBLK,),
        in_specs=[spec(0), spec(1), spec(2), spec(3)],
        out_specs=pl.BlockSpec((_KB, 2 * dim), lambda i: (i, 0)),
        out_shape=jax.ShapeDtypeStruct((_NBLK * _KB, 2 * dim), jnp.float32),
    )(tt, tt, tt, tt)


def _sc_pool(xp, table_lin, seq, dim):
    batch, _ = xp.shape
    nw = _NCORE * _NSUB
    assert batch % nw == 0
    bpw = batch // nw
    assert bpw % 4 == 0
    wdim = dim // 2

    mesh = plsc.VectorSubcoreMesh(core_axis_name="c", subcore_axis_name="s")

    @functools.partial(
        pl.kernel,
        mesh=mesh,
        compiler_params=pltpu.CompilerParams(
            use_tc_tiling_on_sc=False, needs_layout_passes=False),
        out_type=jax.ShapeDtypeStruct((batch, dim), jnp.float32),
        scratch_types=[
            pltpu.VMEM((bpw, seq), jnp.int32),
            pltpu.VMEM((4, seq, wdim), jnp.float32),
            pltpu.VMEM((bpw, dim), jnp.float32),
            pltpu.SemaphoreType.DMA,
            pltpu.SemaphoreType.DMA,
            pltpu.SemaphoreType.DMA,
            pltpu.SemaphoreType.DMA,
        ],
    )
    def k(x_hbm, table_hbm, out_hbm, idx_v, rows_v, pooled_v,
          sem0, sem1, sem2, sem3):
        wid = lax.axis_index("s") * _NCORE + lax.axis_index("c")
        base = wid * bpw
        pltpu.sync_copy(x_hbm.at[pl.ds(base, bpw)], idx_v)

        sems = (sem0, sem1, sem2, sem3)

        def gather(r, buf):
            return pltpu.make_async_copy(
                table_hbm.at[idx_v.at[r]], rows_v.at[buf], sems[buf])

        def accum(r, buf):
            for u in range(wdim // _NLANE):
                acc = plsc.bitcast(
                    rows_v[buf, 0, pl.ds(u * _NLANE, _NLANE)], jnp.bfloat16)
                for s in range(1, seq):
                    acc = acc + plsc.bitcast(
                        rows_v[buf, s, pl.ds(u * _NLANE, _NLANE)], jnp.bfloat16)
                ea, eb = plsc.unpack(acc, format=plsc.PackFormat.INTERLEAVED)
                pooled_v[r, pl.ds(2 * u * _NLANE, _NLANE)] = ea * (1.0 / seq)
                pooled_v[r, pl.ds((2 * u + 1) * _NLANE, _NLANE)] = eb * (1.0 / seq)

        gather(0, 0).start()
        gather(1, 1).start()
        gather(2, 2).start()

        def outer(g, carry):
            r0 = 4 * g
            for bf in range(4):
                r = r0 + bf

                @pl.when(r + 3 < bpw)
                def _():
                    gather(r + 3, (bf + 3) % 4).start()

                gather(r, bf).wait()
                accum(r, bf)
            return carry

        lax.fori_loop(0, bpw // 4, outer, 0)
        pltpu.sync_copy(pooled_v, out_hbm.at[pl.ds(base, bpw)])

    return k(xp, table_lin)


def _tc_head(pooled, wt, b2):
    batch, dim = pooled.shape
    _, seq = wt.shape
    bb = 2048
    assert batch % bb == 0

    def body(p_ref, w_ref, b_ref, o_ref):
        logits = jnp.dot(p_ref[...], w_ref[...],
                         preferred_element_type=jnp.float32) + b_ref[...]
        o_ref[...] = jax.nn.sigmoid(logits)

    return pl.pallas_call(
        body,
        grid=(batch // bb,),
        in_specs=[
            pl.BlockSpec((bb, dim), lambda i: (i, 0)),
            pl.BlockSpec((dim, seq), lambda i: (0, 0)),
            pl.BlockSpec((1, seq), lambda i: (0, 0)),
        ],
        out_specs=pl.BlockSpec((bb, seq), lambda i: (i, 0)),
        out_shape=jax.ShapeDtypeStruct((batch, seq), jnp.float32),
    )(pooled, wt, b2)


_PERM = np.array(
    [16 * (c // 32) + c % 16 + 32 * ((c % 32) // 16)
     for c in range(64)], dtype=np.int32)


def kernel(x, table, W, b):
    vocab, dim = table.shape
    seq = x.shape[1]
    packed = _tc_pack(jnp.swapaxes(table, 0, 1))
    qq = packed.shape[0]
    table_lin = packed.reshape(4 * qq, dim // 2)
    xp = 4 * lax.rem(x, qq) + lax.div(x, qq)
    pooled = _sc_pool(xp, table_lin, seq, dim)
    wt_perm = jnp.take(W.T, jnp.asarray(_PERM), axis=0)
    return _tc_head(pooled, wt_perm, b.reshape(1, -1))

# --- scband reference (transcript-rebuilt; emitter-appended) ---
"""Pipeline reference for scband-torch-model-18073222382304 (READ-ONLY COPY).

The authoritative reference and input builder live on the scoring server;
editing this copy changes nothing except your own understanding.
"""

import jax, jax.numpy as jnp
import numpy as np

VOCAB = 1000000
DIM = 64
SEQ = 50
BATCH = 16384

def setup_inputs(seed: int = 0) -> dict:
    key = jax.random.key(seed)
    k1, k2, k3, k4 = jax.random.split(key, 4)
    x = jax.random.randint(k1, (BATCH, SEQ), 0, VOCAB, dtype=jnp.int64 if jax.config.jax_enable_x64 else jnp.int32).astype(jnp.int32)
    table = jax.random.normal(k2, (VOCAB, DIM), dtype=jnp.float32) * 0.02
    W = jax.random.normal(k3, (SEQ, DIM), dtype=jnp.float32) * (1.0 / np.sqrt(DIM))
    b = jnp.zeros((SEQ,), dtype=jnp.float32)
    return {"x": x, "table": table, "W": W, "b": b}

def reference(x, table, W, b):
    # embedding lookup: [B, S] -> [B, S, D]
    emb = jnp.take(table, x, axis=0)
    # AvgPool1d over sequence dim (kernel = full sentence_length) then squeeze -> [B, D]
    pooled = jnp.mean(emb, axis=1)
    # linear classify: [B, D] @ [D, S]^T + [S] -> [B, S]
    logits = pooled @ W.T + b
    y_pred = jax.nn.sigmoid(logits)
    return y_pred

if __name__ == "__main__":
    import jax
    _d = setup_inputs()
    print(jax.jit(kernel)(*tuple(_d.values())))

</pallas_src>

<mosaic_0001>
#map = affine_map<(d0, d1) -> (0, 0)>
module attributes {stable_mosaic.version = 14 : i64} {
  func.func @k(%arg0: i32, %arg1: i32, %arg2: memref<16384x50xi32, #tpu.memory_space<hbm>>, %arg3: memref<1015808x32xf32, #tpu.memory_space<hbm>>, %arg4: memref<16384x64xf32, #tpu.memory_space<hbm>>, %arg5: memref<512x50xi32, #tpu.memory_space<vmem>>, %arg6: memref<4x50x32xf32, #tpu.memory_space<vmem>>, %arg7: memref<512x64xf32, #tpu.memory_space<vmem>>, %arg8: memref<!tpu.dma_semaphore, #tpu.memory_space<semaphore_mem>>, %arg9: memref<!tpu.dma_semaphore, #tpu.memory_space<semaphore_mem>>, %arg10: memref<!tpu.dma_semaphore, #tpu.memory_space<semaphore_mem>>, %arg11: memref<!tpu.dma_semaphore, #tpu.memory_space<semaphore_mem>>) attributes {dimension_semantics = [#tpu.dimension_semantics<core_parallel>, #tpu.dimension_semantics<subcore_parallel>], iteration_bounds = array<i64: 2, 16>, scalar_prefetch = 0 : i64, scratch_operands = 7 : i64, tpu.core_type = #tpu.core_type<sc_vector_subcore>, window_params = [{transform_indices = #map}, {transform_indices = #map}, {transform_indices = #map}]} {
    %mul3A = arith.constant 2 : i32
    %mul3A_0 = arith.muli %arg1, %mul3A : i32
    %add3A = arith.addi %mul3A_0, %arg0 : i32
    %mul3A_1 = arith.constant 512 : i32
    %mul3A_2 = arith.muli %add3A, %mul3A_1 : i32
    "tpu.region"() ({
      %run_scoped3A = tpu.sem_alloc : memref<!tpu.dma_semaphore, #tpu.memory_space<semaphore_mem>>
      %dma_start3A_43 = arith.constant 0 : i32
      %dma_start3A_44 = tpu.memref_slice %arg2[%mul3A_2, %dma_start3A_43] : memref<16384x50xi32, #tpu.memory_space<hbm>> -> memref<512x50xi32, #tpu.memory_space<hbm>>
      %dma_start3A_45 = arith.constant 0 : i32
      %dma_start3A_46 = tpu.memref_slice %arg2[%mul3A_2, %dma_start3A_45] : memref<16384x50xi32, #tpu.memory_space<hbm>> -> memref<512x50xi32, #tpu.memory_space<hbm>>
      tpu.enqueue_dma source(%dma_start3A_46 : memref<512x50xi32, #tpu.memory_space<hbm>>) target(%arg5 : memref<512x50xi32, #tpu.memory_space<vmem>>) target_semaphore(%run_scoped3A : memref<!tpu.dma_semaphore, #tpu.memory_space<semaphore_mem>>)
      %dma_wait3A = arith.constant 0 : i32
      %dma_wait3A_47 = tpu.memref_slice %arg2[%mul3A_2, %dma_wait3A] : memref<16384x50xi32, #tpu.memory_space<hbm>> -> memref<512x50xi32, #tpu.memory_space<hbm>>
      %dma_wait3A_48 = arith.constant 0 : i32
      %dma_wait3A_49 = tpu.memref_slice %arg2[%mul3A_2, %dma_wait3A_48] : memref<16384x50xi32, #tpu.memory_space<hbm>> -> memref<512x50xi32, #tpu.memory_space<hbm>>
      tpu.wait_dma2 semaphore(%run_scoped3A : memref<!tpu.dma_semaphore, #tpu.memory_space<semaphore_mem>>) src(%dma_wait3A_49 : memref<512x50xi32, #tpu.memory_space<hbm>>) dst(%arg5 : memref<512x50xi32, #tpu.memory_space<vmem>>)
      tpu.yield
    }) : () -> ()
    %dma_start3A = arith.constant 0 : i32
    %dma_start3A_3 = arith.constant 0 : i32
    %dma_start3A_4 = arith.constant 0 : i32
    %dma_start3A_5 = arith.constant 0 : i32
    %dma_start3A_6 = tpu.memref_slice %arg6[%dma_start3A_3, %dma_start3A_4, %dma_start3A_5] : memref<4x50x32xf32, #tpu.memory_space<vmem>> -> memref<1x50x32xf32, #tpu.memory_space<vmem>>
    %dma_start3A_7 = tpu.memref_squeeze %dma_start3A_6 : memref<1x50x32xf32, #tpu.memory_space<vmem>> -> memref<50x32xf32, #tpu.memory_space<vmem>>
    %dma_start3A_8 = arith.constant 0 : i32
    %dma_start3A_9 = tpu.memref_slice %arg5[%dma_start3A, %dma_start3A_8] : memref<512x50xi32, #tpu.memory_space<vmem>> -> memref<1x50xi32, #tpu.memory_space<vmem>>
    %dma_start3A_10 = tpu.memref_squeeze %dma_start3A_9 : memref<1x50xi32, #tpu.memory_space<vmem>> -> memref<50xi32, #tpu.memory_space<vmem>>
    %dma_start3A_11 = arith.constant 0 : i32
    %dma_start3A_12 = arith.constant 0 : i32
    %dma_start3A_13 = tpu.memref_slice %arg3[%dma_start3A_11, %dma_start3A_12] : memref<1015808x32xf32, #tpu.memory_space<hbm>> -> memref<1015808x32xf32, #tpu.memory_space<hbm>>
    tpu.enqueue_indirect_dma source(%dma_start3A_13 : memref<1015808x32xf32, #tpu.memory_space<hbm>>) target(%dma_start3A_7 : memref<50x32xf32, #tpu.memory_space<vmem>>) offsets(%dma_start3A_10 : memref<50xi32, #tpu.memory_space<vmem>>) semaphore(%arg8 : memref<!tpu.dma_semaphore, #tpu.memory_space<semaphore_mem>>)
    %dma_start3A_14 = arith.constant 1 : i32
    %dma_start3A_15 = arith.constant 1 : i32
    %dma_start3A_16 = arith.constant 0 : i32
    %dma_start3A_17 = arith.constant 0 : i32
    %dma_start3A_18 = tpu.memref_slice %arg6[%dma_start3A_15, %dma_start3A_16, %dma_start3A_17] : memref<4x50x32xf32, #tpu.memory_space<vmem>> -> memref<1x50x32xf32, #tpu.memory_space<vmem>>
    %dma_start3A_19 = tpu.memref_squeeze %dma_start3A_18 : memref<1x50x32xf32, #tpu.memory_space<vmem>> -> memref<50x32xf32, #tpu.memory_space<vmem>>
    %dma_start3A_20 = arith.constant 0 : i32
    %dma_start3A_21 = tpu.memref_slice %arg5[%dma_start3A_14, %dma_start3A_20] : memref<512x50xi32, #tpu.memory_space<vmem>> -> memref<1x50xi32, #tpu.memory_space<vmem>>
    %dma_start3A_22 = tpu.memref_squeeze %dma_start3A_21 : memref<1x50xi32, #tpu.memory_space<vmem>> -> memref<50xi32, #tpu.memory_space<vmem>>
    %dma_start3A_23 = arith.constant 0 : i32
    %dma_start3A_24 = arith.constant 0 : i32
    %dma_start3A_25 = tpu.memref_slice %arg3[%dma_start3A_23, %dma_start3A_24] : memref<1015808x32xf32, #tpu.memory_space<hbm>> -> memref<1015808x32xf32, #tpu.memory_space<hbm>>
    tpu.enqueue_indirect_dma source(%dma_start3A_25 : memref<1015808x32xf32, #tpu.memory_space<hbm>>) target(%dma_start3A_19 : memref<50x32xf32, #tpu.memory_space<vmem>>) offsets(%dma_start3A_22 : memref<50xi32, #tpu.memory_space<vmem>>) semaphore(%arg9 : memref<!tpu.dma_semaphore, #tpu.memory_space<semaphore_mem>>)
    %dma_start3A_26 = arith.constant 2 : i32
    %dma_start3A_27 = arith.constant 2 : i32
    %dma_start3A_28 = arith.constant 0 : i32
    %dma_start3A_29 = arith.constant 0 : i32
    %dma_start3A_30 = tpu.memref_slice %arg6[%dma_start3A_27, %dma_start3A_28, %dma_start3A_29] : memref<4x50x32xf32, #tpu.memory_space<vmem>> -> memref<1x50x32xf32, #tpu.memory_space<vmem>>
    %dma_start3A_31 = tpu.memref_squeeze %dma_start3A_30 : memref<1x50x32xf32, #tpu.memory_space<vmem>> -> memref<50x32xf32, #tpu.memory_space<vmem>>
    %dma_start3A_32 = arith.constant 0 : i32
    %dma_start3A_33 = tpu.memref_slice %arg5[%dma_start3A_26, %dma_start3A_32] : memref<512x50xi32, #tpu.memory_space<vmem>> -> memref<1x50xi32, #tpu.memory_space<vmem>>
    %dma_start3A_34 = tpu.memref_squeeze %dma_start3A_33 : memref<1x50xi32, #tpu.memory_space<vmem>> -> memref<50xi32, #tpu.memory_space<vmem>>
    %dma_start3A_35 = arith.constant 0 : i32
    %dma_start3A_36 = arith.constant 0 : i32
    %dma_start3A_37 = tpu.memref_slice %arg3[%dma_start3A_35, %dma_start3A_36] : memref<1015808x32xf32, #tpu.memory_space<hbm>> -> memref<1015808x32xf32, #tpu.memory_space<hbm>>
    tpu.enqueue_indirect_dma source(%dma_start3A_37 : memref<1015808x32xf32, #tpu.memory_space<hbm>>) target(%dma_start3A_31 : memref<50x32xf32, #tpu.memory_space<vmem>>) offsets(%dma_start3A_34 : memref<50xi32, #tpu.memory_space<vmem>>) semaphore(%arg10 : memref<!tpu.dma_semaphore, #tpu.memory_space<semaphore_mem>>)
    %scan3A = arith.constant 0 : i32
    %scan3A_38 = arith.constant 0 : i32
    %scan3A_39 = arith.constant 128 : i32
    %scan3A_40 = arith.addi %scan3A_38, %scan3A_39 : i32
    %scan3A_41 = arith.constant 1 : i32
    scf.for %scan3A_43 = %scan3A_38 to %scan3A_40 step %scan3A_41  : i32 {
      %mul3A_44 = arith.constant 4 : i32
      %mul3A_45 = arith.muli %mul3A_44, %scan3A_43 : i32
      %add3A_46 = arith.constant 0 : i32
      %add3A_47 = arith.addi %mul3A_45, %add3A_46 : i32
      %add3A_48 = arith.constant 3 : i32
      %add3A_49 = arith.addi %add3A_47, %add3A_48 : i32
      %lt3A = arith.constant 512 : i32
      %lt3A_50 = arith.cmpi slt, %add3A_49, %lt3A : i32
      %convert_element_type3A = arith.extui %lt3A_50 : i1 to i32
      %cond3A = arith.constant 0 : i32
      %cond3A_51 = arith.cmpi ne, %convert_element_type3A, %cond3A : i32
      scf.if %cond3A_51 {
        %add3A_3422 = arith.constant 3 : i32
        %add3A_3423 = arith.addi %add3A_47, %add3A_3422 : i32
        %dma_start3A_3424 = arith.constant 3 : i32
        %dma_start3A_3425 = arith.constant 0 : i32
        %dma_start3A_3426 = arith.constant 0 : i32
        %dma_start3A_3427 = tpu.memref_slice %arg6[%dma_start3A_3424, %dma_start3A_3425, %dma_start3A_3426] : memref<4x50x32xf32, #tpu.memory_space<vmem>> -> memref<1x50x32xf32, #tpu.memory_space<vmem>>
        %dma_start3A_3428 = tpu.memref_squeeze %dma_start3A_3427 : memref<1x50x32xf32, #tpu.memory_space<vmem>> -> memref<50x32xf32, #tpu.memory_space<vmem>>
        %dma_start3A_3429 = arith.constant 0 : i32
        %dma_start3A_3430 = tpu.memref_slice %arg5[%add3A_3423, %dma_start3A_3429] : memref<512x50xi32, #tpu.memory_space<vmem>> -> memref<1x50xi32, #tpu.memory_space<vmem>>
        %dma_start3A_3431 = tpu.memref_squeeze %dma_start3A_3430 : memref<1x50xi32, #tpu.memory_space<vmem>> -> memref<50xi32, #tpu.memory_space<vmem>>
        %dma_start3A_3432 = arith.constant 0 : i32
        %dma_start3A_3433 = arith.constant 0 : i32
        %dma_start3A_3434 = tpu.memref_slice %arg3[%dma_start3A_3432, %dma_start3A_3433] : memref<1015808x32xf32, #tpu.memory_space<hbm>> -> memref<1015808x32xf32, #tpu.memory_space<hbm>>
        tpu.enqueue_indirect_dma source(%dma_start3A_3434 : memref<1015808x32xf32, #tpu.memory_space<hbm>>) target(%dma_start3A_3428 : memref<50x32xf32, #tpu.memory_space<vmem>>) offsets(%dma_start3A_3431 : memref<50xi32, #tpu.memory_space<vmem>>) semaphore(%arg11 : memref<!tpu.dma_semaphore, #tpu.memory_space<semaphore_mem>>)
      } else {
      }
      %dma_wait3A = arith.constant 0 : i32
      %dma_wait3A_52 = arith.constant 0 : i32
      %dma_wait3A_53 = arith.constant 0 : i32
      %dma_wait3A_54 = tpu.memref_slice %arg6[%dma_wait3A, %dma_wait3A_52, %dma_wait3A_53] : memref<4x50x32xf32, #tpu.memory_space<vmem>> -> memref<1x50x32xf32, #tpu.memory_space<vmem>>
      %dma_wait3A_55 = tpu.memref_squeeze %dma_wait3A_54 : memref<1x50x32xf32, #tpu.memory_space<vmem>> -> memref<50x32xf32, #tpu.memory_space<vmem>>
      %dma_wait3A_56 = arith.constant 0 : i32
      %dma_wait3A_57 = tpu.memref_slice %arg5[%add3A_47, %dma_wait3A_56] : memref<512x50xi32, #tpu.memory_space<vmem>> -> memref<1x50xi32, #tpu.memory_space<vmem>>
      %dma_wait3A_58 = tpu.memref_squeeze %dma_wait3A_57 : memref<1x50xi32, #tpu.memory_space<vmem>> -> memref<50xi32, #tpu.memory_space<vmem>>
      %dma_wait3A_59 = arith.constant 0 : i32
      %dma_wait3A_60 = arith.constant 0 : i32
      %dma_wait3A_61 = tpu.memref_slice %arg3[%dma_wait3A_59, %dma_wait3A_60] : memref<1015808x32xf32, #tpu.memory_space<hbm>> -> memref<1015808x32xf32, #tpu.memory_space<hbm>>
      tpu.wait_indirect_dma semaphore(%arg8 : memref<!tpu.dma_semaphore, #tpu.memory_space<semaphore_mem>>) src(%dma_wait3A_61 : memref<1015808x32xf32, #tpu.memory_space<hbm>>) dst(%dma_wait3A_55 : memref<50x32xf32, #tpu.memory_space<vmem>>)
      %get3A = arith.constant 0 : i32
      %get3A_62 = arith.constant 0 : i32
      %get3A_63 = arith.index_cast %get3A : i32 to index
      %get3A_64 = arith.index_cast %get3A_62 : i32 to index
      %get3A_65 = arith.constant 0 : index
      %get3A_66 = tpu.vector_load %arg6[%get3A_63, %get3A_64, %get3A_65] {strides = array<i32>} : memref<4x50x32xf32, #tpu.memory_space<vmem>>, vector<16xf32>,
      %bitcast3A = vector.bitcast %get3A_66 : vector<16xf32> to vector<32xbf16>
      %get3A_67 = arith.constant 0 : i32
      %get3A_68 = arith.constant 1 : i32
      %get3A_69 = arith.index_cast %get3A_67 : i32 to index
      %get3A_70 = arith.index_cast %get3A_68 : i32 to index
      %get3A_71 = arith.constant 0 : index
      %get3A_72 = tpu.vector_load %arg6[%get3A_69, %get3A_70, %get3A_71] {strides = array<i32>} : memref<4x50x32xf32, #tpu.memory_space<vmem>>, vector<16xf32>,
      %bitcast3A_73 = vector.bitcast %get3A_72 : vector<16xf32> to vector<32xbf16>
      %add3A_74 = arith.addf %bitcast3A, %bitcast3A_73 : vector<32xbf16>
      %get3A_75 = arith.constant 0 : i32
      %get3A_76 = arith.constant 2 : i32
      %get3A_77 = arith.index_cast %get3A_75 : i32 to index
      %get3A_78 = arith.index_cast %get3A_76 : i32 to index
      %get3A_79 = arith.constant 0 : index
      %get3A_80 = tpu.vector_load %arg6[%get3A_77, %get3A_78, %get3A_79] {strides = array<i32>} : memref<4x50x32xf32, #tpu.memory_space<vmem>>, vector<16xf32>,
      %bitcast3A_81 = vector.bitcast %get3A_80 : vector<16xf32> to vector<32xbf16>
      %add3A_82 = arith.addf %add3A_74, %bitcast3A_81 : vector<32xbf16>
      %get3A_83 = arith.constant 0 : i32
      %get3A_84 = arith.constant 3 : i32
      %get3A_85 = arith.index_cast %get3A_83 : i32 to index
      %get3A_86 = arith.index_cast %get3A_84 : i32 to index
      %get3A_87 = arith.constant 0 : index
      %get3A_88 = tpu.vector_load %arg6[%get3A_85, %get3A_86, %get3A_87] {strides = array<i32>} : memref<4x50x32xf32, #tpu.memory_space<vmem>>, vector<16xf32>,
      %bitcast3A_89 = vector.bitcast %get3A_88 : vector<16xf32> to vector<32xbf16>
      %add3A_90 = arith.addf %add3A_82, %bitcast3A_89 : vector<32xbf16>
      %get3A_91 = arith.constant 0 : i32
      %get3A_92 = arith.constant 4 : i32
      %get3A_93 = arith.index_cast %get3A_91 : i32 to index
      %get3A_94 = arith.index_cast %get3A_92 : i32 to index
      %get3A_95 = arith.constant 0 : index
      %get3A_96 = tpu.vector_load %arg6[%get3A_93, %get3A_94, %get3A_95] {strides = array<i32>} : memref<4x50x32xf32, #tpu.memory_space<vmem>>, vector<16xf32>,
      %bitcast3A_97 = vector.bitcast %get3A_96 : vector<16xf32> to vector<32xbf16>
      %add3A_98 = arith.addf %add3A_90, %bitcast3A_97 : vector<32xbf16>
      %get3A_99 = arith.constant 0 : i32
      %get3A_100 = arith.constant 5 : i32
      %get3A_101 = arith.index_cast %get3A_99 : i32 to index
      %get3A_102 = arith.index_cast %get3A_100 : i32 to index
      %get3A_103 = arith.constant 0 : index
      %get3A_104 = tpu.vector_load %arg6[%get3A_101, %get3A_102, %get3A_103] {strides = array<i32>} : memref<4x50x32xf32, #tpu.memory_space<vmem>>, vector<16xf32>,
      %bitcast3A_105 = vector.bitcast %get3A_104 : vector<16xf32> to vector<32xbf16>
      %add3A_106 = arith.addf %add3A_98, %bitcast3A_105 : vector<32xbf16>
      %get3A_107 = arith.constant 0 : i32
      %get3A_108 = arith.constant 6 : i32
      %get3A_109 = arith.index_cast %get3A_107 : i32 to index
      %get3A_110 = arith.index_cast %get3A_108 : i32 to index
      %get3A_111 = arith.constant 0 : index
      %get3A_112 = tpu.vector_load %arg6[%get3A_109, %get3A_110, %get3A_111] {strides = array<i32>} : memref<4x50x32xf32, #tpu.memory_space<vmem>>, vector<16xf32>,
      %bitcast3A_113 = vector.bitcast %get3A_112 : vector<16xf32> to vector<32xbf16>
      %add3A_114 = arith.addf %add3A_106, %bitcast3A_113 : vector<32xbf16>
      %get3A_115 = arith.constant 0 : i32
      %get3A_116 = arith.constant 7 : i32
      %get3A_117 = arith.index_cast %get3A_115 : i32 to index
      %get3A_118 = arith.index_cast %get3A_116 : i32 to index
      %get3A_119 = arith.constant 0 : index
      %get3A_120 = tpu.vector_load %arg6[%get3A_117, %get3A_118, %get3A_119] {strides = array<i32>} : memref<4x50x32xf32, #tpu.memory_space<vmem>>, vector<16xf32>,
      %bitcast3A_121 = vector.bitcast %get3A_120 : vector<16xf32> to vector<32xbf16>
      %add3A_122 = arith.addf %add3A_114, %bitcast3A_121 : vector<32xbf16>
      %get3A_123 = arith.constant 0 : i32
      %get3A_124 = arith.constant 8 : i32
      %get3A_125 = arith.index_cast %get3A_123 : i32 to index
      %get3A_126 = arith.index_cast %get3A_124 : i32 to index
      %get3A_127 = arith.constant 0 : index
      %get3A_128 = tpu.vector_load %arg6[%get3A_125, %get3A_126, %get3A_127] {strides = array<i32>} : memref<4x50x32xf32, #tpu.memory_space<vmem>>, vector<16xf32>,
      %bitcast3A_129 = vector.bitcast %get3A_128 : vector<16xf32> to vector<32xbf16>
      %add3A_130 = arith.addf %add3A_122, %bitcast3A_129 : vector<32xbf16>
      %get3A_131 = arith.constant 0 : i32
      %get3A_132 = arith.constant 9 : i32
      %get3A_133 = arith.index_cast %get3A_131 : i32 to index
      %get3A_134 = arith.index_cast %get3A_132 : i32 to index
      %get3A_135 = arith.constant 0 : index
      %get3A_136 = tpu.vector_load %arg6[%get3A_133, %get3A_134, %get3A_135] {strides = array<i32>} : memref<4x50x32xf32, #tpu.memory_space<vmem>>, vector<16xf32>,
      %bitcast3A_137 = vector.bitcast %get3A_136 : vector<16xf32> to vector<32xbf16>
      %add3A_138 = arith.addf %add3A_130, %bitcast3A_137 : vector<32xbf16>
      %get3A_139 = arith.constant 0 : i32
      %get3A_140 = arith.constant 10 : i32
      %get3A_141 = arith.index_cast %get3A_139 : i32 to index
      %get3A_142 = arith.index_cast %get3A_140 : i32 to index
      %get3A_143 = arith.constant 0 : index
      %get3A_144 = tpu.vector_load %arg6[%get3A_141, %get3A_142, %get3A_143] {strides = array<i32>} : memref<4x50x32xf32, #tpu.memory_space<vmem>>, vector<16xf32>,
      %bitcast3A_145 = vector.bitcast %get3A_144 : vector<16xf32> to vector<32xbf16>
      %add3A_146 = arith.addf %add3A_138, %bitcast3A_145 : vector<32xbf16>
      %get3A_147 = arith.constant 0 : i32
      %get3A_148 = arith.constant 11 : i32
      %get3A_149 = arith.index_cast %get3A_147 : i32 to index
      %get3A_150 = arith.index_cast %get3A_148 : i32 to index
      %get3A_151 = arith.constant 0 : index
      %get3A_152 = tpu.vector_load %arg6[%get3A_149, %get3A_150, %get3A_151] {strides = array<i32>} : memref<4x50x32xf32, #tpu.memory_space<vmem>>, vector<16xf32>,
      %bitcast3A_153 = vector.bitcast %get3A_152 : vector<16xf32> to vector<32xbf16>
      %add3A_154 = arith.addf %add3A_146, %bitcast3A_153 : vector<32xbf16>
      %get3A_155 = arith.constant 0 : i32
      %get3A_156 = arith.constant 12 : i32
      %get3A_157 = arith.index_cast %get3A_155 : i32 to index
      %get3A_158 = arith.index_cast %get3A_156 : i32 to index
      %get3A_159 = arith.constant 0 : index
      %get3A_160 = tpu.vector_load %arg6[%get3A_157, %get3A_158, %get3A_159] {strides = array<i32>} : memref<4x50x32xf32, #tpu.memory_space<vmem>>, vector<16xf32>,
      %bitcast3A_161 = vector.bitcast %get3A_160 : vector<16xf32> to vector<32xbf16>
      %add3A_162 = arith.addf %add3A_154, %bitcast3A_161 : vector<32xbf16>
      %get3A_163 = arith.constant 0 : i32
      %get3A_164 = arith.constant 13 : i32
      %get3A_165 = arith.index_cast %get3A_163 : i32 to index
      %get3A_166 = arith.index_cast %get3A_164 : i32 to index
      %get3A_167 = arith.constant 0 : index
      %get3A_168 = tpu.vector_load %arg6[%get3A_165, %get3A_166, %get3A_167] {strides = array<i32>} : memref<4x50x32xf32, #tpu.memory_space<vmem>>, vector<16xf32>,
      %bitcast3A_169 = vector.bitcast %get3A_168 : vector<16xf32> to vector<32xbf16>
      %add3A_170 = arith.addf %add3A_162, %bitcast3A_169 : vector<32xbf16>
      %get3A_171 = arith.constant 0 : i32
      %get3A_172 = arith.constant 14 : i32
      %get3A_173 = arith.index_cast %get3A_171 : i32 to index
      %get3A_174 = arith.index_cast %get3A_172 : i32 to index
      %get3A_175 = arith.constant 0 : index
      %get3A_176 = tpu.vector_load %arg6[%get3A_173, %get3A_174, %get3A_175] {strides = array<i32>} : memref<4x50x32xf32, #tpu.memory_space<vmem>>, vector<16xf32>,
      %bitcast3A_177 = vector.bitcast %get3A_176 : vector<16xf32> to vector<32xbf16>
      %add3A_178 = arith.addf %add3A_170, %bitcast3A_177 : vector<32xbf16>
      %get3A_179 = arith.constant 0 : i32
      %get3A_180 = arith.constant 15 : i32
      %get3A_181 = arith.index_cast %get3A_179 : i32 to index
      %get3A_182 = arith.index_cast %get3A_180 : i32 to index
      %get3A_183 = arith.constant 0 : index
      %get3A_184 = tpu.vector_load %arg6[%get3A_181, %get3A_182, %get3A_183] {strides = array<i32>} : memref<4x50x32xf32, #tpu.memory_space<vmem>>, vector<16xf32>,
      %bitcast3A_185 = vector.bitcast %get3A_184 : vector<16xf32> to vector<32xbf16>
      %add3A_186 = arith.addf %add3A_178, %bitcast3A_185 : vector<32xbf16>
      %get3A_187 = arith.constant 0 : i32
      %get3A_188 = arith.constant 16 : i32
      %get3A_189 = arith.index_cast %get3A_187 : i32 to index
      %get3A_190 = arith.index_cast %get3A_188 : i32 to index
      %get3A_191 = arith.constant 0 : index
      %get3A_192 = tpu.vector_load %arg6[%get3A_189, %get3A_190, %get3A_191] {strides = array<i32>} : memref<4x50x32xf32, #tpu.memory_space<vmem>>, vector<16xf32>,
      %bitcast3A_193 = vector.bitcast %get3A_192 : vector<16xf32> to vector<32xbf16>
      %add3A_194 = arith.addf %add3A_186, %bitcast3A_193 : vector<32xbf16>
      %get3A_195 = arith.constant 0 : i32
      %get3A_196 = arith.constant 17 : i32
      %get3A_197 = arith.index_cast %get3A_195 : i32 to index
      %get3A_198 = arith.index_cast %get3A_196 : i32 to index
      %get3A_199 = arith.constant 0 : index
      %get3A_200 = tpu.vector_load %arg6[%get3A_197, %get3A_198, %get3A_199] {strides = array<i32>} : memref<4x50x32xf32, #tpu.memory_space<vmem>>, vector<16xf32>,
      %bitcast3A_201 = vector.bitcast %get3A_200 : vector<16xf32> to vector<32xbf16>
      %add3A_202 = arith.addf %add3A_194, %bitcast3A_201 : vector<32xbf16>
      %get3A_203 = arith.constant 0 : i32
      %get3A_204 = arith.constant 18 : i32
      %get3A_205 = arith.index_cast %get3A_203 : i32 to index
      %get3A_206 = arith.index_cast %get3A_204 : i32 to index
      %get3A_207 = arith.constant 0 : index
      %get3A_208 = tpu.vector_load %arg6[%get3A_205, %get3A_206, %get3A_207] {strides = array<i32>} : memref<4x50x32xf32, #tpu.memory_space<vmem>>, vector<16xf32>,
      %bitcast3A_209 = vector.bitcast %get3A_208 : vector<16xf32> to vector<32xbf16>
      %add3A_210 = arith.addf %add3A_202, %bitcast3A_209 : vector<32xbf16>
      %get3A_211 = arith.constant 0 : i32
      %get3A_212 = arith.constant 19 : i32
      %get3A_213 = arith.index_cast %get3A_211 : i32 to index
      %get3A_214 = arith.index_cast %get3A_212 : i32 to index
      %get3A_215 = arith.constant 0 : index
      %get3A_216 = tpu.vector_load %arg6[%get3A_213, %get3A_214, %get3A_215] {strides = array<i32>} : memref<4x50x32xf32, #tpu.memory_space<vmem>>, vector<16xf32>,
      %bitcast3A_217 = vector.bitcast %get3A_216 : vector<16xf32> to vector<32xbf16>
      %add3A_218 = arith.addf %add3A_210, %bitcast3A_217 : vector<32xbf16>
      %get3A_219 = arith.constant 0 : i32
      %get3A_220 = arith.constant 20 : i32
      %get3A_221 = arith.index_cast %get3A_219 : i32 to index
      %get3A_222 = arith.index_cast %get3A_220 : i32 to index
      %get3A_223 = arith.constant 0 : index
      %get3A_224 = tpu.vector_load %arg6[%get3A_221, %get3A_222, %get3A_223] {strides = array<i32>} : memref<4x50x32xf32, #tpu.memory_space<vmem>>, vector<16xf32>,
      %bitcast3A_225 = vector.bitcast %get3A_224 : vector<16xf32> to vector<32xbf16>
      %add3A_226 = arith.addf %add3A_218, %bitcast3A_225 : vector<32xbf16>
      %get3A_227 = arith.constant 0 : i32
      %get3A_228 = arith.constant 21 : i32
      %get3A_229 = arith.index_cast %get3A_227 : i32 to index
      %get3A_230 = arith.index_cast %get3A_228 : i32 to index
      %get3A_231 = arith.constant 0 : index
      %get3A_232 = tpu.vector_load %arg6[%get3A_229, %get3A_230, %get3A_231] {strides = array<i32>} : memref<4x50x32xf32, #tpu.memory_space<vmem>>, vector<16xf32>,
      %bitcast3A_233 = vector.bitcast %get3A_232 : vector<16xf32> to vector<32xbf16>
      %add3A_234 = arith.addf %add3A_226, %bitcast3A_233 : vector<32xbf16>
      %get3A_235 = arith.constant 0 : i32
      %get3A_236 = arith.constant 22 : i32
      %get3A_237 = arith.index_cast %get3A_235 : i32 to index
      %get3A_238 = arith.index_cast %get3A_236 : i32 to index
      %get3A_239 = arith.constant 0 : index
      %get3A_240 = tpu.vector_load %arg6[%get3A_237, %get3A_238, %get3A_239] {strides = array<i32>} : memref<4x50x32xf32, #tpu.memory_space<vmem>>, vector<16xf32>,
      %bitcast3A_241 = vector.bitcast %get3A_240 : vector<16xf32> to vector<32xbf16>
      %add3A_242 = arith.addf %add3A_234, %bitcast3A_241 : vector<32xbf16>
      %get3A_243 = arith.constant 0 : i32
      %get3A_244 = arith.constant 23 : i32
      %get3A_245 = arith.index_cast %get3A_243 : i32 to index
      %get3A_246 = arith.index_cast %get3A_244 : i32 to index
      %get3A_247 = arith.constant 0 : index
      %get3A_248 = tpu.vector_load %arg6[%get3A_245, %get3A_246, %get3A_247] {strides = array<i32>} : memref<4x50x32xf32, #tpu.memory_space<vmem>>, vector<16xf32>,
      %bitcast3A_249 = vector.bitcast %get3A_248 : vector<16xf32> to vector<32xbf16>
      %add3A_250 = arith.addf %add3A_242, %bitcast3A_249 : vector<32xbf16>
      %get3A_251 = arith.constant 0 : i32
      %get3A_252 = arith.constant 24 : i32
      %get3A_253 = arith.index_cast %get3A_251 : i32 to index
      %get3A_254 = arith.index_cast %get3A_252 : i32 to index
      %get3A_255 = arith.constant 0 : index
      %get3A_256 = tpu.vector_load %arg6[%get3A_253, %get3A_254, %get3A_255] {strides = array<i32>} : memref<4x50x32xf32, #tpu.memory_space<vmem>>, vector<16xf32>,
      %bitcast3A_257 = vector.bitcast %get3A_256 : vector<16xf32> to vector<32xbf16>
      %add3A_258 = arith.addf %add3A_250, %bitcast3A_257 : vector<32xbf16>
      %get3A_259 = arith.constant 0 : i32
      %get3A_260 = arith.constant 25 : i32
      %get3A_261 = arith.index_cast %get3A_259 : i32 to index
      %get3A_262 = arith.index_cast %get3A_260 : i32 to index
      %get3A_263 = arith.constant 0 : index
      %get3A_264 = tpu.vector_load %arg6[%get3A_261, %get3A_262, %get3A_263] {strides = array<i32>} : memref<4x50x32xf32, #tpu.memory_space<vmem>>, vector<16xf32>,
      %bitcast3A_265 = vector.bitcast %get3A_264 : vector<16xf32> to vector<32xbf16>
      %add3A_266 = arith.addf %add3A_258, %bitcast3A_265 : vector<32xbf16>
      %get3A_267 = arith.constant 0 : i32
      %get3A_268 = arith.constant 26 : i32
      %get3A_269 = arith.index_cast %get3A_267 : i32 to index
      %get3A_270 = arith.index_cast %get3A_268 : i32 to index
      %get3A_271 = arith.constant 0 : index
      %get3A_272 = tpu.vector_load %arg6[%get3A_269, %get3A_270, %get3A_271] {strides = array<i32>} : memref<4x50x32xf32, #tpu.memory_space<vmem>>, vector<16xf32>,
      %bitcast3A_273 = vector.bitcast %get3A_272 : vector<16xf32> to vector<32xbf16>
      %add3A_274 = arith.addf %add3A_266, %bitcast3A_273 : vector<32xbf16>
      %get3A_275 = arith.constant 0 : i32
      %get3A_276 = arith.constant 27 : i32
      %get3A_277 = arith.index_cast %get3A_275 : i32 to index
      %get3A_278 = arith.index_cast %get3A_276 : i32 to index
      %get3A_279 = arith.constant 0 : index
      %get3A_280 = tpu.vector_load %arg6[%get3A_277, %get3A_278, %get3A_279] {strides = array<i32>} : memref<4x50x32xf32, #tpu.memory_space<vmem>>, vector<16xf32>,
      %bitcast3A_281 = vector.bitcast %get3A_280 : vector<16xf32> to vector<32xbf16>
      %add3A_282 = arith.addf %add3A_274, %bitcast3A_281 : vector<32xbf16>
      %get3A_283 = arith.constant 0 : i32
      %get3A_284 = arith.constant 28 : i32
      %get3A_285 = arith.index_cast %get3A_283 : i32 to index
      %get3A_286 = arith.index_cast %get3A_284 : i32 to index
      %get3A_287 = arith.constant 0 : index
      %get3A_288 = tpu.vector_load %arg6[%get3A_285, %get3A_286, %get3A_287] {strides = array<i32>} : memref<4x50x32xf32, #tpu.memory_space<vmem>>, vector<16xf32>,
      %bitcast3A_289 = vector.bitcast %get3A_288 : vector<16xf32> to vector<32xbf16>
      %add3A_290 = arith.addf %add3A_282, %bitcast3A_289 : vector<32xbf16>
      %get3A_291 = arith.constant 0 : i32
      %get3A_292 = arith.constant 29 : i32
      %get3A_293 = arith.index_cast %get3A_291 : i32 to index
      %get3A_294 = arith.index_cast %get3A_292 : i32 to index
      %get3A_295 = arith.constant 0 : index
      %get3A_296 = tpu.vector_load %arg6[%get3A_293, %get3A_294, %get3A_295] {strides = array<i32>} : memref<4x50x32xf32, #tpu.memory_space<vmem>>, vector<16xf32>,
      %bitcast3A_297 = vector.bitcast %get3A_296 : vector<16xf32> to vector<32xbf16>
      %add3A_298 = arith.addf %add3A_290, %bitcast3A_297 : vector<32xbf16>
      %get3A_299 = arith.constant 0 : i32
      %get3A_300 = arith.constant 30 : i32
      %get3A_301 = arith.index_cast %get3A_299 : i32 to index
      %get3A_302 = arith.index_cast %get3A_300 : i32 to index
      %get3A_303 = arith.constant 0 : index
      %get3A_304 = tpu.vector_load %arg6[%get3A_301, %get3A_302, %get3A_303] {strides = array<i32>} : memref<4x50x32xf32, #tpu.memory_space<vmem>>, vector<16xf32>,
      %bitcast3A_305 = vector.bitcast %get3A_304 : vector<16xf32> to vector<32xbf16>
      %add3A_306 = arith.addf %add3A_298, %bitcast3A_305 : vector<32xbf16>
      %get3A_307 = arith.constant 0 : i32
      %get3A_308 = arith.constant 31 : i32
      %get3A_309 = arith.index_cast %get3A_307 : i32 to index
      %get3A_310 = arith.index_cast %get3A_308 : i32 to index
      %get3A_311 = arith.constant 0 : index
      %get3A_312 = tpu.vector_load %arg6[%get3A_309, %get3A_310, %get3A_311] {strides = array<i32>} : memref<4x50x32xf32, #tpu.memory_space<vmem>>, vector<16xf32>,
      %bitcast3A_313 = vector.bitcast %get3A_312 : vector<16xf32> to vector<32xbf16>
      %add3A_314 = arith.addf %add3A_306, %bitcast3A_313 : vector<32xbf16>
      %get3A_315 = arith.constant 0 : i32
      %get3A_316 = arith.constant 32 : i32
      %get3A_317 = arith.index_cast %get3A_315 : i32 to index
      %get3A_318 = arith.index_cast %get3A_316 : i32 to index
      %get3A_319 = arith.constant 0 : index
      %get3A_320 = tpu.vector_load %arg6[%get3A_317, %get3A_318, %get3A_319] {strides = array<i32>} : memref<4x50x32xf32, #tpu.memory_space<vmem>>, vector<16xf32>,
      %bitcast3A_321 = vector.bitcast %get3A_320 : vector<16xf32> to vector<32xbf16>
      %add3A_322 = arith.addf %add3A_314, %bitcast3A_321 : vector<32xbf16>
      %get3A_323 = arith.constant 0 : i32
      %get3A_324 = arith.constant 33 : i32
      %get3A_325 = arith.index_cast %get3A_323 : i32 to index
      %get3A_326 = arith.index_cast %get3A_324 : i32 to index
      %get3A_327 = arith.constant 0 : index
      %get3A_328 = tpu.vector_load %arg6[%get3A_325, %get3A_326, %get3A_327] {strides = array<i32>} : memref<4x50x32xf32, #tpu.memory_space<vmem>>, vector<16xf32>,
      %bitcast3A_329 = vector.bitcast %get3A_328 : vector<16xf32> to vector<32xbf16>
      %add3A_330 = arith.addf %add3A_322, %bitcast3A_329 : vector<32xbf16>
      %get3A_331 = arith.constant 0 : i32
      %get3A_332 = arith.constant 34 : i32
      %get3A_333 = arith.index_cast %get3A_331 : i32 to index
      %get3A_334 = arith.index_cast %get3A_332 : i32 to index
      %get3A_335 = arith.constant 0 : index
      %get3A_336 = tpu.vector_load %arg6[%get3A_333, %get3A_334, %get3A_335] {strides = array<i32>} : memref<4x50x32xf32, #tpu.memory_space<vmem>>, vector<16xf32>,
      %bitcast3A_337 = vector.bitcast %get3A_336 : vector<16xf32> to vector<32xbf16>
      %add3A_338 = arith.addf %add3A_330, %bitcast3A_337 : vector<32xbf16>
      %get3A_339 = arith.constant 0 : i32
      %get3A_340 = arith.constant 35 : i32
      %get3A_341 = arith.index_cast %get3A_339 : i32 to index
      %get3A_342 = arith.index_cast %get3A_340 : i32 to index
      %get3A_343 = arith.constant 0 : index
      %get3A_344 = tpu.vector_load %arg6[%get3A_341, %get3A_342, %get3A_343] {strides = array<i32>} : memref<4x50x32xf32, #tpu.memory_space<vmem>>, vector<16xf32>,
      %bitcast3A_345 = vector.bitcast %get3A_344 : vector<16xf32> to vector<32xbf16>
      %add3A_346 = arith.addf %add3A_338, %bitcast3A_345 : vector<32xbf16>
      %get3A_347 = arith.constant 0 : i32
      %get3A_348 = arith.constant 36 : i32
      %get3A_349 = arith.index_cast %get3A_347 : i32 to index
      %get3A_350 = arith.index_cast %get3A_348 : i32 to index
      %get3A_351 = arith.constant 0 : index
      %get3A_352 = tpu.vector_load %arg6[%get3A_349, %get3A_350, %get3A_351] {strides = array<i32>} : memref<4x50x32xf32, #tpu.memory_space<vmem>>, vector<16xf32>,
      %bitcast3A_353 = vector.bitcast %get3A_352 : vector<16xf32> to vector<32xbf16>
      %add3A_354 = arith.addf %add3A_346, %bitcast3A_353 : vector<32xbf16>
      %get3A_355 = arith.constant 0 : i32
      %get3A_356 = arith.constant 37 : i32
      %get3A_357 = arith.index_cast %get3A_355 : i32 to index
      %get3A_358 = arith.index_cast %get3A_356 : i32 to index
      %get3A_359 = arith.constant 0 : index
      %get3A_360 = tpu.vector_load %arg6[%get3A_357, %get3A_358, %get3A_359] {strides = array<i32>} : memref<4x50x32xf32, #tpu.memory_space<vmem>>, vector<16xf32>,
      %bitcast3A_361 = vector.bitcast %get3A_360 : vector<16xf32> to vector<32xbf16>
      %add3A_362 = arith.addf %add3A_354, %bitcast3A_361 : vector<32xbf16>
      %get3A_363 = arith.constant 0 : i32
      %get3A_364 = arith.constant 38 : i32
      %get3A_365 = arith.index_cast %get3A_363 : i32 to index
      %get3A_366 = arith.index_cast %get3A_364 : i32 to index
      %get3A_367 = arith.constant 0 : index
      %get3A_368 = tpu.vector_load %arg6[%get3A_365, %get3A_366, %get3A_367] {strides = array<i32>} : memref<4x50x32xf32, #tpu.memory_space<vmem>>, vector<16xf32>,
      %bitcast3A_369 = vector.bitcast %get3A_368 : vector<16xf32> to vector<32xbf16>
      %add3A_370 = arith.addf %add3A_362, %bitcast3A_369 : vector<32xbf16>
      %get3A_371 = arith.constant 0 : i32
      %get3A_372 = arith.constant 39 : i32
      %get3A_373 = arith.index_cast %get3A_371 : i32 to index
      %get3A_374 = arith.index_cast %get3A_372 : i32 to index
      %get3A_375 = arith.constant 0 : index
      %get3A_376 = tpu.vector_load %arg6[%get3A_373, %get3A_374, %get3A_375] {strides = array<i32>} : memref<4x50x32xf32, #tpu.memory_space<vmem>>, vector<16xf32>,
      %bitcast3A_377 = vector.bitcast %get3A_376 : vector<16xf32> to vector<32xbf16>
      %add3A_378 = arith.addf %add3A_370, %bitcast3A_377 : vector<32xbf16>
      %get3A_379 = arith.constant 0 : i32
      %get3A_380 = arith.constant 40 : i32
      %get3A_381 = arith.index_cast %get3A_379 : i32 to index
      %get3A_382 = arith.index_cast %get3A_380 : i32 to index
      %get3A_383 = arith.constant 0 : index
      %get3A_384 = tpu.vector_load %arg6[%get3A_381, %get3A_382, %get3A_383] {strides = array<i32>} : memref<4x50x32xf32, #tpu.memory_space<vmem>>, vector<16xf32>,
      %bitcast3A_385 = vector.bitcast %get3A_384 : vector<16xf32> to vector<32xbf16>
      %add3A_386 = arith.addf %add3A_378, %bitcast3A_385 : vector<32xbf16>
      %get3A_387 = arith.constant 0 : i32
      %get3A_388 = arith.constant 41 : i32
      %get3A_389 = arith.index_cast %get3A_387 : i32 to index
      %get3A_390 = arith.index_cast %get3A_388 : i32 to index
      %get3A_391 = arith.constant 0 : index
      %get3A_392 = tpu.vector_load %arg6[%get3A_389, %get3A_390, %get3A_391] {strides = array<i32>} : memref<4x50x32xf32, #tpu.memory_space<vmem>>, vector<16xf32>,
      %bitcast3A_393 = vector.bitcast %get3A_392 : vector<16xf32> to vector<32xbf16>
      %add3A_394 = arith.addf %add3A_386, %bitcast3A_393 : vector<32xbf16>
      %get3A_395 = arith.constant 0 : i32
      %get3A_396 = arith.constant 42 : i32
      %get3A_397 = arith.index_cast %get3A_395 : i32 to index
      %get3A_398 = arith.index_cast %get3A_396 : i32 to index
      %get3A_399 = arith.constant 0 : index
      %get3A_400 = tpu.vector_load %arg6[%get3A_397, %get3A_398, %get3A_399] {strides = array<i32>} : memref<4x50x32xf32, #tpu.memory_space<vmem>>, vector<16xf32>,
      %bitcast3A_401 = vector.bitcast %get3A_400 : vector<16xf32> to vector<32xbf16>
      %add3A_402 = arith.addf %add3A_394, %bitcast3A_401 : vector<32xbf16>
      %get3A_403 = arith.constant 0 : i32
      %get3A_404 = arith.constant 43 : i32
      %get3A_405 = arith.index_cast %get3A_403 : i32 to index
      %get3A_406 = arith.index_cast %get3A_404 : i32 to index
      %get3A_407 = arith.constant 0 : index
      %get3A_408 = tpu.vector_load %arg6[%get3A_405, %get3A_406, %get3A_407] {strides = array<i32>} : memref<4x50x32xf32, #tpu.memory_space<vmem>>, vector<16xf32>,
      %bitcast3A_409 = vector.bitcast %get3A_408 : vector<16xf32> to vector<32xbf16>
      %add3A_410 = arith.addf %add3A_402, %bitcast3A_409 : vector<32xbf16>
      %get3A_411 = arith.constant 0 : i32
      %get3A_412 = arith.constant 44 : i32
      %get3A_413 = arith.index_cast %get3A_411 : i32 to index
      %get3A_414 = arith.index_cast %get3A_412 : i32 to index
      %get3A_415 = arith.constant 0 : index
      %get3A_416 = tpu.vector_load %arg6[%get3A_413, %get3A_414, %get3A_415] {strides = array<i32>} : memref<4x50x32xf32, #tpu.memory_space<vmem>>, vector<16xf32>,
      %bitcast3A_417 = vector.bitcast %get3A_416 : vector<16xf32> to vector<32xbf16>
      %add3A_418 = arith.addf %add3A_410, %bitcast3A_417 : vector<32xbf16>
      %get3A_419 = arith.constant 0 : i32
      %get3A_420 = arith.constant 45 : i32
      %get3A_421 = arith.index_cast %get3A_419 : i32 to index
      %get3A_422 = arith.index_cast %get3A_420 : i32 to index
      %get3A_423 = arith.constant 0 : index
      %get3A_424 = tpu.vector_load %arg6[%get3A_421, %get3A_422, %get3A_423] {strides = array<i32>} : memref<4x50x32xf32, #tpu.memory_space<vmem>>, vector<16xf32>,
      %bitcast3A_425 = vector.bitcast %get3A_424 : vector<16xf32> to vector<32xbf16>
      %add3A_426 = arith.addf %add3A_418, %bitcast3A_425 : vector<32xbf16>
      %get3A_427 = arith.constant 0 : i32
      %get3A_428 = arith.constant 46 : i32
      %get3A_429 = arith.index_cast %get3A_427 : i32 to index
      %get3A_430 = arith.index_cast %get3A_428 : i32 to index
      %get3A_431 = arith.constant 0 : index
      %get3A_432 = tpu.vector_load %arg6[%get3A_429, %get3A_430, %get3A_431] {strides = array<i32>} : memref<4x50x32xf32, #tpu.memory_space<vmem>>, vector<16xf32>,
      %bitcast3A_433 = vector.bitcast %get3A_432 : vector<16xf32> to vector<32xbf16>
      %add3A_434 = arith.addf %add3A_426, %bitcast3A_433 : vector<32xbf16>
      %get3A_435 = arith.constant 0 : i32
      %get3A_436 = arith.constant 47 : i32
      %get3A_437 = arith.index_cast %get3A_435 : i32 to index
      %get3A_438 = arith.index_cast %get3A_436 : i32 to index
      %get3A_439 = arith.constant 0 : index
      %get3A_440 = tpu.vector_load %arg6[%get3A_437, %get3A_438, %get3A_439] {strides = array<i32>} : memref<4x50x32xf32, #tpu.memory_space<vmem>>, vector<16xf32>,
      %bitcast3A_441 = vector.bitcast %get3A_440 : vector<16xf32> to vector<32xbf16>
      %add3A_442 = arith.addf %add3A_434, %bitcast3A_441 : vector<32xbf16>
      %get3A_443 = arith.constant 0 : i32
      %get3A_444 = arith.constant 48 : i32
      %get3A_445 = arith.index_cast %get3A_443 : i32 to index
      %get3A_446 = arith.index_cast %get3A_444 : i32 to index
      %get3A_447 = arith.constant 0 : index
      %get3A_448 = tpu.vector_load %arg6[%get3A_445, %get3A_446, %get3A_447] {strides = array<i32>} : memref<4x50x32xf32, #tpu.memory_space<vmem>>, vector<16xf32>,
      %bitcast3A_449 = vector.bitcast %get3A_448 : vector<16xf32> to vector<32xbf16>
      %add3A_450 = arith.addf %add3A_442, %bitcast3A_449 : vector<32xbf16>
      %get3A_451 = arith.constant 0 : i32
      %get3A_452 = arith.constant 49 : i32
      %get3A_453 = arith.index_cast %get3A_451 : i32 to index
      %get3A_454 = arith.index_cast %get3A_452 : i32 to index
      %get3A_455 = arith.constant 0 : index
      %get3A_456 = tpu.vector_load %arg6[%get3A_453, %get3A_454, %get3A_455] {strides = array<i32>} : memref<4x50x32xf32, #tpu.memory_space<vmem>>, vector<16xf32>,
      %bitcast3A_457 = vector.bitcast %get3A_456 : vector<16xf32> to vector<32xbf16>
      %add3A_458 = arith.addf %add3A_450, %bitcast3A_457 : vector<32xbf16>
      %unpack3A = tpu.unpack_subelements %add3A_458, 0 {pack_format = #tpu.pack_format<interleaved>} : vector<32xbf16> -> vector<16xf32>
      %unpack3A_459 = tpu.unpack_subelements %add3A_458, 1 {pack_format = #tpu.pack_format<interleaved>} : vector<32xbf16> -> vector<16xf32>
      %mul3A_460 = arith.constant 2.000000e-02 : f32
      %mul3A_461 = vector.broadcast %mul3A_460 : f32 to vector<16xf32>
      %mul3A_462 = arith.mulf %unpack3A, %mul3A_461 : vector<16xf32>
      %swap3A = arith.index_cast %add3A_47 : i32 to index
      %swap3A_463 = arith.constant 0 : index
      %swap3A_464 = tpu.vector_load %arg7[%swap3A, %swap3A_463] {strides = array<i32>} : memref<512x64xf32, #tpu.memory_space<vmem>>, vector<16xf32>,
      tpu.vector_store %arg7[%swap3A, %swap3A_463], %mul3A_462 {strides = array<i32>} : memref<512x64xf32, #tpu.memory_space<vmem>>, vector<16xf32>,
      %mul3A_465 = arith.constant 2.000000e-02 : f32
      %mul3A_466 = vector.broadcast %mul3A_465 : f32 to vector<16xf32>
      %mul3A_467 = arith.mulf %unpack3A_459, %mul3A_466 : vector<16xf32>
      %swap3A_468 = arith.index_cast %add3A_47 : i32 to index
      %swap3A_469 = arith.constant 16 : index
      %swap3A_470 = tpu.vector_load %arg7[%swap3A_468, %swap3A_469] {strides = array<i32>} : memref<512x64xf32, #tpu.memory_space<vmem>>, vector<16xf32>,
      tpu.vector_store %arg7[%swap3A_468, %swap3A_469], %mul3A_467 {strides = array<i32>} : memref<512x64xf32, #tpu.memory_space<vmem>>, vector<16xf32>,
      %get3A_471 = arith.constant 0 : i32
      %get3A_472 = arith.constant 0 : i32
      %get3A_473 = arith.index_cast %get3A_471 : i32 to index
      %get3A_474 = arith.index_cast %get3A_472 : i32 to index
      %get3A_475 = arith.constant 16 : index
      %get3A_476 = tpu.vector_load %arg6[%get3A_473, %get3A_474, %get3A_475] {strides = array<i32>} : memref<4x50x32xf32, #tpu.memory_space<vmem>>, vector<16xf32>,
      %bitcast3A_477 = vector.bitcast %get3A_476 : vector<16xf32> to vector<32xbf16>
      %get3A_478 = arith.constant 0 : i32
      %get3A_479 = arith.constant 1 : i32
      %get3A_480 = arith.index_cast %get3A_478 : i32 to index
      %get3A_481 = arith.index_cast %get3A_479 : i32 to index
      %get3A_482 = arith.constant 16 : index
      %get3A_483 = tpu.vector_load %arg6[%get3A_480, %get3A_481, %get3A_482] {strides = array<i32>} : memref<4x50x32xf32, #tpu.memory_space<vmem>>, vector<16xf32>,
      %bitcast3A_484 = vector.bitcast %get3A_483 : vector<16xf32> to vector<32xbf16>
      %add3A_485 = arith.addf %bitcast3A_477, %bitcast3A_484 : vector<32xbf16>
      %get3A_486 = arith.constant 0 : i32
      %get3A_487 = arith.constant 2 : i32
      %get3A_488 = arith.index_cast %get3A_486 : i32 to index
      %get3A_489 = arith.index_cast %get3A_487 : i32 to index
      %get3A_490 = arith.constant 16 : index
      %get3A_491 = tpu.vector_load %arg6[%get3A_488, %get3A_489, %get3A_490] {strides = array<i32>} : memref<4x50x32xf32, #tpu.memory_space<vmem>>, vector<16xf32>,
      %bitcast3A_492 = vector.bitcast %get3A_491 : vector<16xf32> to vector<32xbf16>
      %add3A_493 = arith.addf %add3A_485, %bitcast3A_492 : vector<32xbf16>
      %get3A_494 = arith.constant 0 : i32
      %get3A_495 = arith.constant 3 : i32
      %get3A_496 = arith.index_cast %get3A_494 : i32 to index
      %get3A_497 = arith.index_cast %get3A_495 : i32 to index
      %get3A_498 = arith.constant 16 : index
      %get3A_499 = tpu.vector_load %arg6[%get3A_496, %get3A_497, %get3A_498] {strides = array<i32>} : memref<4x50x32xf32, #tpu.memory_space<vmem>>, vector<16xf32>,
      %bitcast3A_500 = vector.bitcast %get3A_499 : vector<16xf32> to vector<32xbf16>
      %add3A_501 = arith.addf %add3A_493, %bitcast3A_500 : vector<32xbf16>
      %get3A_502 = arith.constant 0 : i32
      %get3A_503 = arith.constant 4 : i32
      %get3A_504 = arith.index_cast %get3A_502 : i32 to index
      %get3A_505 = arith.index_cast %get3A_503 : i32 to index
      %get3A_506 = arith.constant 16 : index
      %get3A_507 = tpu.vector_load %arg6[%get3A_504, %get3A_505, %get3A_506] {strides = array<i32>} : memref<4x50x32xf32, #tpu.memory_space<vmem>>, vector<16xf32>,
      %bitcast3A_508 = vector.bitcast %get3A_507 : vector<16xf32> to vector<32xbf16>
      %add3A_509 = arith.addf %add3A_501, %bitcast3A_508 : vector<32xbf16>
      %get3A_510 = arith.constant 0 : i32
      %get3A_511 = arith.constant 5 : i32
      %get3A_512 = arith.index_cast %get3A_510 : i32 to index
      %get3A_513 = arith.index_cast %get3A_511 : i32 to index
      %get3A_514 = arith.constant 16 : index
      %get3A_515 = tpu.vector_load %arg6[%get3A_512, %get3A_513, %get3A_514] {strides = array<i32>} : memref<4x50x32xf32, #tpu.memory_space<vmem>>, vector<16xf32>,
      %bitcast3A_516 = vector.bitcast %get3A_515 : vector<16xf32> to vector<32xbf16>
      %add3A_517 = arith.addf %add3A_509, %bitcast3A_516 : vector<32xbf16>
      %get3A_518 = arith.constant 0 : i32
      %get3A_519 = arith.constant 6 : i32
      %get3A_520 = arith.index_cast %get3A_518 : i32 to index
      %get3A_521 = arith.index_cast %get3A_519 : i32 to index
      %get3A_522 = arith.constant 16 : index
      %get3A_523 = tpu.vector_load %arg6[%get3A_520, %get3A_521, %get3A_522] {strides = array<i32>} : memref<4x50x32xf32, #tpu.memory_space<vmem>>, vector<16xf32>,
      %bitcast3A_524 = vector.bitcast %get3A_523 : vector<16xf32> to vector<32xbf16>
      %add3A_525 = arith.addf %add3A_517, %bitcast3A_524 : vector<32xbf16>
      %get3A_526 = arith.constant 0 : i32
      %get3A_527 = arith.constant 7 : i32
      %get3A_528 = arith.index_cast %get3A_526 : i32 to index
      %get3A_529 = arith.index_cast %get3A_527 : i32 to index
      %get3A_530 = arith.constant 16 : index
      %get3A_531 = tpu.vector_load %arg6[%get3A_528, %get3A_529, %get3A_530] {strides = array<i32>} : memref<4x50x32xf32, #tpu.memory_space<vmem>>, vector<16xf32>,
      %bitcast3A_532 = vector.bitcast %get3A_531 : vector<16xf32> to vector<32xbf16>
      %add3A_533 = arith.addf %add3A_525, %bitcast3A_532 : vector<32xbf16>
      %get3A_534 = arith.constant 0 : i32
      %get3A_535 = arith.constant 8 : i32
      %get3A_536 = arith.index_cast %get3A_534 : i32 to index
      %get3A_537 = arith.index_cast %get3A_535 : i32 to index
      %get3A_538 = arith.constant 16 : index
      %get3A_539 = tpu.vector_load %arg6[%get3A_536, %get3A_537, %get3A_538] {strides = array<i32>} : memref<4x50x32xf32, #tpu.memory_space<vmem>>, vector<16xf32>,
      %bitcast3A_540 = vector.bitcast %get3A_539 : vector<16xf32> to vector<32xbf16>
      %add3A_541 = arith.addf %add3A_533, %bitcast3A_540 : vector<32xbf16>
      %get3A_542 = arith.constant 0 : i32
      %get3A_543 = arith.constant 9 : i32
      %get3A_544 = arith.index_cast %get3A_542 : i32 to index
      %get3A_545 = arith.index_cast %get3A_543 : i32 to index
      %get3A_546 = arith.constant 16 : index
      %get3A_547 = tpu.vector_load %arg6[%get3A_544, %get3A_545, %get3A_546] {strides = array<i32>} : memref<4x50x32xf32, #tpu.memory_space<vmem>>, vector<16xf32>,
      %bitcast3A_548 = vector.bitcast %get3A_547 : vector<16xf32> to vector<32xbf16>
      %add3A_549 = arith.addf %add3A_541, %bitcast3A_548 : vector<32xbf16>
      %get3A_550 = arith.constant 0 : i32
      %get3A_551 = arith.constant 10 : i32
      %get3A_552 = arith.index_cast %get3A_550 : i32 to index
      %get3A_553 = arith.index_cast %get3A_551 : i32 to index
      %get3A_554 = arith.constant 16 : index
      %get3A_555 = tpu.vector_load %arg6[%get3A_552, %get3A_553, %get3A_554] {strides = array<i32>} : memref<4x50x32xf32, #tpu.memory_space<vmem>>, vector<16xf32>,
      %bitcast3A_556 = vector.bitcast %get3A_555 : vector<16xf32> to vector<32xbf16>
      %add3A_557 = arith.addf %add3A_549, %bitcast3A_556 : vector<32xbf16>
      %get3A_558 = arith.constant 0 : i32
      %get3A_559 = arith.constant 11 : i32
      %get3A_560 = arith.index_cast %get3A_558 : i32 to index
      %get3A_561 = arith.index_cast %get3A_559 : i32 to index
      %get3A_562 = arith.constant 16 : index
      %get3A_563 = tpu.vector_load %arg6[%get3A_560, %get3A_561, %get3A_562] {strides = array<i32>} : memref<4x50x32xf32, #tpu.memory_space<vmem>>, vector<16xf32>,
      %bitcast3A_564 = vector.bitcast %get3A_563 : vector<16xf32> to vector<32xbf16>
      %add3A_565 = arith.addf %add3A_557, %bitcast3A_564 : vector<32xbf16>
      %get3A_566 = arith.constant 0 : i32
      %get3A_567 = arith.constant 12 : i32
      %get3A_568 = arith.index_cast %get3A_566 : i32 to index
      %get3A_569 = arith.index_cast %get3A_567 : i32 to index
      %get3A_570 = arith.constant 16 : index
      %get3A_571 = tpu.vector_load %arg6[%get3A_568, %get3A_569, %get3A_570] {strides = array<i32>} : memref<4x50x32xf32, #tpu.memory_space<vmem>>, vector<16xf32>,
      %bitcast3A_572 = vector.bitcast %get3A_571 : vector<16xf32> to vector<32xbf16>
      %add3A_573 = arith.addf %add3A_565, %bitcast3A_572 : vector<32xbf16>
      %get3A_574 = arith.constant 0 : i32
      %get3A_575 = arith.constant 13 : i32
      %get3A_576 = arith.index_cast %get3A_574 : i32 to index
      %get3A_577 = arith.index_cast %get3A_575 : i32 to index
      %get3A_578 = arith.constant 16 : index
      %get3A_579 = tpu.vector_load %arg6[%get3A_576, %get3A_577, %get3A_578] {strides = array<i32>} : memref<4x50x32xf32, #tpu.memory_space<vmem>>, vector<16xf32>,
      %bitcast3A_580 = vector.bitcast %get3A_579 : vector<16xf32> to vector<32xbf16>
      %add3A_581 = arith.addf %add3A_573, %bitcast3A_580 : vector<32xbf16>
      %get3A_582 = arith.constant 0 : i32
      %get3A_583 = arith.constant 14 : i32
      %get3A_584 = arith.index_cast %get3A_582 : i32 to index
      %get3A_585 = arith.index_cast %get3A_583 : i32 to index
      %get3A_586 = arith.constant 16 : index
      %get3A_587 = tpu.vector_load %arg6[%get3A_584, %get3A_585, %get3A_586] {strides = array<i32>} : memref<4x50x32xf32, #tpu.memory_space<vmem>>, vector<16xf32>,
      %bitcast3A_588 = vector.bitcast %get3A_587 : vector<16xf32> to vector<32xbf16>
      %add3A_589 = arith.addf %add3A_581, %bitcast3A_588 : vector<32xbf16>
      %get3A_590 = arith.constant 0 : i32
      %get3A_591 = arith.constant 15 : i32
      %get3A_592 = arith.index_cast %get3A_590 : i32 to index
      %get3A_593 = arith.index_cast %get3A_591 : i32 to index
      %get3A_594 = arith.constant 16 : index
      %get3A_595 = tpu.vector_load %arg6[%get3A_592, %get3A_593, %get3A_594] {strides = array<i32>} : memref<4x50x32xf32, #tpu.memory_space<vmem>>, vector<16xf32>,
      %bitcast3A_596 = vector.bitcast %get3A_595 : vector<16xf32> to vector<32xbf16>
      %add3A_597 = arith.addf %add3A_589, %bitcast3A_596 : vector<32xbf16>
      %get3A_598 = arith.constant 0 : i32
      %get3A_599 = arith.constant 16 : i32
      %get3A_600 = arith.index_cast %get3A_598 : i32 to index
      %get3A_601 = arith.index_cast %get3A_599 : i32 to index
      %get3A_602 = arith.constant 16 : index
      %get3A_603 = tpu.vector_load %arg6[%get3A_600, %get3A_601, %get3A_602] {strides = array<i32>} : memref<4x50x32xf32, #tpu.memory_space<vmem>>, vector<16xf32>,
      %bitcast3A_604 = vector.bitcast %get3A_603 : vector<16xf32> to vector<32xbf16>
      %add3A_605 = arith.addf %add3A_597, %bitcast3A_604 : vector<32xbf16>
      %get3A_606 = arith.constant 0 : i32
      %get3A_607 = arith.constant 17 : i32
      %get3A_608 = arith.index_cast %get3A_606 : i32 to index
      %get3A_609 = arith.index_cast %get3A_607 : i32 to index
      %get3A_610 = arith.constant 16 : index
      %get3A_611 = tpu.vector_load %arg6[%get3A_608, %get3A_609, %get3A_610] {strides = array<i32>} : memref<4x50x32xf32, #tpu.memory_space<vmem>>, vector<16xf32>,
      %bitcast3A_612 = vector.bitcast %get3A_611 : vector<16xf32> to vector<32xbf16>
      %add3A_613 = arith.addf %add3A_605, %bitcast3A_612 : vector<32xbf16>
      %get3A_614 = arith.constant 0 : i32
      %get3A_615 = arith.constant 18 : i32
      %get3A_616 = arith.index_cast %get3A_614 : i32 to index
      %get3A_617 = arith.index_cast %get3A_615 : i32 to index
      %get3A_618 = arith.constant 16 : index
      %get3A_619 = tpu.vector_load %arg6[%get3A_616, %get3A_617, %get3A_618] {strides = array<i32>} : memref<4x50x32xf32, #tpu.memory_space<vmem>>, vector<16xf32>,
      %bitcast3A_620 = vector.bitcast %get3A_619 : vector<16xf32> to vector<32xbf16>
      %add3A_621 = arith.addf %add3A_613, %bitcast3A_620 : vector<32xbf16>
      %get3A_622 = arith.constant 0 : i32
      %get3A_623 = arith.constant 19 : i32
      %get3A_624 = arith.index_cast %get3A_622 : i32 to index
      %get3A_625 = arith.index_cast %get3A_623 : i32 to index
      %get3A_626 = arith.constant 16 : index
      %get3A_627 = tpu.vector_load %arg6[%get3A_624, %get3A_625, %get3A_626] {strides = array<i32>} : memref<4x50x32xf32, #tpu.memory_space<vmem>>, vector<16xf32>,
      %bitcast3A_628 = vector.bitcast %get3A_627 : vector<16xf32> to vector<32xbf16>
      %add3A_629 = arith.addf %add3A_621, %bitcast3A_628 : vector<32xbf16>
      %get3A_630 = arith.constant 0 : i32
      %get3A_631 = arith.constant 20 : i32
      %get3A_632 = arith.index_cast %get3A_630 : i32 to index
      %get3A_633 = arith.index_cast %get3A_631 : i32 to index
      %get3A_634 = arith.constant 16 : index
      %get3A_635 = tpu.vector_load %arg6[%get3A_632, %get3A_633, %get3A_634] {strides = array<i32>} : memref<4x50x32xf32, #tpu.memory_space<vmem>>, vector<16xf32>,
      %bitcast3A_636 = vector.bitcast %get3A_635 : vector<16xf32> to vector<32xbf16>
      %add3A_637 = arith.addf %add3A_629, %bitcast3A_636 : vector<32xbf16>
      %get3A_638 = arith.constant 0 : i32
      %get3A_639 = arith.constant 21 : i32
      %get3A_640 = arith.index_cast %get3A_638 : i32 to index
      %get3A_641 = arith.index_cast %get3A_639 : i32 to index
      %get3A_642 = arith.constant 16 : index
      %get3A_643 = tpu.vector_load %arg6[%get3A_640, %get3A_641, %get3A_642] {strides = array<i32>} : memref<4x50x32xf32, #tpu.memory_space<vmem>>, vector<16xf32>,
      %bitcast3A_644 = vector.bitcast %get3A_643 : vector<16xf32> to vector<32xbf16>
      %add3A_645 = arith.addf %add3A_637, %bitcast3A_644 : vector<32xbf16>
      %get3A_646 = arith.constant 0 : i32
      %get3A_647 = arith.constant 22 : i32
      %get3A_648 = arith.index_cast %get3A_646 : i32 to index
      %get3A_649 = arith.index_cast %get3A_647 : i32 to index
      %get3A_650 = arith.constant 16 : index
      %get3A_651 = tpu.vector_load %arg6[%get3A_648, %get3A_649, %get3A_650] {strides = array<i32>} : memref<4x50x32xf32, #tpu.memory_space<vmem>>, vector<16xf32>,
      %bitcast3A_652 = vector.bitcast %get3A_651 : vector<16xf32> to vector<32xbf16>
      %add3A_653 = arith.addf %add3A_645, %bitcast3A_652 : vector<32xbf16>
      %get3A_654 = arith.constant 0 : i32
      %get3A_655 = arith.constant 23 : i32
      %get3A_656 = arith.index_cast %get3A_654 : i32 to index
      %get3A_657 = arith.index_cast %get3A_655 : i32 to index
      %get3A_658 = arith.constant 16 : index
      %get3A_659 = tpu.vector_load %arg6[%get3A_656, %get3A_657, %get3A_658] {strides = array<i32>} : memref<4x50x32xf32, #tpu.memory_space<vmem>>, vector<16xf32>,
      %bitcast3A_660 = vector.bitcast %get3A_659 : vector<16xf32> to vector<32xbf16>
      %add3A_661 = arith.addf %add3A_653, %bitcast3A_660 : vector<32xbf16>
      %get3A_662 = arith.constant 0 : i32
      %get3A_663 = arith.constant 24 : i32
      %get3A_664 = arith.index_cast %get3A_662 : i32 to index
      %get3A_665 = arith.index_cast %get3A_663 : i32 to index
      %get3A_666 = arith.constant 16 : index
      %get3A_667 = tpu.vector_load %arg6[%get3A_664, %get3A_665, %get3A_666] {strides = array<i32>} : memref<4x50x32xf32, #tpu.memory_space<vmem>>, vector<16xf32>,
      %bitcast3A_668 = vector.bitcast %get3A_667 : vector<16xf32> to vector<32xbf16>
      %add3A_669 = arith.addf %add3A_661, %bitcast3A_668 : vector<32xbf16>
      %get3A_670 = arith.constant 0 : i32
      %get3A_671 = arith.constant 25 : i32
      %get3A_672 = arith.index_cast %get3A_670 : i32 to index
      %get3A_673 = arith.index_cast %get3A_671 : i32 to index
      %get3A_674 = arith.constant 16 : index
      %get3A_675 = tpu.vector_load %arg6[%get3A_672, %get3A_673, %get3A_674] {strides = array<i32>} : memref<4x50x32xf32, #tpu.memory_space<vmem>>, vector<16xf32>,
      %bitcast3A_676 = vector.bitcast %get3A_675 : vector<16xf32> to vector<32xbf16>
      %add3A_677 = arith.addf %add3A_669, %bitcast3A_676 : vector<32xbf16>
      %get3A_678 = arith.constant 0 : i32
      %get3A_679 = arith.constant 26 : i32
      %get3A_680 = arith.index_cast %get3A_678 : i32 to index
      %get3A_681 = arith.index_cast %get3A_679 : i32 to index
      %get3A_682 = arith.constant 16 : index
      %get3A_683 = tpu.vector_load %arg6[%get3A_680, %get3A_681, %get3A_682] {strides = array<i32>} : memref<4x50x32xf32, #tpu.memory_space<vmem>>, vector<16xf32>,
      %bitcast3A_684 = vector.bitcast %get3A_683 : vector<16xf32> to vector<32xbf16>
      %add3A_685 = arith.addf %add3A_677, %bitcast3A_684 : vector<32xbf16>
      %get3A_686 = arith.constant 0 : i32
      %get3A_687 = arith.constant 27 : i32
      %get3A_688 = arith.index_cast %get3A_686 : i32 to index
      %get3A_689 = arith.index_cast %get3A_687 : i32 to index
      %get3A_690 = arith.constant 16 : index
      %get3A_691 = tpu.vector_load %arg6[%get3A_688, %get3A_689, %get3A_690] {strides = array<i32>} : memref<4x50x32xf32, #tpu.memory_space<vmem>>, vector<16xf32>,
      %bitcast3A_692 = vector.bitcast %get3A_691 : vector<16xf32> to vector<32xbf16>
      %add3A_693 = arith.addf %add3A_685, %bitcast3A_692 : vector<32xbf16>
      %get3A_694 = arith.constant 0 : i32
      %get3A_695 = arith.constant 28 : i32
      %get3A_696 = arith.index_cast %get3A_694 : i32 to index
      %get3A_697 = arith.index_cast %get3A_695 : i32 to index
      %get3A_698 = arith.constant 16 : index
      %get3A_699 = tpu.vector_load %arg6[%get3A_696, %get3A_697, %get3A_698] {strides = array<i32>} : memref<4x50x32xf32, #tpu.memory_space<vmem>>, vector<16xf32>,
      %bitcast3A_700 = vector.bitcast %get3A_699 : vector<16xf32> to vector<32xbf16>
      %add3A_701 = arith.addf %add3A_693, %bitcast3A_700 : vector<32xbf16>
      %get3A_702 = arith.constant 0 : i32
      %get3A_703 = arith.constant 29 : i32
      %get3A_704 = arith.index_cast %get3A_702 : i32 to index
      %get3A_705 = arith.index_cast %get3A_703 : i32 to index
      %get3A_706 = arith.constant 16 : index
      %get3A_707 = tpu.vector_load %arg6[%get3A_704, %get3A_705, %get3A_706] {strides = array<i32>} : memref<4x50x32xf32, #tpu.memory_space<vmem>>, vector<16xf32>,
      %bitcast3A_708 = vector.bitcast %get3A_707 : vector<16xf32> to vector<32xbf16>
      %add3A_709 = arith.addf %add3A_701, %bitcast3A_708 : vector<32xbf16>
      %get3A_710 = arith.constant 0 : i32
      %get3A_711 = arith.constant 30 : i32
      %get3A_712 = arith.index_cast %get3A_710 : i32 to index
      %get3A_713 = arith.index_cast %get3A_711 : i32 to index
      %get3A_714 = arith.constant 16 : index
      %get3A_715 = tpu.vector_load %arg6[%get3A_712, %get3A_713, %get3A_714] {strides = array<i32>} : memref<4x50x32xf32, #tpu.memory_space<vmem>>, vector<16xf32>,
      %bitcast3A_716 = vector.bitcast %get3A_715 : vector<16xf32> to vector<32xbf16>
      %add3A_717 = arith.addf %add3A_709, %bitcast3A_716 : vector<32xbf16>
      %get3A_718 = arith.constant 0 : i32
      %get3A_719 = arith.constant 31 : i32
      %get3A_720 = arith.index_cast %get3A_718 : i32 to index
      %get3A_721 = arith.index_cast %get3A_719 : i32 to index
      %get3A_722 = arith.constant 16 : index
      %get3A_723 = tpu.vector_load %arg6[%get3A_720, %get3A_721, %get3A_722] {strides = array<i32>} : memref<4x50x32xf32, #tpu.memory_space<vmem>>, vector<16xf32>,
      %bitcast3A_724 = vector.bitcast %get3A_723 : vector<16xf32> to vector<32xbf16>
      %add3A_725 = arith.addf %add3A_717, %bitcast3A_724 : vector<32xbf16>
      %get3A_726 = arith.constant 0 : i32
      %get3A_727 = arith.constant 32 : i32
      %get3A_728 = arith.index_cast %get3A_726 : i32 to index
      %get3A_729 = arith.index_cast %get3A_727 : i32 to index
      %get3A_730 = arith.constant 16 : index
      %get3A_731 = tpu.vector_load %arg6[%get3A_728, %get3A_729, %get3A_730] {strides = array<i32>} : memref<4x50x32xf32, #tpu.memory_space<vmem>>, vector<16xf32>,
      %bitcast3A_732 = vector.bitcast %get3A_731 : vector<16xf32> to vector<32xbf16>
      %add3A_733 = arith.addf %add3A_725, %bitcast3A_732 : vector<32xbf16>
      %get3A_734 = arith.constant 0 : i32
      %get3A_735 = arith.constant 33 : i32
      %get3A_736 = arith.index_cast %get3A_734 : i32 to index
      %get3A_737 = arith.index_cast %get3A_735 : i32 to index
      %get3A_738 = arith.constant 16 : index
      %get3A_739 = tpu.vector_load %arg6[%get3A_736, %get3A_737, %get3A_738] {strides = array<i32>} : memref<4x50x32xf32, #tpu.memory_space<vmem>>, vector<16xf32>,
      %bitcast3A_740 = vector.bitcast %get3A_739 : vector<16xf32> to vector<32xbf16>
      %add3A_741 = arith.addf %add3A_733, %bitcast3A_740 : vector<32xbf16>
      %get3A_742 = arith.constant 0 : i32
      %get3A_743 = arith.constant 34 : i32
      %get3A_744 = arith.index_cast %get3A_742 : i32 to index
      %get3A_745 = arith.index_cast %get3A_743 : i32 to index
      %get3A_746 = arith.constant 16 : index
      %get3A_747 = tpu.vector_load %arg6[%get3A_744, %get3A_745, %get3A_746] {strides = array<i32>} : memref<4x50x32xf32, #tpu.memory_space<vmem>>, vector<16xf32>,
      %bitcast3A_748 = vector.bitcast %get3A_747 : vector<16xf32> to vector<32xbf16>
      %add3A_749 = arith.addf %add3A_741, %bitcast3A_748 : vector<32xbf16>
      %get3A_750 = arith.constant 0 : i32
      %get3A_751 = arith.constant 35 : i32
      %get3A_752 = arith.index_cast %get3A_750 : i32 to index
      %get3A_753 = arith.index_cast %get3A_751 : i32 to index
      %get3A_754 = arith.constant 16 : index
      %get3A_755 = tpu.vector_load %arg6[%get3A_752, %get3A_753, %get3A_754] {strides = array<i32>} : memref<4x50x32xf32, #tpu.memory_space<vmem>>, vector<16xf32>,
      %bitcast3A_756 = vector.bitcast %get3A_755 : vector<16xf32> to vector<32xbf16>
      %add3A_757 = arith.addf %add3A_749, %bitcast3A_756 : vector<32xbf16>
      %get3A_758 = arith.constant 0 : i32
      %get3A_759 = arith.constant 36 : i32
      %get3A_760 = arith.index_cast %get3A_758 : i32 to index
      %get3A_761 = arith.index_cast %get3A_759 : i32 to index
      %get3A_762 = arith.constant 16 : index
      %get3A_763 = tpu.vector_load %arg6[%get3A_760, %get3A_761, %get3A_762] {strides = array<i32>} : memref<4x50x32xf32, #tpu.memory_space<vmem>>, vector<16xf32>,
      %bitcast3A_764 = vector.bitcast %get3A_763 : vector<16xf32> to vector<32xbf16>
      %add3A_765 = arith.addf %add3A_757, %bitcast3A_764 : vector<32xbf16>
      %get3A_766 = arith.constant 0 : i32
      %get3A_767 = arith.constant 37 : i32
      %get3A_768 = arith.index_cast %get3A_766 : i32 to index
      %get3A_769 = arith.index_cast %get3A_767 : i32 to index
      %get3A_770 = arith.constant 16 : index
      %get3A_771 = tpu.vector_load %arg6[%get3A_768, %get3A_769, %get3A_770] {strides = array<i32>} : memref<4x50x32xf32, #tpu.memory_space<vmem>>, vector<16xf32>,
      %bitcast3A_772 = vector.bitcast %get3A_771 : vector<16xf32> to vector<32xbf16>
      %add3A_773 = arith.addf %add3A_765, %bitcast3A_772 : vector<32xbf16>
      %get3A_774 = arith.constant 0 : i32
      %get3A_775 = arith.constant 38 : i32
      %get3A_776 = arith.index_cast %get3A_774 : i32 to index
      %get3A_777 = arith.index_cast %get3A_775 : i32 to index
      %get3A_778 = arith.constant 16 : index
      %get3A_779 = tpu.vector_load %arg6[%get3A_776, %get3A_777, %get3A_778] {strides = array<i32>} : memref<4x50x32xf32, #tpu.memory_space<vmem>>, vector<16xf32>,
      %bitcast3A_780 = vector.bitcast %get3A_779 : vector<16xf32> to vector<32xbf16>
      %add3A_781 = arith.addf %add3A_773, %bitcast3A_780 : vector<32xbf16>
      %get3A_782 = arith.constant 0 : i32
      %get3A_783 = arith.constant 39 : i32
      %get3A_784 = arith.index_cast %get3A_782 : i32 to index
      %get3A_785 = arith.index_cast %get3A_783 : i32 to index
      %get3A_786 = arith.constant 16 : index
      %get3A_787 = tpu.vector_load %arg6[%get3A_784, %get3A_785, %get3A_786] {strides = array<i32>} : memref<4x50x32xf32, #tpu.memory_space<vmem>>, vector<16xf32>,
      %bitcast3A_788 = vector.bitcast %get3A_787 : vector<16xf32> to vector<32xbf16>
      %add3A_789 = arith.addf %add3A_781, %bitcast3A_788 : vector<32xbf16>
      %get3A_790 = arith.constant 0 : i32
      %get3A_791 = arith.constant 40 : i32
      %get3A_792 = arith.index_cast %get3A_790 : i32 to index
      %get3A_793 = arith.index_cast %get3A_791 : i32 to index
      %get3A_794 = arith.constant 16 : index
      %get3A_795 = tpu.vector_load %arg6[%get3A_792, %get3A_793, %get3A_794] {strides = array<i32>} : memref<4x50x32xf32, #tpu.memory_space<vmem>>, vector<16xf32>,
      %bitcast3A_796 = vector.bitcast %get3A_795 : vector<16xf32> to vector<32xbf16>
      %add3A_797 = arith.addf %add3A_789, %bitcast3A_796 : vector<32xbf16>
      %get3A_798 = arith.constant 0 : i32
      %get3A_799 = arith.constant 41 : i32
      %get3A_800 = arith.index_cast %get3A_798 : i32 to index
      %get3A_801 = arith.index_cast %get3A_799 : i32 to index
      %get3A_802 = arith.constant 16 : index
      %get3A_803 = tpu.vector_load %arg6[%get3A_800, %get3A_801, %get3A_802] {strides = array<i32>} : memref<4x50x32xf32, #tpu.memory_space<vmem>>, vector<16xf32>,
      %bitcast3A_804 = vector.bitcast %get3A_803 : vector<16xf32> to vector<32xbf16>
      %add3A_805 = arith.addf %add3A_797, %bitcast3A_804 : vector<32xbf16>
      %get3A_806 = arith.constant 0 : i32
      %get3A_807 = arith.constant 42 : i32
      %get3A_808 = arith.index_cast %get3A_806 : i32 to index
      %get3A_809 = arith.index_cast %get3A_807 : i32 to index
      %get3A_810 = arith.constant 16 : index
      %get3A_811 = tpu.vector_load %arg6[%get3A_808, %get3A_809, %get3A_810] {strides = array<i32>} : memref<4x50x32xf32, #tpu.memory_space<vmem>>, vector<16xf32>,
      %bitcast3A_812 = vector.bitcast %get3A_811 : vector<16xf32> to vector<32xbf16>
      %add3A_813 = arith.addf %add3A_805, %bitcast3A_812 : vector<32xbf16>
      %get3A_814 = arith.constant 0 : i32
      %get3A_815 = arith.constant 43 : i32
      %get3A_816 = arith.index_cast %get3A_814 : i32 to index
      %get3A_817 = arith.index_cast %get3A_815 : i32 to index
      %get3A_818 = arith.constant 16 : index
      %get3A_819 = tpu.vector_load %arg6[%get3A_816, %get3A_817, %get3A_818] {strides = array<i32>} : memref<4x50x32xf32, #tpu.memory_space<vmem>>, vector<16xf32>,
      %bitcast3A_820 = vector.bitcast %get3A_819 : vector<16xf32> to vector<32xbf16>
      %add3A_821 = arith.addf %add3A_813, %bitcast3A_820 : vector<32xbf16>
      %get3A_822 = arith.constant 0 : i32
      %get3A_823 = arith.constant 44 : i32
      %get3A_824 = arith.index_cast %get3A_822 : i32 to index
      %get3A_825 = arith.index_cast %get3A_823 : i32 to index
      %get3A_826 = arith.constant 16 : index
      %get3A_827 = tpu.vector_load %arg6[%get3A_824, %get3A_825, %get3A_826] {strides = array<i32>} : memref<4x50x32xf32, #tpu.memory_space<vmem>>, vector<16xf32>,
      %bitcast3A_828 = vector.bitcast %get3A_827 : vector<16xf32> to vector<32xbf16>
      %add3A_829 = arith.addf %add3A_821, %bitcast3A_828 : vector<32xbf16>
      %get3A_830 = arith.constant 0 : i32
      %get3A_831 = arith.constant 45 : i32
      %get3A_832 = arith.index_cast %get3A_830 : i32 to index
      %get3A_833 = arith.index_cast %get3A_831 : i32 to index
      %get3A_834 = arith.constant 16 : index
      %get3A_835 = tpu.vector_load %arg6[%get3A_832, %get3A_833, %get3A_834] {strides = array<i32>} : memref<4x50x32xf32, #tpu.memory_space<vmem>>, vector<16xf32>,
      %bitcast3A_836 = vector.bitcast %get3A_835 : vector<16xf32> to vector<32xbf16>
      %add3A_837 = arith.addf %add3A_829, %bitcast3A_836 : vector<32xbf16>
      %get3A_838 = arith.constant 0 : i32
      %get3A_839 = arith.constant 46 : i32
      %get3A_840 = arith.index_cast %get3A_838 : i32 to index
      %get3A_841 = arith.index_cast %get3A_839 : i32 to index
      %get3A_842 = arith.constant 16 : index
      %get3A_843 = tpu.vector_load %arg6[%get3A_840, %get3A_841, %get3A_842] {strides = array<i32>} : memref<4x50x32xf32, #tpu.memory_space<vmem>>, vector<16xf32>,
      %bitcast3A_844 = vector.bitcast %get3A_843 : vector<16xf32> to vector<32xbf16>
      %add3A_845 = arith.addf %add3A_837, %bitcast3A_844 : vector<32xbf16>
      %get3A_846 = arith.constant 0 : i32
      %get3A_847 = arith.constant 47 : i32
      %get3A_848 = arith.index_cast %get3A_846 : i32 to index
      %get3A_849 = arith.index_cast %get3A_847 : i32 to index
      %get3A_850 = arith.constant 16 : index
      %get3A_851 = tpu.vector_load %arg6[%get3A_848, %get3A_849, %get3A_850] {strides = array<i32>} : memref<4x50x32xf32, #tpu.memory_space<vmem>>, vector<16xf32>,
      %bitcast3A_852 = vector.bitcast %get3A_851 : vector<16xf32> to vector<32xbf16>
      %add3A_853 = arith.addf %add3A_845, %bitcast3A_852 : vector<32xbf16>
      %get3A_854 = arith.constant 0 : i32
      %get3A_855 = arith.constant 48 : i32
      %get3A_856 = arith.index_cast %get3A_854 : i32 to index
      %get3A_857 = arith.index_cast %get3A_855 : i32 to index
      %get3A_858 = arith.constant 16 : index
      %get3A_859 = tpu.vector_load %arg6[%get3A_856, %get3A_857, %get3A_858] {strides = array<i32>} : memref<4x50x32xf32, #tpu.memory_space<vmem>>, vector<16xf32>,
      %bitcast3A_860 = vector.bitcast %get3A_859 : vector<16xf32> to vector<32xbf16>
      %add3A_861 = arith.addf %add3A_853, %bitcast3A_860 : vector<32xbf16>
      %get3A_862 = arith.constant 0 : i32
      %get3A_863 = arith.constant 49 : i32
      %get3A_864 = arith.index_cast %get3A_862 : i32 to index
      %get3A_865 = arith.index_cast %get3A_863 : i32 to index
      %get3A_866 = arith.constant 16 : index
      %get3A_867 = tpu.vector_load %arg6[%get3A_864, %get3A_865, %get3A_866] {strides = array<i32>} : memref<4x50x32xf32, #tpu.memory_space<vmem>>, vector<16xf32>,
      %bitcast3A_868 = vector.bitcast %get3A_867 : vector<16xf32> to vector<32xbf16>
      %add3A_869 = arith.addf %add3A_861, %bitcast3A_868 : vector<32xbf16>
      %unpack3A_870 = tpu.unpack_subelements %add3A_869, 0 {pack_format = #tpu.pack_format<interleaved>} : vector<32xbf16> -> vector<16xf32>
      %unpack3A_871 = tpu.unpack_subelements %add3A_869, 1 {pack_format = #tpu.pack_format<interleaved>} : vector<32xbf16> -> vector<16xf32>
      %mul3A_872 = arith.constant 2.000000e-02 : f32
      %mul3A_873 = vector.broadcast %mul3A_872 : f32 to vector<16xf32>
      %mul3A_874 = arith.mulf %unpack3A_870, %mul3A_873 : vector<16xf32>
      %swap3A_875 = arith.index_cast %add3A_47 : i32 to index
      %swap3A_876 = arith.constant 32 : index
      %swap3A_877 = tpu.vector_load %arg7[%swap3A_875, %swap3A_876] {strides = array<i32>} : memref<512x64xf32, #tpu.memory_space<vmem>>, vector<16xf32>,
      tpu.vector_store %arg7[%swap3A_875, %swap3A_876], %mul3A_874 {strides = array<i32>} : memref<512x64xf32, #tpu.memory_space<vmem>>, vector<16xf32>,
      %mul3A_878 = arith.constant 2.000000e-02 : f32
      %mul3A_879 = vector.broadcast %mul3A_878 : f32 to vector<16xf32>
      %mul3A_880 = arith.mulf %unpack3A_871, %mul3A_879 : vector<16xf32>
      %swap3A_881 = arith.index_cast %add3A_47 : i32 to index
      %swap3A_882 = arith.constant 48 : index
      %swap3A_883 = tpu.vector_load %arg7[%swap3A_881, %swap3A_882] {strides = array<i32>} : memref<512x64xf32, #tpu.memory_space<vmem>>, vector<16xf32>,
      tpu.vector_store %arg7[%swap3A_881, %swap3A_882], %mul3A_880 {strides = array<i32>} : memref<512x64xf32, #tpu.memory_space<vmem>>, vector<16xf32>,
      %add3A_884 = arith.constant 1 : i32
      %add3A_885 = arith.addi %mul3A_45, %add3A_884 : i32
      %add3A_886 = arith.constant 3 : i32
      %add3A_887 = arith.addi %add3A_885, %add3A_886 : i32
      %lt3A_888 = arith.constant 512 : i32
      %lt3A_889 = arith.cmpi slt, %add3A_887, %lt3A_888 : i32
      %convert_element_type3A_890 = arith.extui %lt3A_889 : i1 to i32
      %cond3A_891 = arith.constant 0 : i32
      %cond3A_892 = arith.cmpi ne, %convert_element_type3A_890, %cond3A_891 : i32
      scf.if %cond3A_892 {
        %add3A_3422 = arith.constant 3 : i32
        %add3A_3423 = arith.addi %add3A_885, %add3A_3422 : i32
        %dma_start3A_3424 = arith.constant 0 : i32
        %dma_start3A_3425 = arith.constant 0 : i32
        %dma_start3A_3426 = arith.constant 0 : i32
        %dma_start3A_3427 = tpu.memref_slice %arg6[%dma_start3A_3424, %dma_start3A_3425, %dma_start3A_3426] : memref<4x50x32xf32, #tpu.memory_space<vmem>> -> memref<1x50x32xf32, #tpu.memory_space<vmem>>
        %dma_start3A_3428 = tpu.memref_squeeze %dma_start3A_3427 : memref<1x50x32xf32, #tpu.memory_space<vmem>> -> memref<50x32xf32, #tpu.memory_space<vmem>>
        %dma_start3A_3429 = arith.constant 0 : i32
        %dma_start3A_3430 = tpu.memref_slice %arg5[%add3A_3423, %dma_start3A_3429] : memref<512x50xi32, #tpu.memory_space<vmem>> -> memref<1x50xi32, #tpu.memory_space<vmem>>
        %dma_start3A_3431 = tpu.memref_squeeze %dma_start3A_3430 : memref<1x50xi32, #tpu.memory_space<vmem>> -> memref<50xi32, #tpu.memory_space<vmem>>
        %dma_start3A_3432 = arith.constant 0 : i32
        %dma_start3A_3433 = arith.constant 0 : i32
        %dma_start3A_3434 = tpu.memref_slice %arg3[%dma_start3A_3432, %dma_start3A_3433] : memref<1015808x32xf32, #tpu.memory_space<hbm>> -> memref<1015808x32xf32, #tpu.memory_space<hbm>>
        tpu.enqueue_indirect_dma source(%dma_start3A_3434 : memref<1015808x32xf32, #tpu.memory_space<hbm>>) target(%dma_start3A_3428 : memref<50x32xf32, #tpu.memory_space<vmem>>) offsets(%dma_start3A_3431 : memref<50xi32, #tpu.memory_space<vmem>>) semaphore(%arg8 : memref<!tpu.dma_semaphore, #tpu.memory_space<semaphore_mem>>)
      } else {
      }
      %dma_wait3A_893 = arith.constant 1 : i32
      %dma_wait3A_894 = arith.constant 0 : i32
      %dma_wait3A_895 = arith.constant 0 : i32
      %dma_wait3A_896 = tpu.memref_slice %arg6[%dma_wait3A_893, %dma_wait3A_894, %dma_wait3A_895] : memref<4x50x32xf32, #tpu.memory_space<vmem>> -> memref<1x50x32xf32, #tpu.memory_space<vmem>>
      %dma_wait3A_897 = tpu.memref_squeeze %dma_wait3A_896 : memref<1x50x32xf32, #tpu.memory_space<vmem>> -> memref<50x32xf32, #tpu.memory_space<vmem>>
      %dma_wait3A_898 = arith.constant 0 : i32
      %dma_wait3A_899 = tpu.memref_slice %arg5[%add3A_885, %dma_wait3A_898] : memref<512x50xi32, #tpu.memory_space<vmem>> -> memref<1x50xi32, #tpu.memory_space<vmem>>
      %dma_wait3A_900 = tpu.memref_squeeze %dma_wait3A_899 : memref<1x50xi32, #tpu.memory_space<vmem>> -> memref<50xi32, #tpu.memory_space<vmem>>
      %dma_wait3A_901 = arith.constant 0 : i32
      %dma_wait3A_902 = arith.constant 0 : i32
      %dma_wait3A_903 = tpu.memref_slice %arg3[%dma_wait3A_901, %dma_wait3A_902] : memref<1015808x32xf32, #tpu.memory_space<hbm>> -> memref<1015808x32xf32, #tpu.memory_space<hbm>>
      tpu.wait_indirect_dma semaphore(%arg9 : memref<!tpu.dma_semaphore, #tpu.memory_space<semaphore_mem>>) src(%dma_wait3A_903 : memref<1015808x32xf32, #tpu.memory_space<hbm>>) dst(%dma_wait3A_897 : memref<50x32xf32, #tpu.memory_space<vmem>>)
      %get3A_904 = arith.constant 1 : i32
      %get3A_905 = arith.constant 0 : i32
      %get3A_906 = arith.index_cast %get3A_904 : i32 to index
      %get3A_907 = arith.index_cast %get3A_905 : i32 to index
      %get3A_908 = arith.constant 0 : index
      %get3A_909 = tpu.vector_load %arg6[%get3A_906, %get3A_907, %get3A_908] {strides = array<i32>} : memref<4x50x32xf32, #tpu.memory_space<vmem>>, vector<16xf32>,
      %bitcast3A_910 = vector.bitcast %get3A_909 : vector<16xf32> to vector<32xbf16>
      %get3A_911 = arith.constant 1 : i32
      %get3A_912 = arith.constant 1 : i32
      %get3A_913 = arith.index_cast %get3A_911 : i32 to index
      %get3A_914 = arith.index_cast %get3A_912 : i32 to index
      %get3A_915 = arith.constant 0 : index
      %get3A_916 = tpu.vector_load %arg6[%get3A_913, %get3A_914, %get3A_915] {strides = array<i32>} : memref<4x50x32xf32, #tpu.memory_space<vmem>>, vector<16xf32>,
      %bitcast3A_917 = vector.bitcast %get3A_916 : vector<16xf32> to vector<32xbf16>
      %add3A_918 = arith.addf %bitcast3A_910, %bitcast3A_917 : vector<32xbf16>
      %get3A_919 = arith.constant 1 : i32
      %get3A_920 = arith.constant 2 : i32
      %get3A_921 = arith.index_cast %get3A_919 : i32 to index
      %get3A_922 = arith.index_cast %get3A_920 : i32 to index
      %get3A_923 = arith.constant 0 : index
      %get3A_924 = tpu.vector_load %arg6[%get3A_921, %get3A_922, %get3A_923] {strides = array<i32>} : memref<4x50x32xf32, #tpu.memory_space<vmem>>, vector<16xf32>,
      %bitcast3A_925 = vector.bitcast %get3A_924 : vector<16xf32> to vector<32xbf16>
      %add3A_926 = arith.addf %add3A_918, %bitcast3A_925 : vector<32xbf16>
      %get3A_927 = arith.constant 1 : i32
      %get3A_928 = arith.constant 3 : i32
      %get3A_929 = arith.index_cast %get3A_927 : i32 to index
      %get3A_930 = arith.index_cast %get3A_928 : i32 to index
      %get3A_931 = arith.constant 0 : index
      %get3A_932 = tpu.vector_load %arg6[%get3A_929, %get3A_930, %get3A_931] {strides = array<i32>} : memref<4x50x32xf32, #tpu.memory_space<vmem>>, vector<16xf32>,
      %bitcast3A_933 = vector.bitcast %get3A_932 : vector<16xf32> to vector<32xbf16>
      %add3A_934 = arith.addf %add3A_926, %bitcast3A_933 : vector<32xbf16>
      %get3A_935 = arith.constant 1 : i32
      %get3A_936 = arith.constant 4 : i32
      %get3A_937 = arith.index_cast %get3A_935 : i32 to index
      %get3A_938 = arith.index_cast %get3A_936 : i32 to index
      %get3A_939 = arith.constant 0 : index
      %get3A_940 = tpu.vector_load %arg6[%get3A_937, %get3A_938, %get3A_939] {strides = array<i32>} : memref<4x50x32xf32, #tpu.memory_space<vmem>>, vector<16xf32>,
      %bitcast3A_941 = vector.bitcast %get3A_940 : vector<16xf32> to vector<32xbf16>
      %add3A_942 = arith.addf %add3A_934, %bitcast3A_941 : vector<32xbf16>
      %get3A_943 = arith.constant 1 : i32
      %get3A_944 = arith.constant 5 : i32
      %get3A_945 = arith.index_cast %get3A_943 : i32 to index
      %get3A_946 = arith.index_cast %get3A_944 : i32 to index
      %get3A_947 = arith.constant 0 : index
      %get3A_948 = tpu.vector_load %arg6[%get3A_945, %get3A_946, %get3A_947] {strides = array<i32>} : memref<4x50x32xf32, #tpu.memory_space<vmem>>, vector<16xf32>,
      %bitcast3A_949 = vector.bitcast %get3A_948 : vector<16xf32> to vector<32xbf16>
      %add3A_950 = arith.addf %add3A_942, %bitcast3A_949 : vector<32xbf16>
      %get3A_951 = arith.constant 1 : i32
      %get3A_952 = arith.constant 6 : i32
      %get3A_953 = arith.index_cast %get3A_951 : i32 to index
      %get3A_954 = arith.index_cast %get3A_952 : i32 to index
      %get3A_955 = arith.constant 0 : index
      %get3A_956 = tpu.vector_load %arg6[%get3A_953, %get3A_954, %get3A_955] {strides = array<i32>} : memref<4x50x32xf32, #tpu.memory_space<vmem>>, vector<16xf32>,
      %bitcast3A_957 = vector.bitcast %get3A_956 : vector<16xf32> to vector<32xbf16>
      %add3A_958 = arith.addf %add3A_950, %bitcast3A_957 : vector<32xbf16>
      %get3A_959 = arith.constant 1 : i32
      %get3A_960 = arith.constant 7 : i32
      %get3A_961 = arith.index_cast %get3A_959 : i32 to index
      %get3A_962 = arith.index_cast %get3A_960 : i32 to index
      %get3A_963 = arith.constant 0 : index
      %get3A_964 = tpu.vector_load %arg6[%get3A_961, %get3A_962, %get3A_963] {strides = array<i32>} : memref<4x50x32xf32, #tpu.memory_space<vmem>>, vector<16xf32>,
      %bitcast3A_965 = vector.bitcast %get3A_964 : vector<16xf32> to vector<32xbf16>
      %add3A_966 = arith.addf %add3A_958, %bitcast3A_965 : vector<32xbf16>
      %get3A_967 = arith.constant 1 : i32
      %get3A_968 = arith.constant 8 : i32
      %get3A_969 = arith.index_cast %get3A_967 : i32 to index
      %get3A_970 = arith.index_cast %get3A_968 : i32 to index
      %get3A_971 = arith.constant 0 : index
      %get3A_972 = tpu.vector_load %arg6[%get3A_969, %get3A_970, %get3A_971] {strides = array<i32>} : memref<4x50x32xf32, #tpu.memory_space<vmem>>, vector<16xf32>,
      %bitcast3A_973 = vector.bitcast %get3A_972 : vector<16xf32> to vector<32xbf16>
      %add3A_974 = arith.addf %add3A_966, %bitcast3A_973 : vector<32xbf16>
      %get3A_975 = arith.constant 1 : i32
      %get3A_976 = arith.constant 9 : i32
      %get3A_977 = arith.index_cast %get3A_975 : i32 to index
      %get3A_978 = arith.index_cast %get3A_976 : i32 to index
      %get3A_979 = arith.constant 0 : index
      %get3A_980 = tpu.vector_load %arg6[%get3A_977, %get3A_978, %get3A_979] {strides = array<i32>} : memref<4x50x32xf32, #tpu.memory_space<vmem>>, vector<16xf32>,
      %bitcast3A_981 = vector.bitcast %get3A_980 : vector<16xf32> to vector<32xbf16>
      %add3A_982 = arith.addf %add3A_974, %bitcast3A_981 : vector<32xbf16>
      %get3A_983 = arith.constant 1 : i32
      %get3A_984 = arith.constant 10 : i32
      %get3A_985 = arith.index_cast %get3A_983 : i32 to index
      %get3A_986 = arith.index_cast %get3A_984 : i32 to index
      %get3A_987 = arith.constant 0 : index
      %get3A_988 = tpu.vector_load %arg6[%get3A_985, %get3A_986, %get3A_987] {strides = array<i32>} : memref<4x50x32xf32, #tpu.memory_space<vmem>>, vector<16xf32>,
      %bitcast3A_989 = vector.bitcast %get3A_988 : vector<16xf32> to vector<32xbf16>
      %add3A_990 = arith.addf %add3A_982, %bitcast3A_989 : vector<32xbf16>
      %get3A_991 = arith.constant 1 : i32
      %get3A_992 = arith.constant 11 : i32
      %get3A_993 = arith.index_cast %get3A_991 : i32 to index
      %get3A_994 = arith.index_cast %get3A_992 : i32 to index
      %get3A_995 = arith.constant 0 : index
      %get3A_996 = tpu.vector_load %arg6[%get3A_993, %get3A_994, %get3A_995] {strides = array<i32>} : memref<4x50x32xf32, #tpu.memory_space<vmem>>, vector<16xf32>,
      %bitcast3A_997 = vector.bitcast %get3A_996 : vector<16xf32> to vector<32xbf16>
      %add3A_998 = arith.addf %add3A_990, %bitcast3A_997 : vector<32xbf16>
      %get3A_999 = arith.constant 1 : i32
      %get3A_1000 = arith.constant 12 : i32
      %get3A_1001 = arith.index_cast %get3A_999 : i32 to index
      %get3A_1002 = arith.index_cast %get3A_1000 : i32 to index
      %get3A_1003 = arith.constant 0 : index
      %get3A_1004 = tpu.vector_load %arg6[%get3A_1001, %get3A_1002, %get3A_1003] {strides = array<i32>} : memref<4x50x32xf32, #tpu.memory_space<vmem>>, vector<16xf32>,
      %bitcast3A_1005 = vector.bitcast %get3A_1004 : vector<16xf32> to vector<32xbf16>
      %add3A_1006 = arith.addf %add3A_998, %bitcast3A_1005 : vector<32xbf16>
      %get3A_1007 = arith.constant 1 : i32
      %get3A_1008 = arith.constant 13 : i32
      %get3A_1009 = arith.index_cast %get3A_1007 : i32 to index
      %get3A_1010 = arith.index_cast %get3A_1008 : i32 to index
      %get3A_1011 = arith.constant 0 : index
      %get3A_1012 = tpu.vector_load %arg6[%get3A_1009, %get3A_1010, %get3A_1011] {strides = array<i32>} : memref<4x50x32xf32, #tpu.memory_space<vmem>>, vector<16xf32>,
      %bitcast3A_1013 = vector.bitcast %get3A_1012 : vector<16xf32> to vector<32xbf16>
      %add3A_1014 = arith.addf %add3A_1006, %bitcast3A_1013 : vector<32xbf16>
      %get3A_1015 = arith.constant 1 : i32
      %get3A_1016 = arith.constant 14 : i32
      %get3A_1017 = arith.index_cast %get3A_1015 : i32 to index
      %get3A_1018 = arith.index_cast %get3A_1016 : i32 to index
      %get3A_1019 = arith.constant 0 : index
      %get3A_1020 = tpu.vector_load %arg6[%get3A_1017, %get3A_1018, %get3A_1019] {strides = array<i32>} : memref<4x50x32xf32, #tpu.memory_space<vmem>>, vector<16xf32>,
      %bitcast3A_1021 = vector.bitcast %get3A_1020 : vector<16xf32> to vector<32xbf16>
      %add3A_1022 = arith.addf %add3A_1014, %bitcast3A_1021 : vector<32xbf16>
      %get3A_1023 = arith.constant 1 : i32
      %get3A_1024 = arith.constant 15 : i32
      %get3A_1025 = arith.index_cast %get3A_1023 : i32 to index
      %get3A_1026 = arith.index_cast %get3A_1024 : i32 to index
      %get3A_1027 = arith.constant 0 : index
      %get3A_1028 = tpu.vector_load %arg6[%get3A_1025, %get3A_1026, %get3A_1027] {strides = array<i32>} : memref<4x50x32xf32, #tpu.memory_space<vmem>>, vector<16xf32>,
      %bitcast3A_1029 = vector.bitcast %get3A_1028 : vector<16xf32> to vector<32xbf16>
      %add3A_1030 = arith.addf %add3A_1022, %bitcast3A_1029 : vector<32xbf16>
      %get3A_1031 = arith.constant 1 : i32
      %get3A_1032 = arith.constant 16 : i32
      %get3A_1033 = arith.index_cast %get3A_1031 : i32 to index
      %get3A_1034 = arith.index_cast %get3A_1032 : i32 to index
      %get3A_1035 = arith.constant 0 : index
      %get3A_1036 = tpu.vector_load %arg6[%get3A_1033, %get3A_1034, %get3A_1035] {strides = array<i32>} : memref<4x50x32xf32, #tpu.memory_space<vmem>>, vector<16xf32>,
      %bitcast3A_1037 = vector.bitcast %get3A_1036 : vector<16xf32> to vector<32xbf16>
      %add3A_1038 = arith.addf %add3A_1030, %bitcast3A_1037 : vector<32xbf16>
      %get3A_1039 = arith.constant 1 : i32
      %get3A_1040 = arith.constant 17 : i32
      %get3A_1041 = arith.index_cast %get3A_1039 : i32 to index
      %get3A_1042 = arith.index_cast %get3A_1040 : i32 to index
      %get3A_1043 = arith.constant 0 : index
      %get3A_1044 = tpu.vector_load %arg6[%get3A_1041, %get3A_1042, %get3A_1043] {strides = array<i32>} : memref<4x50x32xf32, #tpu.memory_space<vmem>>, vector<16xf32>,
      %bitcast3A_1045 = vector.bitcast %get3A_1044 : vector<16xf32> to vector<32xbf16>
      %add3A_1046 = arith.addf %add3A_1038, %bitcast3A_1045 : vector<32xbf16>
      %get3A_1047 = arith.constant 1 : i32
      %get3A_1048 = arith.constant 18 : i32
      %get3A_1049 = arith.index_cast %get3A_1047 : i32 to index
      %get3A_1050 = arith.index_cast %get3A_1048 : i32 to index
      %get3A_1051 = arith.constant 0 : index
      %get3A_1052 = tpu.vector_load %arg6[%get3A_1049, %get3A_1050, %get3A_1051] {strides = array<i32>} : memref<4x50x32xf32, #tpu.memory_space<vmem>>, vector<16xf32>,
      %bitcast3A_1053 = vector.bitcast %get3A_1052 : vector<16xf32> to vector<32xbf16>
      %add3A_1054 = arith.addf %add3A_1046, %bitcast3A_1053 : vector<32xbf16>
      %get3A_1055 = arith.constant 1 : i32
      %get3A_1056 = arith.constant 19 : i32
      %get3A_1057 = arith.index_cast %get3A_1055 : i32 to index
      %get3A_1058 = arith.index_cast %get3A_1056 : i32 to index
      %get3A_1059 = arith.constant 0 : index
      %get3A_1060 = tpu.vector_load %arg6[%get3A_1057, %get3A_1058, %get3A_1059] {strides = array<i32>} : memref<4x50x32xf32, #tpu.memory_space<vmem>>, vector<16xf32>,
      %bitcast3A_1061 = vector.bitcast %get3A_1060 : vector<16xf32> to vector<32xbf16>
      %add3A_1062 = arith.addf %add3A_1054, %bitcast3A_1061 : vector<32xbf16>
      %get3A_1063 = arith.constant 1 : i32
      %get3A_1064 = arith.constant 20 : i32
      %get3A_1065 = arith.index_cast %get3A_1063 : i32 to index
      %get3A_1066 = arith.index_cast %get3A_1064 : i32 to index
      %get3A_1067 = arith.constant 0 : index
      %get3A_1068 = tpu.vector_load %arg6[%get3A_1065, %get3A_1066, %get3A_1067] {strides = array<i32>} : memref<4x50x32xf32, #tpu.memory_space<vmem>>, vector<16xf32>,
      %bitcast3A_1069 = vector.bitcast %get3A_1068 : vector<16xf32> to vector<32xbf16>
      %add3A_1070 = arith.addf %add3A_1062, %bitcast3A_1069 : vector<32xbf16>
      %get3A_1071 = arith.constant 1 : i32
      %get3A_1072 = arith.constant 21 : i32
      %get3A_1073 = arith.index_cast %get3A_1071 : i32 to index
      %get3A_1074 = arith.index_cast %get3A_1072 : i32 to index
      %get3A_1075 = arith.constant 0 : index
      %get3A_1076 = tpu.vector_load %arg6[%get3A_1073, %get3A_1074, %get3A_1075] {strides = array<i32>} : memref<4x50x32xf32, #tpu.memory_space<vmem>>, vector<16xf32>,
      %bitcast3A_1077 = vector.bitcast %get3A_1076 : vector<16xf32> to vector<32xbf16>
      %add3A_1078 = arith.addf %add3A_1070, %bitcast3A_1077 : vector<32xbf16>
      %get3A_1079 = arith.constant 1 : i32
      %get3A_1080 = arith.constant 22 : i32
      %get3A_1081 = arith.index_cast %get3A_1079 : i32 to index
      %get3A_1082 = arith.index_cast %get3A_1080 : i32 to index
      %get3A_1083 = arith.constant 0 : index
      %get3A_1084 = tpu.vector_load %arg6[%get3A_1081, %get3A_1082, %get3A_1083] {strides = array<i32>} : memref<4x50x32xf32, #tpu.memory_space<vmem>>, vector<16xf32>,
      %bitcast3A_1085 = vector.bitcast %get3A_1084 : vector<16xf32> to vector<32xbf16>
      %add3A_1086 = arith.addf %add3A_1078, %bitcast3A_1085 : vector<32xbf16>
      %get3A_1087 = arith.constant 1 : i32
      %get3A_1088 = arith.constant 23 : i32
      %get3A_1089 = arith.index_cast %get3A_1087 : i32 to index
      %get3A_1090 = arith.index_cast %get3A_1088 : i32 to index
      %get3A_1091 = arith.constant 0 : index
      %get3A_1092 = tpu.vector_load %arg6[%get3A_1089, %get3A_1090, %get3A_1091] {strides = array<i32>} : memref<4x50x32xf32, #tpu.memory_space<vmem>>, vector<16xf32>,
      %bitcast3A_1093 = vector.bitcast %get3A_1092 : vector<16xf32> to vector<32xbf16>
      %add3A_1094 = arith.addf %add3A_1086, %bitcast3A_1093 : vector<32xbf16>
      %get3A_1095 = arith.constant 1 : i32
      %get3A_1096 = arith.constant 24 : i32
      %get3A_1097 = arith.index_cast %get3A_1095 : i32 to index
      %get3A_1098 = arith.index_cast %get3A_1096 : i32 to index
      %get3A_1099 = arith.constant 0 : index
      %get3A_1100 = tpu.vector_load %arg6[%get3A_1097, %get3A_1098, %get3A_1099] {strides = array<i32>} : memref<4x50x32xf32, #tpu.memory_space<vmem>>, vector<16xf32>,
      %bitcast3A_1101 = vector.bitcast %get3A_1100 : vector<16xf32> to vector<32xbf16>
      %add3A_1102 = arith.addf %add3A_1094, %bitcast3A_1101 : vector<32xbf16>
      %get3A_1103 = arith.constant 1 : i32
      %get3A_1104 = arith.constant 25 : i32
      %get3A_1105 = arith.index_cast %get3A_1103 : i32 to index
      %get3A_1106 = arith.index_cast %get3A_1104 : i32 to index
      %get3A_1107 = arith.constant 0 : index
      %get3A_1108 = tpu.vector_load %arg6[%get3A_1105, %get3A_1106, %get3A_1107] {strides = array<i32>} : memref<4x50x32xf32, #tpu.memory_space<vmem>>, vector<16xf32>,
      %bitcast3A_1109 = vector.bitcast %get3A_1108 : vector<16xf32> to vector<32xbf16>
      %add3A_1110 = arith.addf %add3A_1102, %bitcast3A_1109 : vector<32xbf16>
      %get3A_1111 = arith.constant 1 : i32
      %get3A_1112 = arith.constant 26 : i32
      %get3A_1113 = arith.index_cast %get3A_1111 : i32 to index
      %get3A_1114 = arith.index_cast %get3A_1112 : i32 to index
      %get3A_1115 = arith.constant 0 : index
      %get3A_1116 = tpu.vector_load %arg6[%get3A_1113, %get3A_1114, %get3A_1115] {strides = array<i32>} : memref<4x50x32xf32, #tpu.memory_space<vmem>>, vector<16xf32>,
      %bitcast3A_1117 = vector.bitcast %get3A_1116 : vector<16xf32> to vector<32xbf16>
      %add3A_1118 = arith.addf %add3A_1110, %bitcast3A_1117 : vector<32xbf16>
      %get3A_1119 = arith.constant 1 : i32
      %get3A_1120 = arith.constant 27 : i32
      %get3A_1121 = arith.index_cast %get3A_1119 : i32 to index
      %get3A_1122 = arith.index_cast %get3A_1120 : i32 to index
      %get3A_1123 = arith.constant 0 : index
      %get3A_1124 = tpu.vector_load %arg6[%get3A_1121, %get3A_1122, %get3A_1123] {strides = array<i32>} : memref<4x50x32xf32, #tpu.memory_space<vmem>>, vector<16xf32>,
      %bitcast3A_1125 = vector.bitcast %get3A_1124 : vector<16xf32> to vector<32xbf16>
      %add3A_1126 = arith.addf %add3A_1118, %bitcast3A_1125 : vector<32xbf16>
      %get3A_1127 = arith.constant 1 : i32
      %get3A_1128 = arith.constant 28 : i32
      %get3A_1129 = arith.index_cast %get3A_1127 : i32 to index
      %get3A_1130 = arith.index_cast %get3A_1128 : i32 to index
      %get3A_1131 = arith.constant 0 : index
      %get3A_1132 = tpu.vector_load %arg6[%get3A_1129, %get3A_1130, %get3A_1131] {strides = array<i32>} : memref<4x50x32xf32, #tpu.memory_space<vmem>>, vector<16xf32>,
      %bitcast3A_1133 = vector.bitcast %get3A_1132 : vector<16xf32> to vector<32xbf16>
      %add3A_1134 = arith.addf %add3A_1126, %bitcast3A_1133 : vector<32xbf16>
      %get3A_1135 = arith.constant 1 : i32
      %get3A_1136 = arith.constant 29 : i32
      %get3A_1137 = arith.index_cast %get3A_1135 : i32 to index
      %get3A_1138 = arith.index_cast %get3A_1136 : i32 to index
      %get3A_1139 = arith.constant 0 : index
      %get3A_1140 = tpu.vector_load %arg6[%get3A_1137, %get3A_1138, %get3A_1139] {strides = array<i32>} : memref<4x50x32xf32, #tpu.memory_space<vmem>>, vector<16xf32>,
      %bitcast3A_1141 = vector.bitcast %get3A_1140 : vector<16xf32> to vector<32xbf16>
      %add3A_1142 = arith.addf %add3A_1134, %bitcast3A_1141 : vector<32xbf16>
      %get3A_1143 = arith.constant 1 : i32
      %get3A_1144 = arith.constant 30 : i32
      %get3A_1145 = arith.index_cast %get3A_1143 : i32 to index
      %get3A_1146 = arith.index_cast %get3A_1144 : i32 to index
      %get3A_1147 = arith.constant 0 : index
      %get3A_1148 = tpu.vector_load %arg6[%get3A_1145, %get3A_1146, %get3A_1147] {strides = array<i32>} : memref<4x50x32xf32, #tpu.memory_space<vmem>>, vector<16xf32>,
      %bitcast3A_1149 = vector.bitcast %get3A_1148 : vector<16xf32> to vector<32xbf16>
      %add3A_1150 = arith.addf %add3A_1142, %bitcast3A_1149 : vector<32xbf16>
      %get3A_1151 = arith.constant 1 : i32
      %get3A_1152 = arith.constant 31 : i32
      %get3A_1153 = arith.index_cast %get3A_1151 : i32 to index
      %get3A_1154 = arith.index_cast %get3A_1152 : i32 to index
      %get3A_1155 = arith.constant 0 : index
      %get3A_1156 = tpu.vector_load %arg6[%get3A_1153, %get3A_1154, %get3A_1155] {strides = array<i32>} : memref<4x50x32xf32, #tpu.memory_space<vmem>>, vector<16xf32>,
      %bitcast3A_1157 = vector.bitcast %get3A_1156 : vector<16xf32> to vector<32xbf16>
      %add3A_1158 = arith.addf %add3A_1150, %bitcast3A_1157 : vector<32xbf16>
      %get3A_1159 = arith.constant 1 : i32
      %get3A_1160 = arith.constant 32 : i32
      %get3A_1161 = arith.index_cast %get3A_1159 : i32 to index
      %get3A_1162 = arith.index_cast %get3A_1160 : i32 to index
      %get3A_1163 = arith.constant 0 : index
      %get3A_1164 = tpu.vector_load %arg6[%get3A_1161, %get3A_1162, %get3A_1163] {strides = array<i32>} : memref<4x50x32xf32, #tpu.memory_space<vmem>>, vector<16xf32>,
      %bitcast3A_1165 = vector.bitcast %get3A_1164 : vector<16xf32> to vector<32xbf16>
      %add3A_1166 = arith.addf %add3A_1158, %bitcast3A_1165 : vector<32xbf16>
      %get3A_1167 = arith.constant 1 : i32
      %get3A_1168 = arith.constant 33 : i32
      %get3A_1169 = arith.index_cast %get3A_1167 : i32 to index
      %get3A_1170 = arith.index_cast %get3A_1168 : i32 to index
      %get3A_1171 = arith.constant 0 : index
      %get3A_1172 = tpu.vector_load %arg6[%get3A_1169, %get3A_1170, %get3A_1171] {strides = array<i32>} : memref<4x50x32xf32, #tpu.memory_space<vmem>>, vector<16xf32>,
      %bitcast3A_1173 = vector.bitcast %get3A_1172 : vector<16xf32> to vector<32xbf16>
      %add3A_1174 = arith.addf %add3A_1166, %bitcast3A_1173 : vector<32xbf16>
      %get3A_1175 = arith.constant 1 : i32
      %get3A_1176 = arith.constant 34 : i32
      %get3A_1177 = arith.index_cast %get3A_1175 : i32 to index
      %get3A_1178 = arith.index_cast %get3A_1176 : i32 to index
      %get3A_1179 = arith.constant 0 : index
      %get3A_1180 = tpu.vector_load %arg6[%get3A_1177, %get3A_1178, %get3A_1179] {strides = array<i32>} : memref<4x50x32xf32, #tpu.memory_space<vmem>>, vector<16xf32>,
      %bitcast3A_1181 = vector.bitcast %get3A_1180 : vector<16xf32> to vector<32xbf16>
      %add3A_1182 = arith.addf %add3A_1174, %bitcast3A_1181 : vector<32xbf16>
      %get3A_1183 = arith.constant 1 : i32
      %get3A_1184 = arith.constant 35 : i32
      %get3A_1185 = arith.index_cast %get3A_1183 : i32 to index
      %get3A_1186 = arith.index_cast %get3A_1184 : i32 to index
      %get3A_1187 = arith.constant 0 : index
      %get3A_1188 = tpu.vector_load %arg6[%get3A_1185, %get3A_1186, %get3A_1187] {strides = array<i32>} : memref<4x50x32xf32, #tpu.memory_space<vmem>>, vector<16xf32>,
      %bitcast3A_1189 = vector.bitcast %get3A_1188 : vector<16xf32> to vector<32xbf16>
      %add3A_1190 = arith.addf %add3A_1182, %bitcast3A_1189 : vector<32xbf16>
      %get3A_1191 = arith.constant 1 : i32
      %get3A_1192 = arith.constant 36 : i32
      %get3A_1193 = arith.index_cast %get3A_1191 : i32 to index
      %get3A_1194 = arith.index_cast %get3A_1192 : i32 to index
      %get3A_1195 = arith.constant 0 : index
      %get3A_1196 = tpu.vector_load %arg6[%get3A_1193, %get3A_1194, %get3A_1195] {strides = array<i32>} : memref<4x50x32xf32, #tpu.memory_space<vmem>>, vector<16xf32>,
      %bitcast3A_1197 = vector.bitcast %get3A_1196 : vector<16xf32> to vector<32xbf16>
      %add3A_1198 = arith.addf %add3A_1190, %bitcast3A_1197 : vector<32xbf16>
      %get3A_1199 = arith.constant 1 : i32
      %get3A_1200 = arith.constant 37 : i32
      %get3A_1201 = arith.index_cast %get3A_1199 : i32 to index
      %get3A_1202 = arith.index_cast %get3A_1200 : i32 to index
      %get3A_1203 = arith.constant 0 : index
      %get3A_1204 = tpu.vector_load %arg6[%get3A_1201, %get3A_1202, %get3A_1203] {strides = array<i32>} : memref<4x50x32xf32, #tpu.memory_space<vmem>>, vector<16xf32>,
      %bitcast3A_1205 = vector.bitcast %get3A_1204 : vector<16xf32> to vector<32xbf16>
      %add3A_1206 = arith.addf %add3A_1198, %bitcast3A_1205 : vector<32xbf16>
      %get3A_1207 = arith.constant 1 : i32
      %get3A_1208 = arith.constant 38 : i32
      %get3A_1209 = arith.index_cast %get3A_1207 : i32 to index
      %get3A_1210 = arith.index_cast %get3A_1208 : i32 to index
      %get3A_1211 = arith.constant 0 : index
      %get3A_1212 = tpu.vector_load %arg6[%get3A_1209, %get3A_1210, %get3A_1211] {strides = array<i32>} : memref<4x50x32xf32, #tpu.memory_space<vmem>>, vector<16xf32>,
      %bitcast3A_1213 = vector.bitcast %get3A_1212 : vector<16xf32> to vector<32xbf16>
      %add3A_1214 = arith.addf %add3A_1206, %bitcast3A_1213 : vector<32xbf16>
      %get3A_1215 = arith.constant 1 : i32
      %get3A_1216 = arith.constant 39 : i32
      %get3A_1217 = arith.index_cast %get3A_1215 : i32 to index
      %get3A_1218 = arith.index_cast %get3A_1216 : i32 to index
      %get3A_1219 = arith.constant 0 : index
      %get3A_1220 = tpu.vector_load %arg6[%get3A_1217, %get3A_1218, %get3A_1219] {strides = array<i32>} : memref<4x50x32xf32, #tpu.memory_space<vmem>>, vector<16xf32>,
      %bitcast3A_1221 = vector.bitcast %get3A_1220 : vector<16xf32> to vector<32xbf16>
      %add3A_1222 = arith.addf %add3A_1214, %bitcast3A_1221 : vector<32xbf16>
      %get3A_1223 = arith.constant 1 : i32
      %get3A_1224 = arith.constant 40 : i32
      %get3A_1225 = arith.index_cast %get3A_1223 : i32 to index
      %get3A_1226 = arith.index_cast %get3A_1224 : i32 to index
      %get3A_1227 = arith.constant 0 : index
      %get3A_1228 = tpu.vector_load %arg6[%get3A_1225, %get3A_1226, %get3A_1227] {strides = array<i32>} : memref<4x50x32xf32, #tpu.memory_space<vmem>>, vector<16xf32>,
      %bitcast3A_1229 = vector.bitcast %get3A_1228 : vector<16xf32> to vector<32xbf16>
      %add3A_1230 = arith.addf %add3A_1222, %bitcast3A_1229 : vector<32xbf16>
      %get3A_1231 = arith.constant 1 : i32
      %get3A_1232 = arith.constant 41 : i32
      %get3A_1233 = arith.index_cast %get3A_1231 : i32 to index
      %get3A_1234 = arith.index_cast %get3A_1232 : i32 to index
      %get3A_1235 = arith.constant 0 : index
      %get3A_1236 = tpu.vector_load %arg6[%get3A_1233, %get3A_1234, %get3A_1235] {strides = array<i32>} : memref<4x50x32xf32, #tpu.memory_space<vmem>>, vector<16xf32>,
      %bitcast3A_1237 = vector.bitcast %get3A_1236 : vector<16xf32> to vector<32xbf16>
      %add3A_1238 = arith.addf %add3A_1230, %bitcast3A_1237 : vector<32xbf16>
      %get3A_1239 = arith.constant 1 : i32
      %get3A_1240 = arith.constant 42 : i32
      %get3A_1241 = arith.index_cast %get3A_1239 : i32 to index
      %get3A_1242 = arith.index_cast %get3A_1240 : i32 to index
      %get3A_1243 = arith.constant 0 : index
      %get3A_1244 = tpu.vector_load %arg6[%get3A_1241, %get3A_1242, %get3A_1243] {strides = array<i32>} : memref<4x50x32xf32, #tpu.memory_space<vmem>>, vector<16xf32>,
      %bitcast3A_1245 = vector.bitcast %get3A_1244 : vector<16xf32> to vector<32xbf16>
      %add3A_1246 = arith.addf %add3A_1238, %bitcast3A_1245 : vector<32xbf16>
      %get3A_1247 = arith.constant 1 : i32
      %get3A_1248 = arith.constant 43 : i32
      %get3A_1249 = arith.index_cast %get3A_1247 : i32 to index
      %get3A_1250 = arith.index_cast %get3A_1248 : i32 to index
      %get3A_1251 = arith.constant 0 : index
      %get3A_1252 = tpu.vector_load %arg6[%get3A_1249, %get3A_1250, %get3A_1251] {strides = array<i32>} : memref<4x50x32xf32, #tpu.memory_space<vmem>>, vector<16xf32>,
      %bitcast3A_1253 = vector.bitcast %get3A_1252 : vector<16xf32> to vector<32xbf16>
      %add3A_1254 = arith.addf %add3A_1246, %bitcast3A_1253 : vector<32xbf16>
      %get3A_1255 = arith.constant 1 : i32
      %get3A_1256 = arith.constant 44 : i32
      %get3A_1257 = arith.index_cast %get3A_1255 : i32 to index
      %get3A_1258 = arith.index_cast %get3A_1256 : i32 to index
      %get3A_1259 = arith.constant 0 : index
      %get3A_1260 = tpu.vector_load %arg6[%get3A_1257, %get3A_1258, %get3A_1259] {strides = array<i32>} : memref<4x50x32xf32, #tpu.memory_space<vmem>>, vector<16xf32>,
      %bitcast3A_1261 = vector.bitcast %get3A_1260 : vector<16xf32> to vector<32xbf16>
      %add3A_1262 = arith.addf %add3A_1254, %bitcast3A_1261 : vector<32xbf16>
      %get3A_1263 = arith.constant 1 : i32
      %get3A_1264 = arith.constant 45 : i32
      %get3A_1265 = arith.index_cast %get3A_1263 : i32 to index
      %get3A_1266 = arith.index_cast %get3A_1264 : i32 to index
      %get3A_1267 = arith.constant 0 : index
      %get3A_1268 = tpu.vector_load %arg6[%get3A_1265, %get3A_1266, %get3A_1267] {strides = array<i32>} : memref<4x50x32xf32, #tpu.memory_space<vmem>>, vector<16xf32>,
      %bitcast3A_1269 = vector.bitcast %get3A_1268 : vector<16xf32> to vector<32xbf16>
      %add3A_1270 = arith.addf %add3A_1262, %bitcast3A_1269 : vector<32xbf16>
      %get3A_1271 = arith.constant 1 : i32
      %get3A_1272 = arith.constant 46 : i32
      %get3A_1273 = arith.index_cast %get3A_1271 : i32 to index
      %get3A_1274 = arith.index_cast %get3A_1272 : i32 to index
      %get3A_1275 = arith.constant 0 : index
      %get3A_1276 = tpu.vector_load %arg6[%get3A_1273, %get3A_1274, %get3A_1275] {strides = array<i32>} : memref<4x50x32xf32, #tpu.memory_space<vmem>>, vector<16xf32>,
      %bitcast3A_1277 = vector.bitcast %get3A_1276 : vector<16xf32> to vector<32xbf16>
      %add3A_1278 = arith.addf %add3A_1270, %bitcast3A_1277 : vector<32xbf16>
      %get3A_1279 = arith.constant 1 : i32
      %get3A_1280 = arith.constant 47 : i32
      %get3A_1281 = arith.index_cast %get3A_1279 : i32 to index
      %get3A_1282 = arith.index_cast %get3A_1280 : i32 to index
      %get3A_1283 = arith.constant 0 : index
      %get3A_1284 = tpu.vector_load %arg6[%get3A_1281, %get3A_1282, %get3A_1283] {strides = array<i32>} : memref<4x50x32xf32, #tpu.memory_space<vmem>>, vector<16xf32>,
      %bitcast3A_1285 = vector.bitcast %get3A_1284 : vector<16xf32> to vector<32xbf16>
      %add3A_1286 = arith.addf %add3A_1278, %bitcast3A_1285 : vector<32xbf16>
      %get3A_1287 = arith.constant 1 : i32
      %get3A_1288 = arith.constant 48 : i32
      %get3A_1289 = arith.index_cast %get3A_1287 : i32 to index
      %get3A_1290 = arith.index_cast %get3A_1288 : i32 to index
      %get3A_1291 = arith.constant 0 : index
      %get3A_1292 = tpu.vector_load %arg6[%get3A_1289, %get3A_1290, %get3A_1291] {strides = array<i32>} : memref<4x50x32xf32, #tpu.memory_space<vmem>>, vector<16xf32>,
      %bitcast3A_1293 = vector.bitcast %get3A_1292 : vector<16xf32> to vector<32xbf16>
      %add3A_1294 = arith.addf %add3A_1286, %bitcast3A_1293 : vector<32xbf16>
      %get3A_1295 = arith.constant 1 : i32
      %get3A_1296 = arith.constant 49 : i32
      %get3A_1297 = arith.index_cast %get3A_1295 : i32 to index
      %get3A_1298 = arith.index_cast %get3A_1296 : i32 to index
      %get3A_1299 = arith.constant 0 : index
      %get3A_1300 = tpu.vector_load %arg6[%get3A_1297, %get3A_1298, %get3A_1299] {strides = array<i32>} : memref<4x50x32xf32, #tpu.memory_space<vmem>>, vector<16xf32>,
      %bitcast3A_1301 = vector.bitcast %get3A_1300 : vector<16xf32> to vector<32xbf16>
      %add3A_1302 = arith.addf %add3A_1294, %bitcast3A_1301 : vector<32xbf16>
      %unpack3A_1303 = tpu.unpack_subelements %add3A_1302, 0 {pack_format = #tpu.pack_format<interleaved>} : vector<32xbf16> -> vector<16xf32>
      %unpack3A_1304 = tpu.unpack_subelements %add3A_1302, 1 {pack_format = #tpu.pack_format<interleaved>} : vector<32xbf16> -> vector<16xf32>
      %mul3A_1305 = arith.constant 2.000000e-02 : f32
      %mul3A_1306 = vector.broadcast %mul3A_1305 : f32 to vector<16xf32>
      %mul3A_1307 = arith.mulf %unpack3A_1303, %mul3A_1306 : vector<16xf32>
      %swap3A_1308 = arith.index_cast %add3A_885 : i32 to index
      %swap3A_1309 = arith.constant 0 : index
      %swap3A_1310 = tpu.vector_load %arg7[%swap3A_1308, %swap3A_1309] {strides = array<i32>} : memref<512x64xf32, #tpu.memory_space<vmem>>, vector<16xf32>,
      tpu.vector_store %arg7[%swap3A_1308, %swap3A_1309], %mul3A_1307 {strides = array<i32>} : memref<512x64xf32, #tpu.memory_space<vmem>>, vector<16xf32>,
      %mul3A_1311 = arith.constant 2.000000e-02 : f32
      %mul3A_1312 = vector.broadcast %mul3A_1311 : f32 to vector<16xf32>
      %mul3A_1313 = arith.mulf %unpack3A_1304, %mul3A_1312 : vector<16xf32>
      %swap3A_1314 = arith.index_cast %add3A_885 : i32 to index
      %swap3A_1315 = arith.constant 16 : index
      %swap3A_1316 = tpu.vector_load %arg7[%swap3A_1314, %swap3A_1315] {strides = array<i32>} : memref<512x64xf32, #tpu.memory_space<vmem>>, vector<16xf32>,
      tpu.vector_store %arg7[%swap3A_1314, %swap3A_1315], %mul3A_1313 {strides = array<i32>} : memref<512x64xf32, #tpu.memory_space<vmem>>, vector<16xf32>,
      %get3A_1317 = arith.constant 1 : i32
      %get3A_1318 = arith.constant 0 : i32
      %get3A_1319 = arith.index_cast %get3A_1317 : i32 to index
      %get3A_1320 = arith.index_cast %get3A_1318 : i32 to index
      %get3A_1321 = arith.constant 16 : index
      %get3A_1322 = tpu.vector_load %arg6[%get3A_1319, %get3A_1320, %get3A_1321] {strides = array<i32>} : memref<4x50x32xf32, #tpu.memory_space<vmem>>, vector<16xf32>,
      %bitcast3A_1323 = vector.bitcast %get3A_1322 : vector<16xf32> to vector<32xbf16>
      %get3A_1324 = arith.constant 1 : i32
      %get3A_1325 = arith.constant 1 : i32
      %get3A_1326 = arith.index_cast %get3A_1324 : i32 to index
      %get3A_1327 = arith.index_cast %get3A_1325 : i32 to index
      %get3A_1328 = arith.constant 16 : index
      %get3A_1329 = tpu.vector_load %arg6[%get3A_1326, %get3A_1327, %get3A_1328] {strides = array<i32>} : memref<4x50x32xf32, #tpu.memory_space<vmem>>, vector<16xf32>,
      %bitcast3A_1330 = vector.bitcast %get3A_1329 : vector<16xf32> to vector<32xbf16>
      %add3A_1331 = arith.addf %bitcast3A_1323, %bitcast3A_1330 : vector<32xbf16>
      %get3A_1332 = arith.constant 1 : i32
      %get3A_1333 = arith.constant 2 : i32
      %get3A_1334 = arith.index_cast %get3A_1332 : i32 to index
      %get3A_1335 = arith.index_cast %get3A_1333 : i32 to index
      %get3A_1336 = arith.constant 16 : index
      %get3A_1337 = tpu.vector_load %arg6[%get3A_1334, %get3A_1335, %get3A_1336] {strides = array<i32>} : memref<4x50x32xf32, #tpu.memory_space<vmem>>, vector<16xf32>,
      %bitcast3A_1338 = vector.bitcast %get3A_1337 : vector<16xf32> to vector<32xbf16>
      %add3A_1339 = arith.addf %add3A_1331, %bitcast3A_1338 : vector<32xbf16>
      %get3A_1340 = arith.constant 1 : i32
      %get3A_1341 = arith.constant 3 : i32
      %get3A_1342 = arith.index_cast %get3A_1340 : i32 to index
      %get3A_1343 = arith.index_cast %get3A_1341 : i32 to index
      %get3A_1344 = arith.constant 16 : index
      %get3A_1345 = tpu.vector_load %arg6[%get3A_1342, %get3A_1343, %get3A_1344] {strides = array<i32>} : memref<4x50x32xf32, #tpu.memory_space<vmem>>, vector<16xf32>,
      %bitcast3A_1346 = vector.bitcast %get3A_1345 : vector<16xf32> to vector<32xbf16>
      %add3A_1347 = arith.addf %add3A_1339, %bitcast3A_1346 : vector<32xbf16>
      %get3A_1348 = arith.constant 1 : i32
      %get3A_1349 = arith.constant 4 : i32
      %get3A_1350 = arith.index_cast %get3A_1348 : i32 to index
      %get3A_1351 = arith.index_cast %get3A_1349 : i32 to index
      %get3A_1352 = arith.constant 16 : index
      %get3A_1353 = tpu.vector_load %arg6[%get3A_1350, %get3A_1351, %get3A_1352] {strides = array<i32>} : memref<4x50x32xf32, #tpu.memory_space<vmem>>, vector<16xf32>,
      %bitcast3A_1354 = vector.bitcast %get3A_1353 : vector<16xf32> to vector<32xbf16>
      %add3A_1355 = arith.addf %add3A_1347, %bitcast3A_1354 : vector<32xbf16>
      %get3A_1356 = arith.constant 1 : i32
      %get3A_1357 = arith.constant 5 : i32
      %get3A_1358 = arith.index_cast %get3A_1356 : i32 to index
      %get3A_1359 = arith.index_cast %get3A_1357 : i32 to index
      %get3A_1360 = arith.constant 16 : index
      %get3A_1361 = tpu.vector_load %arg6[%get3A_1358, %get3A_1359, %get3A_1360] {strides = array<i32>} : memref<4x50x32xf32, #tpu.memory_space<vmem>>, vector<16xf32>,
      %bitcast3A_1362 = vector.bitcast %get3A_1361 : vector<16xf32> to vector<32xbf16>
      %add3A_1363 = arith.addf %add3A_1355, %bitcast3A_1362 : vector<32xbf16>
      %get3A_1364 = arith.constant 1 : i32
      %get3A_1365 = arith.constant 6 : i32
      %get3A_1366 = arith.index_cast %get3A_1364 : i32 to index
      %get3A_1367 = arith.index_cast %get3A_1365 : i32 to index
      %get3A_1368 = arith.constant 16 : index
      %get3A_1369 = tpu.vector_load %arg6[%get3A_1366, %get3A_1367, %get3A_1368] {strides = array<i32>} : memref<4x50x32xf32, #tpu.memory_space<vmem>>, vector<16xf32>,
      %bitcast3A_1370 = vector.bitcast %get3A_1369 : vector<16xf32> to vector<32xbf16>
      %add3A_1371 = arith.addf %add3A_1363, %bitcast3A_1370 : vector<32xbf16>
      %get3A_1372 = arith.constant 1 : i32
      %get3A_1373 = arith.constant 7 : i32
      %get3A_1374 = arith.index_cast %get3A_1372 : i32 to index
      %get3A_1375 = arith.index_cast %get3A_1373 : i32 to index
      %get3A_1376 = arith.constant 16 : index
      %get3A_1377 = tpu.vector_load %arg6[%get3A_1374, %get3A_1375, %get3A_1376] {strides = array<i32>} : memref<4x50x32xf32, #tpu.memory_space<vmem>>, vector<16xf32>,
      %bitcast3A_1378 = vector.bitcast %get3A_1377 : vector<16xf32> to vector<32xbf16>
      %add3A_1379 = arith.addf %add3A_1371, %bitcast3A_1378 : vector<32xbf16>
      %get3A_1380 = arith.constant 1 : i32
      %get3A_1381 = arith.constant 8 : i32
      %get3A_1382 = arith.index_cast %get3A_1380 : i32 to index
      %get3A_1383 = arith.index_cast %get3A_1381 : i32 to index
      %get3A_1384 = arith.constant 16 : index
      %get3A_1385 = tpu.vector_load %arg6[%get3A_1382, %get3A_1383, %get3A_1384] {strides = array<i32>} : memref<4x50x32xf32, #tpu.memory_space<vmem>>, vector<16xf32>,
      %bitcast3A_1386 = vector.bitcast %get3A_1385 : vector<16xf32> to vector<32xbf16>
      %add3A_1387 = arith.addf %add3A_1379, %bitcast3A_1386 : vector<32xbf16>
      %get3A_1388 = arith.constant 1 : i32
      %get3A_1389 = arith.constant 9 : i32
      %get3A_1390 = arith.index_cast %get3A_1388 : i32 to index
      %get3A_1391 = arith.index_cast %get3A_1389 : i32 to index
      %get3A_1392 = arith.constant 16 : index
      %get3A_1393 = tpu.vector_load %arg6[%get3A_1390, %get3A_1391, %get3A_1392] {strides = array<i32>} : memref<4x50x32xf32, #tpu.memory_space<vmem>>, vector<16xf32>,
      %bitcast3A_1394 = vector.bitcast %get3A_1393 : vector<16xf32> to vector<32xbf16>
      %add3A_1395 = arith.addf %add3A_1387, %bitcast3A_1394 : vector<32xbf16>
      %get3A_1396 = arith.constant 1 : i32
      %get3A_1397 = arith.constant 10 : i32
      %get3A_1398 = arith.index_cast %get3A_1396 : i32 to index
      %get3A_1399 = arith.index_cast %get3A_1397 : i32 to index
      %get3A_1400 = arith.constant 16 : index
      %get3A_1401 = tpu.vector_load %arg6[%get3A_1398, %get3A_1399, %get3A_1400] {strides = array<i32>} : memref<4x50x32xf32, #tpu.memory_space<vmem>>, vector<16xf32>,
      %bitcast3A_1402 = vector.bitcast %get3A_1401 : vector<16xf32> to vector<32xbf16>
      %add3A_1403 = arith.addf %add3A_1395, %bitcast3A_1402 : vector<32xbf16>
      %get3A_1404 = arith.constant 1 : i32
      %get3A_1405 = arith.constant 11 : i32
      %get3A_1406 = arith.index_cast %get3A_1404 : i32 to index
      %get3A_1407 = arith.index_cast %get3A_1405 : i32 to index
      %get3A_1408 = arith.constant 16 : index
      %get3A_1409 = tpu.vector_load %arg6[%get3A_1406, %get3A_1407, %get3A_1408] {strides = array<i32>} : memref<4x50x32xf32, #tpu.memory_space<vmem>>, vector<16xf32>,
      %bitcast3A_1410 = vector.bitcast %get3A_1409 : vector<16xf32> to vector<32xbf16>
      %add3A_1411 = arith.addf %add3A_1403, %bitcast3A_1410 : vector<32xbf16>
      %get3A_1412 = arith.constant 1 : i32
      %get3A_1413 = arith.constant 12 : i32
      %get3A_1414 = arith.index_cast %get3A_1412 : i32 to index
      %get3A_1415 = arith.index_cast %get3A_1413 : i32 to index
      %get3A_1416 = arith.constant 16 : index
      %get3A_1417 = tpu.vector_load %arg6[%get3A_1414, %get3A_1415, %get3A_1416] {strides = array<i32>} : memref<4x50x32xf32, #tpu.memory_space<vmem>>, vector<16xf32>,
      %bitcast3A_1418 = vector.bitcast %get3A_1417 : vector<16xf32> to vector<32xbf16>
      %add3A_1419 = arith.addf %add3A_1411, %bitcast3A_1418 : vector<32xbf16>
      %get3A_1420 = arith.constant 1 : i32
      %get3A_1421 = arith.constant 13 : i32
      %get3A_1422 = arith.index_cast %get3A_1420 : i32 to index
      %get3A_1423 = arith.index_cast %get3A_1421 : i32 to index
      %get3A_1424 = arith.constant 16 : index
      %get3A_1425 = tpu.vector_load %arg6[%get3A_1422, %get3A_1423, %get3A_1424] {strides = array<i32>} : memref<4x50x32xf32, #tpu.memory_space<vmem>>, vector<16xf32>,
      %bitcast3A_1426 = vector.bitcast %get3A_1425 : vector<16xf32> to vector<32xbf16>
      %add3A_1427 = arith.addf %add3A_1419, %bitcast3A_1426 : vector<32xbf16>
      %get3A_1428 = arith.constant 1 : i32
      %get3A_1429 = arith.constant 14 : i32
      %get3A_1430 = arith.index_cast %get3A_1428 : i32 to index
      %get3A_1431 = arith.index_cast %get3A_1429 : i32 to index
      %get3A_1432 = arith.constant 16 : index
      %get3A_1433 = tpu.vector_load %arg6[%get3A_1430, %get3A_1431, %get3A_1432] {strides = array<i32>} : memref<4x50x32xf32, #tpu.memory_space<vmem>>, vector<16xf32>,
      %bitcast3A_1434 = vector.bitcast %get3A_1433 : vector<16xf32> to vector<32xbf16>
      %add3A_1435 = arith.addf %add3A_1427, %bitcast3A_1434 : vector<32xbf16>
      %get3A_1436 = arith.constant 1 : i32
      %get3A_1437 = arith.constant 15 : i32
      %get3A_1438 = arith.index_cast %get3A_1436 : i32 to index
      %get3A_1439 = arith.index_cast %get3A_1437 : i32 to index
      %get3A_1440 = arith.constant 16 : index
      %get3A_1441 = tpu.vector_load %arg6[%get3A_1438, %get3A_1439, %get3A_1440] {strides = array<i32>} : memref<4x50x32xf32, #tpu.memory_space<vmem>>, vector<16xf32>,
      %bitcast3A_1442 = vector.bitcast %get3A_1441 : vector<16xf32> to vector<32xbf16>
      %add3A_1443 = arith.addf %add3A_1435, %bitcast3A_1442 : vector<32xbf16>
      %get3A_1444 = arith.constant 1 : i32
      %get3A_1445 = arith.constant 16 : i32
      %get3A_1446 = arith.index_cast %get3A_1444 : i32 to index
      %get3A_1447 = arith.index_cast %get3A_1445 : i32 to index
      %get3A_1448 = arith.constant 16 : index
      %get3A_1449 = tpu.vector_load %arg6[%get3A_1446, %get3A_1447, %get3A_1448] {strides = array<i32>} : memref<4x50x32xf32, #tpu.memory_space<vmem>>, vector<16xf32>,
      %bitcast3A_1450 = vector.bitcast %get3A_1449 : vector<16xf32> to vector<32xbf16>
      %add3A_1451 = arith.addf %add3A_1443, %bitcast3A_1450 : vector<32xbf16>
      %get3A_1452 = arith.constant 1 : i32
      %get3A_1453 = arith.constant 17 : i32
      %get3A_1454 = arith.index_cast %get3A_1452 : i32 to index
      %get3A_1455 = arith.index_cast %get3A_1453 : i32 to index
      %get3A_1456 = arith.constant 16 : index
      %get3A_1457 = tpu.vector_load %arg6[%get3A_1454, %get3A_1455, %get3A_1456] {strides = array<i32>} : memref<4x50x32xf32, #tpu.memory_space<vmem>>, vector<16xf32>,
      %bitcast3A_1458 = vector.bitcast %get3A_1457 : vector<16xf32> to vector<32xbf16>
      %add3A_1459 = arith.addf %add3A_1451, %bitcast3A_1458 : vector<32xbf16>
      %get3A_1460 = arith.constant 1 : i32
      %get3A_1461 = arith.constant 18 : i32
      %get3A_1462 = arith.index_cast %get3A_1460 : i32 to index
      %get3A_1463 = arith.index_cast %get3A_1461 : i32 to index
      %get3A_1464 = arith.constant 16 : index
      %get3A_1465 = tpu.vector_load %arg6[%get3A_1462, %get3A_1463, %get3A_1464] {strides = array<i32>} : memref<4x50x32xf32, #tpu.memory_space<vmem>>, vector<16xf32>,
      %bitcast3A_1466 = vector.bitcast %get3A_1465 : vector<16xf32> to vector<32xbf16>
      %add3A_1467 = arith.addf %add3A_1459, %bitcast3A_1466 : vector<32xbf16>
      %get3A_1468 = arith.constant 1 : i32
      %get3A_1469 = arith.constant 19 : i32
      %get3A_1470 = arith.index_cast %get3A_1468 : i32 to index
      %get3A_1471 = arith.index_cast %get3A_1469 : i32 to index
      %get3A_1472 = arith.constant 16 : index
      %get3A_1473 = tpu.vector_load %arg6[%get3A_1470, %get3A_1471, %get3A_1472] {strides = array<i32>} : memref<4x50x32xf32, #tpu.memory_space<vmem>>, vector<16xf32>,
      %bitcast3A_1474 = vector.bitcast %get3A_1473 : vector<16xf32> to vector<32xbf16>
      %add3A_1475 = arith.addf %add3A_1467, %bitcast3A_1474 : vector<32xbf16>
      %get3A_1476 = arith.constant 1 : i32
      %get3A_1477 = arith.constant 20 : i32
      %get3A_1478 = arith.index_cast %get3A_1476 : i32 to index
      %get3A_1479 = arith.index_cast %get3A_1477 : i32 to index
      %get3A_1480 = arith.constant 16 : index
      %get3A_1481 = tpu.vector_load %arg6[%get3A_1478, %get3A_1479, %get3A_1480] {strides = array<i32>} : memref<4x50x32xf32, #tpu.memory_space<vmem>>, vector<16xf32>,
      %bitcast3A_1482 = vector.bitcast %get3A_1481 : vector<16xf32> to vector<32xbf16>
      %add3A_1483 = arith.addf %add3A_1475, %bitcast3A_1482 : vector<32xbf16>
      %get3A_1484 = arith.constant 1 : i32
      %get3A_1485 = arith.constant 21 : i32
      %get3A_1486 = arith.index_cast %get3A_1484 : i32 to index
      %get3A_1487 = arith.index_cast %get3A_1485 : i32 to index
      %get3A_1488 = arith.constant 16 : index
      %get3A_1489 = tpu.vector_load %arg6[%get3A_1486, %get3A_1487, %get3A_1488] {strides = array<i32>} : memref<4x50x32xf32, #tpu.memory_space<vmem>>, vector<16xf32>,
      %bitcast3A_1490 = vector.bitcast %get3A_1489 : vector<16xf32> to vector<32xbf16>
      %add3A_1491 = arith.addf %add3A_1483, %bitcast3A_1490 : vector<32xbf16>
      %get3A_1492 = arith.constant 1 : i32
      %get3A_1493 = arith.constant 22 : i32
      %get3A_1494 = arith.index_cast %get3A_1492 : i32 to index
      %get3A_1495 = arith.index_cast %get3A_1493 : i32 to index
      %get3A_1496 = arith.constant 16 : index
      %get3A_1497 = tpu.vector_load %arg6[%get3A_1494, %get3A_1495, %get3A_1496] {strides = array<i32>} : memref<4x50x32xf32, #tpu.memory_space<vmem>>, vector<16xf32>,
      %bitcast3A_1498 = vector.bitcast %get3A_1497 : vector<16xf32> to vector<32xbf16>
      %add3A_1499 = arith.addf %add3A_1491, %bitcast3A_1498 : vector<32xbf16>
      %get3A_1500 = arith.constant 1 : i32
      %get3A_1501 = arith.constant 23 : i32
      %get3A_1502 = arith.index_cast %get3A_1500 : i32 to index
      %get3A_1503 = arith.index_cast %get3A_1501 : i32 to index
      %get3A_1504 = arith.constant 16 : index
      %get3A_1505 = tpu.vector_load %arg6[%get3A_1502, %get3A_1503, %get3A_1504] {strides = array<i32>} : memref<4x50x32xf32, #tpu.memory_space<vmem>>, vector<16xf32>,
      %bitcast3A_1506 = vector.bitcast %get3A_1505 : vector<16xf32> to vector<32xbf16>
      %add3A_1507 = arith.addf %add3A_1499, %bitcast3A_1506 : vector<32xbf16>
      %get3A_1508 = arith.constant 1 : i32
      %get3A_1509 = arith.constant 24 : i32
      %get3A_1510 = arith.index_cast %get3A_1508 : i32 to index
      %get3A_1511 = arith.index_cast %get3A_1509 : i32 to index
      %get3A_1512 = arith.constant 16 : index
      %get3A_1513 = tpu.vector_load %arg6[%get3A_1510, %get3A_1511, %get3A_1512] {strides = array<i32>} : memref<4x50x32xf32, #tpu.memory_space<vmem>>, vector<16xf32>,
      %bitcast3A_1514 = vector.bitcast %get3A_1513 : vector<16xf32> to vector<32xbf16>
      %add3A_1515 = arith.addf %add3A_1507, %bitcast3A_1514 : vector<32xbf16>
      %get3A_1516 = arith.constant 1 : i32
      %get3A_1517 = arith.constant 25 : i32
      %get3A_1518 = arith.index_cast %get3A_1516 : i32 to index
      %get3A_1519 = arith.index_cast %get3A_1517 : i32 to index
      %get3A_1520 = arith.constant 16 : index
      %get3A_1521 = tpu.vector_load %arg6[%get3A_1518, %get3A_1519, %get3A_1520] {strides = array<i32>} : memref<4x50x32xf32, #tpu.memory_space<vmem>>, vector<16xf32>,
      %bitcast3A_1522 = vector.bitcast %get3A_1521 : vector<16xf32> to vector<32xbf16>
      %add3A_1523 = arith.addf %add3A_1515, %bitcast3A_1522 : vector<32xbf16>
      %get3A_1524 = arith.constant 1 : i32
      %get3A_1525 = arith.constant 26 : i32
      %get3A_1526 = arith.index_cast %get3A_1524 : i32 to index
      %get3A_1527 = arith.index_cast %get3A_1525 : i32 to index
      %get3A_1528 = arith.constant 16 : index
      %get3A_1529 = tpu.vector_load %arg6[%get3A_1526, %get3A_1527, %get3A_1528] {strides = array<i32>} : memref<4x50x32xf32, #tpu.memory_space<vmem>>, vector<16xf32>,
      %bitcast3A_1530 = vector.bitcast %get3A_1529 : vector<16xf32> to vector<32xbf16>
      %add3A_1531 = arith.addf %add3A_1523, %bitcast3A_1530 : vector<32xbf16>
      %get3A_1532 = arith.constant 1 : i32
      %get3A_1533 = arith.constant 27 : i32
      %get3A_1534 = arith.index_cast %get3A_1532 : i32 to index
      %get3A_1535 = arith.index_cast %get3A_1533 : i32 to index
      %get3A_1536 = arith.constant 16 : index
      %get3A_1537 = tpu.vector_load %arg6[%get3A_1534, %get3A_1535, %get3A_1536] {strides = array<i32>} : memref<4x50x32xf32, #tpu.memory_space<vmem>>, vector<16xf32>,
      %bitcast3A_1538 = vector.bitcast %get3A_1537 : vector<16xf32> to vector<32xbf16>
      %add3A_1539 = arith.addf %add3A_1531, %bitcast3A_1538 : vector<32xbf16>
      %get3A_1540 = arith.constant 1 : i32
      %get3A_1541 = arith.constant 28 : i32
      %get3A_1542 = arith.index_cast %get3A_1540 : i32 to index
      %get3A_1543 = arith.index_cast %get3A_1541 : i32 to index
      %get3A_1544 = arith.constant 16 : index
      %get3A_1545 = tpu.vector_load %arg6[%get3A_1542, %get3A_1543, %get3A_1544] {strides = array<i32>} : memref<4x50x32xf32, #tpu.memory_space<vmem>>, vector<16xf32>,
      %bitcast3A_1546 = vector.bitcast %get3A_1545 : vector<16xf32> to vector<32xbf16>
      %add3A_1547 = arith.addf %add3A_1539, %bitcast3A_1546 : vector<32xbf16>
      %get3A_1548 = arith.constant 1 : i32
      %get3A_1549 = arith.constant 29 : i32
      %get3A_1550 = arith.index_cast %get3A_1548 : i32 to index
      %get3A_1551 = arith.index_cast %get3A_1549 : i32 to index
      %get3A_1552 = arith.constant 16 : index
      %get3A_1553 = tpu.vector_load %arg6[%get3A_1550, %get3A_1551, %get3A_1552] {strides = array<i32>} : memref<4x50x32xf32, #tpu.memory_space<vmem>>, vector<16xf32>,
      %bitcast3A_1554 = vector.bitcast %get3A_1553 : vector<16xf32> to vector<32xbf16>
      %add3A_1555 = arith.addf %add3A_1547, %bitcast3A_1554 : vector<32xbf16>
      %get3A_1556 = arith.constant 1 : i32
      %get3A_1557 = arith.constant 30 : i32
      %get3A_1558 = arith.index_cast %get3A_1556 : i32 to index
      %get3A_1559 = arith.index_cast %get3A_1557 : i32 to index
      %get3A_1560 = arith.constant 16 : index
      %get3A_1561 = tpu.vector_load %arg6[%get3A_1558, %get3A_1559, %get3A_1560] {strides = array<i32>} : memref<4x50x32xf32, #tpu.memory_space<vmem>>, vector<16xf32>,
      %bitcast3A_1562 = vector.bitcast %get3A_1561 : vector<16xf32> to vector<32xbf16>
      %add3A_1563 = arith.addf %add3A_1555, %bitcast3A_1562 : vector<32xbf16>
      %get3A_1564 = arith.constant 1 : i32
      %get3A_1565 = arith.constant 31 : i32
      %get3A_1566 = arith.index_cast %get3A_1564 : i32 to index
      %get3A_1567 = arith.index_cast %get3A_1565 : i32 to index
      %get3A_1568 = arith.constant 16 : index
      %get3A_1569 = tpu.vector_load %arg6[%get3A_1566, %get3A_1567, %get3A_1568] {strides = array<i32>} : memref<4x50x32xf32, #tpu.memory_space<vmem>>, vector<16xf32>,
      %bitcast3A_1570 = vector.bitcast %get3A_1569 : vector<16xf32> to vector<32xbf16>
      %add3A_1571 = arith.addf %add3A_1563, %bitcast3A_1570 : vector<32xbf16>
      %get3A_1572 = arith.constant 1 : i32
      %get3A_1573 = arith.constant 32 : i32
      %get3A_1574 = arith.index_cast %get3A_1572 : i32 to index
      %get3A_1575 = arith.index_cast %get3A_1573 : i32 to index
      %get3A_1576 = arith.constant 16 : index
      %get3A_1577 = tpu.vector_load %arg6[%get3A_1574, %get3A_1575, %get3A_1576] {strides = array<i32>} : memref<4x50x32xf32, #tpu.memory_space<vmem>>, vector<16xf32>,
      %bitcast3A_1578 = vector.bitcast %get3A_1577 : vector<16xf32> to vector<32xbf16>
      %add3A_1579 = arith.addf %add3A_1571, %bitcast3A_1578 : vector<32xbf16>
      %get3A_1580 = arith.constant 1 : i32
      %get3A_1581 = arith.constant 33 : i32
      %get3A_1582 = arith.index_cast %get3A_1580 : i32 to index
      %get3A_1583 = arith.index_cast %get3A_1581 : i32 to index
      %get3A_1584 = arith.constant 16 : index
      %get3A_1585 = tpu.vector_load %arg6[%get3A_1582, %get3A_1583, %get3A_1584] {strides = array<i32>} : memref<4x50x32xf32, #tpu.memory_space<vmem>>, vector<16xf32>,
      %bitcast3A_1586 = vector.bitcast %get3A_1585 : vector<16xf32> to vector<32xbf16>
      %add3A_1587 = arith.addf %add3A_1579, %bitcast3A_1586 : vector<32xbf16>
      %get3A_1588 = arith.constant 1 : i32
      %get3A_1589 = arith.constant 34 : i32
      %get3A_1590 = arith.index_cast %get3A_1588 : i32 to index
      %get3A_1591 = arith.index_cast %get3A_1589 : i32 to index
      %get3A_1592 = arith.constant 16 : index
      %get3A_1593 = tpu.vector_load %arg6[%get3A_1590, %get3A_1591, %get3A_1592] {strides = array<i32>} : memref<4x50x32xf32, #tpu.memory_space<vmem>>, vector<16xf32>,
      %bitcast3A_1594 = vector.bitcast %get3A_1593 : vector<16xf32> to vector<32xbf16>
      %add3A_1595 = arith.addf %add3A_1587, %bitcast3A_1594 : vector<32xbf16>
      %get3A_1596 = arith.constant 1 : i32
      %get3A_1597 = arith.constant 35 : i32
      %get3A_1598 = arith.index_cast %get3A_1596 : i32 to index
      %get3A_1599 = arith.index_cast %get3A_1597 : i32 to index
      %get3A_1600 = arith.constant 16 : index
      %get3A_1601 = tpu.vector_load %arg6[%get3A_1598, %get3A_1599, %get3A_1600] {strides = array<i32>} : memref<4x50x32xf32, #tpu.memory_space<vmem>>, vector<16xf32>,
      %bitcast3A_1602 = vector.bitcast %get3A_1601 : vector<16xf32> to vector<32xbf16>
      %add3A_1603 = arith.addf %add3A_1595, %bitcast3A_1602 : vector<32xbf16>
      %get3A_1604 = arith.constant 1 : i32
      %get3A_1605 = arith.constant 36 : i32
      %get3A_1606 = arith.index_cast %get3A_1604 : i32 to index
      %get3A_1607 = arith.index_cast %get3A_1605 : i32 to index
      %get3A_1608 = arith.constant 16 : index
      %get3A_1609 = tpu.vector_load %arg6[%get3A_1606, %get3A_1607, %get3A_1608] {strides = array<i32>} : memref<4x50x32xf32, #tpu.memory_space<vmem>>, vector<16xf32>,
      %bitcast3A_1610 = vector.bitcast %get3A_1609 : vector<16xf32> to vector<32xbf16>
      %add3A_1611 = arith.addf %add3A_1603, %bitcast3A_1610 : vector<32xbf16>
      %get3A_1612 = arith.constant 1 : i32
      %get3A_1613 = arith.constant 37 : i32
      %get3A_1614 = arith.index_cast %get3A_1612 : i32 to index
      %get3A_1615 = arith.index_cast %get3A_1613 : i32 to index
      %get3A_1616 = arith.constant 16 : index
      %get3A_1617 = tpu.vector_load %arg6[%get3A_1614, %get3A_1615, %get3A_1616] {strides = array<i32>} : memref<4x50x32xf32, #tpu.memory_space<vmem>>, vector<16xf32>,
      %bitcast3A_1618 = vector.bitcast %get3A_1617 : vector<16xf32> to vector<32xbf16>
      %add3A_1619 = arith.addf %add3A_1611, %bitcast3A_1618 : vector<32xbf16>
      %get3A_1620 = arith.constant 1 : i32
      %get3A_1621 = arith.constant 38 : i32
      %get3A_1622 = arith.index_cast %get3A_1620 : i32 to index
      %get3A_1623 = arith.index_cast %get3A_1621 : i32 to index
      %get3A_1624 = arith.constant 16 : index
      %get3A_1625 = tpu.vector_load %arg6[%get3A_1622, %get3A_1623, %get3A_1624] {strides = array<i32>} : memref<4x50x32xf32, #tpu.memory_space<vmem>>, vector<16xf32>,
      %bitcast3A_1626 = vector.bitcast %get3A_1625 : vector<16xf32> to vector<32xbf16>
      %add3A_1627 = arith.addf %add3A_1619, %bitcast3A_1626 : vector<32xbf16>
      %get3A_1628 = arith.constant 1 : i32
      %get3A_1629 = arith.constant 39 : i32
      %get3A_1630 = arith.index_cast %get3A_1628 : i32 to index
      %get3A_1631 = arith.index_cast %get3A_1629 : i32 to index
      %get3A_1632 = arith.constant 16 : index
      %get3A_1633 = tpu.vector_load %arg6[%get3A_1630, %get3A_1631, %get3A_1632] {strides = array<i32>} : memref<4x50x32xf32, #tpu.memory_space<vmem>>, vector<16xf32>,
      %bitcast3A_1634 = vector.bitcast %get3A_1633 : vector<16xf32> to vector<32xbf16>
      %add3A_1635 = arith.addf %add3A_1627, %bitcast3A_1634 : vector<32xbf16>
      %get3A_1636 = arith.constant 1 : i32
      %get3A_1637 = arith.constant 40 : i32
      %get3A_1638 = arith.index_cast %get3A_1636 : i32 to index
      %get3A_1639 = arith.index_cast %get3A_1637 : i32 to index
      %get3A_1640 = arith.constant 16 : index
      %get3A_1641 = tpu.vector_load %arg6[%get3A_1638, %get3A_1639, %get3A_1640] {strides = array<i32>} : memref<4x50x32xf32, #tpu.memory_space<vmem>>, vector<16xf32>,
      %bitcast3A_1642 = vector.bitcast %get3A_1641 : vector<16xf32> to vector<32xbf16>
      %add3A_1643 = arith.addf %add3A_1635, %bitcast3A_1642 : vector<32xbf16>
      %get3A_1644 = arith.constant 1 : i32
      %get3A_1645 = arith.constant 41 : i32
      %get3A_1646 = arith.index_cast %get3A_1644 : i32 to index
      %get3A_1647 = arith.index_cast %get3A_1645 : i32 to index
      %get3A_1648 = arith.constant 16 : index
      %get3A_1649 = tpu.vector_load %arg6[%get3A_1646, %get3A_1647, %get3A_1648] {strides = array<i32>} : memref<4x50x32xf32, #tpu.memory_space<vmem>>, vector<16xf32>,
      %bitcast3A_1650 = vector.bitcast %get3A_1649 : vector<16xf32> to vector<32xbf16>
      %add3A_1651 = arith.addf %add3A_1643, %bitcast3A_1650 : vector<32xbf16>
      %get3A_1652 = arith.constant 1 : i32
      %get3A_1653 = arith.constant 42 : i32
      %get3A_1654 = arith.index_cast %get3A_1652 : i32 to index
      %get3A_1655 = arith.index_cast %get3A_1653 : i32 to index
      %get3A_1656 = arith.constant 16 : index
      %get3A_1657 = tpu.vector_load %arg6[%get3A_1654, %get3A_1655, %get3A_1656] {strides = array<i32>} : memref<4x50x32xf32, #tpu.memory_space<vmem>>, vector<16xf32>,
      %bitcast3A_1658 = vector.bitcast %get3A_1657 : vector<16xf32> to vector<32xbf16>
      %add3A_1659 = arith.addf %add3A_1651, %bitcast3A_1658 : vector<32xbf16>
      %get3A_1660 = arith.constant 1 : i32
      %get3A_1661 = arith.constant 43 : i32
      %get3A_1662 = arith.index_cast %get3A_1660 : i32 to index
      %get3A_1663 = arith.index_cast %get3A_1661 : i32 to index
      %get3A_1664 = arith.constant 16 : index
      %get3A_1665 = tpu.vector_load %arg6[%get3A_1662, %get3A_1663, %get3A_1664] {strides = array<i32>} : memref<4x50x32xf32, #tpu.memory_space<vmem>>, vector<16xf32>,
      %bitcast3A_1666 = vector.bitcast %get3A_1665 : vector<16xf32> to vector<32xbf16>
      %add3A_1667 = arith.addf %add3A_1659, %bitcast3A_1666 : vector<32xbf16>
      %get3A_1668 = arith.constant 1 : i32
      %get3A_1669 = arith.constant 44 : i32
      %get3A_1670 = arith.index_cast %get3A_1668 : i32 to index
      %get3A_1671 = arith.index_cast %get3A_1669 : i32 to index
      %get3A_1672 = arith.constant 16 : index
      %get3A_1673 = tpu.vector_load %arg6[%get3A_1670, %get3A_1671, %get3A_1672] {strides = array<i32>} : memref<4x50x32xf32, #tpu.memory_space<vmem>>, vector<16xf32>,
      %bitcast3A_1674 = vector.bitcast %get3A_1673 : vector<16xf32> to vector<32xbf16>
      %add3A_1675 = arith.addf %add3A_1667, %bitcast3A_1674 : vector<32xbf16>
      %get3A_1676 = arith.constant 1 : i32
      %get3A_1677 = arith.constant 45 : i32
      %get3A_1678 = arith.index_cast %get3A_1676 : i32 to index
      %get3A_1679 = arith.index_cast %get3A_1677 : i32 to index
      %get3A_1680 = arith.constant 16 : index
      %get3A_1681 = tpu.vector_load %arg6[%get3A_1678, %get3A_1679, %get3A_1680] {strides = array<i32>} : memref<4x50x32xf32, #tpu.memory_space<vmem>>, vector<16xf32>,
      %bitcast3A_1682 = vector.bitcast %get3A_1681 : vector<16xf32> to vector<32xbf16>
      %add3A_1683 = arith.addf %add3A_1675, %bitcast3A_1682 : vector<32xbf16>
      %get3A_1684 = arith.constant 1 : i32
      %get3A_1685 = arith.constant 46 : i32
      %get3A_1686 = arith.index_cast %get3A_1684 : i32 to index
      %get3A_1687 = arith.index_cast %get3A_1685 : i32 to index
      %get3A_1688 = arith.constant 16 : index
      %get3A_1689 = tpu.vector_load %arg6[%get3A_1686, %get3A_1687, %get3A_1688] {strides = array<i32>} : memref<4x50x32xf32, #tpu.memory_space<vmem>>, vector<16xf32>,
      %bitcast3A_1690 = vector.bitcast %get3A_1689 : vector<16xf32> to vector<32xbf16>
      %add3A_1691 = arith.addf %add3A_1683, %bitcast3A_1690 : vector<32xbf16>
      %get3A_1692 = arith.constant 1 : i32
      %get3A_1693 = arith.constant 47 : i32
      %get3A_1694 = arith.index_cast %get3A_1692 : i32 to index
      %get3A_1695 = arith.index_cast %get3A_1693 : i32 to index
      %get3A_1696 = arith.constant 16 : index
      %get3A_1697 = tpu.vector_load %arg6[%get3A_1694, %get3A_1695, %get3A_1696] {strides = array<i32>} : memref<4x50x32xf32, #tpu.memory_space<vmem>>, vector<16xf32>,
      %bitcast3A_1698 = vector.bitcast %get3A_1697 : vector<16xf32> to vector<32xbf16>
      %add3A_1699 = arith.addf %add3A_1691, %bitcast3A_1698 : vector<32xbf16>
      %get3A_1700 = arith.constant 1 : i32
      %get3A_1701 = arith.constant 48 : i32
      %get3A_1702 = arith.index_cast %get3A_1700 : i32 to index
      %get3A_1703 = arith.index_cast %get3A_1701 : i32 to index
      %get3A_1704 = arith.constant 16 : index
      %get3A_1705 = tpu.vector_load %arg6[%get3A_1702, %get3A_1703, %get3A_1704] {strides = array<i32>} : memref<4x50x32xf32, #tpu.memory_space<vmem>>, vector<16xf32>,
      %bitcast3A_1706 = vector.bitcast %get3A_1705 : vector<16xf32> to vector<32xbf16>
      %add3A_1707 = arith.addf %add3A_1699, %bitcast3A_1706 : vector<32xbf16>
      %get3A_1708 = arith.constant 1 : i32
      %get3A_1709 = arith.constant 49 : i32
      %get3A_1710 = arith.index_cast %get3A_1708 : i32 to index
      %get3A_1711 = arith.index_cast %get3A_1709 : i32 to index
      %get3A_1712 = arith.constant 16 : index
      %get3A_1713 = tpu.vector_load %arg6[%get3A_1710, %get3A_1711, %get3A_1712] {strides = array<i32>} : memref<4x50x32xf32, #tpu.memory_space<vmem>>, vector<16xf32>,
      %bitcast3A_1714 = vector.bitcast %get3A_1713 : vector<16xf32> to vector<32xbf16>
      %add3A_1715 = arith.addf %add3A_1707, %bitcast3A_1714 : vector<32xbf16>
      %unpack3A_1716 = tpu.unpack_subelements %add3A_1715, 0 {pack_format = #tpu.pack_format<interleaved>} : vector<32xbf16> -> vector<16xf32>
      %unpack3A_1717 = tpu.unpack_subelements %add3A_1715, 1 {pack_format = #tpu.pack_format<interleaved>} : vector<32xbf16> -> vector<16xf32>
      %mul3A_1718 = arith.constant 2.000000e-02 : f32
      %mul3A_1719 = vector.broadcast %mul3A_1718 : f32 to vector<16xf32>
      %mul3A_1720 = arith.mulf %unpack3A_1716, %mul3A_1719 : vector<16xf32>
      %swap3A_1721 = arith.index_cast %add3A_885 : i32 to index
      %swap3A_1722 = arith.constant 32 : index
      %swap3A_1723 = tpu.vector_load %arg7[%swap3A_1721, %swap3A_1722] {strides = array<i32>} : memref<512x64xf32, #tpu.memory_space<vmem>>, vector<16xf32>,
      tpu.vector_store %arg7[%swap3A_1721, %swap3A_1722], %mul3A_1720 {strides = array<i32>} : memref<512x64xf32, #tpu.memory_space<vmem>>, vector<16xf32>,
      %mul3A_1724 = arith.constant 2.000000e-02 : f32
      %mul3A_1725 = vector.broadcast %mul3A_1724 : f32 to vector<16xf32>
      %mul3A_1726 = arith.mulf %unpack3A_1717, %mul3A_1725 : vector<16xf32>
      %swap3A_1727 = arith.index_cast %add3A_885 : i32 to index
      %swap3A_1728 = arith.constant 48 : index
      %swap3A_1729 = tpu.vector_load %arg7[%swap3A_1727, %swap3A_1728] {strides = array<i32>} : memref<512x64xf32, #tpu.memory_space<vmem>>, vector<16xf32>,
      tpu.vector_store %arg7[%swap3A_1727, %swap3A_1728], %mul3A_1726 {strides = array<i32>} : memref<512x64xf32, #tpu.memory_space<vmem>>, vector<16xf32>,
      %add3A_1730 = arith.constant 2 : i32
      %add3A_1731 = arith.addi %mul3A_45, %add3A_1730 : i32
      %add3A_1732 = arith.constant 3 : i32
      %add3A_1733 = arith.addi %add3A_1731, %add3A_1732 : i32
      %lt3A_1734 = arith.constant 512 : i32
      %lt3A_1735 = arith.cmpi slt, %add3A_1733, %lt3A_1734 : i32
      %convert_element_type3A_1736 = arith.extui %lt3A_1735 : i1 to i32
      %cond3A_1737 = arith.constant 0 : i32
      %cond3A_1738 = arith.cmpi ne, %convert_element_type3A_1736, %cond3A_1737 : i32
      scf.if %cond3A_1738 {
        %add3A_3422 = arith.constant 3 : i32
        %add3A_3423 = arith.addi %add3A_1731, %add3A_3422 : i32
        %dma_start3A_3424 = arith.constant 1 : i32
        %dma_start3A_3425 = arith.constant 0 : i32
        %dma_start3A_3426 = arith.constant 0 : i32
        %dma_start3A_3427 = tpu.memref_slice %arg6[%dma_start3A_3424, %dma_start3A_3425, %dma_start3A_3426] : memref<4x50x32xf32, #tpu.memory_space<vmem>> -> memref<1x50x32xf32, #tpu.memory_space<vmem>>
        %dma_start3A_3428 = tpu.memref_squeeze %dma_start3A_3427 : memref<1x50x32xf32, #tpu.memory_space<vmem>> -> memref<50x32xf32, #tpu.memory_space<vmem>>
        %dma_start3A_3429 = arith.constant 0 : i32
        %dma_start3A_3430 = tpu.memref_slice %arg5[%add3A_3423, %dma_start3A_3429] : memref<512x50xi32, #tpu.memory_space<vmem>> -> memref<1x50xi32, #tpu.memory_space<vmem>>
        %dma_start3A_3431 = tpu.memref_squeeze %dma_start3A_3430 : memref<1x50xi32, #tpu.memory_space<vmem>> -> memref<50xi32, #tpu.memory_space<vmem>>
        %dma_start3A_3432 = arith.constant 0 : i32
        %dma_start3A_3433 = arith.constant 0 : i32
        %dma_start3A_3434 = tpu.memref_slice %arg3[%dma_start3A_3432, %dma_start3A_3433] : memref<1015808x32xf32, #tpu.memory_space<hbm>> -> memref<1015808x32xf32, #tpu.memory_space<hbm>>
        tpu.enqueue_indirect_dma source(%dma_start3A_3434 : memref<1015808x32xf32, #tpu.memory_space<hbm>>) target(%dma_start3A_3428 : memref<50x32xf32, #tpu.memory_space<vmem>>) offsets(%dma_start3A_3431 : memref<50xi32, #tpu.memory_space<vmem>>) semaphore(%arg9 : memref<!tpu.dma_semaphore, #tpu.memory_space<semaphore_mem>>)
      } else {
      }
      %dma_wait3A_1739 = arith.constant 2 : i32
      %dma_wait3A_1740 = arith.constant 0 : i32
      %dma_wait3A_1741 = arith.constant 0 : i32
      %dma_wait3A_1742 = tpu.memref_slice %arg6[%dma_wait3A_1739, %dma_wait3A_1740, %dma_wait3A_1741] : memref<4x50x32xf32, #tpu.memory_space<vmem>> -> memref<1x50x32xf32, #tpu.memory_space<vmem>>
      %dma_wait3A_1743 = tpu.memref_squeeze %dma_wait3A_1742 : memref<1x50x32xf32, #tpu.memory_space<vmem>> -> memref<50x32xf32, #tpu.memory_space<vmem>>
      %dma_wait3A_1744 = arith.constant 0 : i32
      %dma_wait3A_1745 = tpu.memref_slice %arg5[%add3A_1731, %dma_wait3A_1744] : memref<512x50xi32, #tpu.memory_space<vmem>> -> memref<1x50xi32, #tpu.memory_space<vmem>>
      %dma_wait3A_1746 = tpu.memref_squeeze %dma_wait3A_1745 : memref<1x50xi32, #tpu.memory_space<vmem>> -> memref<50xi32, #tpu.memory_space<vmem>>
      %dma_wait3A_1747 = arith.constant 0 : i32
      %dma_wait3A_1748 = arith.constant 0 : i32
      %dma_wait3A_1749 = tpu.memref_slice %arg3[%dma_wait3A_1747, %dma_wait3A_1748] : memref<1015808x32xf32, #tpu.memory_space<hbm>> -> memref<1015808x32xf32, #tpu.memory_space<hbm>>
      tpu.wait_indirect_dma semaphore(%arg10 : memref<!tpu.dma_semaphore, #tpu.memory_space<semaphore_mem>>) src(%dma_wait3A_1749 : memref<1015808x32xf32, #tpu.memory_space<hbm>>) dst(%dma_wait3A_1743 : memref<50x32xf32, #tpu.memory_space<vmem>>)
      %get3A_1750 = arith.constant 2 : i32
      %get3A_1751 = arith.constant 0 : i32
      %get3A_1752 = arith.index_cast %get3A_1750 : i32 to index
      %get3A_1753 = arith.index_cast %get3A_1751 : i32 to index
      %get3A_1754 = arith.constant 0 : index
      %get3A_1755 = tpu.vector_load %arg6[%get3A_1752, %get3A_1753, %get3A_1754] {strides = array<i32>} : memref<4x50x32xf32, #tpu.memory_space<vmem>>, vector<16xf32>,
      %bitcast3A_1756 = vector.bitcast %get3A_1755 : vector<16xf32> to vector<32xbf16>
      %get3A_1757 = arith.constant 2 : i32
      %get3A_1758 = arith.constant 1 : i32
      %get3A_1759 = arith.index_cast %get3A_1757 : i32 to index
      %get3A_1760 = arith.index_cast %get3A_1758 : i32 to index
      %get3A_1761 = arith.constant 0 : index
      %get3A_1762 = tpu.vector_load %arg6[%get3A_1759, %get3A_1760, %get3A_1761] {strides = array<i32>} : memref<4x50x32xf32, #tpu.memory_space<vmem>>, vector<16xf32>,
      %bitcast3A_1763 = vector.bitcast %get3A_1762 : vector<16xf32> to vector<32xbf16>
      %add3A_1764 = arith.addf %bitcast3A_1756, %bitcast3A_1763 : vector<32xbf16>
      %get3A_1765 = arith.constant 2 : i32
      %get3A_1766 = arith.constant 2 : i32
      %get3A_1767 = arith.index_cast %get3A_1765 : i32 to index
      %get3A_1768 = arith.index_cast %get3A_1766 : i32 to index
      %get3A_1769 = arith.constant 0 : index
      %get3A_1770 = tpu.vector_load %arg6[%get3A_1767, %get3A_1768, %get3A_1769] {strides = array<i32>} : memref<4x50x32xf32, #tpu.memory_space<vmem>>, vector<16xf32>,
      %bitcast3A_1771 = vector.bitcast %get3A_1770 : vector<16xf32> to vector<32xbf16>
      %add3A_1772 = arith.addf %add3A_1764, %bitcast3A_1771 : vector<32xbf16>
      %get3A_1773 = arith.constant 2 : i32
      %get3A_1774 = arith.constant 3 : i32
      %get3A_1775 = arith.index_cast %get3A_1773 : i32 to index
      %get3A_1776 = arith.index_cast %get3A_1774 : i32 to index
      %get3A_1777 = arith.constant 0 : index
      %get3A_1778 = tpu.vector_load %arg6[%get3A_1775, %get3A_1776, %get3A_1777] {strides = array<i32>} : memref<4x50x32xf32, #tpu.memory_space<vmem>>, vector<16xf32>,
      %bitcast3A_1779 = vector.bitcast %get3A_1778 : vector<16xf32> to vector<32xbf16>
      %add3A_1780 = arith.addf %add3A_1772, %bitcast3A_1779 : vector<32xbf16>
      %get3A_1781 = arith.constant 2 : i32
      %get3A_1782 = arith.constant 4 : i32
      %get3A_1783 = arith.index_cast %get3A_1781 : i32 to index
      %get3A_1784 = arith.index_cast %get3A_1782 : i32 to index
      %get3A_1785 = arith.constant 0 : index
      %get3A_1786 = tpu.vector_load %arg6[%get3A_1783, %get3A_1784, %get3A_1785] {strides = array<i32>} : memref<4x50x32xf32, #tpu.memory_space<vmem>>, vector<16xf32>,
      %bitcast3A_1787 = vector.bitcast %get3A_1786 : vector<16xf32> to vector<32xbf16>
      %add3A_1788 = arith.addf %add3A_1780, %bitcast3A_1787 : vector<32xbf16>
      %get3A_1789 = arith.constant 2 : i32
      %get3A_1790 = arith.constant 5 : i32
      %get3A_1791 = arith.index_cast %get3A_1789 : i32 to index
      %get3A_1792 = arith.index_cast %get3A_1790 : i32 to index
      %get3A_1793 = arith.constant 0 : index
      %get3A_1794 = tpu.vector_load %arg6[%get3A_1791, %get3A_1792, %get3A_1793] {strides = array<i32>} : memref<4x50x32xf32, #tpu.memory_space<vmem>>, vector<16xf32>,
      %bitcast3A_1795 = vector.bitcast %get3A_1794 : vector<16xf32> to vector<32xbf16>
      %add3A_1796 = arith.addf %add3A_1788, %bitcast3A_1795 : vector<32xbf16>
      %get3A_1797 = arith.constant 2 : i32
      %get3A_1798 = arith.constant 6 : i32
      %get3A_1799 = arith.index_cast %get3A_1797 : i32 to index
      %get3A_1800 = arith.index_cast %get3A_1798 : i32 to index
      %get3A_1801 = arith.constant 0 : index
      %get3A_1802 = tpu.vector_load %arg6[%get3A_1799, %get3A_1800, %get3A_1801] {strides = array<i32>} : memref<4x50x32xf32, #tpu.memory_space<vmem>>, vector<16xf32>,
      %bitcast3A_1803 = vector.bitcast %get3A_1802 : vector<16xf32> to vector<32xbf16>
      %add3A_1804 = arith.addf %add3A_1796, %bitcast3A_1803 : vector<32xbf16>
      %get3A_1805 = arith.constant 2 : i32
      %get3A_1806 = arith.constant 7 : i32
      %get3A_1807 = arith.index_cast %get3A_1805 : i32 to index
      %get3A_1808 = arith.index_cast %get3A_1806 : i32 to index
      %get3A_1809 = arith.constant 0 : index
      %get3A_1810 = tpu.vector_load %arg6[%get3A_1807, %get3A_1808, %get3A_1809] {strides = array<i32>} : memref<4x50x32xf32, #tpu.memory_space<vmem>>, vector<16xf32>,
      %bitcast3A_1811 = vector.bitcast %get3A_1810 : vector<16xf32> to vector<32xbf16>
      %add3A_1812 = arith.addf %add3A_1804, %bitcast3A_1811 : vector<32xbf16>
      %get3A_1813 = arith.constant 2 : i32
      %get3A_1814 = arith.constant 8 : i32
      %get3A_1815 = arith.index_cast %get3A_1813 : i32 to index
      %get3A_1816 = arith.index_cast %get3A_1814 : i32 to index
      %get3A_1817 = arith.constant 0 : index
      %get3A_1818 = tpu.vector_load %arg6[%get3A_1815, %get3A_1816, %get3A_1817] {strides = array<i32>} : memref<4x50x32xf32, #tpu.memory_space<vmem>>, vector<16xf32>,
      %bitcast3A_1819 = vector.bitcast %get3A_1818 : vector<16xf32> to vector<32xbf16>
      %add3A_1820 = arith.addf %add3A_1812, %bitcast3A_1819 : vector<32xbf16>
      %get3A_1821 = arith.constant 2 : i32
      %get3A_1822 = arith.constant 9 : i32
      %get3A_1823 = arith.index_cast %get3A_1821 : i32 to index
      %get3A_1824 = arith.index_cast %get3A_1822 : i32 to index
      %get3A_1825 = arith.constant 0 : index
      %get3A_1826 = tpu.vector_load %arg6[%get3A_1823, %get3A_1824, %get3A_1825] {strides = array<i32>} : memref<4x50x32xf32, #tpu.memory_space<vmem>>, vector<16xf32>,
      %bitcast3A_1827 = vector.bitcast %get3A_1826 : vector<16xf32> to vector<32xbf16>
      %add3A_1828 = arith.addf %add3A_1820, %bitcast3A_1827 : vector<32xbf16>
      %get3A_1829 = arith.constant 2 : i32
      %get3A_1830 = arith.constant 10 : i32
      %get3A_1831 = arith.index_cast %get3A_1829 : i32 to index
      %get3A_1832 = arith.index_cast %get3A_1830 : i32 to index
      %get3A_1833 = arith.constant 0 : index
      %get3A_1834 = tpu.vector_load %arg6[%get3A_1831, %get3A_1832, %get3A_1833] {strides = array<i32>} : memref<4x50x32xf32, #tpu.memory_space<vmem>>, vector<16xf32>,
      %bitcast3A_1835 = vector.bitcast %get3A_1834 : vector<16xf32> to vector<32xbf16>
      %add3A_1836 = arith.addf %add3A_1828, %bitcast3A_1835 : vector<32xbf16>
      %get3A_1837 = arith.constant 2 : i32
      %get3A_1838 = arith.constant 11 : i32
      %get3A_1839 = arith.index_cast %get3A_1837 : i32 to index
      %get3A_1840 = arith.index_cast %get3A_1838 : i32 to index
      %get3A_1841 = arith.constant 0 : index
      %get3A_1842 = tpu.vector_load %arg6[%get3A_1839, %get3A_1840, %get3A_1841] {strides = array<i32>} : memref<4x50x32xf32, #tpu.memory_space<vmem>>, vector<16xf32>,
      %bitcast3A_1843 = vector.bitcast %get3A_1842 : vector<16xf32> to vector<32xbf16>
      %add3A_1844 = arith.addf %add3A_1836, %bitcast3A_1843 : vector<32xbf16>
      %get3A_1845 = arith.constant 2 : i32
      %get3A_1846 = arith.constant 12 : i32
      %get3A_1847 = arith.index_cast %get3A_1845 : i32 to index
      %get3A_1848 = arith.index_cast %get3A_1846 : i32 to index
      %get3A_1849 = arith.constant 0 : index
      %get3A_1850 = tpu.vector_load %arg6[%get3A_1847, %get3A_1848, %get3A_1849] {strides = array<i32>} : memref<4x50x32xf32, #tpu.memory_space<vmem>>, vector<16xf32>,
      %bitcast3A_1851 = vector.bitcast %get3A_1850 : vector<16xf32> to vector<32xbf16>
      %add3A_1852 = arith.addf %add3A_1844, %bitcast3A_1851 : vector<32xbf16>
      %get3A_1853 = arith.constant 2 : i32
      %get3A_1854 = arith.constant 13 : i32
      %get3A_1855 = arith.index_cast %get3A_1853 : i32 to index
      %get3A_1856 = arith.index_cast %get3A_1854 : i32 to index
      %get3A_1857 = arith.constant 0 : index
      %get3A_1858 = tpu.vector_load %arg6[%get3A_1855, %get3A_1856, %get3A_1857] {strides = array<i32>} : memref<4x50x32xf32, #tpu.memory_space<vmem>>, vector<16xf32>,
      %bitcast3A_1859 = vector.bitcast %get3A_1858 : vector<16xf32> to vector<32xbf16>
      %add3A_1860 = arith.addf %add3A_1852, %bitcast3A_1859 : vector<32xbf16>
      %get3A_1861 = arith.constant 2 : i32
      %get3A_1862 = arith.constant 14 : i32
      %get3A_1863 = arith.index_cast %get3A_1861 : i32 to index
      %get3A_1864 = arith.index_cast %get3A_1862 : i32 to index
      %get3A_1865 = arith.constant 0 : index
      %get3A_1866 = tpu.vector_load %arg6[%get3A_1863, %get3A_1864, %get3A_1865] {strides = array<i32>} : memref<4x50x32xf32, #tpu.memory_space<vmem>>, vector<16xf32>,
      %bitcast3A_1867 = vector.bitcast %get3A_1866 : vector<16xf32> to vector<32xbf16>
      %add3A_1868 = arith.addf %add3A_1860, %bitcast3A_1867 : vector<32xbf16>
      %get3A_1869 = arith.constant 2 : i32
      %get3A_1870 = arith.constant 15 : i32
      %get3A_1871 = arith.index_cast %get3A_1869 : i32 to index
      %get3A_1872 = arith.index_cast %get3A_1870 : i32 to index
      %get3A_1873 = arith.constant 0 : index
      %get3A_1874 = tpu.vector_load %arg6[%get3A_1871, %get3A_1872, %get3A_1873] {strides = array<i32>} : memref<4x50x32xf32, #tpu.memory_space<vmem>>, vector<16xf32>,
      %bitcast3A_1875 = vector.bitcast %get3A_1874 : vector<16xf32> to vector<32xbf16>
      %add3A_1876 = arith.addf %add3A_1868, %bitcast3A_1875 : vector<32xbf16>
      %get3A_1877 = arith.constant 2 : i32
      %get3A_1878 = arith.constant 16 : i32
      %get3A_1879 = arith.index_cast %get3A_1877 : i32 to index
      %get3A_1880 = arith.index_cast %get3A_1878 : i32 to index
      %get3A_1881 = arith.constant 0 : index
      %get3A_1882 = tpu.vector_load %arg6[%get3A_1879, %get3A_1880, %get3A_1881] {strides = array<i32>} : memref<4x50x32xf32, #tpu.memory_space<vmem>>, vector<16xf32>,
      %bitcast3A_1883 = vector.bitcast %get3A_1882 : vector<16xf32> to vector<32xbf16>
      %add3A_1884 = arith.addf %add3A_1876, %bitcast3A_1883 : vector<32xbf16>
      %get3A_1885 = arith.constant 2 : i32
      %get3A_1886 = arith.constant 17 : i32
      %get3A_1887 = arith.index_cast %get3A_1885 : i32 to index
      %get3A_1888 = arith.index_cast %get3A_1886 : i32 to index
      %get3A_1889 = arith.constant 0 : index
      %get3A_1890 = tpu.vector_load %arg6[%get3A_1887, %get3A_1888, %get3A_1889] {strides = array<i32>} : memref<4x50x32xf32, #tpu.memory_space<vmem>>, vector<16xf32>,
      %bitcast3A_1891 = vector.bitcast %get3A_1890 : vector<16xf32> to vector<32xbf16>
      %add3A_1892 = arith.addf %add3A_1884, %bitcast3A_1891 : vector<32xbf16>
      %get3A_1893 = arith.constant 2 : i32
      %get3A_1894 = arith.constant 18 : i32
      %get3A_1895 = arith.index_cast %get3A_1893 : i32 to index
      %get3A_1896 = arith.index_cast %get3A_1894 : i32 to index
      %get3A_1897 = arith.constant 0 : index
      %get3A_1898 = tpu.vector_load %arg6[%get3A_1895, %get3A_1896, %get3A_1897] {strides = array<i32>} : memref<4x50x32xf32, #tpu.memory_space<vmem>>, vector<16xf32>,
      %bitcast3A_1899 = vector.bitcast %get3A_1898 : vector<16xf32> to vector<32xbf16>
      %add3A_1900 = arith.addf %add3A_1892, %bitcast3A_1899 : vector<32xbf16>
      %get3A_1901 = arith.constant 2 : i32
      %get3A_1902 = arith.constant 19 : i32
      %get3A_1903 = arith.index_cast %get3A_1901 : i32 to index
      %get3A_1904 = arith.index_cast %get3A_1902 : i32 to index
      %get3A_1905 = arith.constant 0 : index
      %get3A_1906 = tpu.vector_load %arg6[%get3A_1903, %get3A_1904, %get3A_1905] {strides = array<i32>} : memref<4x50x32xf32, #tpu.memory_space<vmem>>, vector<16xf32>,
      %bitcast3A_1907 = vector.bitcast %get3A_1906 : vector<16xf32> to vector<32xbf16>
      %add3A_1908 = arith.addf %add3A_1900, %bitcast3A_1907 : vector<32xbf16>
      %get3A_1909 = arith.constant 2 : i32
      %get3A_1910 = arith.constant 20 : i32
      %get3A_1911 = arith.index_cast %get3A_1909 : i32 to index
      %get3A_1912 = arith.index_cast %get3A_1910 : i32 to index
      %get3A_1913 = arith.constant 0 : index
      %get3A_1914 = tpu.vector_load %arg6[%get3A_1911, %get3A_1912, %get3A_1913] {strides = array<i32>} : memref<4x50x32xf32, #tpu.memory_space<vmem>>, vector<16xf32>,
      %bitcast3A_1915 = vector.bitcast %get3A_1914 : vector<16xf32> to vector<32xbf16>
      %add3A_1916 = arith.addf %add3A_1908, %bitcast3A_1915 : vector<32xbf16>
      %get3A_1917 = arith.constant 2 : i32
      %get3A_1918 = arith.constant 21 : i32
      %get3A_1919 = arith.index_cast %get3A_1917 : i32 to index
      %get3A_1920 = arith.index_cast %get3A_1918 : i32 to index
      %get3A_1921 = arith.constant 0 : index
      %get3A_1922 = tpu.vector_load %arg6[%get3A_1919, %get3A_1920, %get3A_1921] {strides = array<i32>} : memref<4x50x32xf32, #tpu.memory_space<vmem>>, vector<16xf32>,
      %bitcast3A_1923 = vector.bitcast %get3A_1922 : vector<16xf32> to vector<32xbf16>
      %add3A_1924 = arith.addf %add3A_1916, %bitcast3A_1923 : vector<32xbf16>
      %get3A_1925 = arith.constant 2 : i32
      %get3A_1926 = arith.constant 22 : i32
      %get3A_1927 = arith.index_cast %get3A_1925 : i32 to index
      %get3A_1928 = arith.index_cast %get3A_1926 : i32 to index
      %get3A_1929 = arith.constant 0 : index
      %get3A_1930 = tpu.vector_load %arg6[%get3A_1927, %get3A_1928, %get3A_1929] {strides = array<i32>} : memref<4x50x32xf32, #tpu.memory_space<vmem>>, vector<16xf32>,
      %bitcast3A_1931 = vector.bitcast %get3A_1930 : vector<16xf32> to vector<32xbf16>
      %add3A_1932 = arith.addf %add3A_1924, %bitcast3A_1931 : vector<32xbf16>
      %get3A_1933 = arith.constant 2 : i32
      %get3A_1934 = arith.constant 23 : i32
      %get3A_1935 = arith.index_cast %get3A_1933 : i32 to index
      %get3A_1936 = arith.index_cast %get3A_1934 : i32 to index
      %get3A_1937 = arith.constant 0 : index
      %get3A_1938 = tpu.vector_load %arg6[%get3A_1935, %get3A_1936, %get3A_1937] {strides = array<i32>} : memref<4x50x32xf32, #tpu.memory_space<vmem>>, vector<16xf32>,
      %bitcast3A_1939 = vector.bitcast %get3A_1938 : vector<16xf32> to vector<32xbf16>
      %add3A_1940 = arith.addf %add3A_1932, %bitcast3A_1939 : vector<32xbf16>
      %get3A_1941 = arith.constant 2 : i32
      %get3A_1942 = arith.constant 24 : i32
      %get3A_1943 = arith.index_cast %get3A_1941 : i32 to index
      %get3A_1944 = arith.index_cast %get3A_1942 : i32 to index
      %get3A_1945 = arith.constant 0 : index
      %get3A_1946 = tpu.vector_load %arg6[%get3A_1943, %get3A_1944, %get3A_1945] {strides = array<i32>} : memref<4x50x32xf32, #tpu.memory_space<vmem>>, vector<16xf32>,
      %bitcast3A_1947 = vector.bitcast %get3A_1946 : vector<16xf32> to vector<32xbf16>
      %add3A_1948 = arith.addf %add3A_1940, %bitcast3A_1947 : vector<32xbf16>
      %get3A_1949 = arith.constant 2 : i32
      %get3A_1950 = arith.constant 25 : i32
      %get3A_1951 = arith.index_cast %get3A_1949 : i32 to index
      %get3A_1952 = arith.index_cast %get3A_1950 : i32 to index
      %get3A_1953 = arith.constant 0 : index
      %get3A_1954 = tpu.vector_load %arg6[%get3A_1951, %get3A_1952, %get3A_1953] {strides = array<i32>} : memref<4x50x32xf32, #tpu.memory_space<vmem>>, vector<16xf32>,
      %bitcast3A_1955 = vector.bitcast %get3A_1954 : vector<16xf32> to vector<32xbf16>
      %add3A_1956 = arith.addf %add3A_1948, %bitcast3A_1955 : vector<32xbf16>
      %get3A_1957 = arith.constant 2 : i32
      %get3A_1958 = arith.constant 26 : i32
      %get3A_1959 = arith.index_cast %get3A_1957 : i32 to index
      %get3A_1960 = arith.index_cast %get3A_1958 : i32 to index
      %get3A_1961 = arith.constant 0 : index
      %get3A_1962 = tpu.vector_load %arg6[%get3A_1959, %get3A_1960, %get3A_1961] {strides = array<i32>} : memref<4x50x32xf32, #tpu.memory_space<vmem>>, vector<16xf32>,
      %bitcast3A_1963 = vector.bitcast %get3A_1962 : vector<16xf32> to vector<32xbf16>
      %add3A_1964 = arith.addf %add3A_1956, %bitcast3A_1963 : vector<32xbf16>
      %get3A_1965 = arith.constant 2 : i32
      %get3A_1966 = arith.constant 27 : i32
      %get3A_1967 = arith.index_cast %get3A_1965 : i32 to index
      %get3A_1968 = arith.index_cast %get3A_1966 : i32 to index
      %get3A_1969 = arith.constant 0 : index
      %get3A_1970 = tpu.vector_load %arg6[%get3A_1967, %get3A_1968, %get3A_1969] {strides = array<i32>} : memref<4x50x32xf32, #tpu.memory_space<vmem>>, vector<16xf32>,
      %bitcast3A_1971 = vector.bitcast %get3A_1970 : vector<16xf32> to vector<32xbf16>
      %add3A_1972 = arith.addf %add3A_1964, %bitcast3A_1971 : vector<32xbf16>
      %get3A_1973 = arith.constant 2 : i32
      %get3A_1974 = arith.constant 28 : i32
      %get3A_1975 = arith.index_cast %get3A_1973 : i32 to index
      %get3A_1976 = arith.index_cast %get3A_1974 : i32 to index
      %get3A_1977 = arith.constant 0 : index
      %get3A_1978 = tpu.vector_load %arg6[%get3A_1975, %get3A_1976, %get3A_1977] {strides = array<i32>} : memref<4x50x32xf32, #tpu.memory_space<vmem>>, vector<16xf32>,
      %bitcast3A_1979 = vector.bitcast %get3A_1978 : vector<16xf32> to vector<32xbf16>
      %add3A_1980 = arith.addf %add3A_1972, %bitcast3A_1979 : vector<32xbf16>
      %get3A_1981 = arith.constant 2 : i32
      %get3A_1982 = arith.constant 29 : i32
      %get3A_1983 = arith.index_cast %get3A_1981 : i32 to index
      %get3A_1984 = arith.index_cast %get3A_1982 : i32 to index
      %get3A_1985 = arith.constant 0 : index
      %get3A_1986 = tpu.vector_load %arg6[%get3A_1983, %get3A_1984, %get3A_1985] {strides = array<i32>} : memref<4x50x32xf32, #tpu.memory_space<vmem>>, vector<16xf32>,
      %bitcast3A_1987 = vector.bitcast %get3A_1986 : vector<16xf32> to vector<32xbf16>
      %add3A_1988 = arith.addf %add3A_1980, %bitcast3A_1987 : vector<32xbf16>
      %get3A_1989 = arith.constant 2 : i32
      %get3A_1990 = arith.constant 30 : i32
      %get3A_1991 = arith.index_cast %get3A_1989 : i32 to index
      %get3A_1992 = arith.index_cast %get3A_1990 : i32 to index
      %get3A_1993 = arith.constant 0 : index
      %get3A_1994 = tpu.vector_load %arg6[%get3A_1991, %get3A_1992, %get3A_1993] {strides = array<i32>} : memref<4x50x32xf32, #tpu.memory_space<vmem>>, vector<16xf32>,
      %bitcast3A_1995 = vector.bitcast %get3A_1994 : vector<16xf32> to vector<32xbf16>
      %add3A_1996 = arith.addf %add3A_1988, %bitcast3A_1995 : vector<32xbf16>
      %get3A_1997 = arith.constant 2 : i32
      %get3A_1998 = arith.constant 31 : i32
      %get3A_1999 = arith.index_cast %get3A_1997 : i32 to index
      %get3A_2000 = arith.index_cast %get3A_1998 : i32 to index
      %get3A_2001 = arith.constant 0 : index
      %get3A_2002 = tpu.vector_load %arg6[%get3A_1999, %get3A_2000, %get3A_2001] {strides = array<i32>} : memref<4x50x32xf32, #tpu.memory_space<vmem>>, vector<16xf32>,
      %bitcast3A_2003 = vector.bitcast %get3A_2002 : vector<16xf32> to vector<32xbf16>
      %add3A_2004 = arith.addf %add3A_1996, %bitcast3A_2003 : vector<32xbf16>
      %get3A_2005 = arith.constant 2 : i32
      %get3A_2006 = arith.constant 32 : i32
      %get3A_2007 = arith.index_cast %get3A_2005 : i32 to index
      %get3A_2008 = arith.index_cast %get3A_2006 : i32 to index
      %get3A_2009 = arith.constant 0 : index
      %get3A_2010 = tpu.vector_load %arg6[%get3A_2007, %get3A_2008, %get3A_2009] {strides = array<i32>} : memref<4x50x32xf32, #tpu.memory_space<vmem>>, vector<16xf32>,
      %bitcast3A_2011 = vector.bitcast %get3A_2010 : vector<16xf32> to vector<32xbf16>
      %add3A_2012 = arith.addf %add3A_2004, %bitcast3A_2011 : vector<32xbf16>
      %get3A_2013 = arith.constant 2 : i32
      %get3A_2014 = arith.constant 33 : i32
      %get3A_2015 = arith.index_cast %get3A_2013 : i32 to index
      %get3A_2016 = arith.index_cast %get3A_2014 : i32 to index
      %get3A_2017 = arith.constant 0 : index
      %get3A_2018 = tpu.vector_load %arg6[%get3A_2015, %get3A_2016, %get3A_2017] {strides = array<i32>} : memref<4x50x32xf32, #tpu.memory_space<vmem>>, vector<16xf32>,
      %bitcast3A_2019 = vector.bitcast %get3A_2018 : vector<16xf32> to vector<32xbf16>
      %add3A_2020 = arith.addf %add3A_2012, %bitcast3A_2019 : vector<32xbf16>
      %get3A_2021 = arith.constant 2 : i32
      %get3A_2022 = arith.constant 34 : i32
      %get3A_2023 = arith.index_cast %get3A_2021 : i32 to index
      %get3A_2024 = arith.index_cast %get3A_2022 : i32 to index
      %get3A_2025 = arith.constant 0 : index
      %get3A_2026 = tpu.vector_load %arg6[%get3A_2023, %get3A_2024, %get3A_2025] {strides = array<i32>} : memref<4x50x32xf32, #tpu.memory_space<vmem>>, vector<16xf32>,
      %bitcast3A_2027 = vector.bitcast %get3A_2026 : vector<16xf32> to vector<32xbf16>
      %add3A_2028 = arith.addf %add3A_2020, %bitcast3A_2027 : vector<32xbf16>
      %get3A_2029 = arith.constant 2 : i32
      %get3A_2030 = arith.constant 35 : i32
      %get3A_2031 = arith.index_cast %get3A_2029 : i32 to index
      %get3A_2032 = arith.index_cast %get3A_2030 : i32 to index
      %get3A_2033 = arith.constant 0 : index
      %get3A_2034 = tpu.vector_load %arg6[%get3A_2031, %get3A_2032, %get3A_2033] {strides = array<i32>} : memref<4x50x32xf32, #tpu.memory_space<vmem>>, vector<16xf32>,
      %bitcast3A_2035 = vector.bitcast %get3A_2034 : vector<16xf32> to vector<32xbf16>
      %add3A_2036 = arith.addf %add3A_2028, %bitcast3A_2035 : vector<32xbf16>
      %get3A_2037 = arith.constant 2 : i32
      %get3A_2038 = arith.constant 36 : i32
      %get3A_2039 = arith.index_cast %get3A_2037 : i32 to index
      %get3A_2040 = arith.index_cast %get3A_2038 : i32 to index
      %get3A_2041 = arith.constant 0 : index
      %get3A_2042 = tpu.vector_load %arg6[%get3A_2039, %get3A_2040, %get3A_2041] {strides = array<i32>} : memref<4x50x32xf32, #tpu.memory_space<vmem>>, vector<16xf32>,
      %bitcast3A_2043 = vector.bitcast %get3A_2042 : vector<16xf32> to vector<32xbf16>
      %add3A_2044 = arith.addf %add3A_2036, %bitcast3A_2043 : vector<32xbf16>
      %get3A_2045 = arith.constant 2 : i32
      %get3A_2046 = arith.constant 37 : i32
      %get3A_2047 = arith.index_cast %get3A_2045 : i32 to index
      %get3A_2048 = arith.index_cast %get3A_2046 : i32 to index
      %get3A_2049 = arith.constant 0 : index
      %get3A_2050 = tpu.vector_load %arg6[%get3A_2047, %get3A_2048, %get3A_2049] {strides = array<i32>} : memref<4x50x32xf32, #tpu.memory_space<vmem>>, vector<16xf32>,
      %bitcast3A_2051 = vector.bitcast %get3A_2050 : vector<16xf32> to vector<32xbf16>
      %add3A_2052 = arith.addf %add3A_2044, %bitcast3A_2051 : vector<32xbf16>
      %get3A_2053 = arith.constant 2 : i32
      %get3A_2054 = arith.constant 38 : i32
      %get3A_2055 = arith.index_cast %get3A_2053 : i32 to index
      %get3A_2056 = arith.index_cast %get3A_2054 : i32 to index
      %get3A_2057 = arith.constant 0 : index
      %get3A_2058 = tpu.vector_load %arg6[%get3A_2055, %get3A_2056, %get3A_2057] {strides = array<i32>} : memref<4x50x32xf32, #tpu.memory_space<vmem>>, vector<16xf32>,
      %bitcast3A_2059 = vector.bitcast %get3A_2058 : vector<16xf32> to vector<32xbf16>
      %add3A_2060 = arith.addf %add3A_2052, %bitcast3A_2059 : vector<32xbf16>
      %get3A_2061 = arith.constant 2 : i32
      %get3A_2062 = arith.constant 39 : i32
      %get3A_2063 = arith.index_cast %get3A_2061 : i32 to index
      %get3A_2064 = arith.index_cast %get3A_2062 : i32 to index
      %get3A_2065 = arith.constant 0 : index
      %get3A_2066 = tpu.vector_load %arg6[%get3A_2063, %get3A_2064, %get3A_2065] {strides = array<i32>} : memref<4x50x32xf32, #tpu.memory_space<vmem>>, vector<16xf32>,
      %bitcast3A_2067 = vector.bitcast %get3A_2066 : vector<16xf32> to vector<32xbf16>
      %add3A_2068 = arith.addf %add3A_2060, %bitcast3A_2067 : vector<32xbf16>
      %get3A_2069 = arith.constant 2 : i32
      %get3A_2070 = arith.constant 40 : i32
      %get3A_2071 = arith.index_cast %get3A_2069 : i32 to index
      %get3A_2072 = arith.index_cast %get3A_2070 : i32 to index
      %get3A_2073 = arith.constant 0 : index
      %get3A_2074 = tpu.vector_load %arg6[%get3A_2071, %get3A_2072, %get3A_2073] {strides = array<i32>} : memref<4x50x32xf32, #tpu.memory_space<vmem>>, vector<16xf32>,
      %bitcast3A_2075 = vector.bitcast %get3A_2074 : vector<16xf32> to vector<32xbf16>
      %add3A_2076 = arith.addf %add3A_2068, %bitcast3A_2075 : vector<32xbf16>
      %get3A_2077 = arith.constant 2 : i32
      %get3A_2078 = arith.constant 41 : i32
      %get3A_2079 = arith.index_cast %get3A_2077 : i32 to index
      %get3A_2080 = arith.index_cast %get3A_2078 : i32 to index
      %get3A_2081 = arith.constant 0 : index
      %get3A_2082 = tpu.vector_load %arg6[%get3A_2079, %get3A_2080, %get3A_2081] {strides = array<i32>} : memref<4x50x32xf32, #tpu.memory_space<vmem>>, vector<16xf32>,
      %bitcast3A_2083 = vector.bitcast %get3A_2082 : vector<16xf32> to vector<32xbf16>
      %add3A_2084 = arith.addf %add3A_2076, %bitcast3A_2083 : vector<32xbf16>
      %get3A_2085 = arith.constant 2 : i32
      %get3A_2086 = arith.constant 42 : i32
      %get3A_2087 = arith.index_cast %get3A_2085 : i32 to index
      %get3A_2088 = arith.index_cast %get3A_2086 : i32 to index
      %get3A_2089 = arith.constant 0 : index
      %get3A_2090 = tpu.vector_load %arg6[%get3A_2087, %get3A_2088, %get3A_2089] {strides = array<i32>} : memref<4x50x32xf32, #tpu.memory_space<vmem>>, vector<16xf32>,
      %bitcast3A_2091 = vector.bitcast %get3A_2090 : vector<16xf32> to vector<32xbf16>
      %add3A_2092 = arith.addf %add3A_2084, %bitcast3A_2091 : vector<32xbf16>
      %get3A_2093 = arith.constant 2 : i32
      %get3A_2094 = arith.constant 43 : i32
      %get3A_2095 = arith.index_cast %get3A_2093 : i32 to index
      %get3A_2096 = arith.index_cast %get3A_2094 : i32 to index
      %get3A_2097 = arith.constant 0 : index
      %get3A_2098 = tpu.vector_load %arg6[%get3A_2095, %get3A_2096, %get3A_2097] {strides = array<i32>} : memref<4x50x32xf32, #tpu.memory_space<vmem>>, vector<16xf32>,
      %bitcast3A_2099 = vector.bitcast %get3A_2098 : vector<16xf32> to vector<32xbf16>
      %add3A_2100 = arith.addf %add3A_2092, %bitcast3A_2099 : vector<32xbf16>
      %get3A_2101 = arith.constant 2 : i32
      %get3A_2102 = arith.constant 44 : i32
      %get3A_2103 = arith.index_cast %get3A_2101 : i32 to index
      %get3A_2104 = arith.index_cast %get3A_2102 : i32 to index
      %get3A_2105 = arith.constant 0 : index
      %get3A_2106 = tpu.vector_load %arg6[%get3A_2103, %get3A_2104, %get3A_2105] {strides = array<i32>} : memref<4x50x32xf32, #tpu.memory_space<vmem>>, vector<16xf32>,
      %bitcast3A_2107 = vector.bitcast %get3A_2106 : vector<16xf32> to vector<32xbf16>
      %add3A_2108 = arith.addf %add3A_2100, %bitcast3A_2107 : vector<32xbf16>
      %get3A_2109 = arith.constant 2 : i32
      %get3A_2110 = arith.constant 45 : i32
      %get3A_2111 = arith.index_cast %get3A_2109 : i32 to index
      %get3A_2112 = arith.index_cast %get3A_2110 : i32 to index
      %get3A_2113 = arith.constant 0 : index
      %get3A_2114 = tpu.vector_load %arg6[%get3A_2111, %get3A_2112, %get3A_2113] {strides = array<i32>} : memref<4x50x32xf32, #tpu.memory_space<vmem>>, vector<16xf32>,
      %bitcast3A_2115 = vector.bitcast %get3A_2114 : vector<16xf32> to vector<32xbf16>
      %add3A_2116 = arith.addf %add3A_2108, %bitcast3A_2115 : vector<32xbf16>
      %get3A_2117 = arith.constant 2 : i32
      %get3A_2118 = arith.constant 46 : i32
      %get3A_2119 = arith.index_cast %get3A_2117 : i32 to index
      %get3A_2120 = arith.index_cast %get3A_2118 : i32 to index
      %get3A_2121 = arith.constant 0 : index
      %get3A_2122 = tpu.vector_load %arg6[%get3A_2119, %get3A_2120, %get3A_2121] {strides = array<i32>} : memref<4x50x32xf32, #tpu.memory_space<vmem>>, vector<16xf32>,
      %bitcast3A_2123 = vector.bitcast %get3A_2122 : vector<16xf32> to vector<32xbf16>
      %add3A_2124 = arith.addf %add3A_2116, %bitcast3A_2123 : vector<32xbf16>
      %get3A_2125 = arith.constant 2 : i32
      %get3A_2126 = arith.constant 47 : i32
      %get3A_2127 = arith.index_cast %get3A_2125 : i32 to index
      %get3A_2128 = arith.index_cast %get3A_2126 : i32 to index
      %get3A_2129 = arith.constant 0 : index
      %get3A_2130 = tpu.vector_load %arg6[%get3A_2127, %get3A_2128, %get3A_2129] {strides = array<i32>} : memref<4x50x32xf32, #tpu.memory_space<vmem>>, vector<16xf32>,
      %bitcast3A_2131 = vector.bitcast %get3A_2130 : vector<16xf32> to vector<32xbf16>
      %add3A_2132 = arith.addf %add3A_2124, %bitcast3A_2131 : vector<32xbf16>
      %get3A_2133 = arith.constant 2 : i32
      %get3A_2134 = arith.constant 48 : i32
      %get3A_2135 = arith.index_cast %get3A_2133 : i32 to index
      %get3A_2136 = arith.index_cast %get3A_2134 : i32 to index
      %get3A_2137 = arith.constant 0 : index
      %get3A_2138 = tpu.vector_load %arg6[%get3A_2135, %get3A_2136, %get3A_2137] {strides = array<i32>} : memref<4x50x32xf32, #tpu.memory_space<vmem>>, vector<16xf32>,
      %bitcast3A_2139 = vector.bitcast %get3A_2138 : vector<16xf32> to vector<32xbf16>
      %add3A_2140 = arith.addf %add3A_2132, %bitcast3A_2139 : vector<32xbf16>
      %get3A_2141 = arith.constant 2 : i32
      %get3A_2142 = arith.constant 49 : i32
      %get3A_2143 = arith.index_cast %get3A_2141 : i32 to index
      %get3A_2144 = arith.index_cast %get3A_2142 : i32 to index
      %get3A_2145 = arith.constant 0 : index
      %get3A_2146 = tpu.vector_load %arg6[%get3A_2143, %get3A_2144, %get3A_2145] {strides = array<i32>} : memref<4x50x32xf32, #tpu.memory_space<vmem>>, vector<16xf32>,
      %bitcast3A_2147 = vector.bitcast %get3A_2146 : vector<16xf32> to vector<32xbf16>
      %add3A_2148 = arith.addf %add3A_2140, %bitcast3A_2147 : vector<32xbf16>
      %unpack3A_2149 = tpu.unpack_subelements %add3A_2148, 0 {pack_format = #tpu.pack_format<interleaved>} : vector<32xbf16> -> vector<16xf32>
      %unpack3A_2150 = tpu.unpack_subelements %add3A_2148, 1 {pack_format = #tpu.pack_format<interleaved>} : vector<32xbf16> -> vector<16xf32>
      %mul3A_2151 = arith.constant 2.000000e-02 : f32
      %mul3A_2152 = vector.broadcast %mul3A_2151 : f32 to vector<16xf32>
      %mul3A_2153 = arith.mulf %unpack3A_2149, %mul3A_2152 : vector<16xf32>
      %swap3A_2154 = arith.index_cast %add3A_1731 : i32 to index
      %swap3A_2155 = arith.constant 0 : index
      %swap3A_2156 = tpu.vector_load %arg7[%swap3A_2154, %swap3A_2155] {strides = array<i32>} : memref<512x64xf32, #tpu.memory_space<vmem>>, vector<16xf32>,
      tpu.vector_store %arg7[%swap3A_2154, %swap3A_2155], %mul3A_2153 {strides = array<i32>} : memref<512x64xf32, #tpu.memory_space<vmem>>, vector<16xf32>,
      %mul3A_2157 = arith.constant 2.000000e-02 : f32
      %mul3A_2158 = vector.broadcast %mul3A_2157 : f32 to vector<16xf32>
      %mul3A_2159 = arith.mulf %unpack3A_2150, %mul3A_2158 : vector<16xf32>
      %swap3A_2160 = arith.index_cast %add3A_1731 : i32 to index
      %swap3A_2161 = arith.constant 16 : index
      %swap3A_2162 = tpu.vector_load %arg7[%swap3A_2160, %swap3A_2161] {strides = array<i32>} : memref<512x64xf32, #tpu.memory_space<vmem>>, vector<16xf32>,
      tpu.vector_store %arg7[%swap3A_2160, %swap3A_2161], %mul3A_2159 {strides = array<i32>} : memref<512x64xf32, #tpu.memory_space<vmem>>, vector<16xf32>,
      %get3A_2163 = arith.constant 2 : i32
      %get3A_2164 = arith.constant 0 : i32
      %get3A_2165 = arith.index_cast %get3A_2163 : i32 to index
      %get3A_2166 = arith.index_cast %get3A_2164 : i32 to index
      %get3A_2167 = arith.constant 16 : index
      %get3A_2168 = tpu.vector_load %arg6[%get3A_2165, %get3A_2166, %get3A_2167] {strides = array<i32>} : memref<4x50x32xf32, #tpu.memory_space<vmem>>, vector<16xf32>,
      %bitcast3A_2169 = vector.bitcast %get3A_2168 : vector<16xf32> to vector<32xbf16>
      %get3A_2170 = arith.constant 2 : i32
      %get3A_2171 = arith.constant 1 : i32
      %get3A_2172 = arith.index_cast %get3A_2170 : i32 to index
      %get3A_2173 = arith.index_cast %get3A_2171 : i32 to index
      %get3A_2174 = arith.constant 16 : index
      %get3A_2175 = tpu.vector_load %arg6[%get3A_2172, %get3A_2173, %get3A_2174] {strides = array<i32>} : memref<4x50x32xf32, #tpu.memory_space<vmem>>, vector<16xf32>,
      %bitcast3A_2176 = vector.bitcast %get3A_2175 : vector<16xf32> to vector<32xbf16>
      %add3A_2177 = arith.addf %bitcast3A_2169, %bitcast3A_2176 : vector<32xbf16>
      %get3A_2178 = arith.constant 2 : i32
      %get3A_2179 = arith.constant 2 : i32
      %get3A_2180 = arith.index_cast %get3A_2178 : i32 to index
      %get3A_2181 = arith.index_cast %get3A_2179 : i32 to index
      %get3A_2182 = arith.constant 16 : index
      %get3A_2183 = tpu.vector_load %arg6[%get3A_2180, %get3A_2181, %get3A_2182] {strides = array<i32>} : memref<4x50x32xf32, #tpu.memory_space<vmem>>, vector<16xf32>,
      %bitcast3A_2184 = vector.bitcast %get3A_2183 : vector<16xf32> to vector<32xbf16>
      %add3A_2185 = arith.addf %add3A_2177, %bitcast3A_2184 : vector<32xbf16>
      %get3A_2186 = arith.constant 2 : i32
      %get3A_2187 = arith.constant 3 : i32
      %get3A_2188 = arith.index_cast %get3A_2186 : i32 to index
      %get3A_2189 = arith.index_cast %get3A_2187 : i32 to index
      %get3A_2190 = arith.constant 16 : index
      %get3A_2191 = tpu.vector_load %arg6[%get3A_2188, %get3A_2189, %get3A_2190] {strides = array<i32>} : memref<4x50x32xf32, #tpu.memory_space<vmem>>, vector<16xf32>,
      %bitcast3A_2192 = vector.bitcast %get3A_2191 : vector<16xf32> to vector<32xbf16>
      %add3A_2193 = arith.addf %add3A_2185, %bitcast3A_2192 : vector<32xbf16>
      %get3A_2194 = arith.constant 2 : i32
      %get3A_2195 = arith.constant 4 : i32
      %get3A_2196 = arith.index_cast %get3A_2194 : i32 to index
      %get3A_2197 = arith.index_cast %get3A_2195 : i32 to index
      %get3A_2198 = arith.constant 16 : index
      %get3A_2199 = tpu.vector_load %arg6[%get3A_2196, %get3A_2197, %get3A_2198] {strides = array<i32>} : memref<4x50x32xf32, #tpu.memory_space<vmem>>, vector<16xf32>,
      %bitcast3A_2200 = vector.bitcast %get3A_2199 : vector<16xf32> to vector<32xbf16>
      %add3A_2201 = arith.addf %add3A_2193, %bitcast3A_2200 : vector<32xbf16>
      %get3A_2202 = arith.constant 2 : i32
      %get3A_2203 = arith.constant 5 : i32
      %get3A_2204 = arith.index_cast %get3A_2202 : i32 to index
      %get3A_2205 = arith.index_cast %get3A_2203 : i32 to index
      %get3A_2206 = arith.constant 16 : index
      %get3A_2207 = tpu.vector_load %arg6[%get3A_2204, %get3A_2205, %get3A_2206] {strides = array<i32>} : memref<4x50x32xf32, #tpu.memory_space<vmem>>, vector<16xf32>,
      %bitcast3A_2208 = vector.bitcast %get3A_2207 : vector<16xf32> to vector<32xbf16>
      %add3A_2209 = arith.addf %add3A_2201, %bitcast3A_2208 : vector<32xbf16>
      %get3A_2210 = arith.constant 2 : i32
      %get3A_2211 = arith.constant 6 : i32
      %get3A_2212 = arith.index_cast %get3A_2210 : i32 to index
      %get3A_2213 = arith.index_cast %get3A_2211 : i32 to index
      %get3A_2214 = arith.constant 16 : index
      %get3A_2215 = tpu.vector_load %arg6[%get3A_2212, %get3A_2213, %get3A_2214] {strides = array<i32>} : memref<4x50x32xf32, #tpu.memory_space<vmem>>, vector<16xf32>,
      %bitcast3A_2216 = vector.bitcast %get3A_2215 : vector<16xf32> to vector<32xbf16>
      %add3A_2217 = arith.addf %add3A_2209, %bitcast3A_2216 : vector<32xbf16>
      %get3A_2218 = arith.constant 2 : i32
      %get3A_2219 = arith.constant 7 : i32
      %get3A_2220 = arith.index_cast %get3A_2218 : i32 to index
      %get3A_2221 = arith.index_cast %get3A_2219 : i32 to index
      %get3A_2222 = arith.constant 16 : index
      %get3A_2223 = tpu.vector_load %arg6[%get3A_2220, %get3A_2221, %get3A_2222] {strides = array<i32>} : memref<4x50x32xf32, #tpu.memory_space<vmem>>, vector<16xf32>,
      %bitcast3A_2224 = vector.bitcast %get3A_2223 : vector<16xf32> to vector<32xbf16>
      %add3A_2225 = arith.addf %add3A_2217, %bitcast3A_2224 : vector<32xbf16>
      %get3A_2226 = arith.constant 2 : i32
      %get3A_2227 = arith.constant 8 : i32
      %get3A_2228 = arith.index_cast %get3A_2226 : i32 to index
      %get3A_2229 = arith.index_cast %get3A_2227 : i32 to index
      %get3A_2230 = arith.constant 16 : index
      %get3A_2231 = tpu.vector_load %arg6[%get3A_2228, %get3A_2229, %get3A_2230] {strides = array<i32>} : memref<4x50x32xf32, #tpu.memory_space<vmem>>, vector<16xf32>,
      %bitcast3A_2232 = vector.bitcast %get3A_2231 : vector<16xf32> to vector<32xbf16>
      %add3A_2233 = arith.addf %add3A_2225, %bitcast3A_2232 : vector<32xbf16>
      %get3A_2234 = arith.constant 2 : i32
      %get3A_2235 = arith.constant 9 : i32
      %get3A_2236 = arith.index_cast %get3A_2234 : i32 to index
      %get3A_2237 = arith.index_cast %get3A_2235 : i32 to index
      %get3A_2238 = arith.constant 16 : index
      %get3A_2239 = tpu.vector_load %arg6[%get3A_2236, %get3A_2237, %get3A_2238] {strides = array<i32>} : memref<4x50x32xf32, #tpu.memory_space<vmem>>, vector<16xf32>,
      %bitcast3A_2240 = vector.bitcast %get3A_2239 : vector<16xf32> to vector<32xbf16>
      %add3A_2241 = arith.addf %add3A_2233, %bitcast3A_2240 : vector<32xbf16>
      %get3A_2242 = arith.constant 2 : i32
      %get3A_2243 = arith.constant 10 : i32
      %get3A_2244 = arith.index_cast %get3A_2242 : i32 to index
      %get3A_2245 = arith.index_cast %get3A_2243 : i32 to index
      %get3A_2246 = arith.constant 16 : index
      %get3A_2247 = tpu.vector_load %arg6[%get3A_2244, %get3A_2245, %get3A_2246] {strides = array<i32>} : memref<4x50x32xf32, #tpu.memory_space<vmem>>, vector<16xf32>,
      %bitcast3A_2248 = vector.bitcast %get3A_2247 : vector<16xf32> to vector<32xbf16>
      %add3A_2249 = arith.addf %add3A_2241, %bitcast3A_2248 : vector<32xbf16>
      %get3A_2250 = arith.constant 2 : i32
      %get3A_2251 = arith.constant 11 : i32
      %get3A_2252 = arith.index_cast %get3A_2250 : i32 to index
      %get3A_2253 = arith.index_cast %get3A_2251 : i32 to index
      %get3A_2254 = arith.constant 16 : index
      %get3A_2255 = tpu.vector_load %arg6[%get3A_2252, %get3A_2253, %get3A_2254] {strides = array<i32>} : memref<4x50x32xf32, #tpu.memory_space<vmem>>, vector<16xf32>,
      %bitcast3A_2256 = vector.bitcast %get3A_2255 : vector<16xf32> to vector<32xbf16>
      %add3A_2257 = arith.addf %add3A_2249, %bitcast3A_2256 : vector<32xbf16>
      %get3A_2258 = arith.constant 2 : i32
      %get3A_2259 = arith.constant 12 : i32
      %get3A_2260 = arith.index_cast %get3A_2258 : i32 to index
      %get3A_2261 = arith.index_cast %get3A_2259 : i32 to index
      %get3A_2262 = arith.constant 16 : index
      %get3A_2263 = tpu.vector_load %arg6[%get3A_2260, %get3A_2261, %get3A_2262] {strides = array<i32>} : memref<4x50x32xf32, #tpu.memory_space<vmem>>, vector<16xf32>,
      %bitcast3A_2264 = vector.bitcast %get3A_2263 : vector<16xf32> to vector<32xbf16>
      %add3A_2265 = arith.addf %add3A_2257, %bitcast3A_2264 : vector<32xbf16>
      %get3A_2266 = arith.constant 2 : i32
      %get3A_2267 = arith.constant 13 : i32
      %get3A_2268 = arith.index_cast %get3A_2266 : i32 to index
      %get3A_2269 = arith.index_cast %get3A_2267 : i32 to index
      %get3A_2270 = arith.constant 16 : index
      %get3A_2271 = tpu.vector_load %arg6[%get3A_2268, %get3A_2269, %get3A_2270] {strides = array<i32>} : memref<4x50x32xf32, #tpu.memory_space<vmem>>, vector<16xf32>,
      %bitcast3A_2272 = vector.bitcast %get3A_2271 : vector<16xf32> to vector<32xbf16>
      %add3A_2273 = arith.addf %add3A_2265, %bitcast3A_2272 : vector<32xbf16>
      %get3A_2274 = arith.constant 2 : i32
      %get3A_2275 = arith.constant 14 : i32
      %get3A_2276 = arith.index_cast %get3A_2274 : i32 to index
      %get3A_2277 = arith.index_cast %get3A_2275 : i32 to index
      %get3A_2278 = arith.constant 16 : index
      %get3A_2279 = tpu.vector_load %arg6[%get3A_2276, %get3A_2277, %get3A_2278] {strides = array<i32>} : memref<4x50x32xf32, #tpu.memory_space<vmem>>, vector<16xf32>,
      %bitcast3A_2280 = vector.bitcast %get3A_2279 : vector<16xf32> to vector<32xbf16>
      %add3A_2281 = arith.addf %add3A_2273, %bitcast3A_2280 : vector<32xbf16>
      %get3A_2282 = arith.constant 2 : i32
      %get3A_2283 = arith.constant 15 : i32
      %get3A_2284 = arith.index_cast %get3A_2282 : i32 to index
      %get3A_2285 = arith.index_cast %get3A_2283 : i32 to index
      %get3A_2286 = arith.constant 16 : index
      %get3A_2287 = tpu.vector_load %arg6[%get3A_2284, %get3A_2285, %get3A_2286] {strides = array<i32>} : memref<4x50x32xf32, #tpu.memory_space<vmem>>, vector<16xf32>,
      %bitcast3A_2288 = vector.bitcast %get3A_2287 : vector<16xf32> to vector<32xbf16>
      %add3A_2289 = arith.addf %add3A_2281, %bitcast3A_2288 : vector<32xbf16>
      %get3A_2290 = arith.constant 2 : i32
      %get3A_2291 = arith.constant 16 : i32
      %get3A_2292 = arith.index_cast %get3A_2290 : i32 to index
      %get3A_2293 = arith.index_cast %get3A_2291 : i32 to index
      %get3A_2294 = arith.constant 16 : index
      %get3A_2295 = tpu.vector_load %arg6[%get3A_2292, %get3A_2293, %get3A_2294] {strides = array<i32>} : memref<4x50x32xf32, #tpu.memory_space<vmem>>, vector<16xf32>,
      %bitcast3A_2296 = vector.bitcast %get3A_2295 : vector<16xf32> to vector<32xbf16>
      %add3A_2297 = arith.addf %add3A_2289, %bitcast3A_2296 : vector<32xbf16>
      %get3A_2298 = arith.constant 2 : i32
      %get3A_2299 = arith.constant 17 : i32
      %get3A_2300 = arith.index_cast %get3A_2298 : i32 to index
      %get3A_2301 = arith.index_cast %get3A_2299 : i32 to index
      %get3A_2302 = arith.constant 16 : index
      %get3A_2303 = tpu.vector_load %arg6[%get3A_2300, %get3A_2301, %get3A_2302] {strides = array<i32>} : memref<4x50x32xf32, #tpu.memory_space<vmem>>, vector<16xf32>,
      %bitcast3A_2304 = vector.bitcast %get3A_2303 : vector<16xf32> to vector<32xbf16>
      %add3A_2305 = arith.addf %add3A_2297, %bitcast3A_2304 : vector<32xbf16>
      %get3A_2306 = arith.constant 2 : i32
      %get3A_2307 = arith.constant 18 : i32
      %get3A_2308 = arith.index_cast %get3A_2306 : i32 to index
      %get3A_2309 = arith.index_cast %get3A_2307 : i32 to index
      %get3A_2310 = arith.constant 16 : index
      %get3A_2311 = tpu.vector_load %arg6[%get3A_2308, %get3A_2309, %get3A_2310] {strides = array<i32>} : memref<4x50x32xf32, #tpu.memory_space<vmem>>, vector<16xf32>,
      %bitcast3A_2312 = vector.bitcast %get3A_2311 : vector<16xf32> to vector<32xbf16>
      %add3A_2313 = arith.addf %add3A_2305, %bitcast3A_2312 : vector<32xbf16>
      %get3A_2314 = arith.constant 2 : i32
      %get3A_2315 = arith.constant 19 : i32
      %get3A_2316 = arith.index_cast %get3A_2314 : i32 to index
      %get3A_2317 = arith.index_cast %get3A_2315 : i32 to index
      %get3A_2318 = arith.constant 16 : index
      %get3A_2319 = tpu.vector_load %arg6[%get3A_2316, %get3A_2317, %get3A_2318] {strides = array<i32>} : memref<4x50x32xf32, #tpu.memory_space<vmem>>, vector<16xf32>,
      %bitcast3A_2320 = vector.bitcast %get3A_2319 : vector<16xf32> to vector<32xbf16>
      %add3A_2321 = arith.addf %add3A_2313, %bitcast3A_2320 : vector<32xbf16>
      %get3A_2322 = arith.constant 2 : i32
      %get3A_2323 = arith.constant 20 : i32
      %get3A_2324 = arith.index_cast %get3A_2322 : i32 to index
      %get3A_2325 = arith.index_cast %get3A_2323 : i32 to index
      %get3A_2326 = arith.constant 16 : index
      %get3A_2327 = tpu.vector_load %arg6[%get3A_2324, %get3A_2325, %get3A_2326] {strides = array<i32>} : memref<4x50x32xf32, #tpu.memory_space<vmem>>, vector<16xf32>,
      %bitcast3A_2328 = vector.bitcast %get3A_2327 : vector<16xf32> to vector<32xbf16>
      %add3A_2329 = arith.addf %add3A_2321, %bitcast3A_2328 : vector<32xbf16>
      %get3A_2330 = arith.constant 2 : i32
      %get3A_2331 = arith.constant 21 : i32
      %get3A_2332 = arith.index_cast %get3A_2330 : i32 to index
      %get3A_2333 = arith.index_cast %get3A_2331 : i32 to index
      %get3A_2334 = arith.constant 16 : index
      %get3A_2335 = tpu.vector_load %arg6[%get3A_2332, %get3A_2333, %get3A_2334] {strides = array<i32>} : memref<4x50x32xf32, #tpu.memory_space<vmem>>, vector<16xf32>,
      %bitcast3A_2336 = vector.bitcast %get3A_2335 : vector<16xf32> to vector<32xbf16>
      %add3A_2337 = arith.addf %add3A_2329, %bitcast3A_2336 : vector<32xbf16>
      %get3A_2338 = arith.constant 2 : i32
      %get3A_2339 = arith.constant 22 : i32
      %get3A_2340 = arith.index_cast %get3A_2338 : i32 to index
      %get3A_2341 = arith.index_cast %get3A_2339 : i32 to index
      %get3A_2342 = arith.constant 16 : index
      %get3A_2343 = tpu.vector_load %arg6[%get3A_2340, %get3A_2341, %get3A_2342] {strides = array<i32>} : memref<4x50x32xf32, #tpu.memory_space<vmem>>, vector<16xf32>,
      %bitcast3A_2344 = vector.bitcast %get3A_2343 : vector<16xf32> to vector<32xbf16>
      %add3A_2345 = arith.addf %add3A_2337, %bitcast3A_2344 : vector<32xbf16>
      %get3A_2346 = arith.constant 2 : i32
      %get3A_2347 = arith.constant 23 : i32
      %get3A_2348 = arith.index_cast %get3A_2346 : i32 to index
      %get3A_2349 = arith.index_cast %get3A_2347 : i32 to index
      %get3A_2350 = arith.constant 16 : index
      %get3A_2351 = tpu.vector_load %arg6[%get3A_2348, %get3A_2349, %get3A_2350] {strides = array<i32>} : memref<4x50x32xf32, #tpu.memory_space<vmem>>, vector<16xf32>,
      %bitcast3A_2352 = vector.bitcast %get3A_2351 : vector<16xf32> to vector<32xbf16>
      %add3A_2353 = arith.addf %add3A_2345, %bitcast3A_2352 : vector<32xbf16>
      %get3A_2354 = arith.constant 2 : i32
      %get3A_2355 = arith.constant 24 : i32
      %get3A_2356 = arith.index_cast %get3A_2354 : i32 to index
      %get3A_2357 = arith.index_cast %get3A_2355 : i32 to index
      %get3A_2358 = arith.constant 16 : index
      %get3A_2359 = tpu.vector_load %arg6[%get3A_2356, %get3A_2357, %get3A_2358] {strides = array<i32>} : memref<4x50x32xf32, #tpu.memory_space<vmem>>, vector<16xf32>,
      %bitcast3A_2360 = vector.bitcast %get3A_2359 : vector<16xf32> to vector<32xbf16>
      %add3A_2361 = arith.addf %add3A_2353, %bitcast3A_2360 : vector<32xbf16>
      %get3A_2362 = arith.constant 2 : i32
      %get3A_2363 = arith.constant 25 : i32
      %get3A_2364 = arith.index_cast %get3A_2362 : i32 to index
      %get3A_2365 = arith.index_cast %get3A_2363 : i32 to index
      %get3A_2366 = arith.constant 16 : index
      %get3A_2367 = tpu.vector_load %arg6[%get3A_2364, %get3A_2365, %get3A_2366] {strides = array<i32>} : memref<4x50x32xf32, #tpu.memory_space<vmem>>, vector<16xf32>,
      %bitcast3A_2368 = vector.bitcast %get3A_2367 : vector<16xf32> to vector<32xbf16>
      %add3A_2369 = arith.addf %add3A_2361, %bitcast3A_2368 : vector<32xbf16>
      %get3A_2370 = arith.constant 2 : i32
      %get3A_2371 = arith.constant 26 : i32
      %get3A_2372 = arith.index_cast %get3A_2370 : i32 to index
      %get3A_2373 = arith.index_cast %get3A_2371 : i32 to index
      %get3A_2374 = arith.constant 16 : index
      %get3A_2375 = tpu.vector_load %arg6[%get3A_2372, %get3A_2373, %get3A_2374] {strides = array<i32>} : memref<4x50x32xf32, #tpu.memory_space<vmem>>, vector<16xf32>,
      %bitcast3A_2376 = vector.bitcast %get3A_2375 : vector<16xf32> to vector<32xbf16>
      %add3A_2377 = arith.addf %add3A_2369, %bitcast3A_2376 : vector<32xbf16>
      %get3A_2378 = arith.constant 2 : i32
      %get3A_2379 = arith.constant 27 : i32
      %get3A_2380 = arith.index_cast %get3A_2378 : i32 to index
      %get3A_2381 = arith.index_cast %get3A_2379 : i32 to index
      %get3A_2382 = arith.constant 16 : index
      %get3A_2383 = tpu.vector_load %arg6[%get3A_2380, %get3A_2381, %get3A_2382] {strides = array<i32>} : memref<4x50x32xf32, #tpu.memory_space<vmem>>, vector<16xf32>,
      %bitcast3A_2384 = vector.bitcast %get3A_2383 : vector<16xf32> to vector<32xbf16>
      %add3A_2385 = arith.addf %add3A_2377, %bitcast3A_2384 : vector<32xbf16>
      %get3A_2386 = arith.constant 2 : i32
      %get3A_2387 = arith.constant 28 : i32
      %get3A_2388 = arith.index_cast %get3A_2386 : i32 to index
      %get3A_2389 = arith.index_cast %get3A_2387 : i32 to index
      %get3A_2390 = arith.constant 16 : index
      %get3A_2391 = tpu.vector_load %arg6[%get3A_2388, %get3A_2389, %get3A_2390] {strides = array<i32>} : memref<4x50x32xf32, #tpu.memory_space<vmem>>, vector<16xf32>,
      %bitcast3A_2392 = vector.bitcast %get3A_2391 : vector<16xf32> to vector<32xbf16>
      %add3A_2393 = arith.addf %add3A_2385, %bitcast3A_2392 : vector<32xbf16>
      %get3A_2394 = arith.constant 2 : i32
      %get3A_2395 = arith.constant 29 : i32
      %get3A_2396 = arith.index_cast %get3A_2394 : i32 to index
      %get3A_2397 = arith.index_cast %get3A_2395 : i32 to index
      %get3A_2398 = arith.constant 16 : index
      %get3A_2399 = tpu.vector_load %arg6[%get3A_2396, %get3A_2397, %get3A_2398] {strides = array<i32>} : memref<4x50x32xf32, #tpu.memory_space<vmem>>, vector<16xf32>,
      %bitcast3A_2400 = vector.bitcast %get3A_2399 : vector<16xf32> to vector<32xbf16>
      %add3A_2401 = arith.addf %add3A_2393, %bitcast3A_2400 : vector<32xbf16>
      %get3A_2402 = arith.constant 2 : i32
      %get3A_2403 = arith.constant 30 : i32
      %get3A_2404 = arith.index_cast %get3A_2402 : i32 to index
      %get3A_2405 = arith.index_cast %get3A_2403 : i32 to index
      %get3A_2406 = arith.constant 16 : index
      %get3A_2407 = tpu.vector_load %arg6[%get3A_2404, %get3A_2405, %get3A_2406] {strides = array<i32>} : memref<4x50x32xf32, #tpu.memory_space<vmem>>, vector<16xf32>,
      %bitcast3A_2408 = vector.bitcast %get3A_2407 : vector<16xf32> to vector<32xbf16>
      %add3A_2409 = arith.addf %add3A_2401, %bitcast3A_2408 : vector<32xbf16>
      %get3A_2410 = arith.constant 2 : i32
      %get3A_2411 = arith.constant 31 : i32
      %get3A_2412 = arith.index_cast %get3A_2410 : i32 to index
      %get3A_2413 = arith.index_cast %get3A_2411 : i32 to index
      %get3A_2414 = arith.constant 16 : index
      %get3A_2415 = tpu.vector_load %arg6[%get3A_2412, %get3A_2413, %get3A_2414] {strides = array<i32>} : memref<4x50x32xf32, #tpu.memory_space<vmem>>, vector<16xf32>,
      %bitcast3A_2416 = vector.bitcast %get3A_2415 : vector<16xf32> to vector<32xbf16>
      %add3A_2417 = arith.addf %add3A_2409, %bitcast3A_2416 : vector<32xbf16>
      %get3A_2418 = arith.constant 2 : i32
      %get3A_2419 = arith.constant 32 : i32
      %get3A_2420 = arith.index_cast %get3A_2418 : i32 to index
      %get3A_2421 = arith.index_cast %get3A_2419 : i32 to index
      %get3A_2422 = arith.constant 16 : index
      %get3A_2423 = tpu.vector_load %arg6[%get3A_2420, %get3A_2421, %get3A_2422] {strides = array<i32>} : memref<4x50x32xf32, #tpu.memory_space<vmem>>, vector<16xf32>,
      %bitcast3A_2424 = vector.bitcast %get3A_2423 : vector<16xf32> to vector<32xbf16>
      %add3A_2425 = arith.addf %add3A_2417, %bitcast3A_2424 : vector<32xbf16>
      %get3A_2426 = arith.constant 2 : i32
      %get3A_2427 = arith.constant 33 : i32
      %get3A_2428 = arith.index_cast %get3A_2426 : i32 to index
      %get3A_2429 = arith.index_cast %get3A_2427 : i32 to index
      %get3A_2430 = arith.constant 16 : index
      %get3A_2431 = tpu.vector_load %arg6[%get3A_2428, %get3A_2429, %get3A_2430] {strides = array<i32>} : memref<4x50x32xf32, #tpu.memory_space<vmem>>, vector<16xf32>,
      %bitcast3A_2432 = vector.bitcast %get3A_2431 : vector<16xf32> to vector<32xbf16>
      %add3A_2433 = arith.addf %add3A_2425, %bitcast3A_2432 : vector<32xbf16>
      %get3A_2434 = arith.constant 2 : i32
      %get3A_2435 = arith.constant 34 : i32
      %get3A_2436 = arith.index_cast %get3A_2434 : i32 to index
      %get3A_2437 = arith.index_cast %get3A_2435 : i32 to index
      %get3A_2438 = arith.constant 16 : index
      %get3A_2439 = tpu.vector_load %arg6[%get3A_2436, %get3A_2437, %get3A_2438] {strides = array<i32>} : memref<4x50x32xf32, #tpu.memory_space<vmem>>, vector<16xf32>,
      %bitcast3A_2440 = vector.bitcast %get3A_2439 : vector<16xf32> to vector<32xbf16>
      %add3A_2441 = arith.addf %add3A_2433, %bitcast3A_2440 : vector<32xbf16>
      %get3A_2442 = arith.constant 2 : i32
      %get3A_2443 = arith.constant 35 : i32
      %get3A_2444 = arith.index_cast %get3A_2442 : i32 to index
      %get3A_2445 = arith.index_cast %get3A_2443 : i32 to index
      %get3A_2446 = arith.constant 16 : index
      %get3A_2447 = tpu.vector_load %arg6[%get3A_2444, %get3A_2445, %get3A_2446] {strides = array<i32>} : memref<4x50x32xf32, #tpu.memory_space<vmem>>, vector<16xf32>,
      %bitcast3A_2448 = vector.bitcast %get3A_2447 : vector<16xf32> to vector<32xbf16>
      %add3A_2449 = arith.addf %add3A_2441, %bitcast3A_2448 : vector<32xbf16>
      %get3A_2450 = arith.constant 2 : i32
      %get3A_2451 = arith.constant 36 : i32
      %get3A_2452 = arith.index_cast %get3A_2450 : i32 to index
      %get3A_2453 = arith.index_cast %get3A_2451 : i32 to index
      %get3A_2454 = arith.constant 16 : index
      %get3A_2455 = tpu.vector_load %arg6[%get3A_2452, %get3A_2453, %get3A_2454] {strides = array<i32>} : memref<4x50x32xf32, #tpu.memory_space<vmem>>, vector<16xf32>,
      %bitcast3A_2456 = vector.bitcast %get3A_2455 : vector<16xf32> to vector<32xbf16>
      %add3A_2457 = arith.addf %add3A_2449, %bitcast3A_2456 : vector<32xbf16>
      %get3A_2458 = arith.constant 2 : i32
      %get3A_2459 = arith.constant 37 : i32
      %get3A_2460 = arith.index_cast %get3A_2458 : i32 to index
      %get3A_2461 = arith.index_cast %get3A_2459 : i32 to index
      %get3A_2462 = arith.constant 16 : index
      %get3A_2463 = tpu.vector_load %arg6[%get3A_2460, %get3A_2461, %get3A_2462] {strides = array<i32>} : memref<4x50x32xf32, #tpu.memory_space<vmem>>, vector<16xf32>,
      %bitcast3A_2464 = vector.bitcast %get3A_2463 : vector<16xf32> to vector<32xbf16>
      %add3A_2465 = arith.addf %add3A_2457, %bitcast3A_2464 : vector<32xbf16>
      %get3A_2466 = arith.constant 2 : i32
      %get3A_2467 = arith.constant 38 : i32
      %get3A_2468 = arith.index_cast %get3A_2466 : i32 to index
      %get3A_2469 = arith.index_cast %get3A_2467 : i32 to index
      %get3A_2470 = arith.constant 16 : index
      %get3A_2471 = tpu.vector_load %arg6[%get3A_2468, %get3A_2469, %get3A_2470] {strides = array<i32>} : memref<4x50x32xf32, #tpu.memory_space<vmem>>, vector<16xf32>,
      %bitcast3A_2472 = vector.bitcast %get3A_2471 : vector<16xf32> to vector<32xbf16>
      %add3A_2473 = arith.addf %add3A_2465, %bitcast3A_2472 : vector<32xbf16>
      %get3A_2474 = arith.constant 2 : i32
      %get3A_2475 = arith.constant 39 : i32
      %get3A_2476 = arith.index_cast %get3A_2474 : i32 to index
      %get3A_2477 = arith.index_cast %get3A_2475 : i32 to index
      %get3A_2478 = arith.constant 16 : index
      %get3A_2479 = tpu.vector_load %arg6[%get3A_2476, %get3A_2477, %get3A_2478] {strides = array<i32>} : memref<4x50x32xf32, #tpu.memory_space<vmem>>, vector<16xf32>,
      %bitcast3A_2480 = vector.bitcast %get3A_2479 : vector<16xf32> to vector<32xbf16>
      %add3A_2481 = arith.addf %add3A_2473, %bitcast3A_2480 : vector<32xbf16>
      %get3A_2482 = arith.constant 2 : i32
      %get3A_2483 = arith.constant 40 : i32
      %get3A_2484 = arith.index_cast %get3A_2482 : i32 to index
      %get3A_2485 = arith.index_cast %get3A_2483 : i32 to index
      %get3A_2486 = arith.constant 16 : index
      %get3A_2487 = tpu.vector_load %arg6[%get3A_2484, %get3A_2485, %get3A_2486] {strides = array<i32>} : memref<4x50x32xf32, #tpu.memory_space<vmem>>, vector<16xf32>,
      %bitcast3A_2488 = vector.bitcast %get3A_2487 : vector<16xf32> to vector<32xbf16>
      %add3A_2489 = arith.addf %add3A_2481, %bitcast3A_2488 : vector<32xbf16>
      %get3A_2490 = arith.constant 2 : i32
      %get3A_2491 = arith.constant 41 : i32
      %get3A_2492 = arith.index_cast %get3A_2490 : i32 to index
      %get3A_2493 = arith.index_cast %get3A_2491 : i32 to index
      %get3A_2494 = arith.constant 16 : index
      %get3A_2495 = tpu.vector_load %arg6[%get3A_2492, %get3A_2493, %get3A_2494] {strides = array<i32>} : memref<4x50x32xf32, #tpu.memory_space<vmem>>, vector<16xf32>,
      %bitcast3A_2496 = vector.bitcast %get3A_2495 : vector<16xf32> to vector<32xbf16>
      %add3A_2497 = arith.addf %add3A_2489, %bitcast3A_2496 : vector<32xbf16>
      %get3A_2498 = arith.constant 2 : i32
      %get3A_2499 = arith.constant 42 : i32
      %get3A_2500 = arith.index_cast %get3A_2498 : i32 to index
      %get3A_2501 = arith.index_cast %get3A_2499 : i32 to index
      %get3A_2502 = arith.constant 16 : index
      %get3A_2503 = tpu.vector_load %arg6[%get3A_2500, %get3A_2501, %get3A_2502] {strides = array<i32>} : memref<4x50x32xf32, #tpu.memory_space<vmem>>, vector<16xf32>,
      %bitcast3A_2504 = vector.bitcast %get3A_2503 : vector<16xf32> to vector<32xbf16>
      %add3A_2505 = arith.addf %add3A_2497, %bitcast3A_2504 : vector<32xbf16>
      %get3A_2506 = arith.constant 2 : i32
      %get3A_2507 = arith.constant 43 : i32
      %get3A_2508 = arith.index_cast %get3A_2506 : i32 to index
      %get3A_2509 = arith.index_cast %get3A_2507 : i32 to index
      %get3A_2510 = arith.constant 16 : index
      %get3A_2511 = tpu.vector_load %arg6[%get3A_2508, %get3A_2509, %get3A_2510] {strides = array<i32>} : memref<4x50x32xf32, #tpu.memory_space<vmem>>, vector<16xf32>,
      %bitcast3A_2512 = vector.bitcast %get3A_2511 : vector<16xf32> to vector<32xbf16>
      %add3A_2513 = arith.addf %add3A_2505, %bitcast3A_2512 : vector<32xbf16>
      %get3A_2514 = arith.constant 2 : i32
      %get3A_2515 = arith.constant 44 : i32
      %get3A_2516 = arith.index_cast %get3A_2514 : i32 to index
      %get3A_2517 = arith.index_cast %get3A_2515 : i32 to index
      %get3A_2518 = arith.constant 16 : index
      %get3A_2519 = tpu.vector_load %arg6[%get3A_2516, %get3A_2517, %get3A_2518] {strides = array<i32>} : memref<4x50x32xf32, #tpu.memory_space<vmem>>, vector<16xf32>,
      %bitcast3A_2520 = vector.bitcast %get3A_2519 : vector<16xf32> to vector<32xbf16>
      %add3A_2521 = arith.addf %add3A_2513, %bitcast3A_2520 : vector<32xbf16>
      %get3A_2522 = arith.constant 2 : i32
      %get3A_2523 = arith.constant 45 : i32
      %get3A_2524 = arith.index_cast %get3A_2522 : i32 to index
      %get3A_2525 = arith.index_cast %get3A_2523 : i32 to index
      %get3A_2526 = arith.constant 16 : index
      %get3A_2527 = tpu.vector_load %arg6[%get3A_2524, %get3A_2525, %get3A_2526] {strides = array<i32>} : memref<4x50x32xf32, #tpu.memory_space<vmem>>, vector<16xf32>,
      %bitcast3A_2528 = vector.bitcast %get3A_2527 : vector<16xf32> to vector<32xbf16>
      %add3A_2529 = arith.addf %add3A_2521, %bitcast3A_2528 : vector<32xbf16>
      %get3A_2530 = arith.constant 2 : i32
      %get3A_2531 = arith.constant 46 : i32
      %get3A_2532 = arith.index_cast %get3A_2530 : i32 to index
      %get3A_2533 = arith.index_cast %get3A_2531 : i32 to index
      %get3A_2534 = arith.constant 16 : index
      %get3A_2535 = tpu.vector_load %arg6[%get3A_2532, %get3A_2533, %get3A_2534] {strides = array<i32>} : memref<4x50x32xf32, #tpu.memory_space<vmem>>, vector<16xf32>,
      %bitcast3A_2536 = vector.bitcast %get3A_2535 : vector<16xf32> to vector<32xbf16>
      %add3A_2537 = arith.addf %add3A_2529, %bitcast3A_2536 : vector<32xbf16>
      %get3A_2538 = arith.constant 2 : i32
      %get3A_2539 = arith.constant 47 : i32
      %get3A_2540 = arith.index_cast %get3A_2538 : i32 to index
      %get3A_2541 = arith.index_cast %get3A_2539 : i32 to index
      %get3A_2542 = arith.constant 16 : index
      %get3A_2543 = tpu.vector_load %arg6[%get3A_2540, %get3A_2541, %get3A_2542] {strides = array<i32>} : memref<4x50x32xf32, #tpu.memory_space<vmem>>, vector<16xf32>,
      %bitcast3A_2544 = vector.bitcast %get3A_2543 : vector<16xf32> to vector<32xbf16>
      %add3A_2545 = arith.addf %add3A_2537, %bitcast3A_2544 : vector<32xbf16>
      %get3A_2546 = arith.constant 2 : i32
      %get3A_2547 = arith.constant 48 : i32
      %get3A_2548 = arith.index_cast %get3A_2546 : i32 to index
      %get3A_2549 = arith.index_cast %get3A_2547 : i32 to index
      %get3A_2550 = arith.constant 16 : index
      %get3A_2551 = tpu.vector_load %arg6[%get3A_2548, %get3A_2549, %get3A_2550] {strides = array<i32>} : memref<4x50x32xf32, #tpu.memory_space<vmem>>, vector<16xf32>,
      %bitcast3A_2552 = vector.bitcast %get3A_2551 : vector<16xf32> to vector<32xbf16>
      %add3A_2553 = arith.addf %add3A_2545, %bitcast3A_2552 : vector<32xbf16>
      %get3A_2554 = arith.constant 2 : i32
      %get3A_2555 = arith.constant 49 : i32
      %get3A_2556 = arith.index_cast %get3A_2554 : i32 to index
      %get3A_2557 = arith.index_cast %get3A_2555 : i32 to index
      %get3A_2558 = arith.constant 16 : index
      %get3A_2559 = tpu.vector_load %arg6[%get3A_2556, %get3A_2557, %get3A_2558] {strides = array<i32>} : memref<4x50x32xf32, #tpu.memory_space<vmem>>, vector<16xf32>,
      %bitcast3A_2560 = vector.bitcast %get3A_2559 : vector<16xf32> to vector<32xbf16>
      %add3A_2561 = arith.addf %add3A_2553, %bitcast3A_2560 : vector<32xbf16>
      %unpack3A_2562 = tpu.unpack_subelements %add3A_2561, 0 {pack_format = #tpu.pack_format<interleaved>} : vector<32xbf16> -> vector<16xf32>
      %unpack3A_2563 = tpu.unpack_subelements %add3A_2561, 1 {pack_format = #tpu.pack_format<interleaved>} : vector<32xbf16> -> vector<16xf32>
      %mul3A_2564 = arith.constant 2.000000e-02 : f32
      %mul3A_2565 = vector.broadcast %mul3A_2564 : f32 to vector<16xf32>
      %mul3A_2566 = arith.mulf %unpack3A_2562, %mul3A_2565 : vector<16xf32>
      %swap3A_2567 = arith.index_cast %add3A_1731 : i32 to index
      %swap3A_2568 = arith.constant 32 : index
      %swap3A_2569 = tpu.vector_load %arg7[%swap3A_2567, %swap3A_2568] {strides = array<i32>} : memref<512x64xf32, #tpu.memory_space<vmem>>, vector<16xf32>,
      tpu.vector_store %arg7[%swap3A_2567, %swap3A_2568], %mul3A_2566 {strides = array<i32>} : memref<512x64xf32, #tpu.memory_space<vmem>>, vector<16xf32>,
      %mul3A_2570 = arith.constant 2.000000e-02 : f32
      %mul3A_2571 = vector.broadcast %mul3A_2570 : f32 to vector<16xf32>
      %mul3A_2572 = arith.mulf %unpack3A_2563, %mul3A_2571 : vector<16xf32>
      %swap3A_2573 = arith.index_cast %add3A_1731 : i32 to index
      %swap3A_2574 = arith.constant 48 : index
      %swap3A_2575 = tpu.vector_load %arg7[%swap3A_2573, %swap3A_2574] {strides = array<i32>} : memref<512x64xf32, #tpu.memory_space<vmem>>, vector<16xf32>,
      tpu.vector_store %arg7[%swap3A_2573, %swap3A_2574], %mul3A_2572 {strides = array<i32>} : memref<512x64xf32, #tpu.memory_space<vmem>>, vector<16xf32>,
      %add3A_2576 = arith.constant 3 : i32
      %add3A_2577 = arith.addi %mul3A_45, %add3A_2576 : i32
      %add3A_2578 = arith.constant 3 : i32
      %add3A_2579 = arith.addi %add3A_2577, %add3A_2578 : i32
      %lt3A_2580 = arith.constant 512 : i32
      %lt3A_2581 = arith.cmpi slt, %add3A_2579, %lt3A_2580 : i32
      %convert_element_type3A_2582 = arith.extui %lt3A_2581 : i1 to i32
      %cond3A_2583 = arith.constant 0 : i32
      %cond3A_2584 = arith.cmpi ne, %convert_element_type3A_2582, %cond3A_2583 : i32
      scf.if %cond3A_2584 {
        %add3A_3422 = arith.constant 3 : i32
        %add3A_3423 = arith.addi %add3A_2577, %add3A_3422 : i32
        %dma_start3A_3424 = arith.constant 2 : i32
        %dma_start3A_3425 = arith.constant 0 : i32
        %dma_start3A_3426 = arith.constant 0 : i32
        %dma_start3A_3427 = tpu.memref_slice %arg6[%dma_start3A_3424, %dma_start3A_3425, %dma_start3A_3426] : memref<4x50x32xf32, #tpu.memory_space<vmem>> -> memref<1x50x32xf32, #tpu.memory_space<vmem>>
        %dma_start3A_3428 = tpu.memref_squeeze %dma_start3A_3427 : memref<1x50x32xf32, #tpu.memory_space<vmem>> -> memref<50x32xf32, #tpu.memory_space<vmem>>
        %dma_start3A_3429 = arith.constant 0 : i32
        %dma_start3A_3430 = tpu.memref_slice %arg5[%add3A_3423, %dma_start3A_3429] : memref<512x50xi32, #tpu.memory_space<vmem>> -> memref<1x50xi32, #tpu.memory_space<vmem>>
        %dma_start3A_3431 = tpu.memref_squeeze %dma_start3A_3430 : memref<1x50xi32, #tpu.memory_space<vmem>> -> memref<50xi32, #tpu.memory_space<vmem>>
        %dma_start3A_3432 = arith.constant 0 : i32
        %dma_start3A_3433 = arith.constant 0 : i32
        %dma_start3A_3434 = tpu.memref_slice %arg3[%dma_start3A_3432, %dma_start3A_3433] : memref<1015808x32xf32, #tpu.memory_space<hbm>> -> memref<1015808x32xf32, #tpu.memory_space<hbm>>
        tpu.enqueue_indirect_dma source(%dma_start3A_3434 : memref<1015808x32xf32, #tpu.memory_space<hbm>>) target(%dma_start3A_3428 : memref<50x32xf32, #tpu.memory_space<vmem>>) offsets(%dma_start3A_3431 : memref<50xi32, #tpu.memory_space<vmem>>) semaphore(%arg10 : memref<!tpu.dma_semaphore, #tpu.memory_space<semaphore_mem>>)
      } else {
      }
      %dma_wait3A_2585 = arith.constant 3 : i32
      %dma_wait3A_2586 = arith.constant 0 : i32
      %dma_wait3A_2587 = arith.constant 0 : i32
      %dma_wait3A_2588 = tpu.memref_slice %arg6[%dma_wait3A_2585, %dma_wait3A_2586, %dma_wait3A_2587] : memref<4x50x32xf32, #tpu.memory_space<vmem>> -> memref<1x50x32xf32, #tpu.memory_space<vmem>>
      %dma_wait3A_2589 = tpu.memref_squeeze %dma_wait3A_2588 : memref<1x50x32xf32, #tpu.memory_space<vmem>> -> memref<50x32xf32, #tpu.memory_space<vmem>>
      %dma_wait3A_2590 = arith.constant 0 : i32
      %dma_wait3A_2591 = tpu.memref_slice %arg5[%add3A_2577, %dma_wait3A_2590] : memref<512x50xi32, #tpu.memory_space<vmem>> -> memref<1x50xi32, #tpu.memory_space<vmem>>
      %dma_wait3A_2592 = tpu.memref_squeeze %dma_wait3A_2591 : memref<1x50xi32, #tpu.memory_space<vmem>> -> memref<50xi32, #tpu.memory_space<vmem>>
      %dma_wait3A_2593 = arith.constant 0 : i32
      %dma_wait3A_2594 = arith.constant 0 : i32
      %dma_wait3A_2595 = tpu.memref_slice %arg3[%dma_wait3A_2593, %dma_wait3A_2594] : memref<1015808x32xf32, #tpu.memory_space<hbm>> -> memref<1015808x32xf32, #tpu.memory_space<hbm>>
      tpu.wait_indirect_dma semaphore(%arg11 : memref<!tpu.dma_semaphore, #tpu.memory_space<semaphore_mem>>) src(%dma_wait3A_2595 : memref<1015808x32xf32, #tpu.memory_space<hbm>>) dst(%dma_wait3A_2589 : memref<50x32xf32, #tpu.memory_space<vmem>>)
      %get3A_2596 = arith.constant 3 : i32
      %get3A_2597 = arith.constant 0 : i32
      %get3A_2598 = arith.index_cast %get3A_2596 : i32 to index
      %get3A_2599 = arith.index_cast %get3A_2597 : i32 to index
      %get3A_2600 = arith.constant 0 : index
      %get3A_2601 = tpu.vector_load %arg6[%get3A_2598, %get3A_2599, %get3A_2600] {strides = array<i32>} : memref<4x50x32xf32, #tpu.memory_space<vmem>>, vector<16xf32>,
      %bitcast3A_2602 = vector.bitcast %get3A_2601 : vector<16xf32> to vector<32xbf16>
      %get3A_2603 = arith.constant 3 : i32
      %get3A_2604 = arith.constant 1 : i32
      %get3A_2605 = arith.index_cast %get3A_2603 : i32 to index
      %get3A_2606 = arith.index_cast %get3A_2604 : i32 to index
      %get3A_2607 = arith.constant 0 : index
      %get3A_2608 = tpu.vector_load %arg6[%get3A_2605, %get3A_2606, %get3A_2607] {strides = array<i32>} : memref<4x50x32xf32, #tpu.memory_space<vmem>>, vector<16xf32>,
      %bitcast3A_2609 = vector.bitcast %get3A_2608 : vector<16xf32> to vector<32xbf16>
      %add3A_2610 = arith.addf %bitcast3A_2602, %bitcast3A_2609 : vector<32xbf16>
      %get3A_2611 = arith.constant 3 : i32
      %get3A_2612 = arith.constant 2 : i32
      %get3A_2613 = arith.index_cast %get3A_2611 : i32 to index
      %get3A_2614 = arith.index_cast %get3A_2612 : i32 to index
      %get3A_2615 = arith.constant 0 : index
      %get3A_2616 = tpu.vector_load %arg6[%get3A_2613, %get3A_2614, %get3A_2615] {strides = array<i32>} : memref<4x50x32xf32, #tpu.memory_space<vmem>>, vector<16xf32>,
      %bitcast3A_2617 = vector.bitcast %get3A_2616 : vector<16xf32> to vector<32xbf16>
      %add3A_2618 = arith.addf %add3A_2610, %bitcast3A_2617 : vector<32xbf16>
      %get3A_2619 = arith.constant 3 : i32
      %get3A_2620 = arith.constant 3 : i32
      %get3A_2621 = arith.index_cast %get3A_2619 : i32 to index
      %get3A_2622 = arith.index_cast %get3A_2620 : i32 to index
      %get3A_2623 = arith.constant 0 : index
      %get3A_2624 = tpu.vector_load %arg6[%get3A_2621, %get3A_2622, %get3A_2623] {strides = array<i32>} : memref<4x50x32xf32, #tpu.memory_space<vmem>>, vector<16xf32>,
      %bitcast3A_2625 = vector.bitcast %get3A_2624 : vector<16xf32> to vector<32xbf16>
      %add3A_2626 = arith.addf %add3A_2618, %bitcast3A_2625 : vector<32xbf16>
      %get3A_2627 = arith.constant 3 : i32
      %get3A_2628 = arith.constant 4 : i32
      %get3A_2629 = arith.index_cast %get3A_2627 : i32 to index
      %get3A_2630 = arith.index_cast %get3A_2628 : i32 to index
      %get3A_2631 = arith.constant 0 : index
      %get3A_2632 = tpu.vector_load %arg6[%get3A_2629, %get3A_2630, %get3A_2631] {strides = array<i32>} : memref<4x50x32xf32, #tpu.memory_space<vmem>>, vector<16xf32>,
      %bitcast3A_2633 = vector.bitcast %get3A_2632 : vector<16xf32> to vector<32xbf16>
      %add3A_2634 = arith.addf %add3A_2626, %bitcast3A_2633 : vector<32xbf16>
      %get3A_2635 = arith.constant 3 : i32
      %get3A_2636 = arith.constant 5 : i32
      %get3A_2637 = arith.index_cast %get3A_2635 : i32 to index
      %get3A_2638 = arith.index_cast %get3A_2636 : i32 to index
      %get3A_2639 = arith.constant 0 : index
      %get3A_2640 = tpu.vector_load %arg6[%get3A_2637, %get3A_2638, %get3A_2639] {strides = array<i32>} : memref<4x50x32xf32, #tpu.memory_space<vmem>>, vector<16xf32>,
      %bitcast3A_2641 = vector.bitcast %get3A_2640 : vector<16xf32> to vector<32xbf16>
      %add3A_2642 = arith.addf %add3A_2634, %bitcast3A_2641 : vector<32xbf16>
      %get3A_2643 = arith.constant 3 : i32
      %get3A_2644 = arith.constant 6 : i32
      %get3A_2645 = arith.index_cast %get3A_2643 : i32 to index
      %get3A_2646 = arith.index_cast %get3A_2644 : i32 to index
      %get3A_2647 = arith.constant 0 : index
      %get3A_2648 = tpu.vector_load %arg6[%get3A_2645, %get3A_2646, %get3A_2647] {strides = array<i32>} : memref<4x50x32xf32, #tpu.memory_space<vmem>>, vector<16xf32>,
      %bitcast3A_2649 = vector.bitcast %get3A_2648 : vector<16xf32> to vector<32xbf16>
      %add3A_2650 = arith.addf %add3A_2642, %bitcast3A_2649 : vector<32xbf16>
      %get3A_2651 = arith.constant 3 : i32
      %get3A_2652 = arith.constant 7 : i32
      %get3A_2653 = arith.index_cast %get3A_2651 : i32 to index
      %get3A_2654 = arith.index_cast %get3A_2652 : i32 to index
      %get3A_2655 = arith.constant 0 : index
      %get3A_2656 = tpu.vector_load %arg6[%get3A_2653, %get3A_2654, %get3A_2655] {strides = array<i32>} : memref<4x50x32xf32, #tpu.memory_space<vmem>>, vector<16xf32>,
      %bitcast3A_2657 = vector.bitcast %get3A_2656 : vector<16xf32> to vector<32xbf16>
      %add3A_2658 = arith.addf %add3A_2650, %bitcast3A_2657 : vector<32xbf16>
      %get3A_2659 = arith.constant 3 : i32
      %get3A_2660 = arith.constant 8 : i32
      %get3A_2661 = arith.index_cast %get3A_2659 : i32 to index
      %get3A_2662 = arith.index_cast %get3A_2660 : i32 to index
      %get3A_2663 = arith.constant 0 : index
      %get3A_2664 = tpu.vector_load %arg6[%get3A_2661, %get3A_2662, %get3A_2663] {strides = array<i32>} : memref<4x50x32xf32, #tpu.memory_space<vmem>>, vector<16xf32>,
      %bitcast3A_2665 = vector.bitcast %get3A_2664 : vector<16xf32> to vector<32xbf16>
      %add3A_2666 = arith.addf %add3A_2658, %bitcast3A_2665 : vector<32xbf16>
      %get3A_2667 = arith.constant 3 : i32
      %get3A_2668 = arith.constant 9 : i32
      %get3A_2669 = arith.index_cast %get3A_2667 : i32 to index
      %get3A_2670 = arith.index_cast %get3A_2668 : i32 to index
      %get3A_2671 = arith.constant 0 : index
      %get3A_2672 = tpu.vector_load %arg6[%get3A_2669, %get3A_2670, %get3A_2671] {strides = array<i32>} : memref<4x50x32xf32, #tpu.memory_space<vmem>>, vector<16xf32>,
      %bitcast3A_2673 = vector.bitcast %get3A_2672 : vector<16xf32> to vector<32xbf16>
      %add3A_2674 = arith.addf %add3A_2666, %bitcast3A_2673 : vector<32xbf16>
      %get3A_2675 = arith.constant 3 : i32
      %get3A_2676 = arith.constant 10 : i32
      %get3A_2677 = arith.index_cast %get3A_2675 : i32 to index
      %get3A_2678 = arith.index_cast %get3A_2676 : i32 to index
      %get3A_2679 = arith.constant 0 : index
      %get3A_2680 = tpu.vector_load %arg6[%get3A_2677, %get3A_2678, %get3A_2679] {strides = array<i32>} : memref<4x50x32xf32, #tpu.memory_space<vmem>>, vector<16xf32>,
      %bitcast3A_2681 = vector.bitcast %get3A_2680 : vector<16xf32> to vector<32xbf16>
      %add3A_2682 = arith.addf %add3A_2674, %bitcast3A_2681 : vector<32xbf16>
      %get3A_2683 = arith.constant 3 : i32
      %get3A_2684 = arith.constant 11 : i32
      %get3A_2685 = arith.index_cast %get3A_2683 : i32 to index
      %get3A_2686 = arith.index_cast %get3A_2684 : i32 to index
      %get3A_2687 = arith.constant 0 : index
      %get3A_2688 = tpu.vector_load %arg6[%get3A_2685, %get3A_2686, %get3A_2687] {strides = array<i32>} : memref<4x50x32xf32, #tpu.memory_space<vmem>>, vector<16xf32>,
      %bitcast3A_2689 = vector.bitcast %get3A_2688 : vector<16xf32> to vector<32xbf16>
      %add3A_2690 = arith.addf %add3A_2682, %bitcast3A_2689 : vector<32xbf16>
      %get3A_2691 = arith.constant 3 : i32
      %get3A_2692 = arith.constant 12 : i32
      %get3A_2693 = arith.index_cast %get3A_2691 : i32 to index
      %get3A_2694 = arith.index_cast %get3A_2692 : i32 to index
      %get3A_2695 = arith.constant 0 : index
      %get3A_2696 = tpu.vector_load %arg6[%get3A_2693, %get3A_2694, %get3A_2695] {strides = array<i32>} : memref<4x50x32xf32, #tpu.memory_space<vmem>>, vector<16xf32>,
      %bitcast3A_2697 = vector.bitcast %get3A_2696 : vector<16xf32> to vector<32xbf16>
      %add3A_2698 = arith.addf %add3A_2690, %bitcast3A_2697 : vector<32xbf16>
      %get3A_2699 = arith.constant 3 : i32
      %get3A_2700 = arith.constant 13 : i32
      %get3A_2701 = arith.index_cast %get3A_2699 : i32 to index
      %get3A_2702 = arith.index_cast %get3A_2700 : i32 to index
      %get3A_2703 = arith.constant 0 : index
      %get3A_2704 = tpu.vector_load %arg6[%get3A_2701, %get3A_2702, %get3A_2703] {strides = array<i32>} : memref<4x50x32xf32, #tpu.memory_space<vmem>>, vector<16xf32>,
      %bitcast3A_2705 = vector.bitcast %get3A_2704 : vector<16xf32> to vector<32xbf16>
      %add3A_2706 = arith.addf %add3A_2698, %bitcast3A_2705 : vector<32xbf16>
      %get3A_2707 = arith.constant 3 : i32
      %get3A_2708 = arith.constant 14 : i32
      %get3A_2709 = arith.index_cast %get3A_2707 : i32 to index
      %get3A_2710 = arith.index_cast %get3A_2708 : i32 to index
      %get3A_2711 = arith.constant 0 : index
      %get3A_2712 = tpu.vector_load %arg6[%get3A_2709, %get3A_2710, %get3A_2711] {strides = array<i32>} : memref<4x50x32xf32, #tpu.memory_space<vmem>>, vector<16xf32>,
      %bitcast3A_2713 = vector.bitcast %get3A_2712 : vector<16xf32> to vector<32xbf16>
      %add3A_2714 = arith.addf %add3A_2706, %bitcast3A_2713 : vector<32xbf16>
      %get3A_2715 = arith.constant 3 : i32
      %get3A_2716 = arith.constant 15 : i32
      %get3A_2717 = arith.index_cast %get3A_2715 : i32 to index
      %get3A_2718 = arith.index_cast %get3A_2716 : i32 to index
      %get3A_2719 = arith.constant 0 : index
      %get3A_2720 = tpu.vector_load %arg6[%get3A_2717, %get3A_2718, %get3A_2719] {strides = array<i32>} : memref<4x50x32xf32, #tpu.memory_space<vmem>>, vector<16xf32>,
      %bitcast3A_2721 = vector.bitcast %get3A_2720 : vector<16xf32> to vector<32xbf16>
      %add3A_2722 = arith.addf %add3A_2714, %bitcast3A_2721 : vector<32xbf16>
      %get3A_2723 = arith.constant 3 : i32
      %get3A_2724 = arith.constant 16 : i32
      %get3A_2725 = arith.index_cast %get3A_2723 : i32 to index
      %get3A_2726 = arith.index_cast %get3A_2724 : i32 to index
      %get3A_2727 = arith.constant 0 : index
      %get3A_2728 = tpu.vector_load %arg6[%get3A_2725, %get3A_2726, %get3A_2727] {strides = array<i32>} : memref<4x50x32xf32, #tpu.memory_space<vmem>>, vector<16xf32>,
      %bitcast3A_2729 = vector.bitcast %get3A_2728 : vector<16xf32> to vector<32xbf16>
      %add3A_2730 = arith.addf %add3A_2722, %bitcast3A_2729 : vector<32xbf16>
      %get3A_2731 = arith.constant 3 : i32
      %get3A_2732 = arith.constant 17 : i32
      %get3A_2733 = arith.index_cast %get3A_2731 : i32 to index
      %get3A_2734 = arith.index_cast %get3A_2732 : i32 to index
      %get3A_2735 = arith.constant 0 : index
      %get3A_2736 = tpu.vector_load %arg6[%get3A_2733, %get3A_2734, %get3A_2735] {strides = array<i32>} : memref<4x50x32xf32, #tpu.memory_space<vmem>>, vector<16xf32>,
      %bitcast3A_2737 = vector.bitcast %get3A_2736 : vector<16xf32> to vector<32xbf16>
      %add3A_2738 = arith.addf %add3A_2730, %bitcast3A_2737 : vector<32xbf16>
      %get3A_2739 = arith.constant 3 : i32
      %get3A_2740 = arith.constant 18 : i32
      %get3A_2741 = arith.index_cast %get3A_2739 : i32 to index
      %get3A_2742 = arith.index_cast %get3A_2740 : i32 to index
      %get3A_2743 = arith.constant 0 : index
      %get3A_2744 = tpu.vector_load %arg6[%get3A_2741, %get3A_2742, %get3A_2743] {strides = array<i32>} : memref<4x50x32xf32, #tpu.memory_space<vmem>>, vector<16xf32>,
      %bitcast3A_2745 = vector.bitcast %get3A_2744 : vector<16xf32> to vector<32xbf16>
      %add3A_2746 = arith.addf %add3A_2738, %bitcast3A_2745 : vector<32xbf16>
      %get3A_2747 = arith.constant 3 : i32
      %get3A_2748 = arith.constant 19 : i32
      %get3A_2749 = arith.index_cast %get3A_2747 : i32 to index
      %get3A_2750 = arith.index_cast %get3A_2748 : i32 to index
      %get3A_2751 = arith.constant 0 : index
      %get3A_2752 = tpu.vector_load %arg6[%get3A_2749, %get3A_2750, %get3A_2751] {strides = array<i32>} : memref<4x50x32xf32, #tpu.memory_space<vmem>>, vector<16xf32>,
      %bitcast3A_2753 = vector.bitcast %get3A_2752 : vector<16xf32> to vector<32xbf16>
      %add3A_2754 = arith.addf %add3A_2746, %bitcast3A_2753 : vector<32xbf16>
      %get3A_2755 = arith.constant 3 : i32
      %get3A_2756 = arith.constant 20 : i32
      %get3A_2757 = arith.index_cast %get3A_2755 : i32 to index
      %get3A_2758 = arith.index_cast %get3A_2756 : i32 to index
      %get3A_2759 = arith.constant 0 : index
      %get3A_2760 = tpu.vector_load %arg6[%get3A_2757, %get3A_2758, %get3A_2759] {strides = array<i32>} : memref<4x50x32xf32, #tpu.memory_space<vmem>>, vector<16xf32>,
      %bitcast3A_2761 = vector.bitcast %get3A_2760 : vector<16xf32> to vector<32xbf16>
      %add3A_2762 = arith.addf %add3A_2754, %bitcast3A_2761 : vector<32xbf16>
      %get3A_2763 = arith.constant 3 : i32
      %get3A_2764 = arith.constant 21 : i32
      %get3A_2765 = arith.index_cast %get3A_2763 : i32 to index
      %get3A_2766 = arith.index_cast %get3A_2764 : i32 to index
      %get3A_2767 = arith.constant 0 : index
      %get3A_2768 = tpu.vector_load %arg6[%get3A_2765, %get3A_2766, %get3A_2767] {strides = array<i32>} : memref<4x50x32xf32, #tpu.memory_space<vmem>>, vector<16xf32>,
      %bitcast3A_2769 = vector.bitcast %get3A_2768 : vector<16xf32> to vector<32xbf16>
      %add3A_2770 = arith.addf %add3A_2762, %bitcast3A_2769 : vector<32xbf16>
      %get3A_2771 = arith.constant 3 : i32
      %get3A_2772 = arith.constant 22 : i32
      %get3A_2773 = arith.index_cast %get3A_2771 : i32 to index
      %get3A_2774 = arith.index_cast %get3A_2772 : i32 to index
      %get3A_2775 = arith.constant 0 : index
      %get3A_2776 = tpu.vector_load %arg6[%get3A_2773, %get3A_2774, %get3A_2775] {strides = array<i32>} : memref<4x50x32xf32, #tpu.memory_space<vmem>>, vector<16xf32>,
      %bitcast3A_2777 = vector.bitcast %get3A_2776 : vector<16xf32> to vector<32xbf16>
      %add3A_2778 = arith.addf %add3A_2770, %bitcast3A_2777 : vector<32xbf16>
      %get3A_2779 = arith.constant 3 : i32
      %get3A_2780 = arith.constant 23 : i32
      %get3A_2781 = arith.index_cast %get3A_2779 : i32 to index
      %get3A_2782 = arith.index_cast %get3A_2780 : i32 to index
      %get3A_2783 = arith.constant 0 : index
      %get3A_2784 = tpu.vector_load %arg6[%get3A_2781, %get3A_2782, %get3A_2783] {strides = array<i32>} : memref<4x50x32xf32, #tpu.memory_space<vmem>>, vector<16xf32>,
      %bitcast3A_2785 = vector.bitcast %get3A_2784 : vector<16xf32> to vector<32xbf16>
      %add3A_2786 = arith.addf %add3A_2778, %bitcast3A_2785 : vector<32xbf16>
      %get3A_2787 = arith.constant 3 : i32
      %get3A_2788 = arith.constant 24 : i32
      %get3A_2789 = arith.index_cast %get3A_2787 : i32 to index
      %get3A_2790 = arith.index_cast %get3A_2788 : i32 to index
      %get3A_2791 = arith.constant 0 : index
      %get3A_2792 = tpu.vector_load %arg6[%get3A_2789, %get3A_2790, %get3A_2791] {strides = array<i32>} : memref<4x50x32xf32, #tpu.memory_space<vmem>>, vector<16xf32>,
      %bitcast3A_2793 = vector.bitcast %get3A_2792 : vector<16xf32> to vector<32xbf16>
      %add3A_2794 = arith.addf %add3A_2786, %bitcast3A_2793 : vector<32xbf16>
      %get3A_2795 = arith.constant 3 : i32
      %get3A_2796 = arith.constant 25 : i32
      %get3A_2797 = arith.index_cast %get3A_2795 : i32 to index
      %get3A_2798 = arith.index_cast %get3A_2796 : i32 to index
      %get3A_2799 = arith.constant 0 : index
      %get3A_2800 = tpu.vector_load %arg6[%get3A_2797, %get3A_2798, %get3A_2799] {strides = array<i32>} : memref<4x50x32xf32, #tpu.memory_space<vmem>>, vector<16xf32>,
      %bitcast3A_2801 = vector.bitcast %get3A_2800 : vector<16xf32> to vector<32xbf16>
      %add3A_2802 = arith.addf %add3A_2794, %bitcast3A_2801 : vector<32xbf16>
      %get3A_2803 = arith.constant 3 : i32
      %get3A_2804 = arith.constant 26 : i32
      %get3A_2805 = arith.index_cast %get3A_2803 : i32 to index
      %get3A_2806 = arith.index_cast %get3A_2804 : i32 to index
      %get3A_2807 = arith.constant 0 : index
      %get3A_2808 = tpu.vector_load %arg6[%get3A_2805, %get3A_2806, %get3A_2807] {strides = array<i32>} : memref<4x50x32xf32, #tpu.memory_space<vmem>>, vector<16xf32>,
      %bitcast3A_2809 = vector.bitcast %get3A_2808 : vector<16xf32> to vector<32xbf16>
      %add3A_2810 = arith.addf %add3A_2802, %bitcast3A_2809 : vector<32xbf16>
      %get3A_2811 = arith.constant 3 : i32
      %get3A_2812 = arith.constant 27 : i32
      %get3A_2813 = arith.index_cast %get3A_2811 : i32 to index
      %get3A_2814 = arith.index_cast %get3A_2812 : i32 to index
      %get3A_2815 = arith.constant 0 : index
      %get3A_2816 = tpu.vector_load %arg6[%get3A_2813, %get3A_2814, %get3A_2815] {strides = array<i32>} : memref<4x50x32xf32, #tpu.memory_space<vmem>>, vector<16xf32>,
      %bitcast3A_2817 = vector.bitcast %get3A_2816 : vector<16xf32> to vector<32xbf16>
      %add3A_2818 = arith.addf %add3A_2810, %bitcast3A_2817 : vector<32xbf16>
      %get3A_2819 = arith.constant 3 : i32
      %get3A_2820 = arith.constant 28 : i32
      %get3A_2821 = arith.index_cast %get3A_2819 : i32 to index
      %get3A_2822 = arith.index_cast %get3A_2820 : i32 to index
      %get3A_2823 = arith.constant 0 : index
      %get3A_2824 = tpu.vector_load %arg6[%get3A_2821, %get3A_2822, %get3A_2823] {strides = array<i32>} : memref<4x50x32xf32, #tpu.memory_space<vmem>>, vector<16xf32>,
      %bitcast3A_2825 = vector.bitcast %get3A_2824 : vector<16xf32> to vector<32xbf16>
      %add3A_2826 = arith.addf %add3A_2818, %bitcast3A_2825 : vector<32xbf16>
      %get3A_2827 = arith.constant 3 : i32
      %get3A_2828 = arith.constant 29 : i32
      %get3A_2829 = arith.index_cast %get3A_2827 : i32 to index
      %get3A_2830 = arith.index_cast %get3A_2828 : i32 to index
      %get3A_2831 = arith.constant 0 : index
      %get3A_2832 = tpu.vector_load %arg6[%get3A_2829, %get3A_2830, %get3A_2831] {strides = array<i32>} : memref<4x50x32xf32, #tpu.memory_space<vmem>>, vector<16xf32>,
      %bitcast3A_2833 = vector.bitcast %get3A_2832 : vector<16xf32> to vector<32xbf16>
      %add3A_2834 = arith.addf %add3A_2826, %bitcast3A_2833 : vector<32xbf16>
      %get3A_2835 = arith.constant 3 : i32
      %get3A_2836 = arith.constant 30 : i32
      %get3A_2837 = arith.index_cast %get3A_2835 : i32 to index
      %get3A_2838 = arith.index_cast %get3A_2836 : i32 to index
      %get3A_2839 = arith.constant 0 : index
      %get3A_2840 = tpu.vector_load %arg6[%get3A_2837, %get3A_2838, %get3A_2839] {strides = array<i32>} : memref<4x50x32xf32, #tpu.memory_space<vmem>>, vector<16xf32>,
      %bitcast3A_2841 = vector.bitcast %get3A_2840 : vector<16xf32> to vector<32xbf16>
      %add3A_2842 = arith.addf %add3A_2834, %bitcast3A_2841 : vector<32xbf16>
      %get3A_2843 = arith.constant 3 : i32
      %get3A_2844 = arith.constant 31 : i32
      %get3A_2845 = arith.index_cast %get3A_2843 : i32 to index
      %get3A_2846 = arith.index_cast %get3A_2844 : i32 to index
      %get3A_2847 = arith.constant 0 : index
      %get3A_2848 = tpu.vector_load %arg6[%get3A_2845, %get3A_2846, %get3A_2847] {strides = array<i32>} : memref<4x50x32xf32, #tpu.memory_space<vmem>>, vector<16xf32>,
      %bitcast3A_2849 = vector.bitcast %get3A_2848 : vector<16xf32> to vector<32xbf16>
      %add3A_2850 = arith.addf %add3A_2842, %bitcast3A_2849 : vector<32xbf16>
      %get3A_2851 = arith.constant 3 : i32
      %get3A_2852 = arith.constant 32 : i32
      %get3A_2853 = arith.index_cast %get3A_2851 : i32 to index
      %get3A_2854 = arith.index_cast %get3A_2852 : i32 to index
      %get3A_2855 = arith.constant 0 : index
      %get3A_2856 = tpu.vector_load %arg6[%get3A_2853, %get3A_2854, %get3A_2855] {strides = array<i32>} : memref<4x50x32xf32, #tpu.memory_space<vmem>>, vector<16xf32>,
      %bitcast3A_2857 = vector.bitcast %get3A_2856 : vector<16xf32> to vector<32xbf16>
      %add3A_2858 = arith.addf %add3A_2850, %bitcast3A_2857 : vector<32xbf16>
      %get3A_2859 = arith.constant 3 : i32
      %get3A_2860 = arith.constant 33 : i32
      %get3A_2861 = arith.index_cast %get3A_2859 : i32 to index
      %get3A_2862 = arith.index_cast %get3A_2860 : i32 to index
      %get3A_2863 = arith.constant 0 : index
      %get3A_2864 = tpu.vector_load %arg6[%get3A_2861, %get3A_2862, %get3A_2863] {strides = array<i32>} : memref<4x50x32xf32, #tpu.memory_space<vmem>>, vector<16xf32>,
      %bitcast3A_2865 = vector.bitcast %get3A_2864 : vector<16xf32> to vector<32xbf16>
      %add3A_2866 = arith.addf %add3A_2858, %bitcast3A_2865 : vector<32xbf16>
      %get3A_2867 = arith.constant 3 : i32
      %get3A_2868 = arith.constant 34 : i32
      %get3A_2869 = arith.index_cast %get3A_2867 : i32 to index
      %get3A_2870 = arith.index_cast %get3A_2868 : i32 to index
      %get3A_2871 = arith.constant 0 : index
      %get3A_2872 = tpu.vector_load %arg6[%get3A_2869, %get3A_2870, %get3A_2871] {strides = array<i32>} : memref<4x50x32xf32, #tpu.memory_space<vmem>>, vector<16xf32>,
      %bitcast3A_2873 = vector.bitcast %get3A_2872 : vector<16xf32> to vector<32xbf16>
      %add3A_2874 = arith.addf %add3A_2866, %bitcast3A_2873 : vector<32xbf16>
      %get3A_2875 = arith.constant 3 : i32
      %get3A_2876 = arith.constant 35 : i32
      %get3A_2877 = arith.index_cast %get3A_2875 : i32 to index
      %get3A_2878 = arith.index_cast %get3A_2876 : i32 to index
      %get3A_2879 = arith.constant 0 : index
      %get3A_2880 = tpu.vector_load %arg6[%get3A_2877, %get3A_2878, %get3A_2879] {strides = array<i32>} : memref<4x50x32xf32, #tpu.memory_space<vmem>>, vector<16xf32>,
      %bitcast3A_2881 = vector.bitcast %get3A_2880 : vector<16xf32> to vector<32xbf16>
      %add3A_2882 = arith.addf %add3A_2874, %bitcast3A_2881 : vector<32xbf16>
      %get3A_2883 = arith.constant 3 : i32
      %get3A_2884 = arith.constant 36 : i32
      %get3A_2885 = arith.index_cast %get3A_2883 : i32 to index
      %get3A_2886 = arith.index_cast %get3A_2884 : i32 to index
      %get3A_2887 = arith.constant 0 : index
      %get3A_2888 = tpu.vector_load %arg6[%get3A_2885, %get3A_2886, %get3A_2887] {strides = array<i32>} : memref<4x50x32xf32, #tpu.memory_space<vmem>>, vector<16xf32>,
      %bitcast3A_2889 = vector.bitcast %get3A_2888 : vector<16xf32> to vector<32xbf16>
      %add3A_2890 = arith.addf %add3A_2882, %bitcast3A_2889 : vector<32xbf16>
      %get3A_2891 = arith.constant 3 : i32
      %get3A_2892 = arith.constant 37 : i32
      %get3A_2893 = arith.index_cast %get3A_2891 : i32 to index
      %get3A_2894 = arith.index_cast %get3A_2892 : i32 to index
      %get3A_2895 = arith.constant 0 : index
      %get3A_2896 = tpu.vector_load %arg6[%get3A_2893, %get3A_2894, %get3A_2895] {strides = array<i32>} : memref<4x50x32xf32, #tpu.memory_space<vmem>>, vector<16xf32>,
      %bitcast3A_2897 = vector.bitcast %get3A_2896 : vector<16xf32> to vector<32xbf16>
      %add3A_2898 = arith.addf %add3A_2890, %bitcast3A_2897 : vector<32xbf16>
      %get3A_2899 = arith.constant 3 : i32
      %get3A_2900 = arith.constant 38 : i32
      %get3A_2901 = arith.index_cast %get3A_2899 : i32 to index
      %get3A_2902 = arith.index_cast %get3A_2900 : i32 to index
      %get3A_2903 = arith.constant 0 : index
      %get3A_2904 = tpu.vector_load %arg6[%get3A_2901, %get3A_2902, %get3A_2903] {strides = array<i32>} : memref<4x50x32xf32, #tpu.memory_space<vmem>>, vector<16xf32>,
      %bitcast3A_2905 = vector.bitcast %get3A_2904 : vector<16xf32> to vector<32xbf16>
      %add3A_2906 = arith.addf %add3A_2898, %bitcast3A_2905 : vector<32xbf16>
      %get3A_2907 = arith.constant 3 : i32
      %get3A_2908 = arith.constant 39 : i32
      %get3A_2909 = arith.index_cast %get3A_2907 : i32 to index
      %get3A_2910 = arith.index_cast %get3A_2908 : i32 to index
      %get3A_2911 = arith.constant 0 : index
      %get3A_2912 = tpu.vector_load %arg6[%get3A_2909, %get3A_2910, %get3A_2911] {strides = array<i32>} : memref<4x50x32xf32, #tpu.memory_space<vmem>>, vector<16xf32>,
      %bitcast3A_2913 = vector.bitcast %get3A_2912 : vector<16xf32> to vector<32xbf16>
      %add3A_2914 = arith.addf %add3A_2906, %bitcast3A_2913 : vector<32xbf16>
      %get3A_2915 = arith.constant 3 : i32
      %get3A_2916 = arith.constant 40 : i32
      %get3A_2917 = arith.index_cast %get3A_2915 : i32 to index
      %get3A_2918 = arith.index_cast %get3A_2916 : i32 to index
      %get3A_2919 = arith.constant 0 : index
      %get3A_2920 = tpu.vector_load %arg6[%get3A_2917, %get3A_2918, %get3A_2919] {strides = array<i32>} : memref<4x50x32xf32, #tpu.memory_space<vmem>>, vector<16xf32>,
      %bitcast3A_2921 = vector.bitcast %get3A_2920 : vector<16xf32> to vector<32xbf16>
      %add3A_2922 = arith.addf %add3A_2914, %bitcast3A_2921 : vector<32xbf16>
      %get3A_2923 = arith.constant 3 : i32
      %get3A_2924 = arith.constant 41 : i32
      %get3A_2925 = arith.index_cast %get3A_2923 : i32 to index
      %get3A_2926 = arith.index_cast %get3A_2924 : i32 to index
      %get3A_2927 = arith.constant 0 : index
      %get3A_2928 = tpu.vector_load %arg6[%get3A_2925, %get3A_2926, %get3A_2927] {strides = array<i32>} : memref<4x50x32xf32, #tpu.memory_space<vmem>>, vector<16xf32>,
      %bitcast3A_2929 = vector.bitcast %get3A_2928 : vector<16xf32> to vector<32xbf16>
      %add3A_2930 = arith.addf %add3A_2922, %bitcast3A_2929 : vector<32xbf16>
      %get3A_2931 = arith.constant 3 : i32
      %get3A_2932 = arith.constant 42 : i32
      %get3A_2933 = arith.index_cast %get3A_2931 : i32 to index
      %get3A_2934 = arith.index_cast %get3A_2932 : i32 to index
      %get3A_2935 = arith.constant 0 : index
      %get3A_2936 = tpu.vector_load %arg6[%get3A_2933, %get3A_2934, %get3A_2935] {strides = array<i32>} : memref<4x50x32xf32, #tpu.memory_space<vmem>>, vector<16xf32>,
      %bitcast3A_2937 = vector.bitcast %get3A_2936 : vector<16xf32> to vector<32xbf16>
      %add3A_2938 = arith.addf %add3A_2930, %bitcast3A_2937 : vector<32xbf16>
      %get3A_2939 = arith.constant 3 : i32
      %get3A_2940 = arith.constant 43 : i32
      %get3A_2941 = arith.index_cast %get3A_2939 : i32 to index
      %get3A_2942 = arith.index_cast %get3A_2940 : i32 to index
      %get3A_2943 = arith.constant 0 : index
      %get3A_2944 = tpu.vector_load %arg6[%get3A_2941, %get3A_2942, %get3A_2943] {strides = array<i32>} : memref<4x50x32xf32, #tpu.memory_space<vmem>>, vector<16xf32>,
      %bitcast3A_2945 = vector.bitcast %get3A_2944 : vector<16xf32> to vector<32xbf16>
      %add3A_2946 = arith.addf %add3A_2938, %bitcast3A_2945 : vector<32xbf16>
      %get3A_2947 = arith.constant 3 : i32
      %get3A_2948 = arith.constant 44 : i32
      %get3A_2949 = arith.index_cast %get3A_2947 : i32 to index
      %get3A_2950 = arith.index_cast %get3A_2948 : i32 to index
      %get3A_2951 = arith.constant 0 : index
      %get3A_2952 = tpu.vector_load %arg6[%get3A_2949, %get3A_2950, %get3A_2951] {strides = array<i32>} : memref<4x50x32xf32, #tpu.memory_space<vmem>>, vector<16xf32>,
      %bitcast3A_2953 = vector.bitcast %get3A_2952 : vector<16xf32> to vector<32xbf16>
      %add3A_2954 = arith.addf %add3A_2946, %bitcast3A_2953 : vector<32xbf16>
      %get3A_2955 = arith.constant 3 : i32
      %get3A_2956 = arith.constant 45 : i32
      %get3A_2957 = arith.index_cast %get3A_2955 : i32 to index
      %get3A_2958 = arith.index_cast %get3A_2956 : i32 to index
      %get3A_2959 = arith.constant 0 : index
      %get3A_2960 = tpu.vector_load %arg6[%get3A_2957, %get3A_2958, %get3A_2959] {strides = array<i32>} : memref<4x50x32xf32, #tpu.memory_space<vmem>>, vector<16xf32>,
      %bitcast3A_2961 = vector.bitcast %get3A_2960 : vector<16xf32> to vector<32xbf16>
      %add3A_2962 = arith.addf %add3A_2954, %bitcast3A_2961 : vector<32xbf16>
      %get3A_2963 = arith.constant 3 : i32
      %get3A_2964 = arith.constant 46 : i32
      %get3A_2965 = arith.index_cast %get3A_2963 : i32 to index
      %get3A_2966 = arith.index_cast %get3A_2964 : i32 to index
      %get3A_2967 = arith.constant 0 : index
      %get3A_2968 = tpu.vector_load %arg6[%get3A_2965, %get3A_2966, %get3A_2967] {strides = array<i32>} : memref<4x50x32xf32, #tpu.memory_space<vmem>>, vector<16xf32>,
      %bitcast3A_2969 = vector.bitcast %get3A_2968 : vector<16xf32> to vector<32xbf16>
      %add3A_2970 = arith.addf %add3A_2962, %bitcast3A_2969 : vector<32xbf16>
      %get3A_2971 = arith.constant 3 : i32
      %get3A_2972 = arith.constant 47 : i32
      %get3A_2973 = arith.index_cast %get3A_2971 : i32 to index
      %get3A_2974 = arith.index_cast %get3A_2972 : i32 to index
      %get3A_2975 = arith.constant 0 : index
      %get3A_2976 = tpu.vector_load %arg6[%get3A_2973, %get3A_2974, %get3A_2975] {strides = array<i32>} : memref<4x50x32xf32, #tpu.memory_space<vmem>>, vector<16xf32>,
      %bitcast3A_2977 = vector.bitcast %get3A_2976 : vector<16xf32> to vector<32xbf16>
      %add3A_2978 = arith.addf %add3A_2970, %bitcast3A_2977 : vector<32xbf16>
      %get3A_2979 = arith.constant 3 : i32
      %get3A_2980 = arith.constant 48 : i32
      %get3A_2981 = arith.index_cast %get3A_2979 : i32 to index
      %get3A_2982 = arith.index_cast %get3A_2980 : i32 to index
      %get3A_2983 = arith.constant 0 : index
      %get3A_2984 = tpu.vector_load %arg6[%get3A_2981, %get3A_2982, %get3A_2983] {strides = array<i32>} : memref<4x50x32xf32, #tpu.memory_space<vmem>>, vector<16xf32>,
      %bitcast3A_2985 = vector.bitcast %get3A_2984 : vector<16xf32> to vector<32xbf16>
      %add3A_2986 = arith.addf %add3A_2978, %bitcast3A_2985 : vector<32xbf16>
      %get3A_2987 = arith.constant 3 : i32
      %get3A_2988 = arith.constant 49 : i32
      %get3A_2989 = arith.index_cast %get3A_2987 : i32 to index
      %get3A_2990 = arith.index_cast %get3A_2988 : i32 to index
      %get3A_2991 = arith.constant 0 : index
      %get3A_2992 = tpu.vector_load %arg6[%get3A_2989, %get3A_2990, %get3A_2991] {strides = array<i32>} : memref<4x50x32xf32, #tpu.memory_space<vmem>>, vector<16xf32>,
      %bitcast3A_2993 = vector.bitcast %get3A_2992 : vector<16xf32> to vector<32xbf16>
      %add3A_2994 = arith.addf %add3A_2986, %bitcast3A_2993 : vector<32xbf16>
      %unpack3A_2995 = tpu.unpack_subelements %add3A_2994, 0 {pack_format = #tpu.pack_format<interleaved>} : vector<32xbf16> -> vector<16xf32>
      %unpack3A_2996 = tpu.unpack_subelements %add3A_2994, 1 {pack_format = #tpu.pack_format<interleaved>} : vector<32xbf16> -> vector<16xf32>
      %mul3A_2997 = arith.constant 2.000000e-02 : f32
      %mul3A_2998 = vector.broadcast %mul3A_2997 : f32 to vector<16xf32>
      %mul3A_2999 = arith.mulf %unpack3A_2995, %mul3A_2998 : vector<16xf32>
      %swap3A_3000 = arith.index_cast %add3A_2577 : i32 to index
      %swap3A_3001 = arith.constant 0 : index
      %swap3A_3002 = tpu.vector_load %arg7[%swap3A_3000, %swap3A_3001] {strides = array<i32>} : memref<512x64xf32, #tpu.memory_space<vmem>>, vector<16xf32>,
      tpu.vector_store %arg7[%swap3A_3000, %swap3A_3001], %mul3A_2999 {strides = array<i32>} : memref<512x64xf32, #tpu.memory_space<vmem>>, vector<16xf32>,
      %mul3A_3003 = arith.constant 2.000000e-02 : f32
      %mul3A_3004 = vector.broadcast %mul3A_3003 : f32 to vector<16xf32>
      %mul3A_3005 = arith.mulf %unpack3A_2996, %mul3A_3004 : vector<16xf32>
      %swap3A_3006 = arith.index_cast %add3A_2577 : i32 to index
      %swap3A_3007 = arith.constant 16 : index
      %swap3A_3008 = tpu.vector_load %arg7[%swap3A_3006, %swap3A_3007] {strides = array<i32>} : memref<512x64xf32, #tpu.memory_space<vmem>>, vector<16xf32>,
      tpu.vector_store %arg7[%swap3A_3006, %swap3A_3007], %mul3A_3005 {strides = array<i32>} : memref<512x64xf32, #tpu.memory_space<vmem>>, vector<16xf32>,
      %get3A_3009 = arith.constant 3 : i32
      %get3A_3010 = arith.constant 0 : i32
      %get3A_3011 = arith.index_cast %get3A_3009 : i32 to index
      %get3A_3012 = arith.index_cast %get3A_3010 : i32 to index
      %get3A_3013 = arith.constant 16 : index
      %get3A_3014 = tpu.vector_load %arg6[%get3A_3011, %get3A_3012, %get3A_3013] {strides = array<i32>} : memref<4x50x32xf32, #tpu.memory_space<vmem>>, vector<16xf32>,
      %bitcast3A_3015 = vector.bitcast %get3A_3014 : vector<16xf32> to vector<32xbf16>
      %get3A_3016 = arith.constant 3 : i32
      %get3A_3017 = arith.constant 1 : i32
      %get3A_3018 = arith.index_cast %get3A_3016 : i32 to index
      %get3A_3019 = arith.index_cast %get3A_3017 : i32 to index
      %get3A_3020 = arith.constant 16 : index
      %get3A_3021 = tpu.vector_load %arg6[%get3A_3018, %get3A_3019, %get3A_3020] {strides = array<i32>} : memref<4x50x32xf32, #tpu.memory_space<vmem>>, vector<16xf32>,
      %bitcast3A_3022 = vector.bitcast %get3A_3021 : vector<16xf32> to vector<32xbf16>
      %add3A_3023 = arith.addf %bitcast3A_3015, %bitcast3A_3022 : vector<32xbf16>
      %get3A_3024 = arith.constant 3 : i32
      %get3A_3025 = arith.constant 2 : i32
      %get3A_3026 = arith.index_cast %get3A_3024 : i32 to index
      %get3A_3027 = arith.index_cast %get3A_3025 : i32 to index
      %get3A_3028 = arith.constant 16 : index
      %get3A_3029 = tpu.vector_load %arg6[%get3A_3026, %get3A_3027, %get3A_3028] {strides = array<i32>} : memref<4x50x32xf32, #tpu.memory_space<vmem>>, vector<16xf32>,
      %bitcast3A_3030 = vector.bitcast %get3A_3029 : vector<16xf32> to vector<32xbf16>
      %add3A_3031 = arith.addf %add3A_3023, %bitcast3A_3030 : vector<32xbf16>
      %get3A_3032 = arith.constant 3 : i32
      %get3A_3033 = arith.constant 3 : i32
      %get3A_3034 = arith.index_cast %get3A_3032 : i32 to index
      %get3A_3035 = arith.index_cast %get3A_3033 : i32 to index
      %get3A_3036 = arith.constant 16 : index
      %get3A_3037 = tpu.vector_load %arg6[%get3A_3034, %get3A_3035, %get3A_3036] {strides = array<i32>} : memref<4x50x32xf32, #tpu.memory_space<vmem>>, vector<16xf32>,
      %bitcast3A_3038 = vector.bitcast %get3A_3037 : vector<16xf32> to vector<32xbf16>
      %add3A_3039 = arith.addf %add3A_3031, %bitcast3A_3038 : vector<32xbf16>
      %get3A_3040 = arith.constant 3 : i32
      %get3A_3041 = arith.constant 4 : i32
      %get3A_3042 = arith.index_cast %get3A_3040 : i32 to index
      %get3A_3043 = arith.index_cast %get3A_3041 : i32 to index
      %get3A_3044 = arith.constant 16 : index
      %get3A_3045 = tpu.vector_load %arg6[%get3A_3042, %get3A_3043, %get3A_3044] {strides = array<i32>} : memref<4x50x32xf32, #tpu.memory_space<vmem>>, vector<16xf32>,
      %bitcast3A_3046 = vector.bitcast %get3A_3045 : vector<16xf32> to vector<32xbf16>
      %add3A_3047 = arith.addf %add3A_3039, %bitcast3A_3046 : vector<32xbf16>
      %get3A_3048 = arith.constant 3 : i32
      %get3A_3049 = arith.constant 5 : i32
      %get3A_3050 = arith.index_cast %get3A_3048 : i32 to index
      %get3A_3051 = arith.index_cast %get3A_3049 : i32 to index
      %get3A_3052 = arith.constant 16 : index
      %get3A_3053 = tpu.vector_load %arg6[%get3A_3050, %get3A_3051, %get3A_3052] {strides = array<i32>} : memref<4x50x32xf32, #tpu.memory_space<vmem>>, vector<16xf32>,
      %bitcast3A_3054 = vector.bitcast %get3A_3053 : vector<16xf32> to vector<32xbf16>
      %add3A_3055 = arith.addf %add3A_3047, %bitcast3A_3054 : vector<32xbf16>
      %get3A_3056 = arith.constant 3 : i32
      %get3A_3057 = arith.constant 6 : i32
      %get3A_3058 = arith.index_cast %get3A_3056 : i32 to index
      %get3A_3059 = arith.index_cast %get3A_3057 : i32 to index
      %get3A_3060 = arith.constant 16 : index
      %get3A_3061 = tpu.vector_load %arg6[%get3A_3058, %get3A_3059, %get3A_3060] {strides = array<i32>} : memref<4x50x32xf32, #tpu.memory_space<vmem>>, vector<16xf32>,
      %bitcast3A_3062 = vector.bitcast %get3A_3061 : vector<16xf32> to vector<32xbf16>
      %add3A_3063 = arith.addf %add3A_3055, %bitcast3A_3062 : vector<32xbf16>
      %get3A_3064 = arith.constant 3 : i32
      %get3A_3065 = arith.constant 7 : i32
      %get3A_3066 = arith.index_cast %get3A_3064 : i32 to index
      %get3A_3067 = arith.index_cast %get3A_3065 : i32 to index
      %get3A_3068 = arith.constant 16 : index
      %get3A_3069 = tpu.vector_load %arg6[%get3A_3066, %get3A_3067, %get3A_3068] {strides = array<i32>} : memref<4x50x32xf32, #tpu.memory_space<vmem>>, vector<16xf32>,
      %bitcast3A_3070 = vector.bitcast %get3A_3069 : vector<16xf32> to vector<32xbf16>
      %add3A_3071 = arith.addf %add3A_3063, %bitcast3A_3070 : vector<32xbf16>
      %get3A_3072 = arith.constant 3 : i32
      %get3A_3073 = arith.constant 8 : i32
      %get3A_3074 = arith.index_cast %get3A_3072 : i32 to index
      %get3A_3075 = arith.index_cast %get3A_3073 : i32 to index
      %get3A_3076 = arith.constant 16 : index
      %get3A_3077 = tpu.vector_load %arg6[%get3A_3074, %get3A_3075, %get3A_3076] {strides = array<i32>} : memref<4x50x32xf32, #tpu.memory_space<vmem>>, vector<16xf32>,
      %bitcast3A_3078 = vector.bitcast %get3A_3077 : vector<16xf32> to vector<32xbf16>
      %add3A_3079 = arith.addf %add3A_3071, %bitcast3A_3078 : vector<32xbf16>
      %get3A_3080 = arith.constant 3 : i32
      %get3A_3081 = arith.constant 9 : i32
      %get3A_3082 = arith.index_cast %get3A_3080 : i32 to index
      %get3A_3083 = arith.index_cast %get3A_3081 : i32 to index
      %get3A_3084 = arith.constant 16 : index
      %get3A_3085 = tpu.vector_load %arg6[%get3A_3082, %get3A_3083, %get3A_3084] {strides = array<i32>} : memref<4x50x32xf32, #tpu.memory_space<vmem>>, vector<16xf32>,
      %bitcast3A_3086 = vector.bitcast %get3A_3085 : vector<16xf32> to vector<32xbf16>
      %add3A_3087 = arith.addf %add3A_3079, %bitcast3A_3086 : vector<32xbf16>
      %get3A_3088 = arith.constant 3 : i32
      %get3A_3089 = arith.constant 10 : i32
      %get3A_3090 = arith.index_cast %get3A_3088 : i32 to index
      %get3A_3091 = arith.index_cast %get3A_3089 : i32 to index
      %get3A_3092 = arith.constant 16 : index
      %get3A_3093 = tpu.vector_load %arg6[%get3A_3090, %get3A_3091, %get3A_3092] {strides = array<i32>} : memref<4x50x32xf32, #tpu.memory_space<vmem>>, vector<16xf32>,
      %bitcast3A_3094 = vector.bitcast %get3A_3093 : vector<16xf32> to vector<32xbf16>
      %add3A_3095 = arith.addf %add3A_3087, %bitcast3A_3094 : vector<32xbf16>
      %get3A_3096 = arith.constant 3 : i32
      %get3A_3097 = arith.constant 11 : i32
      %get3A_3098 = arith.index_cast %get3A_3096 : i32 to index
      %get3A_3099 = arith.index_cast %get3A_3097 : i32 to index
      %get3A_3100 = arith.constant 16 : index
      %get3A_3101 = tpu.vector_load %arg6[%get3A_3098, %get3A_3099, %get3A_3100] {strides = array<i32>} : memref<4x50x32xf32, #tpu.memory_space<vmem>>, vector<16xf32>,
      %bitcast3A_3102 = vector.bitcast %get3A_3101 : vector<16xf32> to vector<32xbf16>
      %add3A_3103 = arith.addf %add3A_3095, %bitcast3A_3102 : vector<32xbf16>
      %get3A_3104 = arith.constant 3 : i32
      %get3A_3105 = arith.constant 12 : i32
      %get3A_3106 = arith.index_cast %get3A_3104 : i32 to index
      %get3A_3107 = arith.index_cast %get3A_3105 : i32 to index
      %get3A_3108 = arith.constant 16 : index
      %get3A_3109 = tpu.vector_load %arg6[%get3A_3106, %get3A_3107, %get3A_3108] {strides = array<i32>} : memref<4x50x32xf32, #tpu.memory_space<vmem>>, vector<16xf32>,
      %bitcast3A_3110 = vector.bitcast %get3A_3109 : vector<16xf32> to vector<32xbf16>
      %add3A_3111 = arith.addf %add3A_3103, %bitcast3A_3110 : vector<32xbf16>
      %get3A_3112 = arith.constant 3 : i32
      %get3A_3113 = arith.constant 13 : i32
      %get3A_3114 = arith.index_cast %get3A_3112 : i32 to index
      %get3A_3115 = arith.index_cast %get3A_3113 : i32 to index
      %get3A_3116 = arith.constant 16 : index
      %get3A_3117 = tpu.vector_load %arg6[%get3A_3114, %get3A_3115, %get3A_3116] {strides = array<i32>} : memref<4x50x32xf32, #tpu.memory_space<vmem>>, vector<16xf32>,
      %bitcast3A_3118 = vector.bitcast %get3A_3117 : vector<16xf32> to vector<32xbf16>
      %add3A_3119 = arith.addf %add3A_3111, %bitcast3A_3118 : vector<32xbf16>
      %get3A_3120 = arith.constant 3 : i32
      %get3A_3121 = arith.constant 14 : i32
      %get3A_3122 = arith.index_cast %get3A_3120 : i32 to index
      %get3A_3123 = arith.index_cast %get3A_3121 : i32 to index
      %get3A_3124 = arith.constant 16 : index
      %get3A_3125 = tpu.vector_load %arg6[%get3A_3122, %get3A_3123, %get3A_3124] {strides = array<i32>} : memref<4x50x32xf32, #tpu.memory_space<vmem>>, vector<16xf32>,
      %bitcast3A_3126 = vector.bitcast %get3A_3125 : vector<16xf32> to vector<32xbf16>
      %add3A_3127 = arith.addf %add3A_3119, %bitcast3A_3126 : vector<32xbf16>
      %get3A_3128 = arith.constant 3 : i32
      %get3A_3129 = arith.constant 15 : i32
      %get3A_3130 = arith.index_cast %get3A_3128 : i32 to index
      %get3A_3131 = arith.index_cast %get3A_3129 : i32 to index
      %get3A_3132 = arith.constant 16 : index
      %get3A_3133 = tpu.vector_load %arg6[%get3A_3130, %get3A_3131, %get3A_3132] {strides = array<i32>} : memref<4x50x32xf32, #tpu.memory_space<vmem>>, vector<16xf32>,
      %bitcast3A_3134 = vector.bitcast %get3A_3133 : vector<16xf32> to vector<32xbf16>
      %add3A_3135 = arith.addf %add3A_3127, %bitcast3A_3134 : vector<32xbf16>
      %get3A_3136 = arith.constant 3 : i32
      %get3A_3137 = arith.constant 16 : i32
      %get3A_3138 = arith.index_cast %get3A_3136 : i32 to index
      %get3A_3139 = arith.index_cast %get3A_3137 : i32 to index
      %get3A_3140 = arith.constant 16 : index
      %get3A_3141 = tpu.vector_load %arg6[%get3A_3138, %get3A_3139, %get3A_3140] {strides = array<i32>} : memref<4x50x32xf32, #tpu.memory_space<vmem>>, vector<16xf32>,
      %bitcast3A_3142 = vector.bitcast %get3A_3141 : vector<16xf32> to vector<32xbf16>
      %add3A_3143 = arith.addf %add3A_3135, %bitcast3A_3142 : vector<32xbf16>
      %get3A_3144 = arith.constant 3 : i32
      %get3A_3145 = arith.constant 17 : i32
      %get3A_3146 = arith.index_cast %get3A_3144 : i32 to index
      %get3A_3147 = arith.index_cast %get3A_3145 : i32 to index
      %get3A_3148 = arith.constant 16 : index
      %get3A_3149 = tpu.vector_load %arg6[%get3A_3146, %get3A_3147, %get3A_3148] {strides = array<i32>} : memref<4x50x32xf32, #tpu.memory_space<vmem>>, vector<16xf32>,
      %bitcast3A_3150 = vector.bitcast %get3A_3149 : vector<16xf32> to vector<32xbf16>
      %add3A_3151 = arith.addf %add3A_3143, %bitcast3A_3150 : vector<32xbf16>
      %get3A_3152 = arith.constant 3 : i32
      %get3A_3153 = arith.constant 18 : i32
      %get3A_3154 = arith.index_cast %get3A_3152 : i32 to index
      %get3A_3155 = arith.index_cast %get3A_3153 : i32 to index
      %get3A_3156 = arith.constant 16 : index
      %get3A_3157 = tpu.vector_load %arg6[%get3A_3154, %get3A_3155, %get3A_3156] {strides = array<i32>} : memref<4x50x32xf32, #tpu.memory_space<vmem>>, vector<16xf32>,
      %bitcast3A_3158 = vector.bitcast %get3A_3157 : vector<16xf32> to vector<32xbf16>
      %add3A_3159 = arith.addf %add3A_3151, %bitcast3A_3158 : vector<32xbf16>
      %get3A_3160 = arith.constant 3 : i32
      %get3A_3161 = arith.constant 19 : i32
      %get3A_3162 = arith.index_cast %get3A_3160 : i32 to index
      %get3A_3163 = arith.index_cast %get3A_3161 : i32 to index
      %get3A_3164 = arith.constant 16 : index
      %get3A_3165 = tpu.vector_load %arg6[%get3A_3162, %get3A_3163, %get3A_3164] {strides = array<i32>} : memref<4x50x32xf32, #tpu.memory_space<vmem>>, vector<16xf32>,
      %bitcast3A_3166 = vector.bitcast %get3A_3165 : vector<16xf32> to vector<32xbf16>
      %add3A_3167 = arith.addf %add3A_3159, %bitcast3A_3166 : vector<32xbf16>
      %get3A_3168 = arith.constant 3 : i32
      %get3A_3169 = arith.constant 20 : i32
      %get3A_3170 = arith.index_cast %get3A_3168 : i32 to index
      %get3A_3171 = arith.index_cast %get3A_3169 : i32 to index
      %get3A_3172 = arith.constant 16 : index
      %get3A_3173 = tpu.vector_load %arg6[%get3A_3170, %get3A_3171, %get3A_3172] {strides = array<i32>} : memref<4x50x32xf32, #tpu.memory_space<vmem>>, vector<16xf32>,
      %bitcast3A_3174 = vector.bitcast %get3A_3173 : vector<16xf32> to vector<32xbf16>
      %add3A_3175 = arith.addf %add3A_3167, %bitcast3A_3174 : vector<32xbf16>
      %get3A_3176 = arith.constant 3 : i32
      %get3A_3177 = arith.constant 21 : i32
      %get3A_3178 = arith.index_cast %get3A_3176 : i32 to index
      %get3A_3179 = arith.index_cast %get3A_3177 : i32 to index
      %get3A_3180 = arith.constant 16 : index
      %get3A_3181 = tpu.vector_load %arg6[%get3A_3178, %get3A_3179, %get3A_3180] {strides = array<i32>} : memref<4x50x32xf32, #tpu.memory_space<vmem>>, vector<16xf32>,
      %bitcast3A_3182 = vector.bitcast %get3A_3181 : vector<16xf32> to vector<32xbf16>
      %add3A_3183 = arith.addf %add3A_3175, %bitcast3A_3182 : vector<32xbf16>
      %get3A_3184 = arith.constant 3 : i32
      %get3A_3185 = arith.constant 22 : i32
      %get3A_3186 = arith.index_cast %get3A_3184 : i32 to index
      %get3A_3187 = arith.index_cast %get3A_3185 : i32 to index
      %get3A_3188 = arith.constant 16 : index
      %get3A_3189 = tpu.vector_load %arg6[%get3A_3186, %get3A_3187, %get3A_3188] {strides = array<i32>} : memref<4x50x32xf32, #tpu.memory_space<vmem>>, vector<16xf32>,
      %bitcast3A_3190 = vector.bitcast %get3A_3189 : vector<16xf32> to vector<32xbf16>
      %add3A_3191 = arith.addf %add3A_3183, %bitcast3A_3190 : vector<32xbf16>
      %get3A_3192 = arith.constant 3 : i32
      %get3A_3193 = arith.constant 23 : i32
      %get3A_3194 = arith.index_cast %get3A_3192 : i32 to index
      %get3A_3195 = arith.index_cast %get3A_3193 : i32 to index
      %get3A_3196 = arith.constant 16 : index
      %get3A_3197 = tpu.vector_load %arg6[%get3A_3194, %get3A_3195, %get3A_3196] {strides = array<i32>} : memref<4x50x32xf32, #tpu.memory_space<vmem>>, vector<16xf32>,
      %bitcast3A_3198 = vector.bitcast %get3A_3197 : vector<16xf32> to vector<32xbf16>
      %add3A_3199 = arith.addf %add3A_3191, %bitcast3A_3198 : vector<32xbf16>
      %get3A_3200 = arith.constant 3 : i32
      %get3A_3201 = arith.constant 24 : i32
      %get3A_3202 = arith.index_cast %get3A_3200 : i32 to index
      %get3A_3203 = arith.index_cast %get3A_3201 : i32 to index
      %get3A_3204 = arith.constant 16 : index
      %get3A_3205 = tpu.vector_load %arg6[%get3A_3202, %get3A_3203, %get3A_3204] {strides = array<i32>} : memref<4x50x32xf32, #tpu.memory_space<vmem>>, vector<16xf32>,
      %bitcast3A_3206 = vector.bitcast %get3A_3205 : vector<16xf32> to vector<32xbf16>
      %add3A_3207 = arith.addf %add3A_3199, %bitcast3A_3206 : vector<32xbf16>
      %get3A_3208 = arith.constant 3 : i32
      %get3A_3209 = arith.constant 25 : i32
      %get3A_3210 = arith.index_cast %get3A_3208 : i32 to index
      %get3A_3211 = arith.index_cast %get3A_3209 : i32 to index
      %get3A_3212 = arith.constant 16 : index
      %get3A_3213 = tpu.vector_load %arg6[%get3A_3210, %get3A_3211, %get3A_3212] {strides = array<i32>} : memref<4x50x32xf32, #tpu.memory_space<vmem>>, vector<16xf32>,
      %bitcast3A_3214 = vector.bitcast %get3A_3213 : vector<16xf32> to vector<32xbf16>
      %add3A_3215 = arith.addf %add3A_3207, %bitcast3A_3214 : vector<32xbf16>
      %get3A_3216 = arith.constant 3 : i32
      %get3A_3217 = arith.constant 26 : i32
      %get3A_3218 = arith.index_cast %get3A_3216 : i32 to index
      %get3A_3219 = arith.index_cast %get3A_3217 : i32 to index
      %get3A_3220 = arith.constant 16 : index
      %get3A_3221 = tpu.vector_load %arg6[%get3A_3218, %get3A_3219, %get3A_3220] {strides = array<i32>} : memref<4x50x32xf32, #tpu.memory_space<vmem>>, vector<16xf32>,
      %bitcast3A_3222 = vector.bitcast %get3A_3221 : vector<16xf32> to vector<32xbf16>
      %add3A_3223 = arith.addf %add3A_3215, %bitcast3A_3222 : vector<32xbf16>
      %get3A_3224 = arith.constant 3 : i32
      %get3A_3225 = arith.constant 27 : i32
      %get3A_3226 = arith.index_cast %get3A_3224 : i32 to index
      %get3A_3227 = arith.index_cast %get3A_3225 : i32 to index
      %get3A_3228 = arith.constant 16 : index
      %get3A_3229 = tpu.vector_load %arg6[%get3A_3226, %get3A_3227, %get3A_3228] {strides = array<i32>} : memref<4x50x32xf32, #tpu.memory_space<vmem>>, vector<16xf32>,
      %bitcast3A_3230 = vector.bitcast %get3A_3229 : vector<16xf32> to vector<32xbf16>
      %add3A_3231 = arith.addf %add3A_3223, %bitcast3A_3230 : vector<32xbf16>
      %get3A_3232 = arith.constant 3 : i32
      %get3A_3233 = arith.constant 28 : i32
      %get3A_3234 = arith.index_cast %get3A_3232 : i32 to index
      %get3A_3235 = arith.index_cast %get3A_3233 : i32 to index
      %get3A_3236 = arith.constant 16 : index
      %get3A_3237 = tpu.vector_load %arg6[%get3A_3234, %get3A_3235, %get3A_3236] {strides = array<i32>} : memref<4x50x32xf32, #tpu.memory_space<vmem>>, vector<16xf32>,
      %bitcast3A_3238 = vector.bitcast %get3A_3237 : vector<16xf32> to vector<32xbf16>
      %add3A_3239 = arith.addf %add3A_3231, %bitcast3A_3238 : vector<32xbf16>
      %get3A_3240 = arith.constant 3 : i32
      %get3A_3241 = arith.constant 29 : i32
      %get3A_3242 = arith.index_cast %get3A_3240 : i32 to index
      %get3A_3243 = arith.index_cast %get3A_3241 : i32 to index
      %get3A_3244 = arith.constant 16 : index
      %get3A_3245 = tpu.vector_load %arg6[%get3A_3242, %get3A_3243, %get3A_3244] {strides = array<i32>} : memref<4x50x32xf32, #tpu.memory_space<vmem>>, vector<16xf32>,
      %bitcast3A_3246 = vector.bitcast %get3A_3245 : vector<16xf32> to vector<32xbf16>
      %add3A_3247 = arith.addf %add3A_3239, %bitcast3A_3246 : vector<32xbf16>
      %get3A_3248 = arith.constant 3 : i32
      %get3A_3249 = arith.constant 30 : i32
      %get3A_3250 = arith.index_cast %get3A_3248 : i32 to index
      %get3A_3251 = arith.index_cast %get3A_3249 : i32 to index
      %get3A_3252 = arith.constant 16 : index
      %get3A_3253 = tpu.vector_load %arg6[%get3A_3250, %get3A_3251, %get3A_3252] {strides = array<i32>} : memref<4x50x32xf32, #tpu.memory_space<vmem>>, vector<16xf32>,
      %bitcast3A_3254 = vector.bitcast %get3A_3253 : vector<16xf32> to vector<32xbf16>
      %add3A_3255 = arith.addf %add3A_3247, %bitcast3A_3254 : vector<32xbf16>
      %get3A_3256 = arith.constant 3 : i32
      %get3A_3257 = arith.constant 31 : i32
      %get3A_3258 = arith.index_cast %get3A_3256 : i32 to index
      %get3A_3259 = arith.index_cast %get3A_3257 : i32 to index
      %get3A_3260 = arith.constant 16 : index
      %get3A_3261 = tpu.vector_load %arg6[%get3A_3258, %get3A_3259, %get3A_3260] {strides = array<i32>} : memref<4x50x32xf32, #tpu.memory_space<vmem>>, vector<16xf32>,
      %bitcast3A_3262 = vector.bitcast %get3A_3261 : vector<16xf32> to vector<32xbf16>
      %add3A_3263 = arith.addf %add3A_3255, %bitcast3A_3262 : vector<32xbf16>
      %get3A_3264 = arith.constant 3 : i32
      %get3A_3265 = arith.constant 32 : i32
      %get3A_3266 = arith.index_cast %get3A_3264 : i32 to index
      %get3A_3267 = arith.index_cast %get3A_3265 : i32 to index
      %get3A_3268 = arith.constant 16 : index
      %get3A_3269 = tpu.vector_load %arg6[%get3A_3266, %get3A_3267, %get3A_3268] {strides = array<i32>} : memref<4x50x32xf32, #tpu.memory_space<vmem>>, vector<16xf32>,
      %bitcast3A_3270 = vector.bitcast %get3A_3269 : vector<16xf32> to vector<32xbf16>
      %add3A_3271 = arith.addf %add3A_3263, %bitcast3A_3270 : vector<32xbf16>
      %get3A_3272 = arith.constant 3 : i32
      %get3A_3273 = arith.constant 33 : i32
      %get3A_3274 = arith.index_cast %get3A_3272 : i32 to index
      %get3A_3275 = arith.index_cast %get3A_3273 : i32 to index
      %get3A_3276 = arith.constant 16 : index
      %get3A_3277 = tpu.vector_load %arg6[%get3A_3274, %get3A_3275, %get3A_3276] {strides = array<i32>} : memref<4x50x32xf32, #tpu.memory_space<vmem>>, vector<16xf32>,
      %bitcast3A_3278 = vector.bitcast %get3A_3277 : vector<16xf32> to vector<32xbf16>
      %add3A_3279 = arith.addf %add3A_3271, %bitcast3A_3278 : vector<32xbf16>
      %get3A_3280 = arith.constant 3 : i32
      %get3A_3281 = arith.constant 34 : i32
      %get3A_3282 = arith.index_cast %get3A_3280 : i32 to index
      %get3A_3283 = arith.index_cast %get3A_3281 : i32 to index
      %get3A_3284 = arith.constant 16 : index
      %get3A_3285 = tpu.vector_load %arg6[%get3A_3282, %get3A_3283, %get3A_3284] {strides = array<i32>} : memref<4x50x32xf32, #tpu.memory_space<vmem>>, vector<16xf32>,
      %bitcast3A_3286 = vector.bitcast %get3A_3285 : vector<16xf32> to vector<32xbf16>
      %add3A_3287 = arith.addf %add3A_3279, %bitcast3A_3286 : vector<32xbf16>
      %get3A_3288 = arith.constant 3 : i32
      %get3A_3289 = arith.constant 35 : i32
      %get3A_3290 = arith.index_cast %get3A_3288 : i32 to index
      %get3A_3291 = arith.index_cast %get3A_3289 : i32 to index
      %get3A_3292 = arith.constant 16 : index
      %get3A_3293 = tpu.vector_load %arg6[%get3A_3290, %get3A_3291, %get3A_3292] {strides = array<i32>} : memref<4x50x32xf32, #tpu.memory_space<vmem>>, vector<16xf32>,
      %bitcast3A_3294 = vector.bitcast %get3A_3293 : vector<16xf32> to vector<32xbf16>
      %add3A_3295 = arith.addf %add3A_3287, %bitcast3A_3294 : vector<32xbf16>
      %get3A_3296 = arith.constant 3 : i32
      %get3A_3297 = arith.constant 36 : i32
      %get3A_3298 = arith.index_cast %get3A_3296 : i32 to index
      %get3A_3299 = arith.index_cast %get3A_3297 : i32 to index
      %get3A_3300 = arith.constant 16 : index
      %get3A_3301 = tpu.vector_load %arg6[%get3A_3298, %get3A_3299, %get3A_3300] {strides = array<i32>} : memref<4x50x32xf32, #tpu.memory_space<vmem>>, vector<16xf32>,
      %bitcast3A_3302 = vector.bitcast %get3A_3301 : vector<16xf32> to vector<32xbf16>
      %add3A_3303 = arith.addf %add3A_3295, %bitcast3A_3302 : vector<32xbf16>
      %get3A_3304 = arith.constant 3 : i32
      %get3A_3305 = arith.constant 37 : i32
      %get3A_3306 = arith.index_cast %get3A_3304 : i32 to index
      %get3A_3307 = arith.index_cast %get3A_3305 : i32 to index
      %get3A_3308 = arith.constant 16 : index
      %get3A_3309 = tpu.vector_load %arg6[%get3A_3306, %get3A_3307, %get3A_3308] {strides = array<i32>} : memref<4x50x32xf32, #tpu.memory_space<vmem>>, vector<16xf32>,
      %bitcast3A_3310 = vector.bitcast %get3A_3309 : vector<16xf32> to vector<32xbf16>
      %add3A_3311 = arith.addf %add3A_3303, %bitcast3A_3310 : vector<32xbf16>
      %get3A_3312 = arith.constant 3 : i32
      %get3A_3313 = arith.constant 38 : i32
      %get3A_3314 = arith.index_cast %get3A_3312 : i32 to index
      %get3A_3315 = arith.index_cast %get3A_3313 : i32 to index
      %get3A_3316 = arith.constant 16 : index
      %get3A_3317 = tpu.vector_load %arg6[%get3A_3314, %get3A_3315, %get3A_3316] {strides = array<i32>} : memref<4x50x32xf32, #tpu.memory_space<vmem>>, vector<16xf32>,
      %bitcast3A_3318 = vector.bitcast %get3A_3317 : vector<16xf32> to vector<32xbf16>
      %add3A_3319 = arith.addf %add3A_3311, %bitcast3A_3318 : vector<32xbf16>
      %get3A_3320 = arith.constant 3 : i32
      %get3A_3321 = arith.constant 39 : i32
      %get3A_3322 = arith.index_cast %get3A_3320 : i32 to index
      %get3A_3323 = arith.index_cast %get3A_3321 : i32 to index
      %get3A_3324 = arith.constant 16 : index
      %get3A_3325 = tpu.vector_load %arg6[%get3A_3322, %get3A_3323, %get3A_3324] {strides = array<i32>} : memref<4x50x32xf32, #tpu.memory_space<vmem>>, vector<16xf32>,
      %bitcast3A_3326 = vector.bitcast %get3A_3325 : vector<16xf32> to vector<32xbf16>
      %add3A_3327 = arith.addf %add3A_3319, %bitcast3A_3326 : vector<32xbf16>
      %get3A_3328 = arith.constant 3 : i32
      %get3A_3329 = arith.constant 40 : i32
      %get3A_3330 = arith.index_cast %get3A_3328 : i32 to index
      %get3A_3331 = arith.index_cast %get3A_3329 : i32 to index
      %get3A_3332 = arith.constant 16 : index
      %get3A_3333 = tpu.vector_load %arg6[%get3A_3330, %get3A_3331, %get3A_3332] {strides = array<i32>} : memref<4x50x32xf32, #tpu.memory_space<vmem>>, vector<16xf32>,
      %bitcast3A_3334 = vector.bitcast %get3A_3333 : vector<16xf32> to vector<32xbf16>
      %add3A_3335 = arith.addf %add3A_3327, %bitcast3A_3334 : vector<32xbf16>
      %get3A_3336 = arith.constant 3 : i32
      %get3A_3337 = arith.constant 41 : i32
      %get3A_3338 = arith.index_cast %get3A_3336 : i32 to index
      %get3A_3339 = arith.index_cast %get3A_3337 : i32 to index
      %get3A_3340 = arith.constant 16 : index
      %get3A_3341 = tpu.vector_load %arg6[%get3A_3338, %get3A_3339, %get3A_3340] {strides = array<i32>} : memref<4x50x32xf32, #tpu.memory_space<vmem>>, vector<16xf32>,
      %bitcast3A_3342 = vector.bitcast %get3A_3341 : vector<16xf32> to vector<32xbf16>
      %add3A_3343 = arith.addf %add3A_3335, %bitcast3A_3342 : vector<32xbf16>
      %get3A_3344 = arith.constant 3 : i32
      %get3A_3345 = arith.constant 42 : i32
      %get3A_3346 = arith.index_cast %get3A_3344 : i32 to index
      %get3A_3347 = arith.index_cast %get3A_3345 : i32 to index
      %get3A_3348 = arith.constant 16 : index
      %get3A_3349 = tpu.vector_load %arg6[%get3A_3346, %get3A_3347, %get3A_3348] {strides = array<i32>} : memref<4x50x32xf32, #tpu.memory_space<vmem>>, vector<16xf32>,
      %bitcast3A_3350 = vector.bitcast %get3A_3349 : vector<16xf32> to vector<32xbf16>
      %add3A_3351 = arith.addf %add3A_3343, %bitcast3A_3350 : vector<32xbf16>
      %get3A_3352 = arith.constant 3 : i32
      %get3A_3353 = arith.constant 43 : i32
      %get3A_3354 = arith.index_cast %get3A_3352 : i32 to index
      %get3A_3355 = arith.index_cast %get3A_3353 : i32 to index
      %get3A_3356 = arith.constant 16 : index
      %get3A_3357 = tpu.vector_load %arg6[%get3A_3354, %get3A_3355, %get3A_3356] {strides = array<i32>} : memref<4x50x32xf32, #tpu.memory_space<vmem>>, vector<16xf32>,
      %bitcast3A_3358 = vector.bitcast %get3A_3357 : vector<16xf32> to vector<32xbf16>
      %add3A_3359 = arith.addf %add3A_3351, %bitcast3A_3358 : vector<32xbf16>
      %get3A_3360 = arith.constant 3 : i32
      %get3A_3361 = arith.constant 44 : i32
      %get3A_3362 = arith.index_cast %get3A_3360 : i32 to index
      %get3A_3363 = arith.index_cast %get3A_3361 : i32 to index
      %get3A_3364 = arith.constant 16 : index
      %get3A_3365 = tpu.vector_load %arg6[%get3A_3362, %get3A_3363, %get3A_3364] {strides = array<i32>} : memref<4x50x32xf32, #tpu.memory_space<vmem>>, vector<16xf32>,
      %bitcast3A_3366 = vector.bitcast %get3A_3365 : vector<16xf32> to vector<32xbf16>
      %add3A_3367 = arith.addf %add3A_3359, %bitcast3A_3366 : vector<32xbf16>
      %get3A_3368 = arith.constant 3 : i32
      %get3A_3369 = arith.constant 45 : i32
      %get3A_3370 = arith.index_cast %get3A_3368 : i32 to index
      %get3A_3371 = arith.index_cast %get3A_3369 : i32 to index
      %get3A_3372 = arith.constant 16 : index
      %get3A_3373 = tpu.vector_load %arg6[%get3A_3370, %get3A_3371, %get3A_3372] {strides = array<i32>} : memref<4x50x32xf32, #tpu.memory_space<vmem>>, vector<16xf32>,
      %bitcast3A_3374 = vector.bitcast %get3A_3373 : vector<16xf32> to vector<32xbf16>
      %add3A_3375 = arith.addf %add3A_3367, %bitcast3A_3374 : vector<32xbf16>
      %get3A_3376 = arith.constant 3 : i32
      %get3A_3377 = arith.constant 46 : i32
      %get3A_3378 = arith.index_cast %get3A_3376 : i32 to index
      %get3A_3379 = arith.index_cast %get3A_3377 : i32 to index
      %get3A_3380 = arith.constant 16 : index
      %get3A_3381 = tpu.vector_load %arg6[%get3A_3378, %get3A_3379, %get3A_3380] {strides = array<i32>} : memref<4x50x32xf32, #tpu.memory_space<vmem>>, vector<16xf32>,
      %bitcast3A_3382 = vector.bitcast %get3A_3381 : vector<16xf32> to vector<32xbf16>
      %add3A_3383 = arith.addf %add3A_3375, %bitcast3A_3382 : vector<32xbf16>
      %get3A_3384 = arith.constant 3 : i32
      %get3A_3385 = arith.constant 47 : i32
      %get3A_3386 = arith.index_cast %get3A_3384 : i32 to index
      %get3A_3387 = arith.index_cast %get3A_3385 : i32 to index
      %get3A_3388 = arith.constant 16 : index
      %get3A_3389 = tpu.vector_load %arg6[%get3A_3386, %get3A_3387, %get3A_3388] {strides = array<i32>} : memref<4x50x32xf32, #tpu.memory_space<vmem>>, vector<16xf32>,
      %bitcast3A_3390 = vector.bitcast %get3A_3389 : vector<16xf32> to vector<32xbf16>
      %add3A_3391 = arith.addf %add3A_3383, %bitcast3A_3390 : vector<32xbf16>
      %get3A_3392 = arith.constant 3 : i32
      %get3A_3393 = arith.constant 48 : i32
      %get3A_3394 = arith.index_cast %get3A_3392 : i32 to index
      %get3A_3395 = arith.index_cast %get3A_3393 : i32 to index
      %get3A_3396 = arith.constant 16 : index
      %get3A_3397 = tpu.vector_load %arg6[%get3A_3394, %get3A_3395, %get3A_3396] {strides = array<i32>} : memref<4x50x32xf32, #tpu.memory_space<vmem>>, vector<16xf32>,
      %bitcast3A_3398 = vector.bitcast %get3A_3397 : vector<16xf32> to vector<32xbf16>
      %add3A_3399 = arith.addf %add3A_3391, %bitcast3A_3398 : vector<32xbf16>
      %get3A_3400 = arith.constant 3 : i32
      %get3A_3401 = arith.constant 49 : i32
      %get3A_3402 = arith.index_cast %get3A_3400 : i32 to index
      %get3A_3403 = arith.index_cast %get3A_3401 : i32 to index
      %get3A_3404 = arith.constant 16 : index
      %get3A_3405 = tpu.vector_load %arg6[%get3A_3402, %get3A_3403, %get3A_3404] {strides = array<i32>} : memref<4x50x32xf32, #tpu.memory_space<vmem>>, vector<16xf32>,
      %bitcast3A_3406 = vector.bitcast %get3A_3405 : vector<16xf32> to vector<32xbf16>
      %add3A_3407 = arith.addf %add3A_3399, %bitcast3A_3406 : vector<32xbf16>
      %unpack3A_3408 = tpu.unpack_subelements %add3A_3407, 0 {pack_format = #tpu.pack_format<interleaved>} : vector<32xbf16> -> vector<16xf32>
      %unpack3A_3409 = tpu.unpack_subelements %add3A_3407, 1 {pack_format = #tpu.pack_format<interleaved>} : vector<32xbf16> -> vector<16xf32>
      %mul3A_3410 = arith.constant 2.000000e-02 : f32
      %mul3A_3411 = vector.broadcast %mul3A_3410 : f32 to vector<16xf32>
      %mul3A_3412 = arith.mulf %unpack3A_3408, %mul3A_3411 : vector<16xf32>
      %swap3A_3413 = arith.index_cast %add3A_2577 : i32 to index
      %swap3A_3414 = arith.constant 32 : index
      %swap3A_3415 = tpu.vector_load %arg7[%swap3A_3413, %swap3A_3414] {strides = array<i32>} : memref<512x64xf32, #tpu.memory_space<vmem>>, vector<16xf32>,
      tpu.vector_store %arg7[%swap3A_3413, %swap3A_3414], %mul3A_3412 {strides = array<i32>} : memref<512x64xf32, #tpu.memory_space<vmem>>, vector<16xf32>,
      %mul3A_3416 = arith.constant 2.000000e-02 : f32
      %mul3A_3417 = vector.broadcast %mul3A_3416 : f32 to vector<16xf32>
      %mul3A_3418 = arith.mulf %unpack3A_3409, %mul3A_3417 : vector<16xf32>
      %swap3A_3419 = arith.index_cast %add3A_2577 : i32 to index
      %swap3A_3420 = arith.constant 48 : index
      %swap3A_3421 = tpu.vector_load %arg7[%swap3A_3419, %swap3A_3420] {strides = array<i32>} : memref<512x64xf32, #tpu.memory_space<vmem>>, vector<16xf32>,
      tpu.vector_store %arg7[%swap3A_3419, %swap3A_3420], %mul3A_3418 {strides = array<i32>} : memref<512x64xf32, #tpu.memory_space<vmem>>, vector<16xf32>,
    }
    %scan3A_42 = arith.constant 128 : i32
    "tpu.region"() ({
      %run_scoped3A = tpu.sem_alloc : memref<!tpu.dma_semaphore, #tpu.memory_space<semaphore_mem>>
      %dma_start3A_43 = arith.constant 0 : i32
      %dma_start3A_44 = tpu.memref_slice %arg4[%mul3A_2, %dma_start3A_43] : memref<16384x64xf32, #tpu.memory_space<hbm>> -> memref<512x64xf32, #tpu.memory_space<hbm>>
      %dma_start3A_45 = arith.constant 0 : i32
      %dma_start3A_46 = tpu.memref_slice %arg4[%mul3A_2, %dma_start3A_45] : memref<16384x64xf32, #tpu.memory_space<hbm>> -> memref<512x64xf32, #tpu.memory_space<hbm>>
      tpu.enqueue_dma source(%arg7 : memref<512x64xf32, #tpu.memory_space<vmem>>) target(%dma_start3A_46 : memref<512x64xf32, #tpu.memory_space<hbm>>) target_semaphore(%run_scoped3A : memref<!tpu.dma_semaphore, #tpu.memory_space<semaphore_mem>>)
      %dma_wait3A = arith.constant 0 : i32
      %dma_wait3A_47 = tpu.memref_slice %arg4[%mul3A_2, %dma_wait3A] : memref<16384x64xf32, #tpu.memory_space<hbm>> -> memref<512x64xf32, #tpu.memory_space<hbm>>
      %dma_wait3A_48 = arith.constant 0 : i32
      %dma_wait3A_49 = tpu.memref_slice %arg4[%mul3A_2, %dma_wait3A_48] : memref<16384x64xf32, #tpu.memory_space<hbm>> -> memref<512x64xf32, #tpu.memory_space<hbm>>
      tpu.wait_dma2 semaphore(%run_scoped3A : memref<!tpu.dma_semaphore, #tpu.memory_space<semaphore_mem>>) src(%arg7 : memref<512x64xf32, #tpu.memory_space<vmem>>) dst(%dma_wait3A_49 : memref<512x64xf32, #tpu.memory_space<hbm>>)
      tpu.yield
    }) : () -> ()
    return
  }
}

module attributes {stable_mosaic.version = 14 : i64} {
  func.func @body(%arg0: i32, %arg1: memref<64x4096xf32, #tpu.memory_space<vmem>>, %arg2: memref<64x4096xf32, #tpu.memory_space<vmem>>, %arg3: memref<64x4096xf32, #tpu.memory_space<vmem>>, %arg4: memref<64x4096xf32, #tpu.memory_space<vmem>>, %arg5: memref<4096x128xf32, #tpu.memory_space<vmem>>) attributes {dimension_semantics = [#tpu.dimension_semantics<arbitrary>], iteration_bounds = array<i64: 62>, scalar_prefetch = 0 : i64, scratch_operands = 0 : i64, tpu.core_type = #tpu.core_type<tc>, window_params = [{transform_indices = @transform_0, window_bounds = array<i64: 64, 4096>}, {transform_indices = @transform_1, window_bounds = array<i64: 64, 4096>}, {transform_indices = @transform_2, window_bounds = array<i64: 64, 4096>}, {transform_indices = @transform_3, window_bounds = array<i64: 64, 4096>}, {transform_indices = @transform_4, window_bounds = array<i64: 4096, 128>}]} {
    %get3A = arith.constant 0 : index
    %get3A_0 = arith.constant 0 : index
    %get3A_1 = vector.load %arg1[%get3A, %get3A_0] : memref<64x4096xf32, #tpu.memory_space<vmem>>, vector<64x4096xf32>
    %slice3A = vector.extract_strided_slice %get3A_1 {offsets = [0, 0], sizes = [32, 4096], strides = [1, 1]} : vector<64x4096xf32> to vector<32x4096xf32>
    %slice3A_2 = vector.extract_strided_slice %get3A_1 {offsets = [32, 0], sizes = [32, 4096], strides = [1, 1]} : vector<64x4096xf32> to vector<32x4096xf32>
    %convert_element_type3A = arith.truncf %slice3A : vector<32x4096xf32> to vector<32x4096xbf16>
    %bitcast_convert_type3A = tpu.bitcast %convert_element_type3A : vector<32x4096xbf16> -> vector<32x4096xi16>
    %convert_element_type3A_3 = arith.extui %bitcast_convert_type3A : vector<32x4096xi16> to vector<32x4096xi32>
    %convert_element_type3A_4 = arith.truncf %slice3A_2 : vector<32x4096xf32> to vector<32x4096xbf16>
    %bitcast_convert_type3A_5 = tpu.bitcast %convert_element_type3A_4 : vector<32x4096xbf16> -> vector<32x4096xi16>
    %convert_element_type3A_6 = arith.extui %bitcast_convert_type3A_5 : vector<32x4096xi16> to vector<32x4096xi32>
    %shift_left3A = arith.constant 16 : i32
    %shift_left3A_7 = vector.broadcast %shift_left3A : i32 to vector<32x4096xi32>
    %shift_left3A_8 = arith.shli %convert_element_type3A_6, %shift_left3A_7 : vector<32x4096xi32>
    %or3A = arith.ori %convert_element_type3A_3, %shift_left3A_8 : vector<32x4096xi32>
    %bitcast_convert_type3A_9 = tpu.bitcast %or3A : vector<32x4096xi32> -> vector<32x4096xf32>
    %transpose3A = tpu.transpose %bitcast_convert_type3A_9, [1, 0] : vector<32x4096xf32> -> vector<4096x32xf32>
    %get3A_10 = arith.constant 0 : index
    %get3A_11 = arith.constant 0 : index
    %get3A_12 = vector.load %arg2[%get3A_10, %get3A_11] : memref<64x4096xf32, #tpu.memory_space<vmem>>, vector<64x4096xf32>
    %slice3A_13 = vector.extract_strided_slice %get3A_12 {offsets = [0, 0], sizes = [32, 4096], strides = [1, 1]} : vector<64x4096xf32> to vector<32x4096xf32>
    %slice3A_14 = vector.extract_strided_slice %get3A_12 {offsets = [32, 0], sizes = [32, 4096], strides = [1, 1]} : vector<64x4096xf32> to vector<32x4096xf32>
    %convert_element_type3A_15 = arith.truncf %slice3A_13 : vector<32x4096xf32> to vector<32x4096xbf16>
    %bitcast_convert_type3A_16 = tpu.bitcast %convert_element_type3A_15 : vector<32x4096xbf16> -> vector<32x4096xi16>
    %convert_element_type3A_17 = arith.extui %bitcast_convert_type3A_16 : vector<32x4096xi16> to vector<32x4096xi32>
    %convert_element_type3A_18 = arith.truncf %slice3A_14 : vector<32x4096xf32> to vector<32x4096xbf16>
    %bitcast_convert_type3A_19 = tpu.bitcast %convert_element_type3A_18 : vector<32x4096xbf16> -> vector<32x4096xi16>
    %convert_element_type3A_20 = arith.extui %bitcast_convert_type3A_19 : vector<32x4096xi16> to vector<32x4096xi32>
    %shift_left3A_21 = arith.constant 16 : i32
    %shift_left3A_22 = vector.broadcast %shift_left3A_21 : i32 to vector<32x4096xi32>
    %shift_left3A_23 = arith.shli %convert_element_type3A_20, %shift_left3A_22 : vector<32x4096xi32>
    %or3A_24 = arith.ori %convert_element_type3A_17, %shift_left3A_23 : vector<32x4096xi32>
    %bitcast_convert_type3A_25 = tpu.bitcast %or3A_24 : vector<32x4096xi32> -> vector<32x4096xf32>
    %transpose3A_26 = tpu.transpose %bitcast_convert_type3A_25, [1, 0] : vector<32x4096xf32> -> vector<4096x32xf32>
    %get3A_27 = arith.constant 0 : index
    %get3A_28 = arith.constant 0 : index
    %get3A_29 = vector.load %arg3[%get3A_27, %get3A_28] : memref<64x4096xf32, #tpu.memory_space<vmem>>, vector<64x4096xf32>
    %slice3A_30 = vector.extract_strided_slice %get3A_29 {offsets = [0, 0], sizes = [32, 4096], strides = [1, 1]} : vector<64x4096xf32> to vector<32x4096xf32>
    %slice3A_31 = vector.extract_strided_slice %get3A_29 {offsets = [32, 0], sizes = [32, 4096], strides = [1, 1]} : vector<64x4096xf32> to vector<32x4096xf32>
    %convert_element_type3A_32 = arith.truncf %slice3A_30 : vector<32x4096xf32> to vector<32x4096xbf16>
    %bitcast_convert_type3A_33 = tpu.bitcast %convert_element_type3A_32 : vector<32x4096xbf16> -> vector<32x4096xi16>
    %convert_element_type3A_34 = arith.extui %bitcast_convert_type3A_33 : vector<32x4096xi16> to vector<32x4096xi32>
    %convert_element_type3A_35 = arith.truncf %slice3A_31 : vector<32x4096xf32> to vector<32x4096xbf16>
    %bitcast_convert_type3A_36 = tpu.bitcast %convert_element_type3A_35 : vector<32x4096xbf16> -> vector<32x4096xi16>
    %convert_element_type3A_37 = arith.extui %bitcast_convert_type3A_36 : vector<32x4096xi16> to vector<32x4096xi32>
    %shift_left3A_38 = arith.constant 16 : i32
    %shift_left3A_39 = vector.broadcast %shift_left3A_38 : i32 to vector<32x4096xi32>
    %shift_left3A_40 = arith.shli %convert_element_type3A_37, %shift_left3A_39 : vector<32x4096xi32>
    %or3A_41 = arith.ori %convert_element_type3A_34, %shift_left3A_40 : vector<32x4096xi32>
    %bitcast_convert_type3A_42 = tpu.bitcast %or3A_41 : vector<32x4096xi32> -> vector<32x4096xf32>
    %transpose3A_43 = tpu.transpose %bitcast_convert_type3A_42, [1, 0] : vector<32x4096xf32> -> vector<4096x32xf32>
    %get3A_44 = arith.constant 0 : index
    %get3A_45 = arith.constant 0 : index
    %get3A_46 = vector.load %arg4[%get3A_44, %get3A_45] : memref<64x4096xf32, #tpu.memory_space<vmem>>, vector<64x4096xf32>
    %slice3A_47 = vector.extract_strided_slice %get3A_46 {offsets = [0, 0], sizes = [32, 4096], strides = [1, 1]} : vector<64x4096xf32> to vector<32x4096xf32>
    %slice3A_48 = vector.extract_strided_slice %get3A_46 {offsets = [32, 0], sizes = [32, 4096], strides = [1, 1]} : vector<64x4096xf32> to vector<32x4096xf32>
    %convert_element_type3A_49 = arith.truncf %slice3A_47 : vector<32x4096xf32> to vector<32x4096xbf16>
    %bitcast_convert_type3A_50 = tpu.bitcast %convert_element_type3A_49 : vector<32x4096xbf16> -> vector<32x4096xi16>
    %convert_element_type3A_51 = arith.extui %bitcast_convert_type3A_50 : vector<32x4096xi16> to vector<32x4096xi32>
    %convert_element_type3A_52 = arith.truncf %slice3A_48 : vector<32x4096xf32> to vector<32x4096xbf16>
    %bitcast_convert_type3A_53 = tpu.bitcast %convert_element_type3A_52 : vector<32x4096xbf16> -> vector<32x4096xi16>
    %convert_element_type3A_54 = arith.extui %bitcast_convert_type3A_53 : vector<32x4096xi16> to vector<32x4096xi32>
    %shift_left3A_55 = arith.constant 16 : i32
    %shift_left3A_56 = vector.broadcast %shift_left3A_55 : i32 to vector<32x4096xi32>
    %shift_left3A_57 = arith.shli %convert_element_type3A_54, %shift_left3A_56 : vector<32x4096xi32>
    %or3A_58 = arith.ori %convert_element_type3A_51, %shift_left3A_57 : vector<32x4096xi32>
    %bitcast_convert_type3A_59 = tpu.bitcast %or3A_58 : vector<32x4096xi32> -> vector<32x4096xf32>
    %transpose3A_60 = tpu.transpose %bitcast_convert_type3A_59, [1, 0] : vector<32x4096xf32> -> vector<4096x32xf32>
    %concatenate3A = tpu.concatenate %transpose3A, %transpose3A_26, %transpose3A_43, %transpose3A_60 in 1 : vector<4096x32xf32>, vector<4096x32xf32>, vector<4096x32xf32>, vector<4096x32xf32> -> vector<4096x128xf32>
    %swap3A = arith.constant 0 : index
    %swap3A_61 = arith.constant 0 : index
    %swap3A_62 = vector.load %arg5[%swap3A, %swap3A_61] : memref<4096x128xf32, #tpu.memory_space<vmem>>, vector<4096x128xf32>
    tpu.vector_store %arg5[%swap3A, %swap3A_61], %concatenate3A {strides = array<i32>} : memref<4096x128xf32, #tpu.memory_space<vmem>>, vector<4096x128xf32>,
    return
  }
  func.func @transform_0(%arg0: i32) -> (i32, i32) {
    %add3A = arith.constant 0 : i32
    %add3A_0 = arith.addi %arg0, %add3A : i32
    %min3A = arith.constant 244 : i32
    %min3A_1 = arith.minsi %add3A_0, %min3A : i32
    %c0_i32 = arith.constant 0 : i32
    %c0_i32_2 = arith.constant 0 : i32
    return %c0_i32, %min3A_1 : i32, i32
  }
  func.func @transform_1(%arg0: i32) -> (i32, i32) {
    %add3A = arith.constant 62 : i32
    %add3A_0 = arith.addi %arg0, %add3A : i32
    %min3A = arith.constant 244 : i32
    %min3A_1 = arith.minsi %add3A_0, %min3A : i32
    %c0_i32 = arith.constant 0 : i32
    %c0_i32_2 = arith.constant 0 : i32
    return %c0_i32, %min3A_1 : i32, i32
  }
  func.func @transform_2(%arg0: i32) -> (i32, i32) {
    %add3A = arith.constant 124 : i32
    %add3A_0 = arith.addi %arg0, %add3A : i32
    %min3A = arith.constant 244 : i32
    %min3A_1 = arith.minsi %add3A_0, %min3A : i32
    %c0_i32 = arith.constant 0 : i32
    %c0_i32_2 = arith.constant 0 : i32
    return %c0_i32, %min3A_1 : i32, i32
  }
  func.func @transform_3(%arg0: i32) -> (i32, i32) {
    %add3A = arith.constant 186 : i32
    %add3A_0 = arith.addi %arg0, %add3A : i32
    %min3A = arith.constant 244 : i32
    %min3A_1 = arith.minsi %add3A_0, %min3A : i32
    %c0_i32 = arith.constant 0 : i32
    %c0_i32_2 = arith.constant 0 : i32
    return %c0_i32, %min3A_1 : i32, i32
  }
  func.func @transform_4(%arg0: i32) -> (i32, i32) {
    %c0_i32 = arith.constant 0 : i32
    %c0_i32_0 = arith.constant 0 : i32
    return %arg0, %c0_i32 : i32, i32
  }
}

module attributes {stable_mosaic.version = 14 : i64} {
  func.func @body(%arg0: i32, %arg1: memref<2048x64xf32, #tpu.memory_space<vmem>>, %arg2: memref<64x50xf32, #tpu.memory_space<vmem>>, %arg3: memref<1x50xf32, #tpu.memory_space<vmem>>, %arg4: memref<2048x50xf32, #tpu.memory_space<vmem>>) attributes {dimension_semantics = [#tpu.dimension_semantics<arbitrary>], iteration_bounds = array<i64: 8>, scalar_prefetch = 0 : i64, scratch_operands = 0 : i64, tpu.core_type = #tpu.core_type<tc>, window_params = [{transform_indices = @transform_0, window_bounds = array<i64: 2048, 64>}, {pipeline_mode = #tpu.pipeline_mode<synchronous>, transform_indices = @transform_1, window_bounds = array<i64: 64, 50>}, {pipeline_mode = #tpu.pipeline_mode<synchronous>, transform_indices = @transform_2, window_bounds = array<i64: 1, 50>}, {transform_indices = @transform_3, window_bounds = array<i64: 2048, 50>}]} {
    %get3A = arith.constant 0 : index
    %get3A_0 = arith.constant 0 : index
    %get3A_1 = vector.load %arg1[%get3A, %get3A_0] : memref<2048x64xf32, #tpu.memory_space<vmem>>, vector<2048x64xf32>
    %get3A_2 = arith.constant 0 : index
    %get3A_3 = arith.constant 0 : index
    %get3A_4 = vector.load %arg2[%get3A_2, %get3A_3] : memref<64x50xf32, #tpu.memory_space<vmem>>, vector<64x50xf32>
    %dot_general3A = arith.constant dense<0.000000e+00> : vector<2048x50xf32>
    %dot_general3A_5 = tpu.matmul %get3A_1, %get3A_4, %dot_general3A {dimension_numbers = #tpu.dot_dimension_numbers<[1], [0], [0], [1], [0, 0, 1, 1], [], []>, transpose_lhs_hint = false} : vector<2048x64xf32>, vector<64x50xf32>, vector<2048x50xf32> -> vector<2048x50xf32>
    %get3A_6 = arith.constant 0 : index
    %get3A_7 = arith.constant 0 : index
    %get3A_8 = vector.load %arg3[%get3A_6, %get3A_7] : memref<1x50xf32, #tpu.memory_space<vmem>>, vector<1x50xf32>
    %add3A = vector.broadcast %get3A_8 : vector<1x50xf32> to vector<2048x50xf32>
    %add3A_9 = arith.addf %dot_general3A_5, %add3A : vector<2048x50xf32>
    %logistic3A = arith.negf %add3A_9 : vector<2048x50xf32>
    %logistic3A_10 = math.exp %logistic3A : vector<2048x50xf32>
    %logistic3A_11 = arith.constant 1.000000e+00 : f32
    %logistic3A_12 = vector.broadcast %logistic3A_11 : f32 to vector<2048x50xf32>
    %logistic3A_13 = arith.addf %logistic3A_12, %logistic3A_10 : vector<2048x50xf32>
    %logistic3A_14 = arith.divf %logistic3A_12, %logistic3A_13 : vector<2048x50xf32>
    %swap3A = arith.constant 0 : index
    %swap3A_15 = arith.constant 0 : index
    %swap3A_16 = vector.load %arg4[%swap3A, %swap3A_15] : memref<2048x50xf32, #tpu.memory_space<vmem>>, vector<2048x50xf32>
    tpu.vector_store %arg4[%swap3A, %swap3A_15], %logistic3A_14 {strides = array<i32>} : memref<2048x50xf32, #tpu.memory_space<vmem>>, vector<2048x50xf32>,
    return
  }
  func.func @transform_0(%arg0: i32) -> (i32, i32) {
    %c0_i32 = arith.constant 0 : i32
    %c0_i32_0 = arith.constant 0 : i32
    return %arg0, %c0_i32 : i32, i32
  }
  func.func @transform_1(%arg0: i32) -> (i32, i32) {
    %c0_i32 = arith.constant 0 : i32
    %c0_i32_0 = arith.constant 0 : i32
    %c0_i32_1 = arith.constant 0 : i32
    return %c0_i32, %c0_i32_0 : i32, i32
  }
  func.func @transform_2(%arg0: i32) -> (i32, i32) {
    %c0_i32 = arith.constant 0 : i32
    %c0_i32_0 = arith.constant 0 : i32
    %c0_i32_1 = arith.constant 0 : i32
    return %c0_i32, %c0_i32_0 : i32, i32
  }
  func.func @transform_3(%arg0: i32) -> (i32, i32) {
    %c0_i32 = arith.constant 0 : i32
    %c0_i32_0 = arith.constant 0 : i32
    return %arg0, %c0_i32 : i32, i32
  }
}

</mosaic_0001>

<sc_bundles>
// kernel: kernel.5.cloned.1.call-start
scs
__scs_entry_jumppad:
0x0: {  	(pc) =	sbr.rel $0x88, $3  }
0x1: {  	(tag) =	ssettag $0x0;
	lr =	simm.s32 $0x1  }
0x2: {  	[smem:$0x3F9D] =	sst lr;
	_ =	strace $0xD0000000  }
0x3: {  	_ = 	snop  }
0x4: {  	_ = 	snop  }
0x5: {  	_ = 	snop  }
0x6: {  	_ = 	snop  }
0x7: {  	_ = 	snop  }
__scs_overlays_trampoline_lowered:
0x8: {  	[smem:$0x3FAC] =	sst s0  }
0x9: {  	[smem:$0x3FAD] =	sst s1  }
0xa: {  	[smem:$0x3FAE] =	sst s2  }
0xb: {  	[smem:$0x3FAF] =	sst s3  }
0xc: {  	[smem:$0x3FB0] =	sst s4  }
0xd: {  	[smem:$0x3FB1] =	sst s5  }
0xe: {  	[smem:$0x3FB2] =	sst s6  }
0xf: {  	[smem:$0x3FB3] =	sst s7  }
0x10: {  	[smem:$0x3FB4] =	sst s8  }
0x11: {  	[smem:$0x3FB5] =	sst s9;
	s0 =	simm.s32 @!p0 $0x0  }
0x12: {  	s1 =	sld [smem:$0x3F9B];
	s0 =	simm.s32 @p0 $0x1  }
0x13: {  	[smem:$0x3FB6] =	sst s0;
	s0 =	simm.s32 @!p1 $0x0  }
0x14: {  	s2 =	sld [smem:$0x3F9A];
	s0 =	simm.s32 @p1 $0x1  }
0x15: {  	[smem:$0x3FB7] =	sst s0;
	s0 =	simm.s32 @!p2 $0x0  }
0x16: {  	s3 =	sld [smem:$0x3FDB];
	s0 =	simm.s32 @p2 $0x1  }
0x17: {  	s4 =	simm.s32 $0x1BF5;
	[smem:$0x3FB9] =	sst s0  }
0x18: {  	s0 =	sld [smem:$0x3F9C];
	_ =	swait.ge [sflag:s4], $0x0  }
0x19: {  	s7 =	sld [smem:$0x3F9D]  }
0x1a: {  	s8 =	sadd.s32 $0xFFFFE003, lr  }
0x1b: {  	s9 =	sadd.s32 $0xFFFFFEF7, lr;
	s5 =	simm.s32 $0xFFFFFFFF;
	p2 =	slt.u32 s8, $0xFFFFF086  }
0x1c: {  	p1 =	slt.u32 s9, $0xF7A;
	s5 =	simm.s32 @!p2 $0x0  }
0x1d: {  	s5 =	simm.s32 @p1 $0x1;
	p0 =	seq.s32 s7, s2  }
0x1e: {  	s7 =	smul.u32 @!p0 $0xF7A, s2;
	p2 =	seq.s32 @!p0 s5, $0x0  }
0x1f: {  	s9 =	smul.u32 $0xF7A, s1;
	s8 =	simm.s32 @!p0 $0x1BF5;
	p2 =	por !p2, p0  }
0x20: {  	[sflag:s8] =	ssyncset.s32 @!p0 $0xFFFFF086;
	s6 =	sadd.s32 @!p0 s3, s7;
	s7 =	simm.s32 @!p0 $0x108  }
0x21: {  	s3 =	sadd.s32 s3, s9;
	s6 =	sadd.s32 @!p0 $0x88, s6;
	s7 =	simm.s32 @p2 $0x1082  }
0x22: {  	[simem:s7], [sflag:s8] =	dma.local @!p0 [hbm:s6], $0xF7A  }
0x23: {  	s9 =	sor.u32 $0xD0000000, s2;
	s6 =	simm.s32 $0x108;
	_ =	swait.ge @!p0 [sflag:s8], $0x0  }
0x24: {  	s3 =	sadd.s32 $0x88, s3;
	s6 =	simm.s32 @!p1 $0x1082;
	[sflag:s4] =	ssyncset.s32 $0xFFFFF086  }
0x25: {  	[simem:s6], [sflag:s4] =	dma.local [hbm:s3], $0xF7A  }
0x26: {  	[smem:$0x3F9D] =	sst s1;
	(tag) =	ssettag s2;
	_ =	strace s9  }
0x27: {  	s1 =	sld [smem:$0x3FAD]  }
0x28: {  	s2 =	sld [smem:$0x3FAE]  }
0x29: {  	s4 =	sld [smem:$0x3FB0]  }
0x2a: {  	p0 =	seq.s32 s5, $0x0;
	s5 =	sld [smem:$0x3FB1]  }
0x2b: {  	s6 =	sld [smem:$0x3FB2]  }
0x2c: {  	s7 =	sld [smem:$0x3FB3]  }
0x2d: {  	s3 =	simm.s32 $0x108;
	s8 =	sld [smem:$0x3FB4]  }
0x2e: {  	s3 =	simm.s32 @!p0 $0x1082;
	s9 =	sld [smem:$0x3FB5]  }
0x2f: {  	lr =	sadd.s32 s0, s3;
	s0 =	sld [smem:$0x3FAC]  }
0x30: {  	s3 =	sld [smem:$0x3FAF]  }
0x31: {  	[smem:$0x3FB8] =	sst s10  }
0x32: {  	s10 =	sld [smem:$0x3FB6];
	_ =	sdelay $0x3  }
0x33: {  	p0 =	seq.s32 s10, $0x1;
	s10 =	sld [smem:$0x3FB8];
	_ =	sdelay $0x3  }
0x34: {  	[smem:$0x3FB8] =	sst s10  }
0x35: {  	s10 =	sld [smem:$0x3FB7];
	_ =	sdelay $0x3  }
0x36: {  	p1 =	seq.s32 s10, $0x1;
	s10 =	sld [smem:$0x3FB8];
	_ =	sdelay $0x3  }
0x37: {  	[smem:$0x3FB8] =	sst s10  }
0x38: {  	s10 =	sld [smem:$0x3FB9]  }
0x39: {  	_ = 	snop;
	(pc) =	sbr.ind lr, $3  }
0x3a: {  	_ = 	snop  }
0x3b: {  	_ = 	snop  }
0x3c: {  	p2 =	seq.s32 s10, $0x1;
	s10 =	sld [smem:$0x3FB8]  }
0x3d: {  	_ =	shalt  }
0x3e: {  	_ =	shalt  }
0x3f: {  	_ =	shalt  }
0x40: {  	_ =	shalt  }
0x41: {  	_ =	shalt  }
0x42: {  	_ =	shalt  }
0x43: {  	_ =	shalt  }
0x44: {  	_ =	shalt  }
0x45: {  	_ =	shalt  }
0x46: {  	_ =	shalt  }
0x47: {  	_ =	shalt  }
0x48: {  	_ =	shalt  }
0x49: {  	_ =	shalt  }
0x4a: {  	_ =	shalt  }
0x4b: {  	_ =	shalt  }
0x4c: {  	_ =	shalt  }
0x4d: {  	_ =	shalt  }
0x4e: {  	_ =	shalt  }
0x4f: {  	_ =	shalt  }
0x50: {  	_ =	shalt  }
0x51: {  	_ =	shalt  }
0x52: {  	_ =	shalt  }
0x53: {  	_ =	shalt  }
0x54: {  	_ =	shalt  }
0x55: {  	_ =	shalt  }
0x56: {  	_ =	shalt  }
0x57: {  	_ =	shalt  }
0x58: {  	_ =	shalt  }
0x59: {  	_ =	shalt  }
0x5a: {  	_ =	shalt  }
0x5b: {  	_ =	shalt  }
0x5c: {  	_ =	shalt  }
0x5d: {  	_ =	shalt  }
0x5e: {  	_ =	shalt  }
0x5f: {  	_ =	shalt  }
0x60: {  	_ =	shalt  }
0x61: {  	_ =	shalt  }
0x62: {  	_ =	shalt  }
0x63: {  	_ =	shalt  }
0x64: {  	_ =	shalt  }
0x65: {  	_ =	shalt  }
0x66: {  	_ =	shalt  }
0x67: {  	_ =	shalt  }
0x68: {  	_ =	shalt  }
0x69: {  	_ =	shalt  }
0x6a: {  	_ =	shalt  }
0x6b: {  	_ =	shalt  }
0x6c: {  	_ =	shalt  }
0x6d: {  	_ =	shalt  }
0x6e: {  	_ =	shalt  }
0x6f: {  	_ =	shalt  }
0x70: {  	_ =	shalt  }
0x71: {  	_ =	shalt  }
0x72: {  	_ =	shalt  }
0x73: {  	_ =	shalt  }
0x74: {  	_ =	shalt  }
0x75: {  	_ =	shalt  }
0x76: {  	_ =	shalt  }
0x77: {  	_ =	shalt  }
0x78: {  	_ =	shalt  }
0x79: {  	_ =	shalt  }
0x7a: {  	_ =	shalt  }
0x7b: {  	_ =	shalt  }
0x7c: {  	_ =	shalt  }
0x7d: {  	_ =	shalt  }
0x7e: {  	_ =	shalt  }
0x7f: {  	_ =	shalt  }
0x80: {  	_ =	shalt  }
0x81: {  	_ =	shalt  }
0x82: {  	_ =	shalt  }
0x83: {  	_ =	shalt  }
0x84: {  	_ =	shalt  }
0x85: {  	_ =	shalt  }
0x86: {  	_ =	shalt  }
0x87: {  	_ =	shalt  }
.Lfunc_end0:
.L_simem_size_0:
called_computation_lowered:
.L_overlay_start_0:
0x88: {  	s2 =	sld [smem:$0x3FD9]  }
0x89: {  	s3 =	sld [smem:$0x3FFE];
	_ =	sdelay $0x1  }
0x8a: {  	s1 =	srdreg.scid  }
0x8b: {  	s0 =	sand.u32 $0x1, s1  }
0x8c: {  	s17 =	sshll.u32 s0, $0xA;
	s2 =	sadd.s32 s3, s2  }
0x8d: {  	s2 =	sadd.s32 s2, s17  }
0x8e: {  	[smem:$0x3FC4] =	sst s2  }
0x8f: {  	_ = 	snop  }
0x90: {  	s2 =	sld [smem:$0x3FD0];
	(tm) =	ssettm $0x1  }
0x91: {  	s18 =	sld [smem:$0x3FFB];
	_ =	sdelay $0x3  }
0x92: {  	_ =	strace s18  }
0x93: {  	s3 =	sld [smem:$0x3FFC];
	_ =	sdelay $0x3  }
0x94: {  	_ =	strace s3  }
0x95: {  	s3 =	sld [smem:$0x3FFD];
	_ =	sdelay $0x3  }
0x96: {  	_ =	strace s3  }
0x97: {  	_ =	strace $0x8FFFFFFF  }
0x98: {  	s19 =	sld [smem:$0x3FDB];
	_ =	sdelay $0x1  }
0x99: {  	s4 =	simm.s32 $_scs_section_size  }
0x9a: {  	s5 =	simm.s32 $_size__tile_overlayer_lowered;
	s6 =	simm.s32 $_tile_overlayer_lowered  }
0x9b: {  	s22 =	simm.s32 $0x1BFF;
	s21 =	sshll.u32 s6, $0x1;
	s3 =	sadd.s32 s4, s19  }
0x9c: {  	s7 =	simm.s32 $0x0;
	s20 =	sshll.u32 s5, $0x1;
	s5 =	sadd.s32 s21, s3  }
0x9d: {  	[timem:s7], [sflag:s22] =	dma.local [hbm:s5], s20  }
0x9e: {  	_ =	swait.ge [sflag:s22], s20  }
0x9f: {  	s4 =	ssub.s32 $0x0, s20;
	[sflag:s22] =	ssyncset.done $0x0  }
0xa0: {  	[sflag:s22] =	ssyncadd.s32 s4;
	_ =	sdelay $0x1  }
0xa1: {  	s23 =	simm.s32 $0x1B8B  }
0xa2: {  	_ =	swait.ge [sflag:s23], $0x1  }
0xa3: {  	[sflag:s23] =	ssyncset.done $0x0  }
0xa4: {  	s25 =	simm.s32 $0x1B8E;
	s24 =	sld [smem:$0x3FFE];
	[sflag:s23] =	ssyncadd.s32 $0xFFFFFFFF  }
0xa5: {  	s26 =	simm.s32 $execute0_lowered;
	[smem:$0x3FD2] =	sst s25  }
0xa6: {  	s5 =	sshll.u32 s26, $0x1;
	_ =	strace $0x80000046;
	[dreg:$0x1] =	wrdreg $0xFFFFFFFF  }
0xa7: {  	s28 =	simm.s32 $_size_execute0_lowered;
	s3 =	sadd.s32 s3, s5;
	[dreg:$0x0] =	wrdreg $0x0  }
0xa8: {  	s5 =	sshll.u32 s28, $0x1;
	[dreg:$0x2] =	wrdreg s3  }
0xa9: {  	[dreg:$0x3] =	wrdreg s5  }
0xaa: {  	[dreg:$0x4] =	wrdreg $0xC0  }
0xab: {  	_ =	task [dreg:s7], $0x5FFFF  }
0xac: {  	[dreg:$0x1] =	wrdreg $0xFFFFFFFF  }
0xad: {  	[dreg:$0x0] =	wrdreg $0x60  }
0xae: {  	[dreg:$0x2] =	wrdreg s2  }
0xaf: {  	[dreg:$0x3] =	wrdreg s24  }
0xb0: {  	[dreg:$0x4] =	wrdreg $0x9  }
0xb1: {  	_ =	task.clear_ibuf [dreg:s7], $0x5FFFF;
	_ =	strace $0x90000046  }
0xb2: {  	s29 =	simm.s32 $0x9;
	_ =	strace $0x80000048  }
0xb3: {  	_ =	swait.ge [sflag:s29], $0x1  }
0xb4: {  	[sflag:s29] =	ssyncadd.s32 $0xFFFFFFFF  }
0xb5: {  	_ =	strace $0x90000048  }
0xb6: {  	_ =	sfence  }
0xb7: {  	s30 =	sld [smem:$0x0];
	_ =	sdelay $0x2  }
0xb8: {  	s31 =	sshll.u32 s1, $0xD;
	s1 =	sshrl.u32 s1, $0x2  }
0xb9: {  	s3 =	sand.u32 $0x4000, s31;
	s1 =	sadd.s32 s1, s30  }
0xba: {  	s0 =	sor.u32 s3, s0;
	s1 =	sshll.u32 s1, $0x11  }
0xbb: {  	s0 =	sor.u32 s1, s0  }
0xbc: {  	s0 =	sadd.s32 $0x8F2B, s0  }
0xbd: {  	[sflag:s0] =	ssyncadd.remote.s32 $0x1  }
0xbe: {  	_ =	sfence.sel $0xFFFF  }
0xbf: {  	[dreg:$0x0] =	wrdreg $0xFFFFFFFF;
	(pc) =	sbr.abs _section_cstart, $3  }
0xc0: {  	[dreg:$0x1] =	wrdreg $0xFFFFFFFF  }
0xc1: {  	_ =	task.clear_ibuf [dreg:s7], $0x2FFFF;
	_ =	strace $0x9FFFFFFF  }
0xc2: {  	(tm) =	ssettm $0x7FFFFFFF  }
0xc3: {  	_ =	shalt  }
tec
execute0_lowered:
.L_overlay_start_1:
0x0: {  	(tag) =	ssettag $0x1  }
0x1: {  	s4 =	rddreg [dreg:$0x0]  }
0x2: {  	s5 =	rddreg [dreg:$0x1]  }
0x3: {  	s0 =	rddreg [dreg:$0x2]  }
0x4: {  	s3 =	srdreg.scid;
	s2 =	simm.s32 $0x0;
	s1 =	stileid.u32  }
0x5: {  	s9 =	simm.s32 $0x7000;
	s10 =	simm.s32 $0x38;
	s11 =	simm.s32 $0x7640  }
0x6: {  	s12 =	simm.s32 $0x70;
	s13 =	simm.s32 $0x7C80;
	s14 =	simm.s32 $0x82C0  }
0x7: {  	s15 =	simm.s32 $0x1;
	s16 =	simm.s32 $0x2;
	s17 =	simm.s32 $0x3  }
0x8: {  	s18 =	simm.s32 $0x4;
	s19 =	simm.s32 $0x8900;
	s3 =	sand.u32 $0x1, s3  }
0x9: {  	[smem:$0x7FF] =	sst s2;
	s6 =	sshll.u32 s1, $0xA;
	s7 =	sshll.u32 s3, $0x9  }
0xa: {  	s20 =	simm.s32 $0x0;
	_ =	strace $0x80000047;
	s6 =	sor.u32 s7, s6  }
0xb: {  	s8 =	ssub.s32 $0x2, s3;
	s7 =	sshll.u32 s6, $0x3;
	s6 =	smul.u32 $0x7, s6  }
0xc: {  	s3 =	sadd.s32 $0xA00, s5;
	s31 =	sshrl.u32 s8, $0x1;
	s5 =	sadd.s32 s7, s5  }
0xd: {  	s7 =	ssub.s32 s8, s31;
	s8 =	simm.s32 $0x32;
	s4 =	sadd.s32 s4, s6  }
0xe: {  	s5 =	sadd.s32 $0x3E0A00, s5;
	s6 =	smax.u32 s7, $0x1;
	s7 =	simm.s32 $0x5  }
.LBB2_1:
0xf: {  	[tilespmem:s2], [sflag:$0x5] =	stream.linear.gather [hbm4b:s4+s2], $0x7000, $0x38;
	[tilespmem:$0x10900] =	vst v63  }
0x10: {  	_ =	swait.ge [sflag:s7], $0x7000  }
0x11: {  	[sflag:s7] =	ssyncset.done $0x0  }
0x12: {  	[sflag:s7] =	ssyncadd.s32 $0xFFFF9000  }
0x13: {  	[tilespmem:s9], [sflag:$0x1] =	stream.indirect.gather [hbm4b:s3+s8], $0x20, s2, s8, $0xb8;
	[tilespmem:$0x10900] =	vst v63  }
0x14: {  	_ = 	snop  }
0x15: {  	[tilespmem:s11], [sflag:$0x2] =	stream.indirect.gather [hbm4b:s3+s8], $0x20, s10, s8, $0xb8;
	[tilespmem:$0x10900] =	vst v63  }
0x16: {  	s21 =	simm.s32 $0x8980;
	s22 =	simm.s32 $0x0  }
0x17: {  	[tilespmem:s13], [sflag:$0x3] =	stream.indirect.gather [hbm4b:s3+s8], $0x20, s12, s8, $0xb8;
	[tilespmem:$0x10900] =	vst v63  }
.LBB2_2:
0x18: {  	s23 =	sshra.s32 s22, $0x2  }
0x19: {  	s23 =	sadd.s32 $0xA8, s23  }
0x1a: {  	[tilespmem:s14], [sflag:$0x4] =	stream.indirect.gather [hbm4b:s3+s8], $0x20, s23, s8, $0xb8;
	[tilespmem:$0x10900] =	vst v63  }
0x1b: {  	_ =	swait.ge [sflag:s15], $0x640  }
0x1c: {  	[sflag:s15] =	ssyncset.done $0x0  }
0x1d: {  	[sflag:s15] =	ssyncadd.s32 $0xFFFFF9C0  }
0x1e: {  	v0 =	vld [tilespmem:$0x7000]  }
0x1f: {  	v1 =	vld [tilespmem:$0x7020];
	_ =	sdelay $0x1  }
0x20: {  	v2 =	vld [tilespmem:$0x7040];
	_ =	sdelay $0x1  }
0x21: {  	v3 =	vld [tilespmem:$0x7060]  }
0x22: {  	v0 =	vadd.bf16 v1, v0  }
0x23: {  	v24 =	vld [tilespmem:$0x7080]  }
0x24: {  	v0 =	vadd.bf16 v2, v0  }
0x25: {  	v25 =	vld [tilespmem:$0x70A0]  }
0x26: {  	v0 =	vadd.bf16 v3, v0  }
0x27: {  	v26 =	vld [tilespmem:$0x70C0]  }
0x28: {  	v0 =	vadd.bf16 v24, v0  }
0x29: {  	v27 =	vld [tilespmem:$0x70E0]  }
0x2a: {  	v0 =	vadd.bf16 v25, v0  }
0x2b: {  	v28 =	vld [tilespmem:$0x7100]  }
0x2c: {  	v0 =	vadd.bf16 v26, v0  }
0x2d: {  	v29 =	vld [tilespmem:$0x7120]  }
0x2e: {  	v0 =	vadd.bf16 v27, v0  }
0x2f: {  	v30 =	vld [tilespmem:$0x7140]  }
0x30: {  	v0 =	vadd.bf16 v28, v0  }
0x31: {  	v31 =	vld [tilespmem:$0x7160]  }
0x32: {  	v0 =	vadd.bf16 v29, v0  }
0x33: {  	v32 =	vld [tilespmem:$0x7180]  }
0x34: {  	v0 =	vadd.bf16 v30, v0  }
0x35: {  	v33 =	vld [tilespmem:$0x71A0]  }
0x36: {  	v0 =	vadd.bf16 v31, v0  }
0x37: {  	v34 =	vld [tilespmem:$0x71C0]  }
0x38: {  	v0 =	vadd.bf16 v32, v0  }
0x39: {  	v35 =	vld [tilespmem:$0x71E0]  }
0x3a: {  	v0 =	vadd.bf16 v33, v0  }
0x3b: {  	v36 =	vld [tilespmem:$0x7200]  }
0x3c: {  	v0 =	vadd.bf16 v34, v0  }
0x3d: {  	v37 =	vld [tilespmem:$0x7220]  }
0x3e: {  	v0 =	vadd.bf16 v35, v0  }
0x3f: {  	v38 =	vld [tilespmem:$0x7240]  }
0x40: {  	v0 =	vadd.bf16 v36, v0  }
0x41: {  	v39 =	vld [tilespmem:$0x7260]  }
0x42: {  	v0 =	vadd.bf16 v37, v0  }
0x43: {  	v40 =	vld [tilespmem:$0x7280]  }
0x44: {  	v0 =	vadd.bf16 v38, v0  }
0x45: {  	v41 =	vld [tilespmem:$0x72A0]  }
0x46: {  	v0 =	vadd.bf16 v39, v0  }
0x47: {  	v42 =	vld [tilespmem:$0x72C0]  }
0x48: {  	v0 =	vadd.bf16 v40, v0  }
0x49: {  	v43 =	vld [tilespmem:$0x72E0]  }
0x4a: {  	v0 =	vadd.bf16 v41, v0  }
0x4b: {  	v44 =	vld [tilespmem:$0x7300]  }
0x4c: {  	v0 =	vadd.bf16 v42, v0  }
0x4d: {  	v45 =	vld [tilespmem:$0x7320]  }
0x4e: {  	v0 =	vadd.bf16 v43, v0  }
0x4f: {  	v46 =	vld [tilespmem:$0x7340]  }
0x50: {  	v0 =	vadd.bf16 v44, v0  }
0x51: {  	v47 =	vld [tilespmem:$0x7360]  }
0x52: {  	v0 =	vadd.bf16 v45, v0  }
0x53: {  	v48 =	vld [tilespmem:$0x7380]  }
0x54: {  	v0 =	vadd.bf16 v46, v0  }
0x55: {  	v49 =	vld [tilespmem:$0x73A0]  }
0x56: {  	v0 =	vadd.bf16 v47, v0  }
0x57: {  	v50 =	vld [tilespmem:$0x73C0]  }
0x58: {  	v0 =	vadd.bf16 v48, v0  }
0x59: {  	v51 =	vld [tilespmem:$0x73E0]  }
0x5a: {  	v0 =	vadd.bf16 v49, v0  }
0x5b: {  	v52 =	vld [tilespmem:$0x7400]  }
0x5c: {  	v0 =	vadd.bf16 v50, v0  }
0x5d: {  	v53 =	vld [tilespmem:$0x7420]  }
0x5e: {  	v0 =	vadd.bf16 v51, v0  }
0x5f: {  	v54 =	vld [tilespmem:$0x7440]  }
0x60: {  	v0 =	vadd.bf16 v52, v0  }
0x61: {  	v55 =	vld [tilespmem:$0x7460]  }
0x62: {  	v0 =	vadd.bf16 v53, v0  }
0x63: {  	v56 =	vld [tilespmem:$0x7480]  }
0x64: {  	v0 =	vadd.bf16 v54, v0  }
0x65: {  	v57 =	vld [tilespmem:$0x74A0]  }
0x66: {  	v0 =	vadd.bf16 v55, v0  }
0x67: {  	v58 =	vld [tilespmem:$0x74C0]  }
0x68: {  	v0 =	vadd.bf16 v56, v0  }
0x69: {  	v59 =	vld [tilespmem:$0x74E0]  }
0x6a: {  	v0 =	vadd.bf16 v57, v0  }
0x6b: {  	v60 =	vld [tilespmem:$0x7500]  }
0x6c: {  	v0 =	vadd.bf16 v58, v0  }
0x6d: {  	v61 =	vld [tilespmem:$0x7520]  }
0x6e: {  	v0 =	vadd.bf16 v59, v0  }
0x6f: {  	v62 =	vld [tilespmem:$0x7540]  }
0x70: {  	v0 =	vadd.bf16 v60, v0  }
0x71: {  	v63 =	vld [tilespmem:$0x7560]  }
0x72: {  	v0 =	vadd.bf16 v61, v0  }
0x73: {  	v6 =	vld [tilespmem:$0x7580]  }
0x74: {  	v0 =	vadd.bf16 v62, v0  }
0x75: {  	v7 =	vld [tilespmem:$0x75A0]  }
0x76: {  	v0 =	vadd.bf16 v63, v0  }
0x77: {  	v8 =	vld [tilespmem:$0x75C0]  }
0x78: {  	v0 =	vadd.bf16 v6, v0  }
0x79: {  	v9 =	vld [tilespmem:$0x75E0]  }
0x7a: {  	v0 =	vadd.bf16 v7, v0  }
0x7b: {  	v10 =	vld [tilespmem:$0x7600]  }
0x7c: {  	v0 =	vadd.bf16 v8, v0  }
0x7d: {  	v11 =	vld [tilespmem:$0x7620]  }
0x7e: {  	v0 =	vadd.bf16 v9, v0;
	_ =	sdelay $0x1  }
0x7f: {  	v0 =	vadd.bf16 v10, v0;
	_ =	sdelay $0x1  }
0x80: {  	v0 =	vadd.bf16 v11, v0;
	_ =	sdelay $0x1  }
0x81: {  	v1 =	vunpack.i.l.bf16.f32 v0  }
0x82: {  	v0 =	vunpack.i.u.bf16.f32 v0;
	v1 =	vmul.f32 $1.999999960e-02, v1  }
0x83: {  	v0 =	vmul.f32 $1.999999960e-02, v0  }
0x84: {  	[tilespmem:s21+$0xFFFFFF80] =	vst v1  }
0x85: {  	[tilespmem:s21+$0xFFFFFF90] =	vst v0  }
0x86: {  	v0 =	vld [tilespmem:$0x7010]  }
0x87: {  	v1 =	vld [tilespmem:$0x7030];
	_ =	sdelay $0x1  }
0x88: {  	v12 =	vld [tilespmem:$0x7050];
	_ =	sdelay $0x1  }
0x89: {  	v13 =	vld [tilespmem:$0x7070]  }
0x8a: {  	v0 =	vadd.bf16 v1, v0  }
0x8b: {  	v14 =	vld [tilespmem:$0x7090]  }
0x8c: {  	v0 =	vadd.bf16 v12, v0  }
0x8d: {  	v15 =	vld [tilespmem:$0x70B0]  }
0x8e: {  	v0 =	vadd.bf16 v13, v0  }
0x8f: {  	v16 =	vld [tilespmem:$0x70D0]  }
0x90: {  	v0 =	vadd.bf16 v14, v0  }
0x91: {  	v17 =	vld [tilespmem:$0x70F0]  }
0x92: {  	v0 =	vadd.bf16 v15, v0  }
0x93: {  	v18 =	vld [tilespmem:$0x7110]  }
0x94: {  	v0 =	vadd.bf16 v16, v0  }
0x95: {  	v19 =	vld [tilespmem:$0x7130]  }
0x96: {  	v0 =	vadd.bf16 v17, v0  }
0x97: {  	v20 =	vld [tilespmem:$0x7150]  }
0x98: {  	v0 =	vadd.bf16 v18, v0  }
0x99: {  	v21 =	vld [tilespmem:$0x7170]  }
0x9a: {  	v0 =	vadd.bf16 v19, v0  }
0x9b: {  	v22 =	vld [tilespmem:$0x7190]  }
0x9c: {  	v0 =	vadd.bf16 v20, v0  }
0x9d: {  	v23 =	vld [tilespmem:$0x71B0]  }
0x9e: {  	v0 =	vadd.bf16 v21, v0  }
0x9f: {  	v24 =	vld [tilespmem:$0x71D0]  }
0xa0: {  	v0 =	vadd.bf16 v22, v0  }
0xa1: {  	v25 =	vld [tilespmem:$0x71F0]  }
0xa2: {  	v0 =	vadd.bf16 v23, v0  }
0xa3: {  	v26 =	vld [tilespmem:$0x7210]  }
0xa4: {  	v0 =	vadd.bf16 v24, v0  }
0xa5: {  	v27 =	vld [tilespmem:$0x7230]  }
0xa6: {  	v0 =	vadd.bf16 v25, v0  }
0xa7: {  	v28 =	vld [tilespmem:$0x7250]  }
0xa8: {  	v0 =	vadd.bf16 v26, v0  }
0xa9: {  	v29 =	vld [tilespmem:$0x7270]  }
0xaa: {  	v0 =	vadd.bf16 v27, v0  }
0xab: {  	v30 =	vld [tilespmem:$0x7290]  }
0xac: {  	v0 =	vadd.bf16 v28, v0  }
0xad: {  	v31 =	vld [tilespmem:$0x72B0]  }
0xae: {  	v0 =	vadd.bf16 v29, v0  }
0xaf: {  	v32 =	vld [tilespmem:$0x72D0]  }
0xb0: {  	v0 =	vadd.bf16 v30, v0  }
0xb1: {  	v33 =	vld [tilespmem:$0x72F0]  }
0xb2: {  	v0 =	vadd.bf16 v31, v0  }
0xb3: {  	v34 =	vld [tilespmem:$0x7310]  }
0xb4: {  	v0 =	vadd.bf16 v32, v0  }
0xb5: {  	v35 =	vld [tilespmem:$0x7330]  }
0xb6: {  	v0 =	vadd.bf16 v33, v0  }
0xb7: {  	v36 =	vld [tilespmem:$0x7350]  }
0xb8: {  	v0 =	vadd.bf16 v34, v0  }
0xb9: {  	v37 =	vld [tilespmem:$0x7370]  }
0xba: {  	v0 =	vadd.bf16 v35, v0  }
0xbb: {  	v38 =	vld [tilespmem:$0x7390]  }
0xbc: {  	v0 =	vadd.bf16 v36, v0  }
0xbd: {  	v39 =	vld [tilespmem:$0x73B0]  }
0xbe: {  	v0 =	vadd.bf16 v37, v0  }
0xbf: {  	v40 =	vld [tilespmem:$0x73D0]  }
0xc0: {  	v0 =	vadd.bf16 v38, v0  }
0xc1: {  	v41 =	vld [tilespmem:$0x73F0]  }
0xc2: {  	v0 =	vadd.bf16 v39, v0  }
0xc3: {  	v42 =	vld [tilespmem:$0x7410]  }
0xc4: {  	v0 =	vadd.bf16 v40, v0  }
0xc5: {  	v43 =	vld [tilespmem:$0x7430]  }
0xc6: {  	v0 =	vadd.bf16 v41, v0  }
0xc7: {  	v44 =	vld [tilespmem:$0x7450]  }
0xc8: {  	v0 =	vadd.bf16 v42, v0  }
0xc9: {  	v45 =	vld [tilespmem:$0x7470]  }
0xca: {  	v0 =	vadd.bf16 v43, v0  }
0xcb: {  	v46 =	vld [tilespmem:$0x7490]  }
0xcc: {  	v0 =	vadd.bf16 v44, v0  }
0xcd: {  	v47 =	vld [tilespmem:$0x74B0]  }
0xce: {  	v0 =	vadd.bf16 v45, v0  }
0xcf: {  	v48 =	vld [tilespmem:$0x74D0]  }
0xd0: {  	v0 =	vadd.bf16 v46, v0  }
0xd1: {  	v49 =	vld [tilespmem:$0x74F0]  }
0xd2: {  	v0 =	vadd.bf16 v47, v0  }
0xd3: {  	v50 =	vld [tilespmem:$0x7510]  }
0xd4: {  	v0 =	vadd.bf16 v48, v0  }
0xd5: {  	v51 =	vld [tilespmem:$0x7530]  }
0xd6: {  	v0 =	vadd.bf16 v49, v0  }
0xd7: {  	v52 =	vld [tilespmem:$0x7550]  }
0xd8: {  	v0 =	vadd.bf16 v50, v0  }
0xd9: {  	v53 =	vld [tilespmem:$0x7570]  }
0xda: {  	v0 =	vadd.bf16 v51, v0  }
0xdb: {  	v54 =	vld [tilespmem:$0x7590]  }
0xdc: {  	v0 =	vadd.bf16 v52, v0  }
0xdd: {  	v55 =	vld [tilespmem:$0x75B0]  }
0xde: {  	v0 =	vadd.bf16 v53, v0  }
0xdf: {  	v56 =	vld [tilespmem:$0x75D0]  }
0xe0: {  	v0 =	vadd.bf16 v54, v0  }
0xe1: {  	v57 =	vld [tilespmem:$0x75F0]  }
0xe2: {  	v0 =	vadd.bf16 v55, v0  }
0xe3: {  	v58 =	vld [tilespmem:$0x7610]  }
0xe4: {  	v0 =	vadd.bf16 v56, v0  }
0xe5: {  	v59 =	vld [tilespmem:$0x7630]  }
0xe6: {  	v0 =	vadd.bf16 v57, v0;
	_ =	sdelay $0x1  }
0xe7: {  	v0 =	vadd.bf16 v58, v0;
	_ =	sdelay $0x1  }
0xe8: {  	v0 =	vadd.bf16 v59, v0;
	_ =	sdelay $0x1  }
0xe9: {  	v1 =	vunpack.i.l.bf16.f32 v0  }
0xea: {  	v0 =	vunpack.i.u.bf16.f32 v0;
	v1 =	vmul.f32 $1.999999960e-02, v1  }
0xeb: {  	p0 =	seq.s32 s22, $0x1BC80;
	v0 =	vmul.f32 $1.999999960e-02, v0  }
0xec: {  	s23 =	sshra.s32 @!p0 s22, $0x2;
	[tilespmem:s21+$0xFFFFFFA0] =	vst v1  }
0xed: {  	s24 =	simm.s32 @!p0 $0x32;
	s26 =	simm.s32 @!p0 $0x7000;
	s25 =	sadd.s32 @!p0 $0xE0, s23;
	[tilespmem:s21+$0xFFFFFFB0] =	vst v0  }
0xee: {  	[tilespmem:s26], [sflag:$0x1] =	stream.indirect.gather @!p0 [hbm4b:s3+s24], $0x20, s25, s24, $0xb8;
	[tilespmem:$0x10900] =	vst v63  }
0xef: {  	_ =	swait.ge [sflag:s16], $0x640  }
0xf0: {  	[sflag:s16] =	ssyncset.done $0x0  }
0xf1: {  	[sflag:s16] =	ssyncadd.s32 $0xFFFFF9C0  }
0xf2: {  	v60 =	vld [tilespmem:$0x7640]  }
0xf3: {  	v61 =	vld [tilespmem:$0x7660];
	_ =	sdelay $0x1  }
0xf4: {  	v62 =	vld [tilespmem:$0x7680];
	_ =	sdelay $0x1  }
0xf5: {  	v63 =	vld [tilespmem:$0x76A0]  }
0xf6: {  	v0 =	vadd.bf16 v61, v60  }
0xf7: {  	v6 =	vld [tilespmem:$0x76C0]  }
0xf8: {  	v0 =	vadd.bf16 v62, v0  }
0xf9: {  	v7 =	vld [tilespmem:$0x76E0]  }
0xfa: {  	v0 =	vadd.bf16 v63, v0  }
0xfb: {  	v8 =	vld [tilespmem:$0x7700]  }
0xfc: {  	v0 =	vadd.bf16 v6, v0  }
0xfd: {  	v9 =	vld [tilespmem:$0x7720]  }
0xfe: {  	v0 =	vadd.bf16 v7, v0  }
0xff: {  	v10 =	vld [tilespmem:$0x7740]  }
0x100: {  	v0 =	vadd.bf16 v8, v0  }
0x101: {  	v11 =	vld [tilespmem:$0x7760]  }
0x102: {  	v0 =	vadd.bf16 v9, v0  }
0x103: {  	v12 =	vld [tilespmem:$0x7780]  }
0x104: {  	v0 =	vadd.bf16 v10, v0  }
0x105: {  	v13 =	vld [tilespmem:$0x77A0]  }
0x106: {  	v0 =	vadd.bf16 v11, v0  }
0x107: {  	v14 =	vld [tilespmem:$0x77C0]  }
0x108: {  	v0 =	vadd.bf16 v12, v0  }
0x109: {  	v15 =	vld [tilespmem:$0x77E0]  }
0x10a: {  	v0 =	vadd.bf16 v13, v0  }
0x10b: {  	v16 =	vld [tilespmem:$0x7800]  }
0x10c: {  	v0 =	vadd.bf16 v14, v0  }
0x10d: {  	v17 =	vld [tilespmem:$0x7820]  }
0x10e: {  	v0 =	vadd.bf16 v15, v0  }
0x10f: {  	v18 =	vld [tilespmem:$0x7840]  }
0x110: {  	v0 =	vadd.bf16 v16, v0  }
0x111: {  	v19 =	vld [tilespmem:$0x7860]  }
0x112: {  	v0 =	vadd.bf16 v17, v0  }
0x113: {  	v20 =	vld [tilespmem:$0x7880]  }
0x114: {  	v0 =	vadd.bf16 v18, v0  }
0x115: {  	v21 =	vld [tilespmem:$0x78A0]  }
0x116: {  	v0 =	vadd.bf16 v19, v0  }
0x117: {  	v22 =	vld [tilespmem:$0x78C0]  }
0x118: {  	v0 =	vadd.bf16 v20, v0  }
0x119: {  	v23 =	vld [tilespmem:$0x78E0]  }
0x11a: {  	v0 =	vadd.bf16 v21, v0  }
0x11b: {  	v24 =	vld [tilespmem:$0x7900]  }
0x11c: {  	v0 =	vadd.bf16 v22, v0  }
0x11d: {  	v25 =	vld [tilespmem:$0x7920]  }
0x11e: {  	v0 =	vadd.bf16 v23, v0  }
0x11f: {  	v26 =	vld [tilespmem:$0x7940]  }
0x120: {  	v0 =	vadd.bf16 v24, v0  }
0x121: {  	v27 =	vld [tilespmem:$0x7960]  }
0x122: {  	v0 =	vadd.bf16 v25, v0  }
0x123: {  	v28 =	vld [tilespmem:$0x7980]  }
0x124: {  	v0 =	vadd.bf16 v26, v0  }
0x125: {  	v29 =	vld [tilespmem:$0x79A0]  }
0x126: {  	v0 =	vadd.bf16 v27, v0  }
0x127: {  	v30 =	vld [tilespmem:$0x79C0]  }
0x128: {  	v0 =	vadd.bf16 v28, v0  }
0x129: {  	v31 =	vld [tilespmem:$0x79E0]  }
0x12a: {  	v0 =	vadd.bf16 v29, v0  }
0x12b: {  	v32 =	vld [tilespmem:$0x7A00]  }
0x12c: {  	v0 =	vadd.bf16 v30, v0  }
0x12d: {  	v33 =	vld [tilespmem:$0x7A20]  }
0x12e: {  	v0 =	vadd.bf16 v31, v0  }
0x12f: {  	v34 =	vld [tilespmem:$0x7A40]  }
0x130: {  	v0 =	vadd.bf16 v32, v0  }
0x131: {  	v35 =	vld [tilespmem:$0x7A60]  }
0x132: {  	v0 =	vadd.bf16 v33, v0  }
0x133: {  	v36 =	vld [tilespmem:$0x7A80]  }
0x134: {  	v0 =	vadd.bf16 v34, v0  }
0x135: {  	v37 =	vld [tilespmem:$0x7AA0]  }
0x136: {  	v0 =	vadd.bf16 v35, v0  }
0x137: {  	v38 =	vld [tilespmem:$0x7AC0]  }
0x138: {  	v0 =	vadd.bf16 v36, v0  }
0x139: {  	v39 =	vld [tilespmem:$0x7AE0]  }
0x13a: {  	v0 =	vadd.bf16 v37, v0  }
0x13b: {  	v40 =	vld [tilespmem:$0x7B00]  }
0x13c: {  	v0 =	vadd.bf16 v38, v0  }
0x13d: {  	v41 =	vld [tilespmem:$0x7B20]  }
0x13e: {  	v0 =	vadd.bf16 v39, v0  }
0x13f: {  	v42 =	vld [tilespmem:$0x7B40]  }
0x140: {  	v0 =	vadd.bf16 v40, v0  }
0x141: {  	v43 =	vld [tilespmem:$0x7B60]  }
0x142: {  	v0 =	vadd.bf16 v41, v0  }
0x143: {  	v44 =	vld [tilespmem:$0x7B80]  }
0x144: {  	v0 =	vadd.bf16 v42, v0  }
0x145: {  	v45 =	vld [tilespmem:$0x7BA0]  }
0x146: {  	v0 =	vadd.bf16 v43, v0  }
0x147: {  	v46 =	vld [tilespmem:$0x7BC0]  }
0x148: {  	v0 =	vadd.bf16 v44, v0  }
0x149: {  	v47 =	vld [tilespmem:$0x7BE0]  }
0x14a: {  	v0 =	vadd.bf16 v45, v0  }
0x14b: {  	v48 =	vld [tilespmem:$0x7C00]  }
0x14c: {  	v0 =	vadd.bf16 v46, v0  }
0x14d: {  	v49 =	vld [tilespmem:$0x7C20]  }
0x14e: {  	v0 =	vadd.bf16 v47, v0  }
0x14f: {  	v50 =	vld [tilespmem:$0x7C40]  }
0x150: {  	v0 =	vadd.bf16 v48, v0  }
0x151: {  	v51 =	vld [tilespmem:$0x7C60]  }
0x152: {  	v0 =	vadd.bf16 v49, v0;
	_ =	sdelay $0x1  }
0x153: {  	v0 =	vadd.bf16 v50, v0;
	_ =	sdelay $0x1  }
0x154: {  	v0 =	vadd.bf16 v51, v0;
	_ =	sdelay $0x1  }
0x155: {  	v1 =	vunpack.i.l.bf16.f32 v0  }
0x156: {  	v0 =	vunpack.i.u.bf16.f32 v0;
	v1 =	vmul.f32 $1.999999960e-02, v1  }
0x157: {  	v0 =	vmul.f32 $1.999999960e-02, v0  }
0x158: {  	[tilespmem:s21+$0xFFFFFFC0] =	vst v1  }
0x159: {  	[tilespmem:s21+$0xFFFFFFD0] =	vst v0  }
0x15a: {  	v0 =	vld [tilespmem:$0x7650]  }
0x15b: {  	v1 =	vld [tilespmem:$0x7670];
	_ =	sdelay $0x1  }
0x15c: {  	v52 =	vld [tilespmem:$0x7690];
	_ =	sdelay $0x1  }
0x15d: {  	v53 =	vld [tilespmem:$0x76B0]  }
0x15e: {  	v0 =	vadd.bf16 v1, v0  }
0x15f: {  	v54 =	vld [tilespmem:$0x76D0]  }
0x160: {  	v0 =	vadd.bf16 v52, v0  }
0x161: {  	v55 =	vld [tilespmem:$0x76F0]  }
0x162: {  	v0 =	vadd.bf16 v53, v0  }
0x163: {  	v56 =	vld [tilespmem:$0x7710]  }
0x164: {  	v0 =	vadd.bf16 v54, v0  }
0x165: {  	v57 =	vld [tilespmem:$0x7730]  }
0x166: {  	v0 =	vadd.bf16 v55, v0  }
0x167: {  	v58 =	vld [tilespmem:$0x7750]  }
0x168: {  	v0 =	vadd.bf16 v56, v0  }
0x169: {  	v59 =	vld [tilespmem:$0x7770]  }
0x16a: {  	v0 =	vadd.bf16 v57, v0  }
0x16b: {  	v60 =	vld [tilespmem:$0x7790]  }
0x16c: {  	v0 =	vadd.bf16 v58, v0  }
0x16d: {  	v61 =	vld [tilespmem:$0x77B0]  }
0x16e: {  	v0 =	vadd.bf16 v59, v0  }
0x16f: {  	v62 =	vld [tilespmem:$0x77D0]  }
0x170: {  	v0 =	vadd.bf16 v60, v0  }
0x171: {  	v63 =	vld [tilespmem:$0x77F0]  }
0x172: {  	v0 =	vadd.bf16 v61, v0  }
0x173: {  	v6 =	vld [tilespmem:$0x7810]  }
0x174: {  	v0 =	vadd.bf16 v62, v0  }
0x175: {  	v7 =	vld [tilespmem:$0x7830]  }
0x176: {  	v0 =	vadd.bf16 v63, v0  }
0x177: {  	v8 =	vld [tilespmem:$0x7850]  }
0x178: {  	v0 =	vadd.bf16 v6, v0  }
0x179: {  	v9 =	vld [tilespmem:$0x7870]  }
0x17a: {  	v0 =	vadd.bf16 v7, v0  }
0x17b: {  	v10 =	vld [tilespmem:$0x7890]  }
0x17c: {  	v0 =	vadd.bf16 v8, v0  }
0x17d: {  	v11 =	vld [tilespmem:$0x78B0]  }
0x17e: {  	v0 =	vadd.bf16 v9, v0  }
0x17f: {  	v12 =	vld [tilespmem:$0x78D0]  }
0x180: {  	v0 =	vadd.bf16 v10, v0  }
0x181: {  	v13 =	vld [tilespmem:$0x78F0]  }
0x182: {  	v0 =	vadd.bf16 v11, v0  }
0x183: {  	v14 =	vld [tilespmem:$0x7910]  }
0x184: {  	v0 =	vadd.bf16 v12, v0  }
0x185: {  	v15 =	vld [tilespmem:$0x7930]  }
0x186: {  	v0 =	vadd.bf16 v13, v0  }
0x187: {  	v16 =	vld [tilespmem:$0x7950]  }
0x188: {  	v0 =	vadd.bf16 v14, v0  }
0x189: {  	v17 =	vld [tilespmem:$0x7970]  }
0x18a: {  	v0 =	vadd.bf16 v15, v0  }
0x18b: {  	v18 =	vld [tilespmem:$0x7990]  }
0x18c: {  	v0 =	vadd.bf16 v16, v0  }
0x18d: {  	v19 =	vld [tilespmem:$0x79B0]  }
0x18e: {  	v0 =	vadd.bf16 v17, v0  }
0x18f: {  	v20 =	vld [tilespmem:$0x79D0]  }
0x190: {  	v0 =	vadd.bf16 v18, v0  }
0x191: {  	v21 =	vld [tilespmem:$0x79F0]  }
0x192: {  	v0 =	vadd.bf16 v19, v0  }
0x193: {  	v22 =	vld [tilespmem:$0x7A10]  }
0x194: {  	v0 =	vadd.bf16 v20, v0  }
0x195: {  	v23 =	vld [tilespmem:$0x7A30]  }
0x196: {  	v0 =	vadd.bf16 v21, v0  }
0x197: {  	v24 =	vld [tilespmem:$0x7A50]  }
0x198: {  	v0 =	vadd.bf16 v22, v0  }
0x199: {  	v25 =	vld [tilespmem:$0x7A70]  }
0x19a: {  	v0 =	vadd.bf16 v23, v0  }
0x19b: {  	v26 =	vld [tilespmem:$0x7A90]  }
0x19c: {  	v0 =	vadd.bf16 v24, v0  }
0x19d: {  	v27 =	vld [tilespmem:$0x7AB0]  }
0x19e: {  	v0 =	vadd.bf16 v25, v0  }
0x19f: {  	v28 =	vld [tilespmem:$0x7AD0]  }
0x1a0: {  	v0 =	vadd.bf16 v26, v0  }
0x1a1: {  	v29 =	vld [tilespmem:$0x7AF0]  }
0x1a2: {  	v0 =	vadd.bf16 v27, v0  }
0x1a3: {  	v30 =	vld [tilespmem:$0x7B10]  }
0x1a4: {  	v0 =	vadd.bf16 v28, v0  }
0x1a5: {  	v31 =	vld [tilespmem:$0x7B30]  }
0x1a6: {  	v0 =	vadd.bf16 v29, v0  }
0x1a7: {  	v32 =	vld [tilespmem:$0x7B50]  }
0x1a8: {  	v0 =	vadd.bf16 v30, v0  }
0x1a9: {  	v33 =	vld [tilespmem:$0x7B70]  }
0x1aa: {  	v0 =	vadd.bf16 v31, v0  }
0x1ab: {  	v34 =	vld [tilespmem:$0x7B90]  }
0x1ac: {  	v0 =	vadd.bf16 v32, v0  }
0x1ad: {  	v35 =	vld [tilespmem:$0x7BB0]  }
0x1ae: {  	v0 =	vadd.bf16 v33, v0  }
0x1af: {  	v36 =	vld [tilespmem:$0x7BD0]  }
0x1b0: {  	v0 =	vadd.bf16 v34, v0  }
0x1b1: {  	v37 =	vld [tilespmem:$0x7BF0]  }
0x1b2: {  	v0 =	vadd.bf16 v35, v0  }
0x1b3: {  	v38 =	vld [tilespmem:$0x7C10]  }
0x1b4: {  	v0 =	vadd.bf16 v36, v0  }
0x1b5: {  	v39 =	vld [tilespmem:$0x7C30]  }
0x1b6: {  	v0 =	vadd.bf16 v37, v0  }
0x1b7: {  	v40 =	vld [tilespmem:$0x7C50]  }
0x1b8: {  	v0 =	vadd.bf16 v38, v0  }
0x1b9: {  	v41 =	vld [tilespmem:$0x7C70]  }
0x1ba: {  	v0 =	vadd.bf16 v39, v0;
	_ =	sdelay $0x1  }
0x1bb: {  	v0 =	vadd.bf16 v40, v0;
	_ =	sdelay $0x1  }
0x1bc: {  	v0 =	vadd.bf16 v41, v0;
	_ =	sdelay $0x1  }
0x1bd: {  	v1 =	vunpack.i.l.bf16.f32 v0  }
0x1be: {  	v0 =	vunpack.i.u.bf16.f32 v0;
	v1 =	vmul.f32 $1.999999960e-02, v1  }
0x1bf: {  	v0 =	vmul.f32 $1.999999960e-02, v0  }
0x1c0: {  	[tilespmem:s21+$0xFFFFFFE0] =	vst v1  }
0x1c1: {  	s25 =	sadd.s32 @!p0 $0x118, s23;
	s26 =	simm.s32 @!p0 $0x7640;
	[tilespmem:s21+$0xFFFFFFF0] =	vst v0  }
0x1c2: {  	[tilespmem:s26], [sflag:$0x2] =	stream.indirect.gather @!p0 [hbm4b:s3+s24], $0x20, s25, s24, $0xb8;
	[tilespmem:$0x10900] =	vst v63  }
0x1c3: {  	_ =	swait.ge [sflag:s17], $0x640  }
0x1c4: {  	[sflag:s17] =	ssyncset.done $0x0  }
0x1c5: {  	[sflag:s17] =	ssyncadd.s32 $0xFFFFF9C0  }
0x1c6: {  	v42 =	vld [tilespmem:$0x7C80]  }
0x1c7: {  	v43 =	vld [tilespmem:$0x7CA0];
	_ =	sdelay $0x1  }
0x1c8: {  	v44 =	vld [tilespmem:$0x7CC0];
	_ =	sdelay $0x1  }
0x1c9: {  	v45 =	vld [tilespmem:$0x7CE0]  }
0x1ca: {  	v0 =	vadd.bf16 v43, v42  }
0x1cb: {  	v46 =	vld [tilespmem:$0x7D00]  }
0x1cc: {  	v0 =	vadd.bf16 v44, v0  }
0x1cd: {  	v47 =	vld [tilespmem:$0x7D20]  }
0x1ce: {  	v0 =	vadd.bf16 v45, v0  }
0x1cf: {  	v48 =	vld [tilespmem:$0x7D40]  }
0x1d0: {  	v0 =	vadd.bf16 v46, v0  }
0x1d1: {  	v49 =	vld [tilespmem:$0x7D60]  }
0x1d2: {  	v0 =	vadd.bf16 v47, v0  }
0x1d3: {  	v50 =	vld [tilespmem:$0x7D80]  }
0x1d4: {  	v0 =	vadd.bf16 v48, v0  }
0x1d5: {  	v51 =	vld [tilespmem:$0x7DA0]  }
0x1d6: {  	v0 =	vadd.bf16 v49, v0  }
0x1d7: {  	v52 =	vld [tilespmem:$0x7DC0]  }
0x1d8: {  	v0 =	vadd.bf16 v50, v0  }
0x1d9: {  	v53 =	vld [tilespmem:$0x7DE0]  }
0x1da: {  	v0 =	vadd.bf16 v51, v0  }
0x1db: {  	v54 =	vld [tilespmem:$0x7E00]  }
0x1dc: {  	v0 =	vadd.bf16 v52, v0  }
0x1dd: {  	v55 =	vld [tilespmem:$0x7E20]  }
0x1de: {  	v0 =	vadd.bf16 v53, v0  }
0x1df: {  	v56 =	vld [tilespmem:$0x7E40]  }
0x1e0: {  	v0 =	vadd.bf16 v54, v0  }
0x1e1: {  	v57 =	vld [tilespmem:$0x7E60]  }
0x1e2: {  	v0 =	vadd.bf16 v55, v0  }
0x1e3: {  	v58 =	vld [tilespmem:$0x7E80]  }
0x1e4: {  	v0 =	vadd.bf16 v56, v0  }
0x1e5: {  	v59 =	vld [tilespmem:$0x7EA0]  }
0x1e6: {  	v0 =	vadd.bf16 v57, v0  }
0x1e7: {  	v60 =	vld [tilespmem:$0x7EC0]  }
0x1e8: {  	v0 =	vadd.bf16 v58, v0  }
0x1e9: {  	v61 =	vld [tilespmem:$0x7EE0]  }
0x1ea: {  	v0 =	vadd.bf16 v59, v0  }
0x1eb: {  	v62 =	vld [tilespmem:$0x7F00]  }
0x1ec: {  	v0 =	vadd.bf16 v60, v0  }
0x1ed: {  	v63 =	vld [tilespmem:$0x7F20]  }
0x1ee: {  	v0 =	vadd.bf16 v61, v0  }
0x1ef: {  	v6 =	vld [tilespmem:$0x7F40]  }
0x1f0: {  	v0 =	vadd.bf16 v62, v0  }
0x1f1: {  	v7 =	vld [tilespmem:$0x7F60]  }
0x1f2: {  	v0 =	vadd.bf16 v63, v0  }
0x1f3: {  	v8 =	vld [tilespmem:$0x7F80]  }
0x1f4: {  	v0 =	vadd.bf16 v6, v0  }
0x1f5: {  	v9 =	vld [tilespmem:$0x7FA0]  }
0x1f6: {  	v0 =	vadd.bf16 v7, v0  }
0x1f7: {  	v10 =	vld [tilespmem:$0x7FC0]  }
0x1f8: {  	v0 =	vadd.bf16 v8, v0  }
0x1f9: {  	v11 =	vld [tilespmem:$0x7FE0]  }
0x1fa: {  	v0 =	vadd.bf16 v9, v0  }
0x1fb: {  	v12 =	vld [tilespmem:$0x8000]  }
0x1fc: {  	v0 =	vadd.bf16 v10, v0  }
0x1fd: {  	v13 =	vld [tilespmem:$0x8020]  }
0x1fe: {  	v0 =	vadd.bf16 v11, v0  }
0x1ff: {  	v14 =	vld [tilespmem:$0x8040]  }
0x200: {  	v0 =	vadd.bf16 v12, v0  }
0x201: {  	v15 =	vld [tilespmem:$0x8060]  }
0x202: {  	v0 =	vadd.bf16 v13, v0  }
0x203: {  	v16 =	vld [tilespmem:$0x8080]  }
0x204: {  	v0 =	vadd.bf16 v14, v0  }
0x205: {  	v17 =	vld [tilespmem:$0x80A0]  }
0x206: {  	v0 =	vadd.bf16 v15, v0  }
0x207: {  	v18 =	vld [tilespmem:$0x80C0]  }
0x208: {  	v0 =	vadd.bf16 v16, v0  }
0x209: {  	v19 =	vld [tilespmem:$0x80E0]  }
0x20a: {  	v0 =	vadd.bf16 v17, v0  }
0x20b: {  	v20 =	vld [tilespmem:$0x8100]  }
0x20c: {  	v0 =	vadd.bf16 v18, v0  }
0x20d: {  	v21 =	vld [tilespmem:$0x8120]  }
0x20e: {  	v0 =	vadd.bf16 v19, v0  }
0x20f: {  	v22 =	vld [tilespmem:$0x8140]  }
0x210: {  	v0 =	vadd.bf16 v20, v0  }
0x211: {  	v23 =	vld [tilespmem:$0x8160]  }
0x212: {  	v0 =	vadd.bf16 v21, v0  }
0x213: {  	v24 =	vld [tilespmem:$0x8180]  }
0x214: {  	v0 =	vadd.bf16 v22, v0  }
0x215: {  	v25 =	vld [tilespmem:$0x81A0]  }
0x216: {  	v0 =	vadd.bf16 v23, v0  }
0x217: {  	v26 =	vld [tilespmem:$0x81C0]  }
0x218: {  	v0 =	vadd.bf16 v24, v0  }
0x219: {  	v27 =	vld [tilespmem:$0x81E0]  }
0x21a: {  	v0 =	vadd.bf16 v25, v0  }
0x21b: {  	v28 =	vld [tilespmem:$0x8200]  }
0x21c: {  	v0 =	vadd.bf16 v26, v0  }
0x21d: {  	v29 =	vld [tilespmem:$0x8220]  }
0x21e: {  	v0 =	vadd.bf16 v27, v0  }
0x21f: {  	v30 =	vld [tilespmem:$0x8240]  }
0x220: {  	v0 =	vadd.bf16 v28, v0  }
0x221: {  	v31 =	vld [tilespmem:$0x8260]  }
0x222: {  	v0 =	vadd.bf16 v29, v0  }
0x223: {  	v32 =	vld [tilespmem:$0x8280]  }
0x224: {  	v0 =	vadd.bf16 v30, v0  }
0x225: {  	v33 =	vld [tilespmem:$0x82A0]  }
0x226: {  	v0 =	vadd.bf16 v31, v0;
	_ =	sdelay $0x1  }
0x227: {  	v0 =	vadd.bf16 v32, v0;
	_ =	sdelay $0x1  }
0x228: {  	v0 =	vadd.bf16 v33, v0;
	_ =	sdelay $0x1  }
0x229: {  	v1 =	vunpack.i.l.bf16.f32 v0  }
0x22a: {  	v0 =	vunpack.i.u.bf16.f32 v0;
	v1 =	vmul.f32 $1.999999960e-02, v1  }
0x22b: {  	v0 =	vmul.f32 $1.999999960e-02, v0  }
0x22c: {  	[tilespmem:s21+$0x0] =	vst v1  }
0x22d: {  	[tilespmem:s21+$0x10] =	vst v0  }
0x22e: {  	v0 =	vld [tilespmem:$0x7C90]  }
0x22f: {  	v1 =	vld [tilespmem:$0x7CB0];
	_ =	sdelay $0x1  }
0x230: {  	v34 =	vld [tilespmem:$0x7CD0];
	_ =	sdelay $0x1  }
0x231: {  	v35 =	vld [tilespmem:$0x7CF0]  }
0x232: {  	v0 =	vadd.bf16 v1, v0  }
0x233: {  	v36 =	vld [tilespmem:$0x7D10]  }
0x234: {  	v0 =	vadd.bf16 v34, v0  }
0x235: {  	v37 =	vld [tilespmem:$0x7D30]  }
0x236: {  	v0 =	vadd.bf16 v35, v0  }
0x237: {  	v38 =	vld [tilespmem:$0x7D50]  }
0x238: {  	v0 =	vadd.bf16 v36, v0  }
0x239: {  	v39 =	vld [tilespmem:$0x7D70]  }
0x23a: {  	v0 =	vadd.bf16 v37, v0  }
0x23b: {  	v40 =	vld [tilespmem:$0x7D90]  }
0x23c: {  	v0 =	vadd.bf16 v38, v0  }
0x23d: {  	v41 =	vld [tilespmem:$0x7DB0]  }
0x23e: {  	v0 =	vadd.bf16 v39, v0  }
0x23f: {  	v42 =	vld [tilespmem:$0x7DD0]  }
0x240: {  	v0 =	vadd.bf16 v40, v0  }
0x241: {  	v43 =	vld [tilespmem:$0x7DF0]  }
0x242: {  	v0 =	vadd.bf16 v41, v0  }
0x243: {  	v44 =	vld [tilespmem:$0x7E10]  }
0x244: {  	v0 =	vadd.bf16 v42, v0  }
0x245: {  	v45 =	vld [tilespmem:$0x7E30]  }
0x246: {  	v0 =	vadd.bf16 v43, v0  }
0x247: {  	v46 =	vld [tilespmem:$0x7E50]  }
0x248: {  	v0 =	vadd.bf16 v44, v0  }
0x249: {  	v47 =	vld [tilespmem:$0x7E70]  }
0x24a: {  	v0 =	vadd.bf16 v45, v0  }
0x24b: {  	v48 =	vld [tilespmem:$0x7E90]  }
0x24c: {  	v0 =	vadd.bf16 v46, v0  }
0x24d: {  	v49 =	vld [tilespmem:$0x7EB0]  }
0x24e: {  	v0 =	vadd.bf16 v47, v0  }
0x24f: {  	v50 =	vld [tilespmem:$0x7ED0]  }
0x250: {  	v0 =	vadd.bf16 v48, v0  }
0x251: {  	v51 =	vld [tilespmem:$0x7EF0]  }
0x252: {  	v0 =	vadd.bf16 v49, v0  }
0x253: {  	v52 =	vld [tilespmem:$0x7F10]  }
0x254: {  	v0 =	vadd.bf16 v50, v0  }
0x255: {  	v53 =	vld [tilespmem:$0x7F30]  }
0x256: {  	v0 =	vadd.bf16 v51, v0  }
0x257: {  	v54 =	vld [tilespmem:$0x7F50]  }
0x258: {  	v0 =	vadd.bf16 v52, v0  }
0x259: {  	v55 =	vld [tilespmem:$0x7F70]  }
0x25a: {  	v0 =	vadd.bf16 v53, v0  }
0x25b: {  	v56 =	vld [tilespmem:$0x7F90]  }
0x25c: {  	v0 =	vadd.bf16 v54, v0  }
0x25d: {  	v57 =	vld [tilespmem:$0x7FB0]  }
0x25e: {  	v0 =	vadd.bf16 v55, v0  }
0x25f: {  	v58 =	vld [tilespmem:$0x7FD0]  }
0x260: {  	v0 =	vadd.bf16 v56, v0  }
0x261: {  	v59 =	vld [tilespmem:$0x7FF0]  }
0x262: {  	v0 =	vadd.bf16 v57, v0  }
0x263: {  	v60 =	vld [tilespmem:$0x8010]  }
0x264: {  	v0 =	vadd.bf16 v58, v0  }
0x265: {  	v61 =	vld [tilespmem:$0x8030]  }
0x266: {  	v0 =	vadd.bf16 v59, v0  }
0x267: {  	v62 =	vld [tilespmem:$0x8050]  }
0x268: {  	v0 =	vadd.bf16 v60, v0  }
0x269: {  	v63 =	vld [tilespmem:$0x8070]  }
0x26a: {  	v0 =	vadd.bf16 v61, v0  }
0x26b: {  	v6 =	vld [tilespmem:$0x8090]  }
0x26c: {  	v0 =	vadd.bf16 v62, v0  }
0x26d: {  	v7 =	vld [tilespmem:$0x80B0]  }
0x26e: {  	v0 =	vadd.bf16 v63, v0  }
0x26f: {  	v8 =	vld [tilespmem:$0x80D0]  }
0x270: {  	v0 =	vadd.bf16 v6, v0  }
0x271: {  	v9 =	vld [tilespmem:$0x80F0]  }
0x272: {  	v0 =	vadd.bf16 v7, v0  }
0x273: {  	v10 =	vld [tilespmem:$0x8110]  }
0x274: {  	v0 =	vadd.bf16 v8, v0  }
0x275: {  	v11 =	vld [tilespmem:$0x8130]  }
0x276: {  	v0 =	vadd.bf16 v9, v0  }
0x277: {  	v12 =	vld [tilespmem:$0x8150]  }
0x278: {  	v0 =	vadd.bf16 v10, v0  }
0x279: {  	v13 =	vld [tilespmem:$0x8170]  }
0x27a: {  	v0 =	vadd.bf16 v11, v0  }
0x27b: {  	v14 =	vld [tilespmem:$0x8190]  }
0x27c: {  	v0 =	vadd.bf16 v12, v0  }
0x27d: {  	v15 =	vld [tilespmem:$0x81B0]  }
0x27e: {  	v0 =	vadd.bf16 v13, v0  }
0x27f: {  	v16 =	vld [tilespmem:$0x81D0]  }
0x280: {  	v0 =	vadd.bf16 v14, v0  }
0x281: {  	v17 =	vld [tilespmem:$0x81F0]  }
0x282: {  	v0 =	vadd.bf16 v15, v0  }
0x283: {  	v18 =	vld [tilespmem:$0x8210]  }
0x284: {  	v0 =	vadd.bf16 v16, v0  }
0x285: {  	v19 =	vld [tilespmem:$0x8230]  }
0x286: {  	v0 =	vadd.bf16 v17, v0  }
0x287: {  	v20 =	vld [tilespmem:$0x8250]  }
0x288: {  	v0 =	vadd.bf16 v18, v0  }
0x289: {  	v21 =	vld [tilespmem:$0x8270]  }
0x28a: {  	v0 =	vadd.bf16 v19, v0  }
0x28b: {  	v22 =	vld [tilespmem:$0x8290]  }
0x28c: {  	v0 =	vadd.bf16 v20, v0  }
0x28d: {  	v23 =	vld [tilespmem:$0x82B0]  }
0x28e: {  	v0 =	vadd.bf16 v21, v0;
	_ =	sdelay $0x1  }
0x28f: {  	v0 =	vadd.bf16 v22, v0;
	_ =	sdelay $0x1  }
0x290: {  	v0 =	vadd.bf16 v23, v0;
	_ =	sdelay $0x1  }
0x291: {  	v1 =	vunpack.i.l.bf16.f32 v0  }
0x292: {  	v0 =	vunpack.i.u.bf16.f32 v0;
	v1 =	vmul.f32 $1.999999960e-02, v1  }
0x293: {  	v0 =	vmul.f32 $1.999999960e-02, v0  }
0x294: {  	[tilespmem:s21+$0x20] =	vst v1  }
0x295: {  	s23 =	sadd.s32 @!p0 $0x150, s23;
	s25 =	simm.s32 @!p0 $0x7C80;
	[tilespmem:s21+$0x30] =	vst v0  }
0x296: {  	[tilespmem:s25], [sflag:$0x3] =	stream.indirect.gather @!p0 [hbm4b:s3+s24], $0x20, s23, s24, $0xb8;
	[tilespmem:$0x10900] =	vst v63  }
0x297: {  	_ =	swait.ge [sflag:s18], $0x640  }
0x298: {  	[sflag:s18] =	ssyncset.done $0x0  }
0x299: {  	[sflag:s18] =	ssyncadd.s32 $0xFFFFF9C0  }
0x29a: {  	v24 =	vld [tilespmem:$0x82C0]  }
0x29b: {  	v25 =	vld [tilespmem:$0x82E0];
	_ =	sdelay $0x1  }
0x29c: {  	v26 =	vld [tilespmem:$0x8300];
	_ =	sdelay $0x1  }
0x29d: {  	v27 =	vld [tilespmem:$0x8320]  }
0x29e: {  	v0 =	vadd.bf16 v25, v24  }
0x29f: {  	v28 =	vld [tilespmem:$0x8340]  }
0x2a0: {  	v0 =	vadd.bf16 v26, v0  }
0x2a1: {  	v29 =	vld [tilespmem:$0x8360]  }
0x2a2: {  	v0 =	vadd.bf16 v27, v0  }
0x2a3: {  	v30 =	vld [tilespmem:$0x8380]  }
0x2a4: {  	v0 =	vadd.bf16 v28, v0  }
0x2a5: {  	v31 =	vld [tilespmem:$0x83A0]  }
0x2a6: {  	v0 =	vadd.bf16 v29, v0  }
0x2a7: {  	v32 =	vld [tilespmem:$0x83C0]  }
0x2a8: {  	v0 =	vadd.bf16 v30, v0  }
0x2a9: {  	v33 =	vld [tilespmem:$0x83E0]  }
0x2aa: {  	v0 =	vadd.bf16 v31, v0  }
0x2ab: {  	v34 =	vld [tilespmem:$0x8400]  }
0x2ac: {  	v0 =	vadd.bf16 v32, v0  }
0x2ad: {  	v35 =	vld [tilespmem:$0x8420]  }
0x2ae: {  	v0 =	vadd.bf16 v33, v0  }
0x2af: {  	v36 =	vld [tilespmem:$0x8440]  }
0x2b0: {  	v0 =	vadd.bf16 v34, v0  }
0x2b1: {  	v37 =	vld [tilespmem:$0x8460]  }
0x2b2: {  	v0 =	vadd.bf16 v35, v0  }
0x2b3: {  	v38 =	vld [tilespmem:$0x8480]  }
0x2b4: {  	v0 =	vadd.bf16 v36, v0  }
0x2b5: {  	v39 =	vld [tilespmem:$0x84A0]  }
0x2b6: {  	v0 =	vadd.bf16 v37, v0  }
0x2b7: {  	v40 =	vld [tilespmem:$0x84C0]  }
0x2b8: {  	v0 =	vadd.bf16 v38, v0  }
0x2b9: {  	v41 =	vld [tilespmem:$0x84E0]  }
0x2ba: {  	v0 =	vadd.bf16 v39, v0  }
0x2bb: {  	v42 =	vld [tilespmem:$0x8500]  }
0x2bc: {  	v0 =	vadd.bf16 v40, v0  }
0x2bd: {  	v43 =	vld [tilespmem:$0x8520]  }
0x2be: {  	v0 =	vadd.bf16 v41, v0  }
0x2bf: {  	v44 =	vld [tilespmem:$0x8540]  }
0x2c0: {  	v0 =	vadd.bf16 v42, v0  }
0x2c1: {  	v45 =	vld [tilespmem:$0x8560]  }
0x2c2: {  	v0 =	vadd.bf16 v43, v0  }
0x2c3: {  	v46 =	vld [tilespmem:$0x8580]  }
0x2c4: {  	v0 =	vadd.bf16 v44, v0  }
0x2c5: {  	v47 =	vld [tilespmem:$0x85A0]  }
0x2c6: {  	v0 =	vadd.bf16 v45, v0  }
0x2c7: {  	v48 =	vld [tilespmem:$0x85C0]  }
0x2c8: {  	v0 =	vadd.bf16 v46, v0  }
0x2c9: {  	v49 =	vld [tilespmem:$0x85E0]  }
0x2ca: {  	v0 =	vadd.bf16 v47, v0  }
0x2cb: {  	v50 =	vld [tilespmem:$0x8600]  }
0x2cc: {  	v0 =	vadd.bf16 v48, v0  }
0x2cd: {  	v51 =	vld [tilespmem:$0x8620]  }
0x2ce: {  	v0 =	vadd.bf16 v49, v0  }
0x2cf: {  	v52 =	vld [tilespmem:$0x8640]  }
0x2d0: {  	v0 =	vadd.bf16 v50, v0  }
0x2d1: {  	v53 =	vld [tilespmem:$0x8660]  }
0x2d2: {  	v0 =	vadd.bf16 v51, v0  }
0x2d3: {  	v54 =	vld [tilespmem:$0x8680]  }
0x2d4: {  	v0 =	vadd.bf16 v52, v0  }
0x2d5: {  	v55 =	vld [tilespmem:$0x86A0]  }
0x2d6: {  	v0 =	vadd.bf16 v53, v0  }
0x2d7: {  	v56 =	vld [tilespmem:$0x86C0]  }
0x2d8: {  	v0 =	vadd.bf16 v54, v0  }
0x2d9: {  	v57 =	vld [tilespmem:$0x86E0]  }
0x2da: {  	v0 =	vadd.bf16 v55, v0  }
0x2db: {  	v58 =	vld [tilespmem:$0x8700]  }
0x2dc: {  	v0 =	vadd.bf16 v56, v0  }
0x2dd: {  	v59 =	vld [tilespmem:$0x8720]  }
0x2de: {  	v0 =	vadd.bf16 v57, v0  }
0x2df: {  	v60 =	vld [tilespmem:$0x8740]  }
0x2e0: {  	v0 =	vadd.bf16 v58, v0  }
0x2e1: {  	v61 =	vld [tilespmem:$0x8760]  }
0x2e2: {  	v0 =	vadd.bf16 v59, v0  }
0x2e3: {  	v62 =	vld [tilespmem:$0x8780]  }
0x2e4: {  	v0 =	vadd.bf16 v60, v0  }
0x2e5: {  	v63 =	vld [tilespmem:$0x87A0]  }
0x2e6: {  	v0 =	vadd.bf16 v61, v0  }
0x2e7: {  	v6 =	vld [tilespmem:$0x87C0]  }
0x2e8: {  	v0 =	vadd.bf16 v62, v0  }
0x2e9: {  	v7 =	vld [tilespmem:$0x87E0]  }
0x2ea: {  	v0 =	vadd.bf16 v63, v0  }
0x2eb: {  	v8 =	vld [tilespmem:$0x8800]  }
0x2ec: {  	v0 =	vadd.bf16 v6, v0  }
0x2ed: {  	v9 =	vld [tilespmem:$0x8820]  }
0x2ee: {  	v0 =	vadd.bf16 v7, v0  }
0x2ef: {  	v10 =	vld [tilespmem:$0x8840]  }
0x2f0: {  	v0 =	vadd.bf16 v8, v0  }
0x2f1: {  	v11 =	vld [tilespmem:$0x8860]  }
0x2f2: {  	v0 =	vadd.bf16 v9, v0  }
0x2f3: {  	v12 =	vld [tilespmem:$0x8880]  }
0x2f4: {  	v0 =	vadd.bf16 v10, v0  }
0x2f5: {  	v13 =	vld [tilespmem:$0x88A0]  }
0x2f6: {  	v0 =	vadd.bf16 v11, v0  }
0x2f7: {  	v14 =	vld [tilespmem:$0x88C0]  }
0x2f8: {  	v0 =	vadd.bf16 v12, v0  }
0x2f9: {  	v15 =	vld [tilespmem:$0x88E0]  }
0x2fa: {  	v0 =	vadd.bf16 v13, v0;
	_ =	sdelay $0x1  }
0x2fb: {  	v0 =	vadd.bf16 v14, v0;
	_ =	sdelay $0x1  }
0x2fc: {  	v0 =	vadd.bf16 v15, v0;
	_ =	sdelay $0x1  }
0x2fd: {  	v1 =	vunpack.i.l.bf16.f32 v0  }
0x2fe: {  	v0 =	vunpack.i.u.bf16.f32 v0;
	v1 =	vmul.f32 $1.999999960e-02, v1  }
0x2ff: {  	v0 =	vmul.f32 $1.999999960e-02, v0  }
0x300: {  	[tilespmem:s21+$0x40] =	vst v1  }
0x301: {  	[tilespmem:s21+$0x50] =	vst v0  }
0x302: {  	v0 =	vld [tilespmem:$0x82D0]  }
0x303: {  	v1 =	vld [tilespmem:$0x82F0];
	_ =	sdelay $0x1  }
0x304: {  	v16 =	vld [tilespmem:$0x8310];
	_ =	sdelay $0x1  }
0x305: {  	v17 =	vld [tilespmem:$0x8330]  }
0x306: {  	v0 =	vadd.bf16 v1, v0  }
0x307: {  	v18 =	vld [tilespmem:$0x8350]  }
0x308: {  	v0 =	vadd.bf16 v16, v0  }
0x309: {  	v19 =	vld [tilespmem:$0x8370]  }
0x30a: {  	v0 =	vadd.bf16 v17, v0  }
0x30b: {  	v20 =	vld [tilespmem:$0x8390]  }
0x30c: {  	v0 =	vadd.bf16 v18, v0  }
0x30d: {  	v21 =	vld [tilespmem:$0x83B0]  }
0x30e: {  	v0 =	vadd.bf16 v19, v0  }
0x30f: {  	v22 =	vld [tilespmem:$0x83D0]  }
0x310: {  	v0 =	vadd.bf16 v20, v0  }
0x311: {  	v23 =	vld [tilespmem:$0x83F0]  }
0x312: {  	v0 =	vadd.bf16 v21, v0  }
0x313: {  	v24 =	vld [tilespmem:$0x8410]  }
0x314: {  	v0 =	vadd.bf16 v22, v0  }
0x315: {  	v25 =	vld [tilespmem:$0x8430]  }
0x316: {  	v0 =	vadd.bf16 v23, v0  }
0x317: {  	v26 =	vld [tilespmem:$0x8450]  }
0x318: {  	v0 =	vadd.bf16 v24, v0  }
0x319: {  	v27 =	vld [tilespmem:$0x8470]  }
0x31a: {  	v0 =	vadd.bf16 v25, v0  }
0x31b: {  	v28 =	vld [tilespmem:$0x8490]  }
0x31c: {  	v0 =	vadd.bf16 v26, v0  }
0x31d: {  	v29 =	vld [tilespmem:$0x84B0]  }
0x31e: {  	v0 =	vadd.bf16 v27, v0  }
0x31f: {  	v30 =	vld [tilespmem:$0x84D0]  }
0x320: {  	v0 =	vadd.bf16 v28, v0  }
0x321: {  	v31 =	vld [tilespmem:$0x84F0]  }
0x322: {  	v0 =	vadd.bf16 v29, v0  }
0x323: {  	v32 =	vld [tilespmem:$0x8510]  }
0x324: {  	v0 =	vadd.bf16 v30, v0  }
0x325: {  	v33 =	vld [tilespmem:$0x8530]  }
0x326: {  	v0 =	vadd.bf16 v31, v0  }
0x327: {  	v34 =	vld [tilespmem:$0x8550]  }
0x328: {  	v0 =	vadd.bf16 v32, v0  }
0x329: {  	v35 =	vld [tilespmem:$0x8570]  }
0x32a: {  	v0 =	vadd.bf16 v33, v0  }
0x32b: {  	v36 =	vld [tilespmem:$0x8590]  }
0x32c: {  	v0 =	vadd.bf16 v34, v0  }
0x32d: {  	v37 =	vld [tilespmem:$0x85B0]  }
0x32e: {  	v0 =	vadd.bf16 v35, v0  }
0x32f: {  	v38 =	vld [tilespmem:$0x85D0]  }
0x330: {  	v0 =	vadd.bf16 v36, v0  }
0x331: {  	v39 =	vld [tilespmem:$0x85F0]  }
0x332: {  	v0 =	vadd.bf16 v37, v0  }
0x333: {  	v40 =	vld [tilespmem:$0x8610]  }
0x334: {  	v0 =	vadd.bf16 v38, v0  }
0x335: {  	v41 =	vld [tilespmem:$0x8630]  }
0x336: {  	v0 =	vadd.bf16 v39, v0  }
0x337: {  	v42 =	vld [tilespmem:$0x8650]  }
0x338: {  	v0 =	vadd.bf16 v40, v0  }
0x339: {  	v43 =	vld [tilespmem:$0x8670]  }
0x33a: {  	v0 =	vadd.bf16 v41, v0  }
0x33b: {  	v44 =	vld [tilespmem:$0x8690]  }
0x33c: {  	v0 =	vadd.bf16 v42, v0  }
0x33d: {  	v45 =	vld [tilespmem:$0x86B0]  }
0x33e: {  	v0 =	vadd.bf16 v43, v0  }
0x33f: {  	v46 =	vld [tilespmem:$0x86D0]  }
0x340: {  	v0 =	vadd.bf16 v44, v0  }
0x341: {  	v47 =	vld [tilespmem:$0x86F0]  }
0x342: {  	v0 =	vadd.bf16 v45, v0  }
0x343: {  	v48 =	vld [tilespmem:$0x8710]  }
0x344: {  	v0 =	vadd.bf16 v46, v0  }
0x345: {  	v49 =	vld [tilespmem:$0x8730]  }
0x346: {  	v0 =	vadd.bf16 v47, v0  }
0x347: {  	v50 =	vld [tilespmem:$0x8750]  }
0x348: {  	v0 =	vadd.bf16 v48, v0  }
0x349: {  	v51 =	vld [tilespmem:$0x8770]  }
0x34a: {  	v0 =	vadd.bf16 v49, v0  }
0x34b: {  	v52 =	vld [tilespmem:$0x8790]  }
0x34c: {  	v0 =	vadd.bf16 v50, v0  }
0x34d: {  	v53 =	vld [tilespmem:$0x87B0]  }
0x34e: {  	v0 =	vadd.bf16 v51, v0  }
0x34f: {  	v54 =	vld [tilespmem:$0x87D0]  }
0x350: {  	v0 =	vadd.bf16 v52, v0  }
0x351: {  	v55 =	vld [tilespmem:$0x87F0]  }
0x352: {  	v0 =	vadd.bf16 v53, v0  }
0x353: {  	v56 =	vld [tilespmem:$0x8810]  }
0x354: {  	v0 =	vadd.bf16 v54, v0  }
0x355: {  	v57 =	vld [tilespmem:$0x8830]  }
0x356: {  	v0 =	vadd.bf16 v55, v0  }
0x357: {  	v58 =	vld [tilespmem:$0x8850]  }
0x358: {  	v0 =	vadd.bf16 v56, v0  }
0x359: {  	v59 =	vld [tilespmem:$0x8870]  }
0x35a: {  	v0 =	vadd.bf16 v57, v0  }
0x35b: {  	v60 =	vld [tilespmem:$0x8890]  }
0x35c: {  	v0 =	vadd.bf16 v58, v0  }
0x35d: {  	v61 =	vld [tilespmem:$0x88B0]  }
0x35e: {  	v0 =	vadd.bf16 v59, v0  }
0x35f: {  	v62 =	vld [tilespmem:$0x88D0]  }
0x360: {  	v0 =	vadd.bf16 v60, v0  }
0x361: {  	v63 =	vld [tilespmem:$0x88F0]  }
0x362: {  	v0 =	vadd.bf16 v61, v0;
	_ =	sdelay $0x1  }
0x363: {  	v0 =	vadd.bf16 v62, v0;
	_ =	sdelay $0x1  }
0x364: {  	s22 =	sadd.s32 $0x380, s22;
	v0 =	vadd.bf16 v63, v0  }
0x365: {  	p0 =	sne.s32 s22, $0x1C000  }
.Ltmp0:
0x366: {  	v1 =	vunpack.i.l.bf16.f32 v0;
	(pc) =	sbr.rel @p0 .LBB2_2-.Ltmp0, $4  }
0x367: {  	v0 =	vunpack.i.u.bf16.f32 v0;
	v1 =	vmul.f32 $1.999999960e-02, v1  }
0x368: {  	v0 =	vmul.f32 $1.999999960e-02, v0  }
0x369: {  	[tilespmem:s21+$0x60] =	vst v1  }
0x36a: {  	[tilespmem:s21+$0x70] =	vst v0;
	s21 =	sadd.s32 $0x100, s21  }
0x36b: {  	s20 =	sadd.s32 $0x1, s20  }
0x36c: {  	p0 =	sne.s32 s20, s6  }
.Ltmp1:
0x36d: {  	_ = 	snop;
	(pc) =	sbr.rel @p0 .LBB2_1-.Ltmp1, $4  }
0x36e: {  	[hbm4b:s5+s2] =	stream.linear.scatter [tilespmem:s19], [sflag:$0x5], $0x8000, $0x38;
	[tilespmem:$0x10900] =	vst v63  }
0x36f: {  	_ =	swait.ge [sflag:s7], $0x8000  }
0x370: {  	[sflag:s7] =	ssyncset.done $0x0  }
0x371: {  	[sflag:s7] =	ssyncadd.s32 $0xFFFF8000  }
0x372: {  	_ =	sfence.sel $0x180000  }
0x373: {  	[bflag:$0x0] =	sbarrier.arrive $0xFFFF  }
0x374: {  	p0 =	sne.s32 s1, $0x0;
	_ =	strace $0x90000047  }
0x375: {  	s0 =	sadd.s32 @!p0 $0x100000, s0;
	[bflag:$0x2] =	sbarrier.arrive $0xFFFF  }
0x376: {  	[sflag:s0] =	ssyncadd.tile.s32 @!p0 $0x1;
	_ =	shalt  }
.Lfunc_end2:
_tile_overlayer_lowered:
.L_overlay_start_2:
0x377: {  	(tag) =	ssettag $0x2  }
0x378: {  	s0 =	rddreg [dreg:$0x0];
	s2 =	stileid.u32  }
0x379: {  	s1 =	rddreg [dreg:$0x1];
	p0 =	sne.s32 s2, $0x0  }
0x37a: {  	s3 =	rddreg [dreg:$0x2];
	[bflag:$0x3] =	sbarrier.arrive $0xFFFF;
	s2 =	simm.s32 @!p0 $0x1C05  }
0x37b: {  	[timem:s3], [sflag:s2] =	dma.local @!p0 [hbm:s0], s1  }
0x37c: {  	s0 =	simm.s32 @!p0 $0x5  }
0x37d: {  	_ =	swait.ge @!p0 [sflag:s0], s1  }
0x37e: {  	s1 =	ssub.s32 @!p0 $0x0, s1;
	[sflag:s0] =	ssyncset.done @!p0 $0x0  }
0x37f: {  	[sflag:s0] =	ssyncadd.s32 @!p0 s1  }
0x380: {  	[bflag:$0x3] =	sbarrier.arrive $0xFFFF  }
0x381: {  	_ =	shalt  }

</sc_bundles>
